<compile_context>
chip_gen: v7x
topology: tpu7x:2x2x1
jax: 0.10.2.dev20260603
libtpu: 0.0.44.dev20260713+nightly
codegen_flags: <defaults>
</compile_context>

<pallas_src>
import functools

import jax
import jax.numpy as jnp
from jax import lax
from jax.experimental import pallas as pl
from jax.experimental.pallas import tpu as pltpu
from jax.experimental.pallas import tpu_sc as plsc

B = 320000
N_ROWS = 10000
D = 128
NW = 32
E_PER_W = B // NW
C = 80
N_CHUNKS = E_PER_W // C
GROUPS = C // 16

_mesh = plsc.VectorSubcoreMesh(core_axis_name="c", subcore_axis_name="s")


@functools.partial(
    pl.kernel,
    out_type=jax.ShapeDtypeStruct((B,), jnp.float32),
    mesh=_mesh,
    scratch_types=[
        pltpu.VMEM((E_PER_W,), jnp.int32),
        pltpu.VMEM((E_PER_W,), jnp.int32),
        pltpu.VMEM((E_PER_W,), jnp.float32),
        pltpu.VMEM((2, C, D), jnp.float32),
        pltpu.VMEM((2, C, D), jnp.float32),
        pltpu.VMEM((C, 17), jnp.float32),
        pltpu.SemaphoreType.DMA,
        pltpu.SemaphoreType.DMA,
    ],
    compiler_params=pltpu.CompilerParams(needs_layout_passes=False),
)
def _sc_kernel(x_sotu_hbm, x_taxon_hbm, idx0_hbm, idx1_hbm, out_hbm,
               idx0_v, idx1_v, out_v, rows0_v, rows1_v,
               tr_v, sem_a, sem_b):
    wid = lax.axis_index("s") * 2 + lax.axis_index("c")
    base_w = wid * E_PER_W
    lane = lax.iota(jnp.int32, 16)

    pltpu.sync_copy(idx0_hbm.at[pl.ds(base_w, E_PER_W)], idx0_v)
    pltpu.sync_copy(idx1_hbm.at[pl.ds(base_w, E_PER_W)], idx1_v)

    def fire(it):
        p = jnp.bitwise_and(it, 1)
        pltpu.async_copy(
            x_sotu_hbm.at[idx0_v.at[pl.ds(it * C, C)]], rows0_v.at[p], sem_a)
        pltpu.async_copy(
            x_taxon_hbm.at[idx1_v.at[pl.ds(it * C, C)]], rows1_v.at[p], sem_b)

    def drain(it):
        p = jnp.bitwise_and(it, 1)
        pltpu.make_async_copy(
            x_sotu_hbm.at[idx0_v.at[pl.ds(it * C, C)]], rows0_v.at[p],
            sem_a).wait()
        pltpu.make_async_copy(
            x_taxon_hbm.at[idx1_v.at[pl.ds(it * C, C)]], rows1_v.at[p],
            sem_b).wait()

    def compute(it):
        p = jnp.bitwise_and(it, 1)
        r0 = rows0_v.at[p]
        r1 = rows1_v.at[p]

        def group_body(g, _):
            gbase = g * 16
            for e in range(16):
                row = gbase + e
                ps = []
                for k in range(8):
                    a = r0[row, pl.ds(16 * k, 16)]
                    b = r1[row, pl.ds(16 * k, 16)]
                    ps.append(a * b)
                s01 = ps[0] + ps[1]
                s23 = ps[2] + ps[3]
                s45 = ps[4] + ps[5]
                s67 = ps[6] + ps[7]
                tr_v[row, pl.ds(0, 16)] = (s01 + s23) + (s45 + s67)
            one = jnp.ones((16,), jnp.int32)
            col = jnp.zeros((16,), jnp.int32)
            acc = jnp.zeros((16,), jnp.float32)
            row_idx = lane + gbase
            for c in range(16):
                acc = acc + plsc.load_gather(tr_v, [row_idx, col])
                col = col + one
            out_v[pl.ds(it * C + gbase, 16)] = acc
            return 0

        lax.fori_loop(0, GROUPS, group_body, 0)

    fire(0)

    def body(it, _):
        drain(it)
        fire(it + 1)
        compute(it)
        return 0

    lax.fori_loop(0, N_CHUNKS - 1, body, 0)
    drain(N_CHUNKS - 1)
    compute(N_CHUNKS - 1)

    pltpu.sync_copy(out_v, out_hbm.at[pl.ds(base_w, E_PER_W)])


def kernel(x_sotu, x_taxon, edge_label_index):
    return _sc_kernel(x_sotu, x_taxon,
                      edge_label_index[0], edge_label_index[1])

# --- scband reference (transcript-rebuilt; emitter-appended) ---
"""Pipeline reference for scband-classifier-5153960755632 (READ-ONLY COPY).

The authoritative reference and input builder live on the scoring server;
editing this copy changes nothing except your own understanding.
"""

import jax, jax.numpy as jnp
import numpy as np


def setup_inputs(seed: int = 0) -> dict:
    key = jax.random.key(seed)
    k1, k2, k3 = jax.random.split(key, 3)
    x_sotu = jax.random.normal(k1, (10000, 128), dtype=jnp.float32)
    x_taxon = jax.random.normal(k2, (10000, 128), dtype=jnp.float32)
    edge_label_index = jax.random.randint(k3, (2, 320000), 0, 10000, dtype=jnp.int64 if jax.config.jax_enable_x64 else jnp.int32).astype(jnp.int32)
    return {"x_sotu": x_sotu, "x_taxon": x_taxon, "edge_label_index": edge_label_index}


def reference(x_sotu, x_taxon, edge_label_index):
    # gather: edge_feat_sotu = x_sotu[edge_label_index[0]]
    edge_feat_sotu = jnp.take(x_sotu, edge_label_index[0], axis=0)
    # gather: edge_feat_taxon = x_taxon[edge_label_index[1]]
    edge_feat_taxon = jnp.take(x_taxon, edge_label_index[1], axis=0)
    # elementwise product + reduce over feature dim
    return (edge_feat_sotu * edge_feat_taxon).sum(axis=-1)

if __name__ == "__main__":
    import jax
    _d = setup_inputs()
    print(jax.jit(kernel)(*tuple(_d.values())))

</pallas_src>

<mosaic_0001>
#map = affine_map<(d0, d1) -> (0, 0)>
#map1 = affine_map<(d0, d1) -> (0)>
module attributes {stable_mosaic.version = 14 : i64} {
  func.func @_sc_kernel(%arg0: i32, %arg1: i32, %arg2: memref<10000x128xf32, #tpu.memory_space<hbm>>, %arg3: memref<10000x128xf32, #tpu.memory_space<hbm>>, %arg4: memref<320000xi32, #tpu.memory_space<hbm>>, %arg5: memref<320000xi32, #tpu.memory_space<hbm>>, %arg6: memref<320000xf32, #tpu.memory_space<hbm>>, %arg7: memref<10000xi32, #tpu.memory_space<vmem>>, %arg8: memref<10000xi32, #tpu.memory_space<vmem>>, %arg9: memref<10000xf32, #tpu.memory_space<vmem>>, %arg10: memref<2x80x128xf32, #tpu.memory_space<vmem>>, %arg11: memref<2x80x128xf32, #tpu.memory_space<vmem>>, %arg12: memref<80x17xf32, #tpu.memory_space<vmem>>, %arg13: memref<!tpu.dma_semaphore, #tpu.memory_space<semaphore_mem>>, %arg14: memref<!tpu.dma_semaphore, #tpu.memory_space<semaphore_mem>>) attributes {dimension_semantics = [#tpu.dimension_semantics<core_parallel>, #tpu.dimension_semantics<subcore_parallel>], iteration_bounds = array<i64: 2, 16>, scalar_prefetch = 0 : i64, scratch_operands = 8 : i64, tpu.core_type = #tpu.core_type<sc_vector_subcore>, window_params = [{transform_indices = #map}, {transform_indices = #map}, {transform_indices = #map1}, {transform_indices = #map1}, {transform_indices = #map1}]} {
    %mul3A = arith.constant 2 : i32
    %mul3A_0 = arith.muli %arg1, %mul3A : i32
    %add3A = arith.addi %mul3A_0, %arg0 : i32
    %mul3A_1 = arith.constant 10000 : i32
    %mul3A_2 = arith.muli %add3A, %mul3A_1 : i32
    %iota3A = tpu.iota {dimensions = array<i32: 0>} : vector<16xi32>
    "tpu.region"() ({
      %run_scoped3A = tpu.sem_alloc : memref<!tpu.dma_semaphore, #tpu.memory_space<semaphore_mem>>
      %dma_start3A_58 = tpu.memref_slice %arg4[%mul3A_2] : memref<320000xi32, #tpu.memory_space<hbm>> -> memref<10000xi32, #tpu.memory_space<hbm>>
      %dma_start3A_59 = tpu.memref_slice %arg4[%mul3A_2] : memref<320000xi32, #tpu.memory_space<hbm>> -> memref<10000xi32, #tpu.memory_space<hbm>>
      tpu.enqueue_dma source(%dma_start3A_59 : memref<10000xi32, #tpu.memory_space<hbm>>) target(%arg7 : memref<10000xi32, #tpu.memory_space<vmem>>) target_semaphore(%run_scoped3A : memref<!tpu.dma_semaphore, #tpu.memory_space<semaphore_mem>>)
      %dma_wait3A_60 = tpu.memref_slice %arg4[%mul3A_2] : memref<320000xi32, #tpu.memory_space<hbm>> -> memref<10000xi32, #tpu.memory_space<hbm>>
      %dma_wait3A_61 = tpu.memref_slice %arg4[%mul3A_2] : memref<320000xi32, #tpu.memory_space<hbm>> -> memref<10000xi32, #tpu.memory_space<hbm>>
      tpu.wait_dma2 semaphore(%run_scoped3A : memref<!tpu.dma_semaphore, #tpu.memory_space<semaphore_mem>>) src(%dma_wait3A_61 : memref<10000xi32, #tpu.memory_space<hbm>>) dst(%arg7 : memref<10000xi32, #tpu.memory_space<vmem>>)
      tpu.yield
    }) : () -> ()
    "tpu.region"() ({
      %run_scoped3A = tpu.sem_alloc : memref<!tpu.dma_semaphore, #tpu.memory_space<semaphore_mem>>
      %dma_start3A_58 = tpu.memref_slice %arg5[%mul3A_2] : memref<320000xi32, #tpu.memory_space<hbm>> -> memref<10000xi32, #tpu.memory_space<hbm>>
      %dma_start3A_59 = tpu.memref_slice %arg5[%mul3A_2] : memref<320000xi32, #tpu.memory_space<hbm>> -> memref<10000xi32, #tpu.memory_space<hbm>>
      tpu.enqueue_dma source(%dma_start3A_59 : memref<10000xi32, #tpu.memory_space<hbm>>) target(%arg8 : memref<10000xi32, #tpu.memory_space<vmem>>) target_semaphore(%run_scoped3A : memref<!tpu.dma_semaphore, #tpu.memory_space<semaphore_mem>>)
      %dma_wait3A_60 = tpu.memref_slice %arg5[%mul3A_2] : memref<320000xi32, #tpu.memory_space<hbm>> -> memref<10000xi32, #tpu.memory_space<hbm>>
      %dma_wait3A_61 = tpu.memref_slice %arg5[%mul3A_2] : memref<320000xi32, #tpu.memory_space<hbm>> -> memref<10000xi32, #tpu.memory_space<hbm>>
      tpu.wait_dma2 semaphore(%run_scoped3A : memref<!tpu.dma_semaphore, #tpu.memory_space<semaphore_mem>>) src(%dma_wait3A_61 : memref<10000xi32, #tpu.memory_space<hbm>>) dst(%arg8 : memref<10000xi32, #tpu.memory_space<vmem>>)
      tpu.yield
    }) : () -> ()
    %and3A = arith.constant 0 : i32
    %and3A_3 = arith.constant 1 : i32
    %and3A_4 = arith.andi %and3A, %and3A_3 : i32
    %dma_start3A = arith.constant 0 : i32
    %dma_start3A_5 = arith.constant 0 : i32
    %dma_start3A_6 = tpu.memref_slice %arg10[%and3A_4, %dma_start3A, %dma_start3A_5] : memref<2x80x128xf32, #tpu.memory_space<vmem>> -> memref<1x80x128xf32, #tpu.memory_space<vmem>>
    %dma_start3A_7 = tpu.memref_squeeze %dma_start3A_6 : memref<1x80x128xf32, #tpu.memory_space<vmem>> -> memref<80x128xf32, #tpu.memory_space<vmem>>
    %dma_start3A_8 = arith.constant 0 : i32
    %dma_start3A_9 = tpu.memref_slice %arg7[%dma_start3A_8] : memref<10000xi32, #tpu.memory_space<vmem>> -> memref<80xi32, #tpu.memory_space<vmem>>
    %dma_start3A_10 = arith.constant 0 : i32
    %dma_start3A_11 = arith.constant 0 : i32
    %dma_start3A_12 = tpu.memref_slice %arg2[%dma_start3A_10, %dma_start3A_11] : memref<10000x128xf32, #tpu.memory_space<hbm>> -> memref<10000x128xf32, #tpu.memory_space<hbm>>
    tpu.enqueue_indirect_dma source(%dma_start3A_12 : memref<10000x128xf32, #tpu.memory_space<hbm>>) target(%dma_start3A_7 : memref<80x128xf32, #tpu.memory_space<vmem>>) offsets(%dma_start3A_9 : memref<80xi32, #tpu.memory_space<vmem>>) semaphore(%arg13 : memref<!tpu.dma_semaphore, #tpu.memory_space<semaphore_mem>>)
    %dma_start3A_13 = arith.constant 0 : i32
    %dma_start3A_14 = arith.constant 0 : i32
    %dma_start3A_15 = tpu.memref_slice %arg11[%and3A_4, %dma_start3A_13, %dma_start3A_14] : memref<2x80x128xf32, #tpu.memory_space<vmem>> -> memref<1x80x128xf32, #tpu.memory_space<vmem>>
    %dma_start3A_16 = tpu.memref_squeeze %dma_start3A_15 : memref<1x80x128xf32, #tpu.memory_space<vmem>> -> memref<80x128xf32, #tpu.memory_space<vmem>>
    %dma_start3A_17 = arith.constant 0 : i32
    %dma_start3A_18 = tpu.memref_slice %arg8[%dma_start3A_17] : memref<10000xi32, #tpu.memory_space<vmem>> -> memref<80xi32, #tpu.memory_space<vmem>>
    %dma_start3A_19 = arith.constant 0 : i32
    %dma_start3A_20 = arith.constant 0 : i32
    %dma_start3A_21 = tpu.memref_slice %arg3[%dma_start3A_19, %dma_start3A_20] : memref<10000x128xf32, #tpu.memory_space<hbm>> -> memref<10000x128xf32, #tpu.memory_space<hbm>>
    tpu.enqueue_indirect_dma source(%dma_start3A_21 : memref<10000x128xf32, #tpu.memory_space<hbm>>) target(%dma_start3A_16 : memref<80x128xf32, #tpu.memory_space<vmem>>) offsets(%dma_start3A_18 : memref<80xi32, #tpu.memory_space<vmem>>) semaphore(%arg14 : memref<!tpu.dma_semaphore, #tpu.memory_space<semaphore_mem>>)
    %scan3A = arith.constant 0 : i32
    %scan3A_22 = arith.constant 0 : i32
    %scan3A_23 = arith.constant 124 : i32
    %scan3A_24 = arith.addi %scan3A_22, %scan3A_23 : i32
    %scan3A_25 = arith.constant 1 : i32
    %scan3A_26 = scf.for %scan3A_58 = %scan3A_22 to %scan3A_24 step %scan3A_25 iter_args(%scan3A_59 = %scan3A) -> (i32)  : i32 {
      %and3A_60 = arith.constant 1 : i32
      %and3A_61 = arith.andi %scan3A_58, %and3A_60 : i32
      %mul3A_62 = arith.constant 80 : i32
      %mul3A_63 = arith.muli %scan3A_58, %mul3A_62 : i32
      %dma_wait3A_64 = arith.constant 0 : i32
      %dma_wait3A_65 = arith.constant 0 : i32
      %dma_wait3A_66 = tpu.memref_slice %arg10[%and3A_61, %dma_wait3A_64, %dma_wait3A_65] : memref<2x80x128xf32, #tpu.memory_space<vmem>> -> memref<1x80x128xf32, #tpu.memory_space<vmem>>
      %dma_wait3A_67 = tpu.memref_squeeze %dma_wait3A_66 : memref<1x80x128xf32, #tpu.memory_space<vmem>> -> memref<80x128xf32, #tpu.memory_space<vmem>>
      %dma_wait3A_68 = tpu.memref_slice %arg7[%mul3A_63] : memref<10000xi32, #tpu.memory_space<vmem>> -> memref<80xi32, #tpu.memory_space<vmem>>
      %dma_wait3A_69 = arith.constant 0 : i32
      %dma_wait3A_70 = arith.constant 0 : i32
      %dma_wait3A_71 = tpu.memref_slice %arg2[%dma_wait3A_69, %dma_wait3A_70] : memref<10000x128xf32, #tpu.memory_space<hbm>> -> memref<10000x128xf32, #tpu.memory_space<hbm>>
      tpu.wait_indirect_dma semaphore(%arg13 : memref<!tpu.dma_semaphore, #tpu.memory_space<semaphore_mem>>) src(%dma_wait3A_71 : memref<10000x128xf32, #tpu.memory_space<hbm>>) dst(%dma_wait3A_67 : memref<80x128xf32, #tpu.memory_space<vmem>>)
      %mul3A_72 = arith.constant 80 : i32
      %mul3A_73 = arith.muli %scan3A_58, %mul3A_72 : i32
      %dma_wait3A_74 = arith.constant 0 : i32
      %dma_wait3A_75 = arith.constant 0 : i32
      %dma_wait3A_76 = tpu.memref_slice %arg11[%and3A_61, %dma_wait3A_74, %dma_wait3A_75] : memref<2x80x128xf32, #tpu.memory_space<vmem>> -> memref<1x80x128xf32, #tpu.memory_space<vmem>>
      %dma_wait3A_77 = tpu.memref_squeeze %dma_wait3A_76 : memref<1x80x128xf32, #tpu.memory_space<vmem>> -> memref<80x128xf32, #tpu.memory_space<vmem>>
      %dma_wait3A_78 = tpu.memref_slice %arg8[%mul3A_73] : memref<10000xi32, #tpu.memory_space<vmem>> -> memref<80xi32, #tpu.memory_space<vmem>>
      %dma_wait3A_79 = arith.constant 0 : i32
      %dma_wait3A_80 = arith.constant 0 : i32
      %dma_wait3A_81 = tpu.memref_slice %arg3[%dma_wait3A_79, %dma_wait3A_80] : memref<10000x128xf32, #tpu.memory_space<hbm>> -> memref<10000x128xf32, #tpu.memory_space<hbm>>
      tpu.wait_indirect_dma semaphore(%arg14 : memref<!tpu.dma_semaphore, #tpu.memory_space<semaphore_mem>>) src(%dma_wait3A_81 : memref<10000x128xf32, #tpu.memory_space<hbm>>) dst(%dma_wait3A_77 : memref<80x128xf32, #tpu.memory_space<vmem>>)
      %add3A_82 = arith.constant 1 : i32
      %add3A_83 = arith.addi %scan3A_58, %add3A_82 : i32
      %and3A_84 = arith.constant 1 : i32
      %and3A_85 = arith.andi %add3A_83, %and3A_84 : i32
      %mul3A_86 = arith.constant 80 : i32
      %mul3A_87 = arith.muli %add3A_83, %mul3A_86 : i32
      %dma_start3A_88 = arith.constant 0 : i32
      %dma_start3A_89 = arith.constant 0 : i32
      %dma_start3A_90 = tpu.memref_slice %arg10[%and3A_85, %dma_start3A_88, %dma_start3A_89] : memref<2x80x128xf32, #tpu.memory_space<vmem>> -> memref<1x80x128xf32, #tpu.memory_space<vmem>>
      %dma_start3A_91 = tpu.memref_squeeze %dma_start3A_90 : memref<1x80x128xf32, #tpu.memory_space<vmem>> -> memref<80x128xf32, #tpu.memory_space<vmem>>
      %dma_start3A_92 = tpu.memref_slice %arg7[%mul3A_87] : memref<10000xi32, #tpu.memory_space<vmem>> -> memref<80xi32, #tpu.memory_space<vmem>>
      %dma_start3A_93 = arith.constant 0 : i32
      %dma_start3A_94 = arith.constant 0 : i32
      %dma_start3A_95 = tpu.memref_slice %arg2[%dma_start3A_93, %dma_start3A_94] : memref<10000x128xf32, #tpu.memory_space<hbm>> -> memref<10000x128xf32, #tpu.memory_space<hbm>>
      tpu.enqueue_indirect_dma source(%dma_start3A_95 : memref<10000x128xf32, #tpu.memory_space<hbm>>) target(%dma_start3A_91 : memref<80x128xf32, #tpu.memory_space<vmem>>) offsets(%dma_start3A_92 : memref<80xi32, #tpu.memory_space<vmem>>) semaphore(%arg13 : memref<!tpu.dma_semaphore, #tpu.memory_space<semaphore_mem>>)
      %mul3A_96 = arith.constant 80 : i32
      %mul3A_97 = arith.muli %add3A_83, %mul3A_96 : i32
      %dma_start3A_98 = arith.constant 0 : i32
      %dma_start3A_99 = arith.constant 0 : i32
      %dma_start3A_100 = tpu.memref_slice %arg11[%and3A_85, %dma_start3A_98, %dma_start3A_99] : memref<2x80x128xf32, #tpu.memory_space<vmem>> -> memref<1x80x128xf32, #tpu.memory_space<vmem>>
      %dma_start3A_101 = tpu.memref_squeeze %dma_start3A_100 : memref<1x80x128xf32, #tpu.memory_space<vmem>> -> memref<80x128xf32, #tpu.memory_space<vmem>>
      %dma_start3A_102 = tpu.memref_slice %arg8[%mul3A_97] : memref<10000xi32, #tpu.memory_space<vmem>> -> memref<80xi32, #tpu.memory_space<vmem>>
      %dma_start3A_103 = arith.constant 0 : i32
      %dma_start3A_104 = arith.constant 0 : i32
      %dma_start3A_105 = tpu.memref_slice %arg3[%dma_start3A_103, %dma_start3A_104] : memref<10000x128xf32, #tpu.memory_space<hbm>> -> memref<10000x128xf32, #tpu.memory_space<hbm>>
      tpu.enqueue_indirect_dma source(%dma_start3A_105 : memref<10000x128xf32, #tpu.memory_space<hbm>>) target(%dma_start3A_101 : memref<80x128xf32, #tpu.memory_space<vmem>>) offsets(%dma_start3A_102 : memref<80xi32, #tpu.memory_space<vmem>>) semaphore(%arg14 : memref<!tpu.dma_semaphore, #tpu.memory_space<semaphore_mem>>)
      %and3A_106 = arith.constant 1 : i32
      %and3A_107 = arith.andi %scan3A_58, %and3A_106 : i32
      %scan3A_108 = arith.constant 0 : i32
      %scan3A_109 = arith.constant 0 : i32
      %scan3A_110 = arith.constant 5 : i32
      %scan3A_111 = arith.addi %scan3A_109, %scan3A_110 : i32
      %scan3A_112 = arith.constant 1 : i32
      %scan3A_113 = scf.for %scan3A_116 = %scan3A_109 to %scan3A_111 step %scan3A_112 iter_args(%scan3A_117 = %scan3A_108) -> (i32)  : i32 {
        %mul3A_118 = arith.constant 16 : i32
        %mul3A_119 = arith.muli %scan3A_116, %mul3A_118 : i32
        %add3A_120 = arith.constant 0 : i32
        %add3A_121 = arith.addi %mul3A_119, %add3A_120 : i32
        %get3A = arith.constant 0 : i32
        %get3A_122 = arith.constant 0 : i32
        %get3A_123 = tpu.memref_slice %arg10[%and3A_107, %get3A, %get3A_122] : memref<2x80x128xf32, #tpu.memory_space<vmem>> -> memref<1x80x128xf32, #tpu.memory_space<vmem>>
        %get3A_124 = tpu.memref_squeeze %get3A_123 : memref<1x80x128xf32, #tpu.memory_space<vmem>> -> memref<80x128xf32, #tpu.memory_space<vmem>>
        %get3A_125 = arith.index_cast %add3A_121 : i32 to index
        %get3A_126 = arith.constant 0 : index
        %get3A_127 = tpu.vector_load %get3A_124[%get3A_125, %get3A_126] {strides = array<i32>} : memref<80x128xf32, #tpu.memory_space<vmem>>, vector<16xf32>,
        %get3A_128 = arith.constant 0 : i32
        %get3A_129 = arith.constant 0 : i32
        %get3A_130 = tpu.memref_slice %arg11[%and3A_107, %get3A_128, %get3A_129] : memref<2x80x128xf32, #tpu.memory_space<vmem>> -> memref<1x80x128xf32, #tpu.memory_space<vmem>>
        %get3A_131 = tpu.memref_squeeze %get3A_130 : memref<1x80x128xf32, #tpu.memory_space<vmem>> -> memref<80x128xf32, #tpu.memory_space<vmem>>
        %get3A_132 = arith.index_cast %add3A_121 : i32 to index
        %get3A_133 = arith.constant 0 : index
        %get3A_134 = tpu.vector_load %get3A_131[%get3A_132, %get3A_133] {strides = array<i32>} : memref<80x128xf32, #tpu.memory_space<vmem>>, vector<16xf32>,
        %mul3A_135 = arith.mulf %get3A_127, %get3A_134 : vector<16xf32>
        %get3A_136 = arith.constant 0 : i32
        %get3A_137 = arith.constant 0 : i32
        %get3A_138 = tpu.memref_slice %arg10[%and3A_107, %get3A_136, %get3A_137] : memref<2x80x128xf32, #tpu.memory_space<vmem>> -> memref<1x80x128xf32, #tpu.memory_space<vmem>>
        %get3A_139 = tpu.memref_squeeze %get3A_138 : memref<1x80x128xf32, #tpu.memory_space<vmem>> -> memref<80x128xf32, #tpu.memory_space<vmem>>
        %get3A_140 = arith.index_cast %add3A_121 : i32 to index
        %get3A_141 = arith.constant 16 : index
        %get3A_142 = tpu.vector_load %get3A_139[%get3A_140, %get3A_141] {strides = array<i32>} : memref<80x128xf32, #tpu.memory_space<vmem>>, vector<16xf32>,
        %get3A_143 = arith.constant 0 : i32
        %get3A_144 = arith.constant 0 : i32
        %get3A_145 = tpu.memref_slice %arg11[%and3A_107, %get3A_143, %get3A_144] : memref<2x80x128xf32, #tpu.memory_space<vmem>> -> memref<1x80x128xf32, #tpu.memory_space<vmem>>
        %get3A_146 = tpu.memref_squeeze %get3A_145 : memref<1x80x128xf32, #tpu.memory_space<vmem>> -> memref<80x128xf32, #tpu.memory_space<vmem>>
        %get3A_147 = arith.index_cast %add3A_121 : i32 to index
        %get3A_148 = arith.constant 16 : index
        %get3A_149 = tpu.vector_load %get3A_146[%get3A_147, %get3A_148] {strides = array<i32>} : memref<80x128xf32, #tpu.memory_space<vmem>>, vector<16xf32>,
        %mul3A_150 = arith.mulf %get3A_142, %get3A_149 : vector<16xf32>
        %get3A_151 = arith.constant 0 : i32
        %get3A_152 = arith.constant 0 : i32
        %get3A_153 = tpu.memref_slice %arg10[%and3A_107, %get3A_151, %get3A_152] : memref<2x80x128xf32, #tpu.memory_space<vmem>> -> memref<1x80x128xf32, #tpu.memory_space<vmem>>
        %get3A_154 = tpu.memref_squeeze %get3A_153 : memref<1x80x128xf32, #tpu.memory_space<vmem>> -> memref<80x128xf32, #tpu.memory_space<vmem>>
        %get3A_155 = arith.index_cast %add3A_121 : i32 to index
        %get3A_156 = arith.constant 32 : index
        %get3A_157 = tpu.vector_load %get3A_154[%get3A_155, %get3A_156] {strides = array<i32>} : memref<80x128xf32, #tpu.memory_space<vmem>>, vector<16xf32>,
        %get3A_158 = arith.constant 0 : i32
        %get3A_159 = arith.constant 0 : i32
        %get3A_160 = tpu.memref_slice %arg11[%and3A_107, %get3A_158, %get3A_159] : memref<2x80x128xf32, #tpu.memory_space<vmem>> -> memref<1x80x128xf32, #tpu.memory_space<vmem>>
        %get3A_161 = tpu.memref_squeeze %get3A_160 : memref<1x80x128xf32, #tpu.memory_space<vmem>> -> memref<80x128xf32, #tpu.memory_space<vmem>>
        %get3A_162 = arith.index_cast %add3A_121 : i32 to index
        %get3A_163 = arith.constant 32 : index
        %get3A_164 = tpu.vector_load %get3A_161[%get3A_162, %get3A_163] {strides = array<i32>} : memref<80x128xf32, #tpu.memory_space<vmem>>, vector<16xf32>,
        %mul3A_165 = arith.mulf %get3A_157, %get3A_164 : vector<16xf32>
        %get3A_166 = arith.constant 0 : i32
        %get3A_167 = arith.constant 0 : i32
        %get3A_168 = tpu.memref_slice %arg10[%and3A_107, %get3A_166, %get3A_167] : memref<2x80x128xf32, #tpu.memory_space<vmem>> -> memref<1x80x128xf32, #tpu.memory_space<vmem>>
        %get3A_169 = tpu.memref_squeeze %get3A_168 : memref<1x80x128xf32, #tpu.memory_space<vmem>> -> memref<80x128xf32, #tpu.memory_space<vmem>>
        %get3A_170 = arith.index_cast %add3A_121 : i32 to index
        %get3A_171 = arith.constant 48 : index
        %get3A_172 = tpu.vector_load %get3A_169[%get3A_170, %get3A_171] {strides = array<i32>} : memref<80x128xf32, #tpu.memory_space<vmem>>, vector<16xf32>,
        %get3A_173 = arith.constant 0 : i32
        %get3A_174 = arith.constant 0 : i32
        %get3A_175 = tpu.memref_slice %arg11[%and3A_107, %get3A_173, %get3A_174] : memref<2x80x128xf32, #tpu.memory_space<vmem>> -> memref<1x80x128xf32, #tpu.memory_space<vmem>>
        %get3A_176 = tpu.memref_squeeze %get3A_175 : memref<1x80x128xf32, #tpu.memory_space<vmem>> -> memref<80x128xf32, #tpu.memory_space<vmem>>
        %get3A_177 = arith.index_cast %add3A_121 : i32 to index
        %get3A_178 = arith.constant 48 : index
        %get3A_179 = tpu.vector_load %get3A_176[%get3A_177, %get3A_178] {strides = array<i32>} : memref<80x128xf32, #tpu.memory_space<vmem>>, vector<16xf32>,
        %mul3A_180 = arith.mulf %get3A_172, %get3A_179 : vector<16xf32>
        %get3A_181 = arith.constant 0 : i32
        %get3A_182 = arith.constant 0 : i32
        %get3A_183 = tpu.memref_slice %arg10[%and3A_107, %get3A_181, %get3A_182] : memref<2x80x128xf32, #tpu.memory_space<vmem>> -> memref<1x80x128xf32, #tpu.memory_space<vmem>>
        %get3A_184 = tpu.memref_squeeze %get3A_183 : memref<1x80x128xf32, #tpu.memory_space<vmem>> -> memref<80x128xf32, #tpu.memory_space<vmem>>
        %get3A_185 = arith.index_cast %add3A_121 : i32 to index
        %get3A_186 = arith.constant 64 : index
        %get3A_187 = tpu.vector_load %get3A_184[%get3A_185, %get3A_186] {strides = array<i32>} : memref<80x128xf32, #tpu.memory_space<vmem>>, vector<16xf32>,
        %get3A_188 = arith.constant 0 : i32
        %get3A_189 = arith.constant 0 : i32
        %get3A_190 = tpu.memref_slice %arg11[%and3A_107, %get3A_188, %get3A_189] : memref<2x80x128xf32, #tpu.memory_space<vmem>> -> memref<1x80x128xf32, #tpu.memory_space<vmem>>
        %get3A_191 = tpu.memref_squeeze %get3A_190 : memref<1x80x128xf32, #tpu.memory_space<vmem>> -> memref<80x128xf32, #tpu.memory_space<vmem>>
        %get3A_192 = arith.index_cast %add3A_121 : i32 to index
        %get3A_193 = arith.constant 64 : index
        %get3A_194 = tpu.vector_load %get3A_191[%get3A_192, %get3A_193] {strides = array<i32>} : memref<80x128xf32, #tpu.memory_space<vmem>>, vector<16xf32>,
        %mul3A_195 = arith.mulf %get3A_187, %get3A_194 : vector<16xf32>
        %get3A_196 = arith.constant 0 : i32
        %get3A_197 = arith.constant 0 : i32
        %get3A_198 = tpu.memref_slice %arg10[%and3A_107, %get3A_196, %get3A_197] : memref<2x80x128xf32, #tpu.memory_space<vmem>> -> memref<1x80x128xf32, #tpu.memory_space<vmem>>
        %get3A_199 = tpu.memref_squeeze %get3A_198 : memref<1x80x128xf32, #tpu.memory_space<vmem>> -> memref<80x128xf32, #tpu.memory_space<vmem>>
        %get3A_200 = arith.index_cast %add3A_121 : i32 to index
        %get3A_201 = arith.constant 80 : index
        %get3A_202 = tpu.vector_load %get3A_199[%get3A_200, %get3A_201] {strides = array<i32>} : memref<80x128xf32, #tpu.memory_space<vmem>>, vector<16xf32>,
        %get3A_203 = arith.constant 0 : i32
        %get3A_204 = arith.constant 0 : i32
        %get3A_205 = tpu.memref_slice %arg11[%and3A_107, %get3A_203, %get3A_204] : memref<2x80x128xf32, #tpu.memory_space<vmem>> -> memref<1x80x128xf32, #tpu.memory_space<vmem>>
        %get3A_206 = tpu.memref_squeeze %get3A_205 : memref<1x80x128xf32, #tpu.memory_space<vmem>> -> memref<80x128xf32, #tpu.memory_space<vmem>>
        %get3A_207 = arith.index_cast %add3A_121 : i32 to index
        %get3A_208 = arith.constant 80 : index
        %get3A_209 = tpu.vector_load %get3A_206[%get3A_207, %get3A_208] {strides = array<i32>} : memref<80x128xf32, #tpu.memory_space<vmem>>, vector<16xf32>,
        %mul3A_210 = arith.mulf %get3A_202, %get3A_209 : vector<16xf32>
        %get3A_211 = arith.constant 0 : i32
        %get3A_212 = arith.constant 0 : i32
        %get3A_213 = tpu.memref_slice %arg10[%and3A_107, %get3A_211, %get3A_212] : memref<2x80x128xf32, #tpu.memory_space<vmem>> -> memref<1x80x128xf32, #tpu.memory_space<vmem>>
        %get3A_214 = tpu.memref_squeeze %get3A_213 : memref<1x80x128xf32, #tpu.memory_space<vmem>> -> memref<80x128xf32, #tpu.memory_space<vmem>>
        %get3A_215 = arith.index_cast %add3A_121 : i32 to index
        %get3A_216 = arith.constant 96 : index
        %get3A_217 = tpu.vector_load %get3A_214[%get3A_215, %get3A_216] {strides = array<i32>} : memref<80x128xf32, #tpu.memory_space<vmem>>, vector<16xf32>,
        %get3A_218 = arith.constant 0 : i32
        %get3A_219 = arith.constant 0 : i32
        %get3A_220 = tpu.memref_slice %arg11[%and3A_107, %get3A_218, %get3A_219] : memref<2x80x128xf32, #tpu.memory_space<vmem>> -> memref<1x80x128xf32, #tpu.memory_space<vmem>>
        %get3A_221 = tpu.memref_squeeze %get3A_220 : memref<1x80x128xf32, #tpu.memory_space<vmem>> -> memref<80x128xf32, #tpu.memory_space<vmem>>
        %get3A_222 = arith.index_cast %add3A_121 : i32 to index
        %get3A_223 = arith.constant 96 : index
        %get3A_224 = tpu.vector_load %get3A_221[%get3A_222, %get3A_223] {strides = array<i32>} : memref<80x128xf32, #tpu.memory_space<vmem>>, vector<16xf32>,
        %mul3A_225 = arith.mulf %get3A_217, %get3A_224 : vector<16xf32>
        %get3A_226 = arith.constant 0 : i32
        %get3A_227 = arith.constant 0 : i32
        %get3A_228 = tpu.memref_slice %arg10[%and3A_107, %get3A_226, %get3A_227] : memref<2x80x128xf32, #tpu.memory_space<vmem>> -> memref<1x80x128xf32, #tpu.memory_space<vmem>>
        %get3A_229 = tpu.memref_squeeze %get3A_228 : memref<1x80x128xf32, #tpu.memory_space<vmem>> -> memref<80x128xf32, #tpu.memory_space<vmem>>
        %get3A_230 = arith.index_cast %add3A_121 : i32 to index
        %get3A_231 = arith.constant 112 : index
        %get3A_232 = tpu.vector_load %get3A_229[%get3A_230, %get3A_231] {strides = array<i32>} : memref<80x128xf32, #tpu.memory_space<vmem>>, vector<16xf32>,
        %get3A_233 = arith.constant 0 : i32
        %get3A_234 = arith.constant 0 : i32
        %get3A_235 = tpu.memref_slice %arg11[%and3A_107, %get3A_233, %get3A_234] : memref<2x80x128xf32, #tpu.memory_space<vmem>> -> memref<1x80x128xf32, #tpu.memory_space<vmem>>
        %get3A_236 = tpu.memref_squeeze %get3A_235 : memref<1x80x128xf32, #tpu.memory_space<vmem>> -> memref<80x128xf32, #tpu.memory_space<vmem>>
        %get3A_237 = arith.index_cast %add3A_121 : i32 to index
        %get3A_238 = arith.constant 112 : index
        %get3A_239 = tpu.vector_load %get3A_236[%get3A_237, %get3A_238] {strides = array<i32>} : memref<80x128xf32, #tpu.memory_space<vmem>>, vector<16xf32>,
        %mul3A_240 = arith.mulf %get3A_232, %get3A_239 : vector<16xf32>
        %add3A_241 = arith.addf %mul3A_135, %mul3A_150 : vector<16xf32>
        %add3A_242 = arith.addf %mul3A_165, %mul3A_180 : vector<16xf32>
        %add3A_243 = arith.addf %mul3A_195, %mul3A_210 : vector<16xf32>
        %add3A_244 = arith.addf %mul3A_225, %mul3A_240 : vector<16xf32>
        %add3A_245 = arith.addf %add3A_241, %add3A_242 : vector<16xf32>
        %add3A_246 = arith.addf %add3A_243, %add3A_244 : vector<16xf32>
        %add3A_247 = arith.addf %add3A_245, %add3A_246 : vector<16xf32>
        %swap3A = arith.index_cast %add3A_121 : i32 to index
        %swap3A_248 = arith.constant 0 : index
        %swap3A_249 = tpu.vector_load %arg12[%swap3A, %swap3A_248] {strides = array<i32>} : memref<80x17xf32, #tpu.memory_space<vmem>>, vector<16xf32>,
        tpu.vector_store %arg12[%swap3A, %swap3A_248], %add3A_247 {strides = array<i32>} : memref<80x17xf32, #tpu.memory_space<vmem>>, vector<16xf32>,
        %add3A_250 = arith.constant 1 : i32
        %add3A_251 = arith.addi %mul3A_119, %add3A_250 : i32
        %get3A_252 = arith.constant 0 : i32
        %get3A_253 = arith.constant 0 : i32
        %get3A_254 = tpu.memref_slice %arg10[%and3A_107, %get3A_252, %get3A_253] : memref<2x80x128xf32, #tpu.memory_space<vmem>> -> memref<1x80x128xf32, #tpu.memory_space<vmem>>
        %get3A_255 = tpu.memref_squeeze %get3A_254 : memref<1x80x128xf32, #tpu.memory_space<vmem>> -> memref<80x128xf32, #tpu.memory_space<vmem>>
        %get3A_256 = arith.index_cast %add3A_251 : i32 to index
        %get3A_257 = arith.constant 0 : index
        %get3A_258 = tpu.vector_load %get3A_255[%get3A_256, %get3A_257] {strides = array<i32>} : memref<80x128xf32, #tpu.memory_space<vmem>>, vector<16xf32>,
        %get3A_259 = arith.constant 0 : i32
        %get3A_260 = arith.constant 0 : i32
        %get3A_261 = tpu.memref_slice %arg11[%and3A_107, %get3A_259, %get3A_260] : memref<2x80x128xf32, #tpu.memory_space<vmem>> -> memref<1x80x128xf32, #tpu.memory_space<vmem>>
        %get3A_262 = tpu.memref_squeeze %get3A_261 : memref<1x80x128xf32, #tpu.memory_space<vmem>> -> memref<80x128xf32, #tpu.memory_space<vmem>>
        %get3A_263 = arith.index_cast %add3A_251 : i32 to index
        %get3A_264 = arith.constant 0 : index
        %get3A_265 = tpu.vector_load %get3A_262[%get3A_263, %get3A_264] {strides = array<i32>} : memref<80x128xf32, #tpu.memory_space<vmem>>, vector<16xf32>,
        %mul3A_266 = arith.mulf %get3A_258, %get3A_265 : vector<16xf32>
        %get3A_267 = arith.constant 0 : i32
        %get3A_268 = arith.constant 0 : i32
        %get3A_269 = tpu.memref_slice %arg10[%and3A_107, %get3A_267, %get3A_268] : memref<2x80x128xf32, #tpu.memory_space<vmem>> -> memref<1x80x128xf32, #tpu.memory_space<vmem>>
        %get3A_270 = tpu.memref_squeeze %get3A_269 : memref<1x80x128xf32, #tpu.memory_space<vmem>> -> memref<80x128xf32, #tpu.memory_space<vmem>>
        %get3A_271 = arith.index_cast %add3A_251 : i32 to index
        %get3A_272 = arith.constant 16 : index
        %get3A_273 = tpu.vector_load %get3A_270[%get3A_271, %get3A_272] {strides = array<i32>} : memref<80x128xf32, #tpu.memory_space<vmem>>, vector<16xf32>,
        %get3A_274 = arith.constant 0 : i32
        %get3A_275 = arith.constant 0 : i32
        %get3A_276 = tpu.memref_slice %arg11[%and3A_107, %get3A_274, %get3A_275] : memref<2x80x128xf32, #tpu.memory_space<vmem>> -> memref<1x80x128xf32, #tpu.memory_space<vmem>>
        %get3A_277 = tpu.memref_squeeze %get3A_276 : memref<1x80x128xf32, #tpu.memory_space<vmem>> -> memref<80x128xf32, #tpu.memory_space<vmem>>
        %get3A_278 = arith.index_cast %add3A_251 : i32 to index
        %get3A_279 = arith.constant 16 : index
        %get3A_280 = tpu.vector_load %get3A_277[%get3A_278, %get3A_279] {strides = array<i32>} : memref<80x128xf32, #tpu.memory_space<vmem>>, vector<16xf32>,
        %mul3A_281 = arith.mulf %get3A_273, %get3A_280 : vector<16xf32>
        %get3A_282 = arith.constant 0 : i32
        %get3A_283 = arith.constant 0 : i32
        %get3A_284 = tpu.memref_slice %arg10[%and3A_107, %get3A_282, %get3A_283] : memref<2x80x128xf32, #tpu.memory_space<vmem>> -> memref<1x80x128xf32, #tpu.memory_space<vmem>>
        %get3A_285 = tpu.memref_squeeze %get3A_284 : memref<1x80x128xf32, #tpu.memory_space<vmem>> -> memref<80x128xf32, #tpu.memory_space<vmem>>
        %get3A_286 = arith.index_cast %add3A_251 : i32 to index
        %get3A_287 = arith.constant 32 : index
        %get3A_288 = tpu.vector_load %get3A_285[%get3A_286, %get3A_287] {strides = array<i32>} : memref<80x128xf32, #tpu.memory_space<vmem>>, vector<16xf32>,
        %get3A_289 = arith.constant 0 : i32
        %get3A_290 = arith.constant 0 : i32
        %get3A_291 = tpu.memref_slice %arg11[%and3A_107, %get3A_289, %get3A_290] : memref<2x80x128xf32, #tpu.memory_space<vmem>> -> memref<1x80x128xf32, #tpu.memory_space<vmem>>
        %get3A_292 = tpu.memref_squeeze %get3A_291 : memref<1x80x128xf32, #tpu.memory_space<vmem>> -> memref<80x128xf32, #tpu.memory_space<vmem>>
        %get3A_293 = arith.index_cast %add3A_251 : i32 to index
        %get3A_294 = arith.constant 32 : index
        %get3A_295 = tpu.vector_load %get3A_292[%get3A_293, %get3A_294] {strides = array<i32>} : memref<80x128xf32, #tpu.memory_space<vmem>>, vector<16xf32>,
        %mul3A_296 = arith.mulf %get3A_288, %get3A_295 : vector<16xf32>
        %get3A_297 = arith.constant 0 : i32
        %get3A_298 = arith.constant 0 : i32
        %get3A_299 = tpu.memref_slice %arg10[%and3A_107, %get3A_297, %get3A_298] : memref<2x80x128xf32, #tpu.memory_space<vmem>> -> memref<1x80x128xf32, #tpu.memory_space<vmem>>
        %get3A_300 = tpu.memref_squeeze %get3A_299 : memref<1x80x128xf32, #tpu.memory_space<vmem>> -> memref<80x128xf32, #tpu.memory_space<vmem>>
        %get3A_301 = arith.index_cast %add3A_251 : i32 to index
        %get3A_302 = arith.constant 48 : index
        %get3A_303 = tpu.vector_load %get3A_300[%get3A_301, %get3A_302] {strides = array<i32>} : memref<80x128xf32, #tpu.memory_space<vmem>>, vector<16xf32>,
        %get3A_304 = arith.constant 0 : i32
        %get3A_305 = arith.constant 0 : i32
        %get3A_306 = tpu.memref_slice %arg11[%and3A_107, %get3A_304, %get3A_305] : memref<2x80x128xf32, #tpu.memory_space<vmem>> -> memref<1x80x128xf32, #tpu.memory_space<vmem>>
        %get3A_307 = tpu.memref_squeeze %get3A_306 : memref<1x80x128xf32, #tpu.memory_space<vmem>> -> memref<80x128xf32, #tpu.memory_space<vmem>>
        %get3A_308 = arith.index_cast %add3A_251 : i32 to index
        %get3A_309 = arith.constant 48 : index
        %get3A_310 = tpu.vector_load %get3A_307[%get3A_308, %get3A_309] {strides = array<i32>} : memref<80x128xf32, #tpu.memory_space<vmem>>, vector<16xf32>,
        %mul3A_311 = arith.mulf %get3A_303, %get3A_310 : vector<16xf32>
        %get3A_312 = arith.constant 0 : i32
        %get3A_313 = arith.constant 0 : i32
        %get3A_314 = tpu.memref_slice %arg10[%and3A_107, %get3A_312, %get3A_313] : memref<2x80x128xf32, #tpu.memory_space<vmem>> -> memref<1x80x128xf32, #tpu.memory_space<vmem>>
        %get3A_315 = tpu.memref_squeeze %get3A_314 : memref<1x80x128xf32, #tpu.memory_space<vmem>> -> memref<80x128xf32, #tpu.memory_space<vmem>>
        %get3A_316 = arith.index_cast %add3A_251 : i32 to index
        %get3A_317 = arith.constant 64 : index
        %get3A_318 = tpu.vector_load %get3A_315[%get3A_316, %get3A_317] {strides = array<i32>} : memref<80x128xf32, #tpu.memory_space<vmem>>, vector<16xf32>,
        %get3A_319 = arith.constant 0 : i32
        %get3A_320 = arith.constant 0 : i32
        %get3A_321 = tpu.memref_slice %arg11[%and3A_107, %get3A_319, %get3A_320] : memref<2x80x128xf32, #tpu.memory_space<vmem>> -> memref<1x80x128xf32, #tpu.memory_space<vmem>>
        %get3A_322 = tpu.memref_squeeze %get3A_321 : memref<1x80x128xf32, #tpu.memory_space<vmem>> -> memref<80x128xf32, #tpu.memory_space<vmem>>
        %get3A_323 = arith.index_cast %add3A_251 : i32 to index
        %get3A_324 = arith.constant 64 : index
        %get3A_325 = tpu.vector_load %get3A_322[%get3A_323, %get3A_324] {strides = array<i32>} : memref<80x128xf32, #tpu.memory_space<vmem>>, vector<16xf32>,
        %mul3A_326 = arith.mulf %get3A_318, %get3A_325 : vector<16xf32>
        %get3A_327 = arith.constant 0 : i32
        %get3A_328 = arith.constant 0 : i32
        %get3A_329 = tpu.memref_slice %arg10[%and3A_107, %get3A_327, %get3A_328] : memref<2x80x128xf32, #tpu.memory_space<vmem>> -> memref<1x80x128xf32, #tpu.memory_space<vmem>>
        %get3A_330 = tpu.memref_squeeze %get3A_329 : memref<1x80x128xf32, #tpu.memory_space<vmem>> -> memref<80x128xf32, #tpu.memory_space<vmem>>
        %get3A_331 = arith.index_cast %add3A_251 : i32 to index
        %get3A_332 = arith.constant 80 : index
        %get3A_333 = tpu.vector_load %get3A_330[%get3A_331, %get3A_332] {strides = array<i32>} : memref<80x128xf32, #tpu.memory_space<vmem>>, vector<16xf32>,
        %get3A_334 = arith.constant 0 : i32
        %get3A_335 = arith.constant 0 : i32
        %get3A_336 = tpu.memref_slice %arg11[%and3A_107, %get3A_334, %get3A_335] : memref<2x80x128xf32, #tpu.memory_space<vmem>> -> memref<1x80x128xf32, #tpu.memory_space<vmem>>
        %get3A_337 = tpu.memref_squeeze %get3A_336 : memref<1x80x128xf32, #tpu.memory_space<vmem>> -> memref<80x128xf32, #tpu.memory_space<vmem>>
        %get3A_338 = arith.index_cast %add3A_251 : i32 to index
        %get3A_339 = arith.constant 80 : index
        %get3A_340 = tpu.vector_load %get3A_337[%get3A_338, %get3A_339] {strides = array<i32>} : memref<80x128xf32, #tpu.memory_space<vmem>>, vector<16xf32>,
        %mul3A_341 = arith.mulf %get3A_333, %get3A_340 : vector<16xf32>
        %get3A_342 = arith.constant 0 : i32
        %get3A_343 = arith.constant 0 : i32
        %get3A_344 = tpu.memref_slice %arg10[%and3A_107, %get3A_342, %get3A_343] : memref<2x80x128xf32, #tpu.memory_space<vmem>> -> memref<1x80x128xf32, #tpu.memory_space<vmem>>
        %get3A_345 = tpu.memref_squeeze %get3A_344 : memref<1x80x128xf32, #tpu.memory_space<vmem>> -> memref<80x128xf32, #tpu.memory_space<vmem>>
        %get3A_346 = arith.index_cast %add3A_251 : i32 to index
        %get3A_347 = arith.constant 96 : index
        %get3A_348 = tpu.vector_load %get3A_345[%get3A_346, %get3A_347] {strides = array<i32>} : memref<80x128xf32, #tpu.memory_space<vmem>>, vector<16xf32>,
        %get3A_349 = arith.constant 0 : i32
        %get3A_350 = arith.constant 0 : i32
        %get3A_351 = tpu.memref_slice %arg11[%and3A_107, %get3A_349, %get3A_350] : memref<2x80x128xf32, #tpu.memory_space<vmem>> -> memref<1x80x128xf32, #tpu.memory_space<vmem>>
        %get3A_352 = tpu.memref_squeeze %get3A_351 : memref<1x80x128xf32, #tpu.memory_space<vmem>> -> memref<80x128xf32, #tpu.memory_space<vmem>>
        %get3A_353 = arith.index_cast %add3A_251 : i32 to index
        %get3A_354 = arith.constant 96 : index
        %get3A_355 = tpu.vector_load %get3A_352[%get3A_353, %get3A_354] {strides = array<i32>} : memref<80x128xf32, #tpu.memory_space<vmem>>, vector<16xf32>,
        %mul3A_356 = arith.mulf %get3A_348, %get3A_355 : vector<16xf32>
        %get3A_357 = arith.constant 0 : i32
        %get3A_358 = arith.constant 0 : i32
        %get3A_359 = tpu.memref_slice %arg10[%and3A_107, %get3A_357, %get3A_358] : memref<2x80x128xf32, #tpu.memory_space<vmem>> -> memref<1x80x128xf32, #tpu.memory_space<vmem>>
        %get3A_360 = tpu.memref_squeeze %get3A_359 : memref<1x80x128xf32, #tpu.memory_space<vmem>> -> memref<80x128xf32, #tpu.memory_space<vmem>>
        %get3A_361 = arith.index_cast %add3A_251 : i32 to index
        %get3A_362 = arith.constant 112 : index
        %get3A_363 = tpu.vector_load %get3A_360[%get3A_361, %get3A_362] {strides = array<i32>} : memref<80x128xf32, #tpu.memory_space<vmem>>, vector<16xf32>,
        %get3A_364 = arith.constant 0 : i32
        %get3A_365 = arith.constant 0 : i32
        %get3A_366 = tpu.memref_slice %arg11[%and3A_107, %get3A_364, %get3A_365] : memref<2x80x128xf32, #tpu.memory_space<vmem>> -> memref<1x80x128xf32, #tpu.memory_space<vmem>>
        %get3A_367 = tpu.memref_squeeze %get3A_366 : memref<1x80x128xf32, #tpu.memory_space<vmem>> -> memref<80x128xf32, #tpu.memory_space<vmem>>
        %get3A_368 = arith.index_cast %add3A_251 : i32 to index
        %get3A_369 = arith.constant 112 : index
        %get3A_370 = tpu.vector_load %get3A_367[%get3A_368, %get3A_369] {strides = array<i32>} : memref<80x128xf32, #tpu.memory_space<vmem>>, vector<16xf32>,
        %mul3A_371 = arith.mulf %get3A_363, %get3A_370 : vector<16xf32>
        %add3A_372 = arith.addf %mul3A_266, %mul3A_281 : vector<16xf32>
        %add3A_373 = arith.addf %mul3A_296, %mul3A_311 : vector<16xf32>
        %add3A_374 = arith.addf %mul3A_326, %mul3A_341 : vector<16xf32>
        %add3A_375 = arith.addf %mul3A_356, %mul3A_371 : vector<16xf32>
        %add3A_376 = arith.addf %add3A_372, %add3A_373 : vector<16xf32>
        %add3A_377 = arith.addf %add3A_374, %add3A_375 : vector<16xf32>
        %add3A_378 = arith.addf %add3A_376, %add3A_377 : vector<16xf32>
        %swap3A_379 = arith.index_cast %add3A_251 : i32 to index
        %swap3A_380 = arith.constant 0 : index
        %swap3A_381 = tpu.vector_load %arg12[%swap3A_379, %swap3A_380] {strides = array<i32>} : memref<80x17xf32, #tpu.memory_space<vmem>>, vector<16xf32>,
        tpu.vector_store %arg12[%swap3A_379, %swap3A_380], %add3A_378 {strides = array<i32>} : memref<80x17xf32, #tpu.memory_space<vmem>>, vector<16xf32>,
        %add3A_382 = arith.constant 2 : i32
        %add3A_383 = arith.addi %mul3A_119, %add3A_382 : i32
        %get3A_384 = arith.constant 0 : i32
        %get3A_385 = arith.constant 0 : i32
        %get3A_386 = tpu.memref_slice %arg10[%and3A_107, %get3A_384, %get3A_385] : memref<2x80x128xf32, #tpu.memory_space<vmem>> -> memref<1x80x128xf32, #tpu.memory_space<vmem>>
        %get3A_387 = tpu.memref_squeeze %get3A_386 : memref<1x80x128xf32, #tpu.memory_space<vmem>> -> memref<80x128xf32, #tpu.memory_space<vmem>>
        %get3A_388 = arith.index_cast %add3A_383 : i32 to index
        %get3A_389 = arith.constant 0 : index
        %get3A_390 = tpu.vector_load %get3A_387[%get3A_388, %get3A_389] {strides = array<i32>} : memref<80x128xf32, #tpu.memory_space<vmem>>, vector<16xf32>,
        %get3A_391 = arith.constant 0 : i32
        %get3A_392 = arith.constant 0 : i32
        %get3A_393 = tpu.memref_slice %arg11[%and3A_107, %get3A_391, %get3A_392] : memref<2x80x128xf32, #tpu.memory_space<vmem>> -> memref<1x80x128xf32, #tpu.memory_space<vmem>>
        %get3A_394 = tpu.memref_squeeze %get3A_393 : memref<1x80x128xf32, #tpu.memory_space<vmem>> -> memref<80x128xf32, #tpu.memory_space<vmem>>
        %get3A_395 = arith.index_cast %add3A_383 : i32 to index
        %get3A_396 = arith.constant 0 : index
        %get3A_397 = tpu.vector_load %get3A_394[%get3A_395, %get3A_396] {strides = array<i32>} : memref<80x128xf32, #tpu.memory_space<vmem>>, vector<16xf32>,
        %mul3A_398 = arith.mulf %get3A_390, %get3A_397 : vector<16xf32>
        %get3A_399 = arith.constant 0 : i32
        %get3A_400 = arith.constant 0 : i32
        %get3A_401 = tpu.memref_slice %arg10[%and3A_107, %get3A_399, %get3A_400] : memref<2x80x128xf32, #tpu.memory_space<vmem>> -> memref<1x80x128xf32, #tpu.memory_space<vmem>>
        %get3A_402 = tpu.memref_squeeze %get3A_401 : memref<1x80x128xf32, #tpu.memory_space<vmem>> -> memref<80x128xf32, #tpu.memory_space<vmem>>
        %get3A_403 = arith.index_cast %add3A_383 : i32 to index
        %get3A_404 = arith.constant 16 : index
        %get3A_405 = tpu.vector_load %get3A_402[%get3A_403, %get3A_404] {strides = array<i32>} : memref<80x128xf32, #tpu.memory_space<vmem>>, vector<16xf32>,
        %get3A_406 = arith.constant 0 : i32
        %get3A_407 = arith.constant 0 : i32
        %get3A_408 = tpu.memref_slice %arg11[%and3A_107, %get3A_406, %get3A_407] : memref<2x80x128xf32, #tpu.memory_space<vmem>> -> memref<1x80x128xf32, #tpu.memory_space<vmem>>
        %get3A_409 = tpu.memref_squeeze %get3A_408 : memref<1x80x128xf32, #tpu.memory_space<vmem>> -> memref<80x128xf32, #tpu.memory_space<vmem>>
        %get3A_410 = arith.index_cast %add3A_383 : i32 to index
        %get3A_411 = arith.constant 16 : index
        %get3A_412 = tpu.vector_load %get3A_409[%get3A_410, %get3A_411] {strides = array<i32>} : memref<80x128xf32, #tpu.memory_space<vmem>>, vector<16xf32>,
        %mul3A_413 = arith.mulf %get3A_405, %get3A_412 : vector<16xf32>
        %get3A_414 = arith.constant 0 : i32
        %get3A_415 = arith.constant 0 : i32
        %get3A_416 = tpu.memref_slice %arg10[%and3A_107, %get3A_414, %get3A_415] : memref<2x80x128xf32, #tpu.memory_space<vmem>> -> memref<1x80x128xf32, #tpu.memory_space<vmem>>
        %get3A_417 = tpu.memref_squeeze %get3A_416 : memref<1x80x128xf32, #tpu.memory_space<vmem>> -> memref<80x128xf32, #tpu.memory_space<vmem>>
        %get3A_418 = arith.index_cast %add3A_383 : i32 to index
        %get3A_419 = arith.constant 32 : index
        %get3A_420 = tpu.vector_load %get3A_417[%get3A_418, %get3A_419] {strides = array<i32>} : memref<80x128xf32, #tpu.memory_space<vmem>>, vector<16xf32>,
        %get3A_421 = arith.constant 0 : i32
        %get3A_422 = arith.constant 0 : i32
        %get3A_423 = tpu.memref_slice %arg11[%and3A_107, %get3A_421, %get3A_422] : memref<2x80x128xf32, #tpu.memory_space<vmem>> -> memref<1x80x128xf32, #tpu.memory_space<vmem>>
        %get3A_424 = tpu.memref_squeeze %get3A_423 : memref<1x80x128xf32, #tpu.memory_space<vmem>> -> memref<80x128xf32, #tpu.memory_space<vmem>>
        %get3A_425 = arith.index_cast %add3A_383 : i32 to index
        %get3A_426 = arith.constant 32 : index
        %get3A_427 = tpu.vector_load %get3A_424[%get3A_425, %get3A_426] {strides = array<i32>} : memref<80x128xf32, #tpu.memory_space<vmem>>, vector<16xf32>,
        %mul3A_428 = arith.mulf %get3A_420, %get3A_427 : vector<16xf32>
        %get3A_429 = arith.constant 0 : i32
        %get3A_430 = arith.constant 0 : i32
        %get3A_431 = tpu.memref_slice %arg10[%and3A_107, %get3A_429, %get3A_430] : memref<2x80x128xf32, #tpu.memory_space<vmem>> -> memref<1x80x128xf32, #tpu.memory_space<vmem>>
        %get3A_432 = tpu.memref_squeeze %get3A_431 : memref<1x80x128xf32, #tpu.memory_space<vmem>> -> memref<80x128xf32, #tpu.memory_space<vmem>>
        %get3A_433 = arith.index_cast %add3A_383 : i32 to index
        %get3A_434 = arith.constant 48 : index
        %get3A_435 = tpu.vector_load %get3A_432[%get3A_433, %get3A_434] {strides = array<i32>} : memref<80x128xf32, #tpu.memory_space<vmem>>, vector<16xf32>,
        %get3A_436 = arith.constant 0 : i32
        %get3A_437 = arith.constant 0 : i32
        %get3A_438 = tpu.memref_slice %arg11[%and3A_107, %get3A_436, %get3A_437] : memref<2x80x128xf32, #tpu.memory_space<vmem>> -> memref<1x80x128xf32, #tpu.memory_space<vmem>>
        %get3A_439 = tpu.memref_squeeze %get3A_438 : memref<1x80x128xf32, #tpu.memory_space<vmem>> -> memref<80x128xf32, #tpu.memory_space<vmem>>
        %get3A_440 = arith.index_cast %add3A_383 : i32 to index
        %get3A_441 = arith.constant 48 : index
        %get3A_442 = tpu.vector_load %get3A_439[%get3A_440, %get3A_441] {strides = array<i32>} : memref<80x128xf32, #tpu.memory_space<vmem>>, vector<16xf32>,
        %mul3A_443 = arith.mulf %get3A_435, %get3A_442 : vector<16xf32>
        %get3A_444 = arith.constant 0 : i32
        %get3A_445 = arith.constant 0 : i32
        %get3A_446 = tpu.memref_slice %arg10[%and3A_107, %get3A_444, %get3A_445] : memref<2x80x128xf32, #tpu.memory_space<vmem>> -> memref<1x80x128xf32, #tpu.memory_space<vmem>>
        %get3A_447 = tpu.memref_squeeze %get3A_446 : memref<1x80x128xf32, #tpu.memory_space<vmem>> -> memref<80x128xf32, #tpu.memory_space<vmem>>
        %get3A_448 = arith.index_cast %add3A_383 : i32 to index
        %get3A_449 = arith.constant 64 : index
        %get3A_450 = tpu.vector_load %get3A_447[%get3A_448, %get3A_449] {strides = array<i32>} : memref<80x128xf32, #tpu.memory_space<vmem>>, vector<16xf32>,
        %get3A_451 = arith.constant 0 : i32
        %get3A_452 = arith.constant 0 : i32
        %get3A_453 = tpu.memref_slice %arg11[%and3A_107, %get3A_451, %get3A_452] : memref<2x80x128xf32, #tpu.memory_space<vmem>> -> memref<1x80x128xf32, #tpu.memory_space<vmem>>
        %get3A_454 = tpu.memref_squeeze %get3A_453 : memref<1x80x128xf32, #tpu.memory_space<vmem>> -> memref<80x128xf32, #tpu.memory_space<vmem>>
        %get3A_455 = arith.index_cast %add3A_383 : i32 to index
        %get3A_456 = arith.constant 64 : index
        %get3A_457 = tpu.vector_load %get3A_454[%get3A_455, %get3A_456] {strides = array<i32>} : memref<80x128xf32, #tpu.memory_space<vmem>>, vector<16xf32>,
        %mul3A_458 = arith.mulf %get3A_450, %get3A_457 : vector<16xf32>
        %get3A_459 = arith.constant 0 : i32
        %get3A_460 = arith.constant 0 : i32
        %get3A_461 = tpu.memref_slice %arg10[%and3A_107, %get3A_459, %get3A_460] : memref<2x80x128xf32, #tpu.memory_space<vmem>> -> memref<1x80x128xf32, #tpu.memory_space<vmem>>
        %get3A_462 = tpu.memref_squeeze %get3A_461 : memref<1x80x128xf32, #tpu.memory_space<vmem>> -> memref<80x128xf32, #tpu.memory_space<vmem>>
        %get3A_463 = arith.index_cast %add3A_383 : i32 to index
        %get3A_464 = arith.constant 80 : index
        %get3A_465 = tpu.vector_load %get3A_462[%get3A_463, %get3A_464] {strides = array<i32>} : memref<80x128xf32, #tpu.memory_space<vmem>>, vector<16xf32>,
        %get3A_466 = arith.constant 0 : i32
        %get3A_467 = arith.constant 0 : i32
        %get3A_468 = tpu.memref_slice %arg11[%and3A_107, %get3A_466, %get3A_467] : memref<2x80x128xf32, #tpu.memory_space<vmem>> -> memref<1x80x128xf32, #tpu.memory_space<vmem>>
        %get3A_469 = tpu.memref_squeeze %get3A_468 : memref<1x80x128xf32, #tpu.memory_space<vmem>> -> memref<80x128xf32, #tpu.memory_space<vmem>>
        %get3A_470 = arith.index_cast %add3A_383 : i32 to index
        %get3A_471 = arith.constant 80 : index
        %get3A_472 = tpu.vector_load %get3A_469[%get3A_470, %get3A_471] {strides = array<i32>} : memref<80x128xf32, #tpu.memory_space<vmem>>, vector<16xf32>,
        %mul3A_473 = arith.mulf %get3A_465, %get3A_472 : vector<16xf32>
        %get3A_474 = arith.constant 0 : i32
        %get3A_475 = arith.constant 0 : i32
        %get3A_476 = tpu.memref_slice %arg10[%and3A_107, %get3A_474, %get3A_475] : memref<2x80x128xf32, #tpu.memory_space<vmem>> -> memref<1x80x128xf32, #tpu.memory_space<vmem>>
        %get3A_477 = tpu.memref_squeeze %get3A_476 : memref<1x80x128xf32, #tpu.memory_space<vmem>> -> memref<80x128xf32, #tpu.memory_space<vmem>>
        %get3A_478 = arith.index_cast %add3A_383 : i32 to index
        %get3A_479 = arith.constant 96 : index
        %get3A_480 = tpu.vector_load %get3A_477[%get3A_478, %get3A_479] {strides = array<i32>} : memref<80x128xf32, #tpu.memory_space<vmem>>, vector<16xf32>,
        %get3A_481 = arith.constant 0 : i32
        %get3A_482 = arith.constant 0 : i32
        %get3A_483 = tpu.memref_slice %arg11[%and3A_107, %get3A_481, %get3A_482] : memref<2x80x128xf32, #tpu.memory_space<vmem>> -> memref<1x80x128xf32, #tpu.memory_space<vmem>>
        %get3A_484 = tpu.memref_squeeze %get3A_483 : memref<1x80x128xf32, #tpu.memory_space<vmem>> -> memref<80x128xf32, #tpu.memory_space<vmem>>
        %get3A_485 = arith.index_cast %add3A_383 : i32 to index
        %get3A_486 = arith.constant 96 : index
        %get3A_487 = tpu.vector_load %get3A_484[%get3A_485, %get3A_486] {strides = array<i32>} : memref<80x128xf32, #tpu.memory_space<vmem>>, vector<16xf32>,
        %mul3A_488 = arith.mulf %get3A_480, %get3A_487 : vector<16xf32>
        %get3A_489 = arith.constant 0 : i32
        %get3A_490 = arith.constant 0 : i32
        %get3A_491 = tpu.memref_slice %arg10[%and3A_107, %get3A_489, %get3A_490] : memref<2x80x128xf32, #tpu.memory_space<vmem>> -> memref<1x80x128xf32, #tpu.memory_space<vmem>>
        %get3A_492 = tpu.memref_squeeze %get3A_491 : memref<1x80x128xf32, #tpu.memory_space<vmem>> -> memref<80x128xf32, #tpu.memory_space<vmem>>
        %get3A_493 = arith.index_cast %add3A_383 : i32 to index
        %get3A_494 = arith.constant 112 : index
        %get3A_495 = tpu.vector_load %get3A_492[%get3A_493, %get3A_494] {strides = array<i32>} : memref<80x128xf32, #tpu.memory_space<vmem>>, vector<16xf32>,
        %get3A_496 = arith.constant 0 : i32
        %get3A_497 = arith.constant 0 : i32
        %get3A_498 = tpu.memref_slice %arg11[%and3A_107, %get3A_496, %get3A_497] : memref<2x80x128xf32, #tpu.memory_space<vmem>> -> memref<1x80x128xf32, #tpu.memory_space<vmem>>
        %get3A_499 = tpu.memref_squeeze %get3A_498 : memref<1x80x128xf32, #tpu.memory_space<vmem>> -> memref<80x128xf32, #tpu.memory_space<vmem>>
        %get3A_500 = arith.index_cast %add3A_383 : i32 to index
        %get3A_501 = arith.constant 112 : index
        %get3A_502 = tpu.vector_load %get3A_499[%get3A_500, %get3A_501] {strides = array<i32>} : memref<80x128xf32, #tpu.memory_space<vmem>>, vector<16xf32>,
        %mul3A_503 = arith.mulf %get3A_495, %get3A_502 : vector<16xf32>
        %add3A_504 = arith.addf %mul3A_398, %mul3A_413 : vector<16xf32>
        %add3A_505 = arith.addf %mul3A_428, %mul3A_443 : vector<16xf32>
        %add3A_506 = arith.addf %mul3A_458, %mul3A_473 : vector<16xf32>
        %add3A_507 = arith.addf %mul3A_488, %mul3A_503 : vector<16xf32>
        %add3A_508 = arith.addf %add3A_504, %add3A_505 : vector<16xf32>
        %add3A_509 = arith.addf %add3A_506, %add3A_507 : vector<16xf32>
        %add3A_510 = arith.addf %add3A_508, %add3A_509 : vector<16xf32>
        %swap3A_511 = arith.index_cast %add3A_383 : i32 to index
        %swap3A_512 = arith.constant 0 : index
        %swap3A_513 = tpu.vector_load %arg12[%swap3A_511, %swap3A_512] {strides = array<i32>} : memref<80x17xf32, #tpu.memory_space<vmem>>, vector<16xf32>,
        tpu.vector_store %arg12[%swap3A_511, %swap3A_512], %add3A_510 {strides = array<i32>} : memref<80x17xf32, #tpu.memory_space<vmem>>, vector<16xf32>,
        %add3A_514 = arith.constant 3 : i32
        %add3A_515 = arith.addi %mul3A_119, %add3A_514 : i32
        %get3A_516 = arith.constant 0 : i32
        %get3A_517 = arith.constant 0 : i32
        %get3A_518 = tpu.memref_slice %arg10[%and3A_107, %get3A_516, %get3A_517] : memref<2x80x128xf32, #tpu.memory_space<vmem>> -> memref<1x80x128xf32, #tpu.memory_space<vmem>>
        %get3A_519 = tpu.memref_squeeze %get3A_518 : memref<1x80x128xf32, #tpu.memory_space<vmem>> -> memref<80x128xf32, #tpu.memory_space<vmem>>
        %get3A_520 = arith.index_cast %add3A_515 : i32 to index
        %get3A_521 = arith.constant 0 : index
        %get3A_522 = tpu.vector_load %get3A_519[%get3A_520, %get3A_521] {strides = array<i32>} : memref<80x128xf32, #tpu.memory_space<vmem>>, vector<16xf32>,
        %get3A_523 = arith.constant 0 : i32
        %get3A_524 = arith.constant 0 : i32
        %get3A_525 = tpu.memref_slice %arg11[%and3A_107, %get3A_523, %get3A_524] : memref<2x80x128xf32, #tpu.memory_space<vmem>> -> memref<1x80x128xf32, #tpu.memory_space<vmem>>
        %get3A_526 = tpu.memref_squeeze %get3A_525 : memref<1x80x128xf32, #tpu.memory_space<vmem>> -> memref<80x128xf32, #tpu.memory_space<vmem>>
        %get3A_527 = arith.index_cast %add3A_515 : i32 to index
        %get3A_528 = arith.constant 0 : index
        %get3A_529 = tpu.vector_load %get3A_526[%get3A_527, %get3A_528] {strides = array<i32>} : memref<80x128xf32, #tpu.memory_space<vmem>>, vector<16xf32>,
        %mul3A_530 = arith.mulf %get3A_522, %get3A_529 : vector<16xf32>
        %get3A_531 = arith.constant 0 : i32
        %get3A_532 = arith.constant 0 : i32
        %get3A_533 = tpu.memref_slice %arg10[%and3A_107, %get3A_531, %get3A_532] : memref<2x80x128xf32, #tpu.memory_space<vmem>> -> memref<1x80x128xf32, #tpu.memory_space<vmem>>
        %get3A_534 = tpu.memref_squeeze %get3A_533 : memref<1x80x128xf32, #tpu.memory_space<vmem>> -> memref<80x128xf32, #tpu.memory_space<vmem>>
        %get3A_535 = arith.index_cast %add3A_515 : i32 to index
        %get3A_536 = arith.constant 16 : index
        %get3A_537 = tpu.vector_load %get3A_534[%get3A_535, %get3A_536] {strides = array<i32>} : memref<80x128xf32, #tpu.memory_space<vmem>>, vector<16xf32>,
        %get3A_538 = arith.constant 0 : i32
        %get3A_539 = arith.constant 0 : i32
        %get3A_540 = tpu.memref_slice %arg11[%and3A_107, %get3A_538, %get3A_539] : memref<2x80x128xf32, #tpu.memory_space<vmem>> -> memref<1x80x128xf32, #tpu.memory_space<vmem>>
        %get3A_541 = tpu.memref_squeeze %get3A_540 : memref<1x80x128xf32, #tpu.memory_space<vmem>> -> memref<80x128xf32, #tpu.memory_space<vmem>>
        %get3A_542 = arith.index_cast %add3A_515 : i32 to index
        %get3A_543 = arith.constant 16 : index
        %get3A_544 = tpu.vector_load %get3A_541[%get3A_542, %get3A_543] {strides = array<i32>} : memref<80x128xf32, #tpu.memory_space<vmem>>, vector<16xf32>,
        %mul3A_545 = arith.mulf %get3A_537, %get3A_544 : vector<16xf32>
        %get3A_546 = arith.constant 0 : i32
        %get3A_547 = arith.constant 0 : i32
        %get3A_548 = tpu.memref_slice %arg10[%and3A_107, %get3A_546, %get3A_547] : memref<2x80x128xf32, #tpu.memory_space<vmem>> -> memref<1x80x128xf32, #tpu.memory_space<vmem>>
        %get3A_549 = tpu.memref_squeeze %get3A_548 : memref<1x80x128xf32, #tpu.memory_space<vmem>> -> memref<80x128xf32, #tpu.memory_space<vmem>>
        %get3A_550 = arith.index_cast %add3A_515 : i32 to index
        %get3A_551 = arith.constant 32 : index
        %get3A_552 = tpu.vector_load %get3A_549[%get3A_550, %get3A_551] {strides = array<i32>} : memref<80x128xf32, #tpu.memory_space<vmem>>, vector<16xf32>,
        %get3A_553 = arith.constant 0 : i32
        %get3A_554 = arith.constant 0 : i32
        %get3A_555 = tpu.memref_slice %arg11[%and3A_107, %get3A_553, %get3A_554] : memref<2x80x128xf32, #tpu.memory_space<vmem>> -> memref<1x80x128xf32, #tpu.memory_space<vmem>>
        %get3A_556 = tpu.memref_squeeze %get3A_555 : memref<1x80x128xf32, #tpu.memory_space<vmem>> -> memref<80x128xf32, #tpu.memory_space<vmem>>
        %get3A_557 = arith.index_cast %add3A_515 : i32 to index
        %get3A_558 = arith.constant 32 : index
        %get3A_559 = tpu.vector_load %get3A_556[%get3A_557, %get3A_558] {strides = array<i32>} : memref<80x128xf32, #tpu.memory_space<vmem>>, vector<16xf32>,
        %mul3A_560 = arith.mulf %get3A_552, %get3A_559 : vector<16xf32>
        %get3A_561 = arith.constant 0 : i32
        %get3A_562 = arith.constant 0 : i32
        %get3A_563 = tpu.memref_slice %arg10[%and3A_107, %get3A_561, %get3A_562] : memref<2x80x128xf32, #tpu.memory_space<vmem>> -> memref<1x80x128xf32, #tpu.memory_space<vmem>>
        %get3A_564 = tpu.memref_squeeze %get3A_563 : memref<1x80x128xf32, #tpu.memory_space<vmem>> -> memref<80x128xf32, #tpu.memory_space<vmem>>
        %get3A_565 = arith.index_cast %add3A_515 : i32 to index
        %get3A_566 = arith.constant 48 : index
        %get3A_567 = tpu.vector_load %get3A_564[%get3A_565, %get3A_566] {strides = array<i32>} : memref<80x128xf32, #tpu.memory_space<vmem>>, vector<16xf32>,
        %get3A_568 = arith.constant 0 : i32
        %get3A_569 = arith.constant 0 : i32
        %get3A_570 = tpu.memref_slice %arg11[%and3A_107, %get3A_568, %get3A_569] : memref<2x80x128xf32, #tpu.memory_space<vmem>> -> memref<1x80x128xf32, #tpu.memory_space<vmem>>
        %get3A_571 = tpu.memref_squeeze %get3A_570 : memref<1x80x128xf32, #tpu.memory_space<vmem>> -> memref<80x128xf32, #tpu.memory_space<vmem>>
        %get3A_572 = arith.index_cast %add3A_515 : i32 to index
        %get3A_573 = arith.constant 48 : index
        %get3A_574 = tpu.vector_load %get3A_571[%get3A_572, %get3A_573] {strides = array<i32>} : memref<80x128xf32, #tpu.memory_space<vmem>>, vector<16xf32>,
        %mul3A_575 = arith.mulf %get3A_567, %get3A_574 : vector<16xf32>
        %get3A_576 = arith.constant 0 : i32
        %get3A_577 = arith.constant 0 : i32
        %get3A_578 = tpu.memref_slice %arg10[%and3A_107, %get3A_576, %get3A_577] : memref<2x80x128xf32, #tpu.memory_space<vmem>> -> memref<1x80x128xf32, #tpu.memory_space<vmem>>
        %get3A_579 = tpu.memref_squeeze %get3A_578 : memref<1x80x128xf32, #tpu.memory_space<vmem>> -> memref<80x128xf32, #tpu.memory_space<vmem>>
        %get3A_580 = arith.index_cast %add3A_515 : i32 to index
        %get3A_581 = arith.constant 64 : index
        %get3A_582 = tpu.vector_load %get3A_579[%get3A_580, %get3A_581] {strides = array<i32>} : memref<80x128xf32, #tpu.memory_space<vmem>>, vector<16xf32>,
        %get3A_583 = arith.constant 0 : i32
        %get3A_584 = arith.constant 0 : i32
        %get3A_585 = tpu.memref_slice %arg11[%and3A_107, %get3A_583, %get3A_584] : memref<2x80x128xf32, #tpu.memory_space<vmem>> -> memref<1x80x128xf32, #tpu.memory_space<vmem>>
        %get3A_586 = tpu.memref_squeeze %get3A_585 : memref<1x80x128xf32, #tpu.memory_space<vmem>> -> memref<80x128xf32, #tpu.memory_space<vmem>>
        %get3A_587 = arith.index_cast %add3A_515 : i32 to index
        %get3A_588 = arith.constant 64 : index
        %get3A_589 = tpu.vector_load %get3A_586[%get3A_587, %get3A_588] {strides = array<i32>} : memref<80x128xf32, #tpu.memory_space<vmem>>, vector<16xf32>,
        %mul3A_590 = arith.mulf %get3A_582, %get3A_589 : vector<16xf32>
        %get3A_591 = arith.constant 0 : i32
        %get3A_592 = arith.constant 0 : i32
        %get3A_593 = tpu.memref_slice %arg10[%and3A_107, %get3A_591, %get3A_592] : memref<2x80x128xf32, #tpu.memory_space<vmem>> -> memref<1x80x128xf32, #tpu.memory_space<vmem>>
        %get3A_594 = tpu.memref_squeeze %get3A_593 : memref<1x80x128xf32, #tpu.memory_space<vmem>> -> memref<80x128xf32, #tpu.memory_space<vmem>>
        %get3A_595 = arith.index_cast %add3A_515 : i32 to index
        %get3A_596 = arith.constant 80 : index
        %get3A_597 = tpu.vector_load %get3A_594[%get3A_595, %get3A_596] {strides = array<i32>} : memref<80x128xf32, #tpu.memory_space<vmem>>, vector<16xf32>,
        %get3A_598 = arith.constant 0 : i32
        %get3A_599 = arith.constant 0 : i32
        %get3A_600 = tpu.memref_slice %arg11[%and3A_107, %get3A_598, %get3A_599] : memref<2x80x128xf32, #tpu.memory_space<vmem>> -> memref<1x80x128xf32, #tpu.memory_space<vmem>>
        %get3A_601 = tpu.memref_squeeze %get3A_600 : memref<1x80x128xf32, #tpu.memory_space<vmem>> -> memref<80x128xf32, #tpu.memory_space<vmem>>
        %get3A_602 = arith.index_cast %add3A_515 : i32 to index
        %get3A_603 = arith.constant 80 : index
        %get3A_604 = tpu.vector_load %get3A_601[%get3A_602, %get3A_603] {strides = array<i32>} : memref<80x128xf32, #tpu.memory_space<vmem>>, vector<16xf32>,
        %mul3A_605 = arith.mulf %get3A_597, %get3A_604 : vector<16xf32>
        %get3A_606 = arith.constant 0 : i32
        %get3A_607 = arith.constant 0 : i32
        %get3A_608 = tpu.memref_slice %arg10[%and3A_107, %get3A_606, %get3A_607] : memref<2x80x128xf32, #tpu.memory_space<vmem>> -> memref<1x80x128xf32, #tpu.memory_space<vmem>>
        %get3A_609 = tpu.memref_squeeze %get3A_608 : memref<1x80x128xf32, #tpu.memory_space<vmem>> -> memref<80x128xf32, #tpu.memory_space<vmem>>
        %get3A_610 = arith.index_cast %add3A_515 : i32 to index
        %get3A_611 = arith.constant 96 : index
        %get3A_612 = tpu.vector_load %get3A_609[%get3A_610, %get3A_611] {strides = array<i32>} : memref<80x128xf32, #tpu.memory_space<vmem>>, vector<16xf32>,
        %get3A_613 = arith.constant 0 : i32
        %get3A_614 = arith.constant 0 : i32
        %get3A_615 = tpu.memref_slice %arg11[%and3A_107, %get3A_613, %get3A_614] : memref<2x80x128xf32, #tpu.memory_space<vmem>> -> memref<1x80x128xf32, #tpu.memory_space<vmem>>
        %get3A_616 = tpu.memref_squeeze %get3A_615 : memref<1x80x128xf32, #tpu.memory_space<vmem>> -> memref<80x128xf32, #tpu.memory_space<vmem>>
        %get3A_617 = arith.index_cast %add3A_515 : i32 to index
        %get3A_618 = arith.constant 96 : index
        %get3A_619 = tpu.vector_load %get3A_616[%get3A_617, %get3A_618] {strides = array<i32>} : memref<80x128xf32, #tpu.memory_space<vmem>>, vector<16xf32>,
        %mul3A_620 = arith.mulf %get3A_612, %get3A_619 : vector<16xf32>
        %get3A_621 = arith.constant 0 : i32
        %get3A_622 = arith.constant 0 : i32
        %get3A_623 = tpu.memref_slice %arg10[%and3A_107, %get3A_621, %get3A_622] : memref<2x80x128xf32, #tpu.memory_space<vmem>> -> memref<1x80x128xf32, #tpu.memory_space<vmem>>
        %get3A_624 = tpu.memref_squeeze %get3A_623 : memref<1x80x128xf32, #tpu.memory_space<vmem>> -> memref<80x128xf32, #tpu.memory_space<vmem>>
        %get3A_625 = arith.index_cast %add3A_515 : i32 to index
        %get3A_626 = arith.constant 112 : index
        %get3A_627 = tpu.vector_load %get3A_624[%get3A_625, %get3A_626] {strides = array<i32>} : memref<80x128xf32, #tpu.memory_space<vmem>>, vector<16xf32>,
        %get3A_628 = arith.constant 0 : i32
        %get3A_629 = arith.constant 0 : i32
        %get3A_630 = tpu.memref_slice %arg11[%and3A_107, %get3A_628, %get3A_629] : memref<2x80x128xf32, #tpu.memory_space<vmem>> -> memref<1x80x128xf32, #tpu.memory_space<vmem>>
        %get3A_631 = tpu.memref_squeeze %get3A_630 : memref<1x80x128xf32, #tpu.memory_space<vmem>> -> memref<80x128xf32, #tpu.memory_space<vmem>>
        %get3A_632 = arith.index_cast %add3A_515 : i32 to index
        %get3A_633 = arith.constant 112 : index
        %get3A_634 = tpu.vector_load %get3A_631[%get3A_632, %get3A_633] {strides = array<i32>} : memref<80x128xf32, #tpu.memory_space<vmem>>, vector<16xf32>,
        %mul3A_635 = arith.mulf %get3A_627, %get3A_634 : vector<16xf32>
        %add3A_636 = arith.addf %mul3A_530, %mul3A_545 : vector<16xf32>
        %add3A_637 = arith.addf %mul3A_560, %mul3A_575 : vector<16xf32>
        %add3A_638 = arith.addf %mul3A_590, %mul3A_605 : vector<16xf32>
        %add3A_639 = arith.addf %mul3A_620, %mul3A_635 : vector<16xf32>
        %add3A_640 = arith.addf %add3A_636, %add3A_637 : vector<16xf32>
        %add3A_641 = arith.addf %add3A_638, %add3A_639 : vector<16xf32>
        %add3A_642 = arith.addf %add3A_640, %add3A_641 : vector<16xf32>
        %swap3A_643 = arith.index_cast %add3A_515 : i32 to index
        %swap3A_644 = arith.constant 0 : index
        %swap3A_645 = tpu.vector_load %arg12[%swap3A_643, %swap3A_644] {strides = array<i32>} : memref<80x17xf32, #tpu.memory_space<vmem>>, vector<16xf32>,
        tpu.vector_store %arg12[%swap3A_643, %swap3A_644], %add3A_642 {strides = array<i32>} : memref<80x17xf32, #tpu.memory_space<vmem>>, vector<16xf32>,
        %add3A_646 = arith.constant 4 : i32
        %add3A_647 = arith.addi %mul3A_119, %add3A_646 : i32
        %get3A_648 = arith.constant 0 : i32
        %get3A_649 = arith.constant 0 : i32
        %get3A_650 = tpu.memref_slice %arg10[%and3A_107, %get3A_648, %get3A_649] : memref<2x80x128xf32, #tpu.memory_space<vmem>> -> memref<1x80x128xf32, #tpu.memory_space<vmem>>
        %get3A_651 = tpu.memref_squeeze %get3A_650 : memref<1x80x128xf32, #tpu.memory_space<vmem>> -> memref<80x128xf32, #tpu.memory_space<vmem>>
        %get3A_652 = arith.index_cast %add3A_647 : i32 to index
        %get3A_653 = arith.constant 0 : index
        %get3A_654 = tpu.vector_load %get3A_651[%get3A_652, %get3A_653] {strides = array<i32>} : memref<80x128xf32, #tpu.memory_space<vmem>>, vector<16xf32>,
        %get3A_655 = arith.constant 0 : i32
        %get3A_656 = arith.constant 0 : i32
        %get3A_657 = tpu.memref_slice %arg11[%and3A_107, %get3A_655, %get3A_656] : memref<2x80x128xf32, #tpu.memory_space<vmem>> -> memref<1x80x128xf32, #tpu.memory_space<vmem>>
        %get3A_658 = tpu.memref_squeeze %get3A_657 : memref<1x80x128xf32, #tpu.memory_space<vmem>> -> memref<80x128xf32, #tpu.memory_space<vmem>>
        %get3A_659 = arith.index_cast %add3A_647 : i32 to index
        %get3A_660 = arith.constant 0 : index
        %get3A_661 = tpu.vector_load %get3A_658[%get3A_659, %get3A_660] {strides = array<i32>} : memref<80x128xf32, #tpu.memory_space<vmem>>, vector<16xf32>,
        %mul3A_662 = arith.mulf %get3A_654, %get3A_661 : vector<16xf32>
        %get3A_663 = arith.constant 0 : i32
        %get3A_664 = arith.constant 0 : i32
        %get3A_665 = tpu.memref_slice %arg10[%and3A_107, %get3A_663, %get3A_664] : memref<2x80x128xf32, #tpu.memory_space<vmem>> -> memref<1x80x128xf32, #tpu.memory_space<vmem>>
        %get3A_666 = tpu.memref_squeeze %get3A_665 : memref<1x80x128xf32, #tpu.memory_space<vmem>> -> memref<80x128xf32, #tpu.memory_space<vmem>>
        %get3A_667 = arith.index_cast %add3A_647 : i32 to index
        %get3A_668 = arith.constant 16 : index
        %get3A_669 = tpu.vector_load %get3A_666[%get3A_667, %get3A_668] {strides = array<i32>} : memref<80x128xf32, #tpu.memory_space<vmem>>, vector<16xf32>,
        %get3A_670 = arith.constant 0 : i32
        %get3A_671 = arith.constant 0 : i32
        %get3A_672 = tpu.memref_slice %arg11[%and3A_107, %get3A_670, %get3A_671] : memref<2x80x128xf32, #tpu.memory_space<vmem>> -> memref<1x80x128xf32, #tpu.memory_space<vmem>>
        %get3A_673 = tpu.memref_squeeze %get3A_672 : memref<1x80x128xf32, #tpu.memory_space<vmem>> -> memref<80x128xf32, #tpu.memory_space<vmem>>
        %get3A_674 = arith.index_cast %add3A_647 : i32 to index
        %get3A_675 = arith.constant 16 : index
        %get3A_676 = tpu.vector_load %get3A_673[%get3A_674, %get3A_675] {strides = array<i32>} : memref<80x128xf32, #tpu.memory_space<vmem>>, vector<16xf32>,
        %mul3A_677 = arith.mulf %get3A_669, %get3A_676 : vector<16xf32>
        %get3A_678 = arith.constant 0 : i32
        %get3A_679 = arith.constant 0 : i32
        %get3A_680 = tpu.memref_slice %arg10[%and3A_107, %get3A_678, %get3A_679] : memref<2x80x128xf32, #tpu.memory_space<vmem>> -> memref<1x80x128xf32, #tpu.memory_space<vmem>>
        %get3A_681 = tpu.memref_squeeze %get3A_680 : memref<1x80x128xf32, #tpu.memory_space<vmem>> -> memref<80x128xf32, #tpu.memory_space<vmem>>
        %get3A_682 = arith.index_cast %add3A_647 : i32 to index
        %get3A_683 = arith.constant 32 : index
        %get3A_684 = tpu.vector_load %get3A_681[%get3A_682, %get3A_683] {strides = array<i32>} : memref<80x128xf32, #tpu.memory_space<vmem>>, vector<16xf32>,
        %get3A_685 = arith.constant 0 : i32
        %get3A_686 = arith.constant 0 : i32
        %get3A_687 = tpu.memref_slice %arg11[%and3A_107, %get3A_685, %get3A_686] : memref<2x80x128xf32, #tpu.memory_space<vmem>> -> memref<1x80x128xf32, #tpu.memory_space<vmem>>
        %get3A_688 = tpu.memref_squeeze %get3A_687 : memref<1x80x128xf32, #tpu.memory_space<vmem>> -> memref<80x128xf32, #tpu.memory_space<vmem>>
        %get3A_689 = arith.index_cast %add3A_647 : i32 to index
        %get3A_690 = arith.constant 32 : index
        %get3A_691 = tpu.vector_load %get3A_688[%get3A_689, %get3A_690] {strides = array<i32>} : memref<80x128xf32, #tpu.memory_space<vmem>>, vector<16xf32>,
        %mul3A_692 = arith.mulf %get3A_684, %get3A_691 : vector<16xf32>
        %get3A_693 = arith.constant 0 : i32
        %get3A_694 = arith.constant 0 : i32
        %get3A_695 = tpu.memref_slice %arg10[%and3A_107, %get3A_693, %get3A_694] : memref<2x80x128xf32, #tpu.memory_space<vmem>> -> memref<1x80x128xf32, #tpu.memory_space<vmem>>
        %get3A_696 = tpu.memref_squeeze %get3A_695 : memref<1x80x128xf32, #tpu.memory_space<vmem>> -> memref<80x128xf32, #tpu.memory_space<vmem>>
        %get3A_697 = arith.index_cast %add3A_647 : i32 to index
        %get3A_698 = arith.constant 48 : index
        %get3A_699 = tpu.vector_load %get3A_696[%get3A_697, %get3A_698] {strides = array<i32>} : memref<80x128xf32, #tpu.memory_space<vmem>>, vector<16xf32>,
        %get3A_700 = arith.constant 0 : i32
        %get3A_701 = arith.constant 0 : i32
        %get3A_702 = tpu.memref_slice %arg11[%and3A_107, %get3A_700, %get3A_701] : memref<2x80x128xf32, #tpu.memory_space<vmem>> -> memref<1x80x128xf32, #tpu.memory_space<vmem>>
        %get3A_703 = tpu.memref_squeeze %get3A_702 : memref<1x80x128xf32, #tpu.memory_space<vmem>> -> memref<80x128xf32, #tpu.memory_space<vmem>>
        %get3A_704 = arith.index_cast %add3A_647 : i32 to index
        %get3A_705 = arith.constant 48 : index
        %get3A_706 = tpu.vector_load %get3A_703[%get3A_704, %get3A_705] {strides = array<i32>} : memref<80x128xf32, #tpu.memory_space<vmem>>, vector<16xf32>,
        %mul3A_707 = arith.mulf %get3A_699, %get3A_706 : vector<16xf32>
        %get3A_708 = arith.constant 0 : i32
        %get3A_709 = arith.constant 0 : i32
        %get3A_710 = tpu.memref_slice %arg10[%and3A_107, %get3A_708, %get3A_709] : memref<2x80x128xf32, #tpu.memory_space<vmem>> -> memref<1x80x128xf32, #tpu.memory_space<vmem>>
        %get3A_711 = tpu.memref_squeeze %get3A_710 : memref<1x80x128xf32, #tpu.memory_space<vmem>> -> memref<80x128xf32, #tpu.memory_space<vmem>>
        %get3A_712 = arith.index_cast %add3A_647 : i32 to index
        %get3A_713 = arith.constant 64 : index
        %get3A_714 = tpu.vector_load %get3A_711[%get3A_712, %get3A_713] {strides = array<i32>} : memref<80x128xf32, #tpu.memory_space<vmem>>, vector<16xf32>,
        %get3A_715 = arith.constant 0 : i32
        %get3A_716 = arith.constant 0 : i32
        %get3A_717 = tpu.memref_slice %arg11[%and3A_107, %get3A_715, %get3A_716] : memref<2x80x128xf32, #tpu.memory_space<vmem>> -> memref<1x80x128xf32, #tpu.memory_space<vmem>>
        %get3A_718 = tpu.memref_squeeze %get3A_717 : memref<1x80x128xf32, #tpu.memory_space<vmem>> -> memref<80x128xf32, #tpu.memory_space<vmem>>
        %get3A_719 = arith.index_cast %add3A_647 : i32 to index
        %get3A_720 = arith.constant 64 : index
        %get3A_721 = tpu.vector_load %get3A_718[%get3A_719, %get3A_720] {strides = array<i32>} : memref<80x128xf32, #tpu.memory_space<vmem>>, vector<16xf32>,
        %mul3A_722 = arith.mulf %get3A_714, %get3A_721 : vector<16xf32>
        %get3A_723 = arith.constant 0 : i32
        %get3A_724 = arith.constant 0 : i32
        %get3A_725 = tpu.memref_slice %arg10[%and3A_107, %get3A_723, %get3A_724] : memref<2x80x128xf32, #tpu.memory_space<vmem>> -> memref<1x80x128xf32, #tpu.memory_space<vmem>>
        %get3A_726 = tpu.memref_squeeze %get3A_725 : memref<1x80x128xf32, #tpu.memory_space<vmem>> -> memref<80x128xf32, #tpu.memory_space<vmem>>
        %get3A_727 = arith.index_cast %add3A_647 : i32 to index
        %get3A_728 = arith.constant 80 : index
        %get3A_729 = tpu.vector_load %get3A_726[%get3A_727, %get3A_728] {strides = array<i32>} : memref<80x128xf32, #tpu.memory_space<vmem>>, vector<16xf32>,
        %get3A_730 = arith.constant 0 : i32
        %get3A_731 = arith.constant 0 : i32
        %get3A_732 = tpu.memref_slice %arg11[%and3A_107, %get3A_730, %get3A_731] : memref<2x80x128xf32, #tpu.memory_space<vmem>> -> memref<1x80x128xf32, #tpu.memory_space<vmem>>
        %get3A_733 = tpu.memref_squeeze %get3A_732 : memref<1x80x128xf32, #tpu.memory_space<vmem>> -> memref<80x128xf32, #tpu.memory_space<vmem>>
        %get3A_734 = arith.index_cast %add3A_647 : i32 to index
        %get3A_735 = arith.constant 80 : index
        %get3A_736 = tpu.vector_load %get3A_733[%get3A_734, %get3A_735] {strides = array<i32>} : memref<80x128xf32, #tpu.memory_space<vmem>>, vector<16xf32>,
        %mul3A_737 = arith.mulf %get3A_729, %get3A_736 : vector<16xf32>
        %get3A_738 = arith.constant 0 : i32
        %get3A_739 = arith.constant 0 : i32
        %get3A_740 = tpu.memref_slice %arg10[%and3A_107, %get3A_738, %get3A_739] : memref<2x80x128xf32, #tpu.memory_space<vmem>> -> memref<1x80x128xf32, #tpu.memory_space<vmem>>
        %get3A_741 = tpu.memref_squeeze %get3A_740 : memref<1x80x128xf32, #tpu.memory_space<vmem>> -> memref<80x128xf32, #tpu.memory_space<vmem>>
        %get3A_742 = arith.index_cast %add3A_647 : i32 to index
        %get3A_743 = arith.constant 96 : index
        %get3A_744 = tpu.vector_load %get3A_741[%get3A_742, %get3A_743] {strides = array<i32>} : memref<80x128xf32, #tpu.memory_space<vmem>>, vector<16xf32>,
        %get3A_745 = arith.constant 0 : i32
        %get3A_746 = arith.constant 0 : i32
        %get3A_747 = tpu.memref_slice %arg11[%and3A_107, %get3A_745, %get3A_746] : memref<2x80x128xf32, #tpu.memory_space<vmem>> -> memref<1x80x128xf32, #tpu.memory_space<vmem>>
        %get3A_748 = tpu.memref_squeeze %get3A_747 : memref<1x80x128xf32, #tpu.memory_space<vmem>> -> memref<80x128xf32, #tpu.memory_space<vmem>>
        %get3A_749 = arith.index_cast %add3A_647 : i32 to index
        %get3A_750 = arith.constant 96 : index
        %get3A_751 = tpu.vector_load %get3A_748[%get3A_749, %get3A_750] {strides = array<i32>} : memref<80x128xf32, #tpu.memory_space<vmem>>, vector<16xf32>,
        %mul3A_752 = arith.mulf %get3A_744, %get3A_751 : vector<16xf32>
        %get3A_753 = arith.constant 0 : i32
        %get3A_754 = arith.constant 0 : i32
        %get3A_755 = tpu.memref_slice %arg10[%and3A_107, %get3A_753, %get3A_754] : memref<2x80x128xf32, #tpu.memory_space<vmem>> -> memref<1x80x128xf32, #tpu.memory_space<vmem>>
        %get3A_756 = tpu.memref_squeeze %get3A_755 : memref<1x80x128xf32, #tpu.memory_space<vmem>> -> memref<80x128xf32, #tpu.memory_space<vmem>>
        %get3A_757 = arith.index_cast %add3A_647 : i32 to index
        %get3A_758 = arith.constant 112 : index
        %get3A_759 = tpu.vector_load %get3A_756[%get3A_757, %get3A_758] {strides = array<i32>} : memref<80x128xf32, #tpu.memory_space<vmem>>, vector<16xf32>,
        %get3A_760 = arith.constant 0 : i32
        %get3A_761 = arith.constant 0 : i32
        %get3A_762 = tpu.memref_slice %arg11[%and3A_107, %get3A_760, %get3A_761] : memref<2x80x128xf32, #tpu.memory_space<vmem>> -> memref<1x80x128xf32, #tpu.memory_space<vmem>>
        %get3A_763 = tpu.memref_squeeze %get3A_762 : memref<1x80x128xf32, #tpu.memory_space<vmem>> -> memref<80x128xf32, #tpu.memory_space<vmem>>
        %get3A_764 = arith.index_cast %add3A_647 : i32 to index
        %get3A_765 = arith.constant 112 : index
        %get3A_766 = tpu.vector_load %get3A_763[%get3A_764, %get3A_765] {strides = array<i32>} : memref<80x128xf32, #tpu.memory_space<vmem>>, vector<16xf32>,
        %mul3A_767 = arith.mulf %get3A_759, %get3A_766 : vector<16xf32>
        %add3A_768 = arith.addf %mul3A_662, %mul3A_677 : vector<16xf32>
        %add3A_769 = arith.addf %mul3A_692, %mul3A_707 : vector<16xf32>
        %add3A_770 = arith.addf %mul3A_722, %mul3A_737 : vector<16xf32>
        %add3A_771 = arith.addf %mul3A_752, %mul3A_767 : vector<16xf32>
        %add3A_772 = arith.addf %add3A_768, %add3A_769 : vector<16xf32>
        %add3A_773 = arith.addf %add3A_770, %add3A_771 : vector<16xf32>
        %add3A_774 = arith.addf %add3A_772, %add3A_773 : vector<16xf32>
        %swap3A_775 = arith.index_cast %add3A_647 : i32 to index
        %swap3A_776 = arith.constant 0 : index
        %swap3A_777 = tpu.vector_load %arg12[%swap3A_775, %swap3A_776] {strides = array<i32>} : memref<80x17xf32, #tpu.memory_space<vmem>>, vector<16xf32>,
        tpu.vector_store %arg12[%swap3A_775, %swap3A_776], %add3A_774 {strides = array<i32>} : memref<80x17xf32, #tpu.memory_space<vmem>>, vector<16xf32>,
        %add3A_778 = arith.constant 5 : i32
        %add3A_779 = arith.addi %mul3A_119, %add3A_778 : i32
        %get3A_780 = arith.constant 0 : i32
        %get3A_781 = arith.constant 0 : i32
        %get3A_782 = tpu.memref_slice %arg10[%and3A_107, %get3A_780, %get3A_781] : memref<2x80x128xf32, #tpu.memory_space<vmem>> -> memref<1x80x128xf32, #tpu.memory_space<vmem>>
        %get3A_783 = tpu.memref_squeeze %get3A_782 : memref<1x80x128xf32, #tpu.memory_space<vmem>> -> memref<80x128xf32, #tpu.memory_space<vmem>>
        %get3A_784 = arith.index_cast %add3A_779 : i32 to index
        %get3A_785 = arith.constant 0 : index
        %get3A_786 = tpu.vector_load %get3A_783[%get3A_784, %get3A_785] {strides = array<i32>} : memref<80x128xf32, #tpu.memory_space<vmem>>, vector<16xf32>,
        %get3A_787 = arith.constant 0 : i32
        %get3A_788 = arith.constant 0 : i32
        %get3A_789 = tpu.memref_slice %arg11[%and3A_107, %get3A_787, %get3A_788] : memref<2x80x128xf32, #tpu.memory_space<vmem>> -> memref<1x80x128xf32, #tpu.memory_space<vmem>>
        %get3A_790 = tpu.memref_squeeze %get3A_789 : memref<1x80x128xf32, #tpu.memory_space<vmem>> -> memref<80x128xf32, #tpu.memory_space<vmem>>
        %get3A_791 = arith.index_cast %add3A_779 : i32 to index
        %get3A_792 = arith.constant 0 : index
        %get3A_793 = tpu.vector_load %get3A_790[%get3A_791, %get3A_792] {strides = array<i32>} : memref<80x128xf32, #tpu.memory_space<vmem>>, vector<16xf32>,
        %mul3A_794 = arith.mulf %get3A_786, %get3A_793 : vector<16xf32>
        %get3A_795 = arith.constant 0 : i32
        %get3A_796 = arith.constant 0 : i32
        %get3A_797 = tpu.memref_slice %arg10[%and3A_107, %get3A_795, %get3A_796] : memref<2x80x128xf32, #tpu.memory_space<vmem>> -> memref<1x80x128xf32, #tpu.memory_space<vmem>>
        %get3A_798 = tpu.memref_squeeze %get3A_797 : memref<1x80x128xf32, #tpu.memory_space<vmem>> -> memref<80x128xf32, #tpu.memory_space<vmem>>
        %get3A_799 = arith.index_cast %add3A_779 : i32 to index
        %get3A_800 = arith.constant 16 : index
        %get3A_801 = tpu.vector_load %get3A_798[%get3A_799, %get3A_800] {strides = array<i32>} : memref<80x128xf32, #tpu.memory_space<vmem>>, vector<16xf32>,
        %get3A_802 = arith.constant 0 : i32
        %get3A_803 = arith.constant 0 : i32
        %get3A_804 = tpu.memref_slice %arg11[%and3A_107, %get3A_802, %get3A_803] : memref<2x80x128xf32, #tpu.memory_space<vmem>> -> memref<1x80x128xf32, #tpu.memory_space<vmem>>
        %get3A_805 = tpu.memref_squeeze %get3A_804 : memref<1x80x128xf32, #tpu.memory_space<vmem>> -> memref<80x128xf32, #tpu.memory_space<vmem>>
        %get3A_806 = arith.index_cast %add3A_779 : i32 to index
        %get3A_807 = arith.constant 16 : index
        %get3A_808 = tpu.vector_load %get3A_805[%get3A_806, %get3A_807] {strides = array<i32>} : memref<80x128xf32, #tpu.memory_space<vmem>>, vector<16xf32>,
        %mul3A_809 = arith.mulf %get3A_801, %get3A_808 : vector<16xf32>
        %get3A_810 = arith.constant 0 : i32
        %get3A_811 = arith.constant 0 : i32
        %get3A_812 = tpu.memref_slice %arg10[%and3A_107, %get3A_810, %get3A_811] : memref<2x80x128xf32, #tpu.memory_space<vmem>> -> memref<1x80x128xf32, #tpu.memory_space<vmem>>
        %get3A_813 = tpu.memref_squeeze %get3A_812 : memref<1x80x128xf32, #tpu.memory_space<vmem>> -> memref<80x128xf32, #tpu.memory_space<vmem>>
        %get3A_814 = arith.index_cast %add3A_779 : i32 to index
        %get3A_815 = arith.constant 32 : index
        %get3A_816 = tpu.vector_load %get3A_813[%get3A_814, %get3A_815] {strides = array<i32>} : memref<80x128xf32, #tpu.memory_space<vmem>>, vector<16xf32>,
        %get3A_817 = arith.constant 0 : i32
        %get3A_818 = arith.constant 0 : i32
        %get3A_819 = tpu.memref_slice %arg11[%and3A_107, %get3A_817, %get3A_818] : memref<2x80x128xf32, #tpu.memory_space<vmem>> -> memref<1x80x128xf32, #tpu.memory_space<vmem>>
        %get3A_820 = tpu.memref_squeeze %get3A_819 : memref<1x80x128xf32, #tpu.memory_space<vmem>> -> memref<80x128xf32, #tpu.memory_space<vmem>>
        %get3A_821 = arith.index_cast %add3A_779 : i32 to index
        %get3A_822 = arith.constant 32 : index
        %get3A_823 = tpu.vector_load %get3A_820[%get3A_821, %get3A_822] {strides = array<i32>} : memref<80x128xf32, #tpu.memory_space<vmem>>, vector<16xf32>,
        %mul3A_824 = arith.mulf %get3A_816, %get3A_823 : vector<16xf32>
        %get3A_825 = arith.constant 0 : i32
        %get3A_826 = arith.constant 0 : i32
        %get3A_827 = tpu.memref_slice %arg10[%and3A_107, %get3A_825, %get3A_826] : memref<2x80x128xf32, #tpu.memory_space<vmem>> -> memref<1x80x128xf32, #tpu.memory_space<vmem>>
        %get3A_828 = tpu.memref_squeeze %get3A_827 : memref<1x80x128xf32, #tpu.memory_space<vmem>> -> memref<80x128xf32, #tpu.memory_space<vmem>>
        %get3A_829 = arith.index_cast %add3A_779 : i32 to index
        %get3A_830 = arith.constant 48 : index
        %get3A_831 = tpu.vector_load %get3A_828[%get3A_829, %get3A_830] {strides = array<i32>} : memref<80x128xf32, #tpu.memory_space<vmem>>, vector<16xf32>,
        %get3A_832 = arith.constant 0 : i32
        %get3A_833 = arith.constant 0 : i32
        %get3A_834 = tpu.memref_slice %arg11[%and3A_107, %get3A_832, %get3A_833] : memref<2x80x128xf32, #tpu.memory_space<vmem>> -> memref<1x80x128xf32, #tpu.memory_space<vmem>>
        %get3A_835 = tpu.memref_squeeze %get3A_834 : memref<1x80x128xf32, #tpu.memory_space<vmem>> -> memref<80x128xf32, #tpu.memory_space<vmem>>
        %get3A_836 = arith.index_cast %add3A_779 : i32 to index
        %get3A_837 = arith.constant 48 : index
        %get3A_838 = tpu.vector_load %get3A_835[%get3A_836, %get3A_837] {strides = array<i32>} : memref<80x128xf32, #tpu.memory_space<vmem>>, vector<16xf32>,
        %mul3A_839 = arith.mulf %get3A_831, %get3A_838 : vector<16xf32>
        %get3A_840 = arith.constant 0 : i32
        %get3A_841 = arith.constant 0 : i32
        %get3A_842 = tpu.memref_slice %arg10[%and3A_107, %get3A_840, %get3A_841] : memref<2x80x128xf32, #tpu.memory_space<vmem>> -> memref<1x80x128xf32, #tpu.memory_space<vmem>>
        %get3A_843 = tpu.memref_squeeze %get3A_842 : memref<1x80x128xf32, #tpu.memory_space<vmem>> -> memref<80x128xf32, #tpu.memory_space<vmem>>
        %get3A_844 = arith.index_cast %add3A_779 : i32 to index
        %get3A_845 = arith.constant 64 : index
        %get3A_846 = tpu.vector_load %get3A_843[%get3A_844, %get3A_845] {strides = array<i32>} : memref<80x128xf32, #tpu.memory_space<vmem>>, vector<16xf32>,
        %get3A_847 = arith.constant 0 : i32
        %get3A_848 = arith.constant 0 : i32
        %get3A_849 = tpu.memref_slice %arg11[%and3A_107, %get3A_847, %get3A_848] : memref<2x80x128xf32, #tpu.memory_space<vmem>> -> memref<1x80x128xf32, #tpu.memory_space<vmem>>
        %get3A_850 = tpu.memref_squeeze %get3A_849 : memref<1x80x128xf32, #tpu.memory_space<vmem>> -> memref<80x128xf32, #tpu.memory_space<vmem>>
        %get3A_851 = arith.index_cast %add3A_779 : i32 to index
        %get3A_852 = arith.constant 64 : index
        %get3A_853 = tpu.vector_load %get3A_850[%get3A_851, %get3A_852] {strides = array<i32>} : memref<80x128xf32, #tpu.memory_space<vmem>>, vector<16xf32>,
        %mul3A_854 = arith.mulf %get3A_846, %get3A_853 : vector<16xf32>
        %get3A_855 = arith.constant 0 : i32
        %get3A_856 = arith.constant 0 : i32
        %get3A_857 = tpu.memref_slice %arg10[%and3A_107, %get3A_855, %get3A_856] : memref<2x80x128xf32, #tpu.memory_space<vmem>> -> memref<1x80x128xf32, #tpu.memory_space<vmem>>
        %get3A_858 = tpu.memref_squeeze %get3A_857 : memref<1x80x128xf32, #tpu.memory_space<vmem>> -> memref<80x128xf32, #tpu.memory_space<vmem>>
        %get3A_859 = arith.index_cast %add3A_779 : i32 to index
        %get3A_860 = arith.constant 80 : index
        %get3A_861 = tpu.vector_load %get3A_858[%get3A_859, %get3A_860] {strides = array<i32>} : memref<80x128xf32, #tpu.memory_space<vmem>>, vector<16xf32>,
        %get3A_862 = arith.constant 0 : i32
        %get3A_863 = arith.constant 0 : i32
        %get3A_864 = tpu.memref_slice %arg11[%and3A_107, %get3A_862, %get3A_863] : memref<2x80x128xf32, #tpu.memory_space<vmem>> -> memref<1x80x128xf32, #tpu.memory_space<vmem>>
        %get3A_865 = tpu.memref_squeeze %get3A_864 : memref<1x80x128xf32, #tpu.memory_space<vmem>> -> memref<80x128xf32, #tpu.memory_space<vmem>>
        %get3A_866 = arith.index_cast %add3A_779 : i32 to index
        %get3A_867 = arith.constant 80 : index
        %get3A_868 = tpu.vector_load %get3A_865[%get3A_866, %get3A_867] {strides = array<i32>} : memref<80x128xf32, #tpu.memory_space<vmem>>, vector<16xf32>,
        %mul3A_869 = arith.mulf %get3A_861, %get3A_868 : vector<16xf32>
        %get3A_870 = arith.constant 0 : i32
        %get3A_871 = arith.constant 0 : i32
        %get3A_872 = tpu.memref_slice %arg10[%and3A_107, %get3A_870, %get3A_871] : memref<2x80x128xf32, #tpu.memory_space<vmem>> -> memref<1x80x128xf32, #tpu.memory_space<vmem>>
        %get3A_873 = tpu.memref_squeeze %get3A_872 : memref<1x80x128xf32, #tpu.memory_space<vmem>> -> memref<80x128xf32, #tpu.memory_space<vmem>>
        %get3A_874 = arith.index_cast %add3A_779 : i32 to index
        %get3A_875 = arith.constant 96 : index
        %get3A_876 = tpu.vector_load %get3A_873[%get3A_874, %get3A_875] {strides = array<i32>} : memref<80x128xf32, #tpu.memory_space<vmem>>, vector<16xf32>,
        %get3A_877 = arith.constant 0 : i32
        %get3A_878 = arith.constant 0 : i32
        %get3A_879 = tpu.memref_slice %arg11[%and3A_107, %get3A_877, %get3A_878] : memref<2x80x128xf32, #tpu.memory_space<vmem>> -> memref<1x80x128xf32, #tpu.memory_space<vmem>>
        %get3A_880 = tpu.memref_squeeze %get3A_879 : memref<1x80x128xf32, #tpu.memory_space<vmem>> -> memref<80x128xf32, #tpu.memory_space<vmem>>
        %get3A_881 = arith.index_cast %add3A_779 : i32 to index
        %get3A_882 = arith.constant 96 : index
        %get3A_883 = tpu.vector_load %get3A_880[%get3A_881, %get3A_882] {strides = array<i32>} : memref<80x128xf32, #tpu.memory_space<vmem>>, vector<16xf32>,
        %mul3A_884 = arith.mulf %get3A_876, %get3A_883 : vector<16xf32>
        %get3A_885 = arith.constant 0 : i32
        %get3A_886 = arith.constant 0 : i32
        %get3A_887 = tpu.memref_slice %arg10[%and3A_107, %get3A_885, %get3A_886] : memref<2x80x128xf32, #tpu.memory_space<vmem>> -> memref<1x80x128xf32, #tpu.memory_space<vmem>>
        %get3A_888 = tpu.memref_squeeze %get3A_887 : memref<1x80x128xf32, #tpu.memory_space<vmem>> -> memref<80x128xf32, #tpu.memory_space<vmem>>
        %get3A_889 = arith.index_cast %add3A_779 : i32 to index
        %get3A_890 = arith.constant 112 : index
        %get3A_891 = tpu.vector_load %get3A_888[%get3A_889, %get3A_890] {strides = array<i32>} : memref<80x128xf32, #tpu.memory_space<vmem>>, vector<16xf32>,
        %get3A_892 = arith.constant 0 : i32
        %get3A_893 = arith.constant 0 : i32
        %get3A_894 = tpu.memref_slice %arg11[%and3A_107, %get3A_892, %get3A_893] : memref<2x80x128xf32, #tpu.memory_space<vmem>> -> memref<1x80x128xf32, #tpu.memory_space<vmem>>
        %get3A_895 = tpu.memref_squeeze %get3A_894 : memref<1x80x128xf32, #tpu.memory_space<vmem>> -> memref<80x128xf32, #tpu.memory_space<vmem>>
        %get3A_896 = arith.index_cast %add3A_779 : i32 to index
        %get3A_897 = arith.constant 112 : index
        %get3A_898 = tpu.vector_load %get3A_895[%get3A_896, %get3A_897] {strides = array<i32>} : memref<80x128xf32, #tpu.memory_space<vmem>>, vector<16xf32>,
        %mul3A_899 = arith.mulf %get3A_891, %get3A_898 : vector<16xf32>
        %add3A_900 = arith.addf %mul3A_794, %mul3A_809 : vector<16xf32>
        %add3A_901 = arith.addf %mul3A_824, %mul3A_839 : vector<16xf32>
        %add3A_902 = arith.addf %mul3A_854, %mul3A_869 : vector<16xf32>
        %add3A_903 = arith.addf %mul3A_884, %mul3A_899 : vector<16xf32>
        %add3A_904 = arith.addf %add3A_900, %add3A_901 : vector<16xf32>
        %add3A_905 = arith.addf %add3A_902, %add3A_903 : vector<16xf32>
        %add3A_906 = arith.addf %add3A_904, %add3A_905 : vector<16xf32>
        %swap3A_907 = arith.index_cast %add3A_779 : i32 to index
        %swap3A_908 = arith.constant 0 : index
        %swap3A_909 = tpu.vector_load %arg12[%swap3A_907, %swap3A_908] {strides = array<i32>} : memref<80x17xf32, #tpu.memory_space<vmem>>, vector<16xf32>,
        tpu.vector_store %arg12[%swap3A_907, %swap3A_908], %add3A_906 {strides = array<i32>} : memref<80x17xf32, #tpu.memory_space<vmem>>, vector<16xf32>,
        %add3A_910 = arith.constant 6 : i32
        %add3A_911 = arith.addi %mul3A_119, %add3A_910 : i32
        %get3A_912 = arith.constant 0 : i32
        %get3A_913 = arith.constant 0 : i32
        %get3A_914 = tpu.memref_slice %arg10[%and3A_107, %get3A_912, %get3A_913] : memref<2x80x128xf32, #tpu.memory_space<vmem>> -> memref<1x80x128xf32, #tpu.memory_space<vmem>>
        %get3A_915 = tpu.memref_squeeze %get3A_914 : memref<1x80x128xf32, #tpu.memory_space<vmem>> -> memref<80x128xf32, #tpu.memory_space<vmem>>
        %get3A_916 = arith.index_cast %add3A_911 : i32 to index
        %get3A_917 = arith.constant 0 : index
        %get3A_918 = tpu.vector_load %get3A_915[%get3A_916, %get3A_917] {strides = array<i32>} : memref<80x128xf32, #tpu.memory_space<vmem>>, vector<16xf32>,
        %get3A_919 = arith.constant 0 : i32
        %get3A_920 = arith.constant 0 : i32
        %get3A_921 = tpu.memref_slice %arg11[%and3A_107, %get3A_919, %get3A_920] : memref<2x80x128xf32, #tpu.memory_space<vmem>> -> memref<1x80x128xf32, #tpu.memory_space<vmem>>
        %get3A_922 = tpu.memref_squeeze %get3A_921 : memref<1x80x128xf32, #tpu.memory_space<vmem>> -> memref<80x128xf32, #tpu.memory_space<vmem>>
        %get3A_923 = arith.index_cast %add3A_911 : i32 to index
        %get3A_924 = arith.constant 0 : index
        %get3A_925 = tpu.vector_load %get3A_922[%get3A_923, %get3A_924] {strides = array<i32>} : memref<80x128xf32, #tpu.memory_space<vmem>>, vector<16xf32>,
        %mul3A_926 = arith.mulf %get3A_918, %get3A_925 : vector<16xf32>
        %get3A_927 = arith.constant 0 : i32
        %get3A_928 = arith.constant 0 : i32
        %get3A_929 = tpu.memref_slice %arg10[%and3A_107, %get3A_927, %get3A_928] : memref<2x80x128xf32, #tpu.memory_space<vmem>> -> memref<1x80x128xf32, #tpu.memory_space<vmem>>
        %get3A_930 = tpu.memref_squeeze %get3A_929 : memref<1x80x128xf32, #tpu.memory_space<vmem>> -> memref<80x128xf32, #tpu.memory_space<vmem>>
        %get3A_931 = arith.index_cast %add3A_911 : i32 to index
        %get3A_932 = arith.constant 16 : index
        %get3A_933 = tpu.vector_load %get3A_930[%get3A_931, %get3A_932] {strides = array<i32>} : memref<80x128xf32, #tpu.memory_space<vmem>>, vector<16xf32>,
        %get3A_934 = arith.constant 0 : i32
        %get3A_935 = arith.constant 0 : i32
        %get3A_936 = tpu.memref_slice %arg11[%and3A_107, %get3A_934, %get3A_935] : memref<2x80x128xf32, #tpu.memory_space<vmem>> -> memref<1x80x128xf32, #tpu.memory_space<vmem>>
        %get3A_937 = tpu.memref_squeeze %get3A_936 : memref<1x80x128xf32, #tpu.memory_space<vmem>> -> memref<80x128xf32, #tpu.memory_space<vmem>>
        %get3A_938 = arith.index_cast %add3A_911 : i32 to index
        %get3A_939 = arith.constant 16 : index
        %get3A_940 = tpu.vector_load %get3A_937[%get3A_938, %get3A_939] {strides = array<i32>} : memref<80x128xf32, #tpu.memory_space<vmem>>, vector<16xf32>,
        %mul3A_941 = arith.mulf %get3A_933, %get3A_940 : vector<16xf32>
        %get3A_942 = arith.constant 0 : i32
        %get3A_943 = arith.constant 0 : i32
        %get3A_944 = tpu.memref_slice %arg10[%and3A_107, %get3A_942, %get3A_943] : memref<2x80x128xf32, #tpu.memory_space<vmem>> -> memref<1x80x128xf32, #tpu.memory_space<vmem>>
        %get3A_945 = tpu.memref_squeeze %get3A_944 : memref<1x80x128xf32, #tpu.memory_space<vmem>> -> memref<80x128xf32, #tpu.memory_space<vmem>>
        %get3A_946 = arith.index_cast %add3A_911 : i32 to index
        %get3A_947 = arith.constant 32 : index
        %get3A_948 = tpu.vector_load %get3A_945[%get3A_946, %get3A_947] {strides = array<i32>} : memref<80x128xf32, #tpu.memory_space<vmem>>, vector<16xf32>,
        %get3A_949 = arith.constant 0 : i32
        %get3A_950 = arith.constant 0 : i32
        %get3A_951 = tpu.memref_slice %arg11[%and3A_107, %get3A_949, %get3A_950] : memref<2x80x128xf32, #tpu.memory_space<vmem>> -> memref<1x80x128xf32, #tpu.memory_space<vmem>>
        %get3A_952 = tpu.memref_squeeze %get3A_951 : memref<1x80x128xf32, #tpu.memory_space<vmem>> -> memref<80x128xf32, #tpu.memory_space<vmem>>
        %get3A_953 = arith.index_cast %add3A_911 : i32 to index
        %get3A_954 = arith.constant 32 : index
        %get3A_955 = tpu.vector_load %get3A_952[%get3A_953, %get3A_954] {strides = array<i32>} : memref<80x128xf32, #tpu.memory_space<vmem>>, vector<16xf32>,
        %mul3A_956 = arith.mulf %get3A_948, %get3A_955 : vector<16xf32>
        %get3A_957 = arith.constant 0 : i32
        %get3A_958 = arith.constant 0 : i32
        %get3A_959 = tpu.memref_slice %arg10[%and3A_107, %get3A_957, %get3A_958] : memref<2x80x128xf32, #tpu.memory_space<vmem>> -> memref<1x80x128xf32, #tpu.memory_space<vmem>>
        %get3A_960 = tpu.memref_squeeze %get3A_959 : memref<1x80x128xf32, #tpu.memory_space<vmem>> -> memref<80x128xf32, #tpu.memory_space<vmem>>
        %get3A_961 = arith.index_cast %add3A_911 : i32 to index
        %get3A_962 = arith.constant 48 : index
        %get3A_963 = tpu.vector_load %get3A_960[%get3A_961, %get3A_962] {strides = array<i32>} : memref<80x128xf32, #tpu.memory_space<vmem>>, vector<16xf32>,
        %get3A_964 = arith.constant 0 : i32
        %get3A_965 = arith.constant 0 : i32
        %get3A_966 = tpu.memref_slice %arg11[%and3A_107, %get3A_964, %get3A_965] : memref<2x80x128xf32, #tpu.memory_space<vmem>> -> memref<1x80x128xf32, #tpu.memory_space<vmem>>
        %get3A_967 = tpu.memref_squeeze %get3A_966 : memref<1x80x128xf32, #tpu.memory_space<vmem>> -> memref<80x128xf32, #tpu.memory_space<vmem>>
        %get3A_968 = arith.index_cast %add3A_911 : i32 to index
        %get3A_969 = arith.constant 48 : index
        %get3A_970 = tpu.vector_load %get3A_967[%get3A_968, %get3A_969] {strides = array<i32>} : memref<80x128xf32, #tpu.memory_space<vmem>>, vector<16xf32>,
        %mul3A_971 = arith.mulf %get3A_963, %get3A_970 : vector<16xf32>
        %get3A_972 = arith.constant 0 : i32
        %get3A_973 = arith.constant 0 : i32
        %get3A_974 = tpu.memref_slice %arg10[%and3A_107, %get3A_972, %get3A_973] : memref<2x80x128xf32, #tpu.memory_space<vmem>> -> memref<1x80x128xf32, #tpu.memory_space<vmem>>
        %get3A_975 = tpu.memref_squeeze %get3A_974 : memref<1x80x128xf32, #tpu.memory_space<vmem>> -> memref<80x128xf32, #tpu.memory_space<vmem>>
        %get3A_976 = arith.index_cast %add3A_911 : i32 to index
        %get3A_977 = arith.constant 64 : index
        %get3A_978 = tpu.vector_load %get3A_975[%get3A_976, %get3A_977] {strides = array<i32>} : memref<80x128xf32, #tpu.memory_space<vmem>>, vector<16xf32>,
        %get3A_979 = arith.constant 0 : i32
        %get3A_980 = arith.constant 0 : i32
        %get3A_981 = tpu.memref_slice %arg11[%and3A_107, %get3A_979, %get3A_980] : memref<2x80x128xf32, #tpu.memory_space<vmem>> -> memref<1x80x128xf32, #tpu.memory_space<vmem>>
        %get3A_982 = tpu.memref_squeeze %get3A_981 : memref<1x80x128xf32, #tpu.memory_space<vmem>> -> memref<80x128xf32, #tpu.memory_space<vmem>>
        %get3A_983 = arith.index_cast %add3A_911 : i32 to index
        %get3A_984 = arith.constant 64 : index
        %get3A_985 = tpu.vector_load %get3A_982[%get3A_983, %get3A_984] {strides = array<i32>} : memref<80x128xf32, #tpu.memory_space<vmem>>, vector<16xf32>,
        %mul3A_986 = arith.mulf %get3A_978, %get3A_985 : vector<16xf32>
        %get3A_987 = arith.constant 0 : i32
        %get3A_988 = arith.constant 0 : i32
        %get3A_989 = tpu.memref_slice %arg10[%and3A_107, %get3A_987, %get3A_988] : memref<2x80x128xf32, #tpu.memory_space<vmem>> -> memref<1x80x128xf32, #tpu.memory_space<vmem>>
        %get3A_990 = tpu.memref_squeeze %get3A_989 : memref<1x80x128xf32, #tpu.memory_space<vmem>> -> memref<80x128xf32, #tpu.memory_space<vmem>>
        %get3A_991 = arith.index_cast %add3A_911 : i32 to index
        %get3A_992 = arith.constant 80 : index
        %get3A_993 = tpu.vector_load %get3A_990[%get3A_991, %get3A_992] {strides = array<i32>} : memref<80x128xf32, #tpu.memory_space<vmem>>, vector<16xf32>,
        %get3A_994 = arith.constant 0 : i32
        %get3A_995 = arith.constant 0 : i32
        %get3A_996 = tpu.memref_slice %arg11[%and3A_107, %get3A_994, %get3A_995] : memref<2x80x128xf32, #tpu.memory_space<vmem>> -> memref<1x80x128xf32, #tpu.memory_space<vmem>>
        %get3A_997 = tpu.memref_squeeze %get3A_996 : memref<1x80x128xf32, #tpu.memory_space<vmem>> -> memref<80x128xf32, #tpu.memory_space<vmem>>
        %get3A_998 = arith.index_cast %add3A_911 : i32 to index
        %get3A_999 = arith.constant 80 : index
        %get3A_1000 = tpu.vector_load %get3A_997[%get3A_998, %get3A_999] {strides = array<i32>} : memref<80x128xf32, #tpu.memory_space<vmem>>, vector<16xf32>,
        %mul3A_1001 = arith.mulf %get3A_993, %get3A_1000 : vector<16xf32>
        %get3A_1002 = arith.constant 0 : i32
        %get3A_1003 = arith.constant 0 : i32
        %get3A_1004 = tpu.memref_slice %arg10[%and3A_107, %get3A_1002, %get3A_1003] : memref<2x80x128xf32, #tpu.memory_space<vmem>> -> memref<1x80x128xf32, #tpu.memory_space<vmem>>
        %get3A_1005 = tpu.memref_squeeze %get3A_1004 : memref<1x80x128xf32, #tpu.memory_space<vmem>> -> memref<80x128xf32, #tpu.memory_space<vmem>>
        %get3A_1006 = arith.index_cast %add3A_911 : i32 to index
        %get3A_1007 = arith.constant 96 : index
        %get3A_1008 = tpu.vector_load %get3A_1005[%get3A_1006, %get3A_1007] {strides = array<i32>} : memref<80x128xf32, #tpu.memory_space<vmem>>, vector<16xf32>,
        %get3A_1009 = arith.constant 0 : i32
        %get3A_1010 = arith.constant 0 : i32
        %get3A_1011 = tpu.memref_slice %arg11[%and3A_107, %get3A_1009, %get3A_1010] : memref<2x80x128xf32, #tpu.memory_space<vmem>> -> memref<1x80x128xf32, #tpu.memory_space<vmem>>
        %get3A_1012 = tpu.memref_squeeze %get3A_1011 : memref<1x80x128xf32, #tpu.memory_space<vmem>> -> memref<80x128xf32, #tpu.memory_space<vmem>>
        %get3A_1013 = arith.index_cast %add3A_911 : i32 to index
        %get3A_1014 = arith.constant 96 : index
        %get3A_1015 = tpu.vector_load %get3A_1012[%get3A_1013, %get3A_1014] {strides = array<i32>} : memref<80x128xf32, #tpu.memory_space<vmem>>, vector<16xf32>,
        %mul3A_1016 = arith.mulf %get3A_1008, %get3A_1015 : vector<16xf32>
        %get3A_1017 = arith.constant 0 : i32
        %get3A_1018 = arith.constant 0 : i32
        %get3A_1019 = tpu.memref_slice %arg10[%and3A_107, %get3A_1017, %get3A_1018] : memref<2x80x128xf32, #tpu.memory_space<vmem>> -> memref<1x80x128xf32, #tpu.memory_space<vmem>>
        %get3A_1020 = tpu.memref_squeeze %get3A_1019 : memref<1x80x128xf32, #tpu.memory_space<vmem>> -> memref<80x128xf32, #tpu.memory_space<vmem>>
        %get3A_1021 = arith.index_cast %add3A_911 : i32 to index
        %get3A_1022 = arith.constant 112 : index
        %get3A_1023 = tpu.vector_load %get3A_1020[%get3A_1021, %get3A_1022] {strides = array<i32>} : memref<80x128xf32, #tpu.memory_space<vmem>>, vector<16xf32>,
        %get3A_1024 = arith.constant 0 : i32
        %get3A_1025 = arith.constant 0 : i32
        %get3A_1026 = tpu.memref_slice %arg11[%and3A_107, %get3A_1024, %get3A_1025] : memref<2x80x128xf32, #tpu.memory_space<vmem>> -> memref<1x80x128xf32, #tpu.memory_space<vmem>>
        %get3A_1027 = tpu.memref_squeeze %get3A_1026 : memref<1x80x128xf32, #tpu.memory_space<vmem>> -> memref<80x128xf32, #tpu.memory_space<vmem>>
        %get3A_1028 = arith.index_cast %add3A_911 : i32 to index
        %get3A_1029 = arith.constant 112 : index
        %get3A_1030 = tpu.vector_load %get3A_1027[%get3A_1028, %get3A_1029] {strides = array<i32>} : memref<80x128xf32, #tpu.memory_space<vmem>>, vector<16xf32>,
        %mul3A_1031 = arith.mulf %get3A_1023, %get3A_1030 : vector<16xf32>
        %add3A_1032 = arith.addf %mul3A_926, %mul3A_941 : vector<16xf32>
        %add3A_1033 = arith.addf %mul3A_956, %mul3A_971 : vector<16xf32>
        %add3A_1034 = arith.addf %mul3A_986, %mul3A_1001 : vector<16xf32>
        %add3A_1035 = arith.addf %mul3A_1016, %mul3A_1031 : vector<16xf32>
        %add3A_1036 = arith.addf %add3A_1032, %add3A_1033 : vector<16xf32>
        %add3A_1037 = arith.addf %add3A_1034, %add3A_1035 : vector<16xf32>
        %add3A_1038 = arith.addf %add3A_1036, %add3A_1037 : vector<16xf32>
        %swap3A_1039 = arith.index_cast %add3A_911 : i32 to index
        %swap3A_1040 = arith.constant 0 : index
        %swap3A_1041 = tpu.vector_load %arg12[%swap3A_1039, %swap3A_1040] {strides = array<i32>} : memref<80x17xf32, #tpu.memory_space<vmem>>, vector<16xf32>,
        tpu.vector_store %arg12[%swap3A_1039, %swap3A_1040], %add3A_1038 {strides = array<i32>} : memref<80x17xf32, #tpu.memory_space<vmem>>, vector<16xf32>,
        %add3A_1042 = arith.constant 7 : i32
        %add3A_1043 = arith.addi %mul3A_119, %add3A_1042 : i32
        %get3A_1044 = arith.constant 0 : i32
        %get3A_1045 = arith.constant 0 : i32
        %get3A_1046 = tpu.memref_slice %arg10[%and3A_107, %get3A_1044, %get3A_1045] : memref<2x80x128xf32, #tpu.memory_space<vmem>> -> memref<1x80x128xf32, #tpu.memory_space<vmem>>
        %get3A_1047 = tpu.memref_squeeze %get3A_1046 : memref<1x80x128xf32, #tpu.memory_space<vmem>> -> memref<80x128xf32, #tpu.memory_space<vmem>>
        %get3A_1048 = arith.index_cast %add3A_1043 : i32 to index
        %get3A_1049 = arith.constant 0 : index
        %get3A_1050 = tpu.vector_load %get3A_1047[%get3A_1048, %get3A_1049] {strides = array<i32>} : memref<80x128xf32, #tpu.memory_space<vmem>>, vector<16xf32>,
        %get3A_1051 = arith.constant 0 : i32
        %get3A_1052 = arith.constant 0 : i32
        %get3A_1053 = tpu.memref_slice %arg11[%and3A_107, %get3A_1051, %get3A_1052] : memref<2x80x128xf32, #tpu.memory_space<vmem>> -> memref<1x80x128xf32, #tpu.memory_space<vmem>>
        %get3A_1054 = tpu.memref_squeeze %get3A_1053 : memref<1x80x128xf32, #tpu.memory_space<vmem>> -> memref<80x128xf32, #tpu.memory_space<vmem>>
        %get3A_1055 = arith.index_cast %add3A_1043 : i32 to index
        %get3A_1056 = arith.constant 0 : index
        %get3A_1057 = tpu.vector_load %get3A_1054[%get3A_1055, %get3A_1056] {strides = array<i32>} : memref<80x128xf32, #tpu.memory_space<vmem>>, vector<16xf32>,
        %mul3A_1058 = arith.mulf %get3A_1050, %get3A_1057 : vector<16xf32>
        %get3A_1059 = arith.constant 0 : i32
        %get3A_1060 = arith.constant 0 : i32
        %get3A_1061 = tpu.memref_slice %arg10[%and3A_107, %get3A_1059, %get3A_1060] : memref<2x80x128xf32, #tpu.memory_space<vmem>> -> memref<1x80x128xf32, #tpu.memory_space<vmem>>
        %get3A_1062 = tpu.memref_squeeze %get3A_1061 : memref<1x80x128xf32, #tpu.memory_space<vmem>> -> memref<80x128xf32, #tpu.memory_space<vmem>>
        %get3A_1063 = arith.index_cast %add3A_1043 : i32 to index
        %get3A_1064 = arith.constant 16 : index
        %get3A_1065 = tpu.vector_load %get3A_1062[%get3A_1063, %get3A_1064] {strides = array<i32>} : memref<80x128xf32, #tpu.memory_space<vmem>>, vector<16xf32>,
        %get3A_1066 = arith.constant 0 : i32
        %get3A_1067 = arith.constant 0 : i32
        %get3A_1068 = tpu.memref_slice %arg11[%and3A_107, %get3A_1066, %get3A_1067] : memref<2x80x128xf32, #tpu.memory_space<vmem>> -> memref<1x80x128xf32, #tpu.memory_space<vmem>>
        %get3A_1069 = tpu.memref_squeeze %get3A_1068 : memref<1x80x128xf32, #tpu.memory_space<vmem>> -> memref<80x128xf32, #tpu.memory_space<vmem>>
        %get3A_1070 = arith.index_cast %add3A_1043 : i32 to index
        %get3A_1071 = arith.constant 16 : index
        %get3A_1072 = tpu.vector_load %get3A_1069[%get3A_1070, %get3A_1071] {strides = array<i32>} : memref<80x128xf32, #tpu.memory_space<vmem>>, vector<16xf32>,
        %mul3A_1073 = arith.mulf %get3A_1065, %get3A_1072 : vector<16xf32>
        %get3A_1074 = arith.constant 0 : i32
        %get3A_1075 = arith.constant 0 : i32
        %get3A_1076 = tpu.memref_slice %arg10[%and3A_107, %get3A_1074, %get3A_1075] : memref<2x80x128xf32, #tpu.memory_space<vmem>> -> memref<1x80x128xf32, #tpu.memory_space<vmem>>
        %get3A_1077 = tpu.memref_squeeze %get3A_1076 : memref<1x80x128xf32, #tpu.memory_space<vmem>> -> memref<80x128xf32, #tpu.memory_space<vmem>>
        %get3A_1078 = arith.index_cast %add3A_1043 : i32 to index
        %get3A_1079 = arith.constant 32 : index
        %get3A_1080 = tpu.vector_load %get3A_1077[%get3A_1078, %get3A_1079] {strides = array<i32>} : memref<80x128xf32, #tpu.memory_space<vmem>>, vector<16xf32>,
        %get3A_1081 = arith.constant 0 : i32
        %get3A_1082 = arith.constant 0 : i32
        %get3A_1083 = tpu.memref_slice %arg11[%and3A_107, %get3A_1081, %get3A_1082] : memref<2x80x128xf32, #tpu.memory_space<vmem>> -> memref<1x80x128xf32, #tpu.memory_space<vmem>>
        %get3A_1084 = tpu.memref_squeeze %get3A_1083 : memref<1x80x128xf32, #tpu.memory_space<vmem>> -> memref<80x128xf32, #tpu.memory_space<vmem>>
        %get3A_1085 = arith.index_cast %add3A_1043 : i32 to index
        %get3A_1086 = arith.constant 32 : index
        %get3A_1087 = tpu.vector_load %get3A_1084[%get3A_1085, %get3A_1086] {strides = array<i32>} : memref<80x128xf32, #tpu.memory_space<vmem>>, vector<16xf32>,
        %mul3A_1088 = arith.mulf %get3A_1080, %get3A_1087 : vector<16xf32>
        %get3A_1089 = arith.constant 0 : i32
        %get3A_1090 = arith.constant 0 : i32
        %get3A_1091 = tpu.memref_slice %arg10[%and3A_107, %get3A_1089, %get3A_1090] : memref<2x80x128xf32, #tpu.memory_space<vmem>> -> memref<1x80x128xf32, #tpu.memory_space<vmem>>
        %get3A_1092 = tpu.memref_squeeze %get3A_1091 : memref<1x80x128xf32, #tpu.memory_space<vmem>> -> memref<80x128xf32, #tpu.memory_space<vmem>>
        %get3A_1093 = arith.index_cast %add3A_1043 : i32 to index
        %get3A_1094 = arith.constant 48 : index
        %get3A_1095 = tpu.vector_load %get3A_1092[%get3A_1093, %get3A_1094] {strides = array<i32>} : memref<80x128xf32, #tpu.memory_space<vmem>>, vector<16xf32>,
        %get3A_1096 = arith.constant 0 : i32
        %get3A_1097 = arith.constant 0 : i32
        %get3A_1098 = tpu.memref_slice %arg11[%and3A_107, %get3A_1096, %get3A_1097] : memref<2x80x128xf32, #tpu.memory_space<vmem>> -> memref<1x80x128xf32, #tpu.memory_space<vmem>>
        %get3A_1099 = tpu.memref_squeeze %get3A_1098 : memref<1x80x128xf32, #tpu.memory_space<vmem>> -> memref<80x128xf32, #tpu.memory_space<vmem>>
        %get3A_1100 = arith.index_cast %add3A_1043 : i32 to index
        %get3A_1101 = arith.constant 48 : index
        %get3A_1102 = tpu.vector_load %get3A_1099[%get3A_1100, %get3A_1101] {strides = array<i32>} : memref<80x128xf32, #tpu.memory_space<vmem>>, vector<16xf32>,
        %mul3A_1103 = arith.mulf %get3A_1095, %get3A_1102 : vector<16xf32>
        %get3A_1104 = arith.constant 0 : i32
        %get3A_1105 = arith.constant 0 : i32
        %get3A_1106 = tpu.memref_slice %arg10[%and3A_107, %get3A_1104, %get3A_1105] : memref<2x80x128xf32, #tpu.memory_space<vmem>> -> memref<1x80x128xf32, #tpu.memory_space<vmem>>
        %get3A_1107 = tpu.memref_squeeze %get3A_1106 : memref<1x80x128xf32, #tpu.memory_space<vmem>> -> memref<80x128xf32, #tpu.memory_space<vmem>>
        %get3A_1108 = arith.index_cast %add3A_1043 : i32 to index
        %get3A_1109 = arith.constant 64 : index
        %get3A_1110 = tpu.vector_load %get3A_1107[%get3A_1108, %get3A_1109] {strides = array<i32>} : memref<80x128xf32, #tpu.memory_space<vmem>>, vector<16xf32>,
        %get3A_1111 = arith.constant 0 : i32
        %get3A_1112 = arith.constant 0 : i32
        %get3A_1113 = tpu.memref_slice %arg11[%and3A_107, %get3A_1111, %get3A_1112] : memref<2x80x128xf32, #tpu.memory_space<vmem>> -> memref<1x80x128xf32, #tpu.memory_space<vmem>>
        %get3A_1114 = tpu.memref_squeeze %get3A_1113 : memref<1x80x128xf32, #tpu.memory_space<vmem>> -> memref<80x128xf32, #tpu.memory_space<vmem>>
        %get3A_1115 = arith.index_cast %add3A_1043 : i32 to index
        %get3A_1116 = arith.constant 64 : index
        %get3A_1117 = tpu.vector_load %get3A_1114[%get3A_1115, %get3A_1116] {strides = array<i32>} : memref<80x128xf32, #tpu.memory_space<vmem>>, vector<16xf32>,
        %mul3A_1118 = arith.mulf %get3A_1110, %get3A_1117 : vector<16xf32>
        %get3A_1119 = arith.constant 0 : i32
        %get3A_1120 = arith.constant 0 : i32
        %get3A_1121 = tpu.memref_slice %arg10[%and3A_107, %get3A_1119, %get3A_1120] : memref<2x80x128xf32, #tpu.memory_space<vmem>> -> memref<1x80x128xf32, #tpu.memory_space<vmem>>
        %get3A_1122 = tpu.memref_squeeze %get3A_1121 : memref<1x80x128xf32, #tpu.memory_space<vmem>> -> memref<80x128xf32, #tpu.memory_space<vmem>>
        %get3A_1123 = arith.index_cast %add3A_1043 : i32 to index
        %get3A_1124 = arith.constant 80 : index
        %get3A_1125 = tpu.vector_load %get3A_1122[%get3A_1123, %get3A_1124] {strides = array<i32>} : memref<80x128xf32, #tpu.memory_space<vmem>>, vector<16xf32>,
        %get3A_1126 = arith.constant 0 : i32
        %get3A_1127 = arith.constant 0 : i32
        %get3A_1128 = tpu.memref_slice %arg11[%and3A_107, %get3A_1126, %get3A_1127] : memref<2x80x128xf32, #tpu.memory_space<vmem>> -> memref<1x80x128xf32, #tpu.memory_space<vmem>>
        %get3A_1129 = tpu.memref_squeeze %get3A_1128 : memref<1x80x128xf32, #tpu.memory_space<vmem>> -> memref<80x128xf32, #tpu.memory_space<vmem>>
        %get3A_1130 = arith.index_cast %add3A_1043 : i32 to index
        %get3A_1131 = arith.constant 80 : index
        %get3A_1132 = tpu.vector_load %get3A_1129[%get3A_1130, %get3A_1131] {strides = array<i32>} : memref<80x128xf32, #tpu.memory_space<vmem>>, vector<16xf32>,
        %mul3A_1133 = arith.mulf %get3A_1125, %get3A_1132 : vector<16xf32>
        %get3A_1134 = arith.constant 0 : i32
        %get3A_1135 = arith.constant 0 : i32
        %get3A_1136 = tpu.memref_slice %arg10[%and3A_107, %get3A_1134, %get3A_1135] : memref<2x80x128xf32, #tpu.memory_space<vmem>> -> memref<1x80x128xf32, #tpu.memory_space<vmem>>
        %get3A_1137 = tpu.memref_squeeze %get3A_1136 : memref<1x80x128xf32, #tpu.memory_space<vmem>> -> memref<80x128xf32, #tpu.memory_space<vmem>>
        %get3A_1138 = arith.index_cast %add3A_1043 : i32 to index
        %get3A_1139 = arith.constant 96 : index
        %get3A_1140 = tpu.vector_load %get3A_1137[%get3A_1138, %get3A_1139] {strides = array<i32>} : memref<80x128xf32, #tpu.memory_space<vmem>>, vector<16xf32>,
        %get3A_1141 = arith.constant 0 : i32
        %get3A_1142 = arith.constant 0 : i32
        %get3A_1143 = tpu.memref_slice %arg11[%and3A_107, %get3A_1141, %get3A_1142] : memref<2x80x128xf32, #tpu.memory_space<vmem>> -> memref<1x80x128xf32, #tpu.memory_space<vmem>>
        %get3A_1144 = tpu.memref_squeeze %get3A_1143 : memref<1x80x128xf32, #tpu.memory_space<vmem>> -> memref<80x128xf32, #tpu.memory_space<vmem>>
        %get3A_1145 = arith.index_cast %add3A_1043 : i32 to index
        %get3A_1146 = arith.constant 96 : index
        %get3A_1147 = tpu.vector_load %get3A_1144[%get3A_1145, %get3A_1146] {strides = array<i32>} : memref<80x128xf32, #tpu.memory_space<vmem>>, vector<16xf32>,
        %mul3A_1148 = arith.mulf %get3A_1140, %get3A_1147 : vector<16xf32>
        %get3A_1149 = arith.constant 0 : i32
        %get3A_1150 = arith.constant 0 : i32
        %get3A_1151 = tpu.memref_slice %arg10[%and3A_107, %get3A_1149, %get3A_1150] : memref<2x80x128xf32, #tpu.memory_space<vmem>> -> memref<1x80x128xf32, #tpu.memory_space<vmem>>
        %get3A_1152 = tpu.memref_squeeze %get3A_1151 : memref<1x80x128xf32, #tpu.memory_space<vmem>> -> memref<80x128xf32, #tpu.memory_space<vmem>>
        %get3A_1153 = arith.index_cast %add3A_1043 : i32 to index
        %get3A_1154 = arith.constant 112 : index
        %get3A_1155 = tpu.vector_load %get3A_1152[%get3A_1153, %get3A_1154] {strides = array<i32>} : memref<80x128xf32, #tpu.memory_space<vmem>>, vector<16xf32>,
        %get3A_1156 = arith.constant 0 : i32
        %get3A_1157 = arith.constant 0 : i32
        %get3A_1158 = tpu.memref_slice %arg11[%and3A_107, %get3A_1156, %get3A_1157] : memref<2x80x128xf32, #tpu.memory_space<vmem>> -> memref<1x80x128xf32, #tpu.memory_space<vmem>>
        %get3A_1159 = tpu.memref_squeeze %get3A_1158 : memref<1x80x128xf32, #tpu.memory_space<vmem>> -> memref<80x128xf32, #tpu.memory_space<vmem>>
        %get3A_1160 = arith.index_cast %add3A_1043 : i32 to index
        %get3A_1161 = arith.constant 112 : index
        %get3A_1162 = tpu.vector_load %get3A_1159[%get3A_1160, %get3A_1161] {strides = array<i32>} : memref<80x128xf32, #tpu.memory_space<vmem>>, vector<16xf32>,
        %mul3A_1163 = arith.mulf %get3A_1155, %get3A_1162 : vector<16xf32>
        %add3A_1164 = arith.addf %mul3A_1058, %mul3A_1073 : vector<16xf32>
        %add3A_1165 = arith.addf %mul3A_1088, %mul3A_1103 : vector<16xf32>
        %add3A_1166 = arith.addf %mul3A_1118, %mul3A_1133 : vector<16xf32>
        %add3A_1167 = arith.addf %mul3A_1148, %mul3A_1163 : vector<16xf32>
        %add3A_1168 = arith.addf %add3A_1164, %add3A_1165 : vector<16xf32>
        %add3A_1169 = arith.addf %add3A_1166, %add3A_1167 : vector<16xf32>
        %add3A_1170 = arith.addf %add3A_1168, %add3A_1169 : vector<16xf32>
        %swap3A_1171 = arith.index_cast %add3A_1043 : i32 to index
        %swap3A_1172 = arith.constant 0 : index
        %swap3A_1173 = tpu.vector_load %arg12[%swap3A_1171, %swap3A_1172] {strides = array<i32>} : memref<80x17xf32, #tpu.memory_space<vmem>>, vector<16xf32>,
        tpu.vector_store %arg12[%swap3A_1171, %swap3A_1172], %add3A_1170 {strides = array<i32>} : memref<80x17xf32, #tpu.memory_space<vmem>>, vector<16xf32>,
        %add3A_1174 = arith.constant 8 : i32
        %add3A_1175 = arith.addi %mul3A_119, %add3A_1174 : i32
        %get3A_1176 = arith.constant 0 : i32
        %get3A_1177 = arith.constant 0 : i32
        %get3A_1178 = tpu.memref_slice %arg10[%and3A_107, %get3A_1176, %get3A_1177] : memref<2x80x128xf32, #tpu.memory_space<vmem>> -> memref<1x80x128xf32, #tpu.memory_space<vmem>>
        %get3A_1179 = tpu.memref_squeeze %get3A_1178 : memref<1x80x128xf32, #tpu.memory_space<vmem>> -> memref<80x128xf32, #tpu.memory_space<vmem>>
        %get3A_1180 = arith.index_cast %add3A_1175 : i32 to index
        %get3A_1181 = arith.constant 0 : index
        %get3A_1182 = tpu.vector_load %get3A_1179[%get3A_1180, %get3A_1181] {strides = array<i32>} : memref<80x128xf32, #tpu.memory_space<vmem>>, vector<16xf32>,
        %get3A_1183 = arith.constant 0 : i32
        %get3A_1184 = arith.constant 0 : i32
        %get3A_1185 = tpu.memref_slice %arg11[%and3A_107, %get3A_1183, %get3A_1184] : memref<2x80x128xf32, #tpu.memory_space<vmem>> -> memref<1x80x128xf32, #tpu.memory_space<vmem>>
        %get3A_1186 = tpu.memref_squeeze %get3A_1185 : memref<1x80x128xf32, #tpu.memory_space<vmem>> -> memref<80x128xf32, #tpu.memory_space<vmem>>
        %get3A_1187 = arith.index_cast %add3A_1175 : i32 to index
        %get3A_1188 = arith.constant 0 : index
        %get3A_1189 = tpu.vector_load %get3A_1186[%get3A_1187, %get3A_1188] {strides = array<i32>} : memref<80x128xf32, #tpu.memory_space<vmem>>, vector<16xf32>,
        %mul3A_1190 = arith.mulf %get3A_1182, %get3A_1189 : vector<16xf32>
        %get3A_1191 = arith.constant 0 : i32
        %get3A_1192 = arith.constant 0 : i32
        %get3A_1193 = tpu.memref_slice %arg10[%and3A_107, %get3A_1191, %get3A_1192] : memref<2x80x128xf32, #tpu.memory_space<vmem>> -> memref<1x80x128xf32, #tpu.memory_space<vmem>>
        %get3A_1194 = tpu.memref_squeeze %get3A_1193 : memref<1x80x128xf32, #tpu.memory_space<vmem>> -> memref<80x128xf32, #tpu.memory_space<vmem>>
        %get3A_1195 = arith.index_cast %add3A_1175 : i32 to index
        %get3A_1196 = arith.constant 16 : index
        %get3A_1197 = tpu.vector_load %get3A_1194[%get3A_1195, %get3A_1196] {strides = array<i32>} : memref<80x128xf32, #tpu.memory_space<vmem>>, vector<16xf32>,
        %get3A_1198 = arith.constant 0 : i32
        %get3A_1199 = arith.constant 0 : i32
        %get3A_1200 = tpu.memref_slice %arg11[%and3A_107, %get3A_1198, %get3A_1199] : memref<2x80x128xf32, #tpu.memory_space<vmem>> -> memref<1x80x128xf32, #tpu.memory_space<vmem>>
        %get3A_1201 = tpu.memref_squeeze %get3A_1200 : memref<1x80x128xf32, #tpu.memory_space<vmem>> -> memref<80x128xf32, #tpu.memory_space<vmem>>
        %get3A_1202 = arith.index_cast %add3A_1175 : i32 to index
        %get3A_1203 = arith.constant 16 : index
        %get3A_1204 = tpu.vector_load %get3A_1201[%get3A_1202, %get3A_1203] {strides = array<i32>} : memref<80x128xf32, #tpu.memory_space<vmem>>, vector<16xf32>,
        %mul3A_1205 = arith.mulf %get3A_1197, %get3A_1204 : vector<16xf32>
        %get3A_1206 = arith.constant 0 : i32
        %get3A_1207 = arith.constant 0 : i32
        %get3A_1208 = tpu.memref_slice %arg10[%and3A_107, %get3A_1206, %get3A_1207] : memref<2x80x128xf32, #tpu.memory_space<vmem>> -> memref<1x80x128xf32, #tpu.memory_space<vmem>>
        %get3A_1209 = tpu.memref_squeeze %get3A_1208 : memref<1x80x128xf32, #tpu.memory_space<vmem>> -> memref<80x128xf32, #tpu.memory_space<vmem>>
        %get3A_1210 = arith.index_cast %add3A_1175 : i32 to index
        %get3A_1211 = arith.constant 32 : index
        %get3A_1212 = tpu.vector_load %get3A_1209[%get3A_1210, %get3A_1211] {strides = array<i32>} : memref<80x128xf32, #tpu.memory_space<vmem>>, vector<16xf32>,
        %get3A_1213 = arith.constant 0 : i32
        %get3A_1214 = arith.constant 0 : i32
        %get3A_1215 = tpu.memref_slice %arg11[%and3A_107, %get3A_1213, %get3A_1214] : memref<2x80x128xf32, #tpu.memory_space<vmem>> -> memref<1x80x128xf32, #tpu.memory_space<vmem>>
        %get3A_1216 = tpu.memref_squeeze %get3A_1215 : memref<1x80x128xf32, #tpu.memory_space<vmem>> -> memref<80x128xf32, #tpu.memory_space<vmem>>
        %get3A_1217 = arith.index_cast %add3A_1175 : i32 to index
        %get3A_1218 = arith.constant 32 : index
        %get3A_1219 = tpu.vector_load %get3A_1216[%get3A_1217, %get3A_1218] {strides = array<i32>} : memref<80x128xf32, #tpu.memory_space<vmem>>, vector<16xf32>,
        %mul3A_1220 = arith.mulf %get3A_1212, %get3A_1219 : vector<16xf32>
        %get3A_1221 = arith.constant 0 : i32
        %get3A_1222 = arith.constant 0 : i32
        %get3A_1223 = tpu.memref_slice %arg10[%and3A_107, %get3A_1221, %get3A_1222] : memref<2x80x128xf32, #tpu.memory_space<vmem>> -> memref<1x80x128xf32, #tpu.memory_space<vmem>>
        %get3A_1224 = tpu.memref_squeeze %get3A_1223 : memref<1x80x128xf32, #tpu.memory_space<vmem>> -> memref<80x128xf32, #tpu.memory_space<vmem>>
        %get3A_1225 = arith.index_cast %add3A_1175 : i32 to index
        %get3A_1226 = arith.constant 48 : index
        %get3A_1227 = tpu.vector_load %get3A_1224[%get3A_1225, %get3A_1226] {strides = array<i32>} : memref<80x128xf32, #tpu.memory_space<vmem>>, vector<16xf32>,
        %get3A_1228 = arith.constant 0 : i32
        %get3A_1229 = arith.constant 0 : i32
        %get3A_1230 = tpu.memref_slice %arg11[%and3A_107, %get3A_1228, %get3A_1229] : memref<2x80x128xf32, #tpu.memory_space<vmem>> -> memref<1x80x128xf32, #tpu.memory_space<vmem>>
        %get3A_1231 = tpu.memref_squeeze %get3A_1230 : memref<1x80x128xf32, #tpu.memory_space<vmem>> -> memref<80x128xf32, #tpu.memory_space<vmem>>
        %get3A_1232 = arith.index_cast %add3A_1175 : i32 to index
        %get3A_1233 = arith.constant 48 : index
        %get3A_1234 = tpu.vector_load %get3A_1231[%get3A_1232, %get3A_1233] {strides = array<i32>} : memref<80x128xf32, #tpu.memory_space<vmem>>, vector<16xf32>,
        %mul3A_1235 = arith.mulf %get3A_1227, %get3A_1234 : vector<16xf32>
        %get3A_1236 = arith.constant 0 : i32
        %get3A_1237 = arith.constant 0 : i32
        %get3A_1238 = tpu.memref_slice %arg10[%and3A_107, %get3A_1236, %get3A_1237] : memref<2x80x128xf32, #tpu.memory_space<vmem>> -> memref<1x80x128xf32, #tpu.memory_space<vmem>>
        %get3A_1239 = tpu.memref_squeeze %get3A_1238 : memref<1x80x128xf32, #tpu.memory_space<vmem>> -> memref<80x128xf32, #tpu.memory_space<vmem>>
        %get3A_1240 = arith.index_cast %add3A_1175 : i32 to index
        %get3A_1241 = arith.constant 64 : index
        %get3A_1242 = tpu.vector_load %get3A_1239[%get3A_1240, %get3A_1241] {strides = array<i32>} : memref<80x128xf32, #tpu.memory_space<vmem>>, vector<16xf32>,
        %get3A_1243 = arith.constant 0 : i32
        %get3A_1244 = arith.constant 0 : i32
        %get3A_1245 = tpu.memref_slice %arg11[%and3A_107, %get3A_1243, %get3A_1244] : memref<2x80x128xf32, #tpu.memory_space<vmem>> -> memref<1x80x128xf32, #tpu.memory_space<vmem>>
        %get3A_1246 = tpu.memref_squeeze %get3A_1245 : memref<1x80x128xf32, #tpu.memory_space<vmem>> -> memref<80x128xf32, #tpu.memory_space<vmem>>
        %get3A_1247 = arith.index_cast %add3A_1175 : i32 to index
        %get3A_1248 = arith.constant 64 : index
        %get3A_1249 = tpu.vector_load %get3A_1246[%get3A_1247, %get3A_1248] {strides = array<i32>} : memref<80x128xf32, #tpu.memory_space<vmem>>, vector<16xf32>,
        %mul3A_1250 = arith.mulf %get3A_1242, %get3A_1249 : vector<16xf32>
        %get3A_1251 = arith.constant 0 : i32
        %get3A_1252 = arith.constant 0 : i32
        %get3A_1253 = tpu.memref_slice %arg10[%and3A_107, %get3A_1251, %get3A_1252] : memref<2x80x128xf32, #tpu.memory_space<vmem>> -> memref<1x80x128xf32, #tpu.memory_space<vmem>>
        %get3A_1254 = tpu.memref_squeeze %get3A_1253 : memref<1x80x128xf32, #tpu.memory_space<vmem>> -> memref<80x128xf32, #tpu.memory_space<vmem>>
        %get3A_1255 = arith.index_cast %add3A_1175 : i32 to index
        %get3A_1256 = arith.constant 80 : index
        %get3A_1257 = tpu.vector_load %get3A_1254[%get3A_1255, %get3A_1256] {strides = array<i32>} : memref<80x128xf32, #tpu.memory_space<vmem>>, vector<16xf32>,
        %get3A_1258 = arith.constant 0 : i32
        %get3A_1259 = arith.constant 0 : i32
        %get3A_1260 = tpu.memref_slice %arg11[%and3A_107, %get3A_1258, %get3A_1259] : memref<2x80x128xf32, #tpu.memory_space<vmem>> -> memref<1x80x128xf32, #tpu.memory_space<vmem>>
        %get3A_1261 = tpu.memref_squeeze %get3A_1260 : memref<1x80x128xf32, #tpu.memory_space<vmem>> -> memref<80x128xf32, #tpu.memory_space<vmem>>
        %get3A_1262 = arith.index_cast %add3A_1175 : i32 to index
        %get3A_1263 = arith.constant 80 : index
        %get3A_1264 = tpu.vector_load %get3A_1261[%get3A_1262, %get3A_1263] {strides = array<i32>} : memref<80x128xf32, #tpu.memory_space<vmem>>, vector<16xf32>,
        %mul3A_1265 = arith.mulf %get3A_1257, %get3A_1264 : vector<16xf32>
        %get3A_1266 = arith.constant 0 : i32
        %get3A_1267 = arith.constant 0 : i32
        %get3A_1268 = tpu.memref_slice %arg10[%and3A_107, %get3A_1266, %get3A_1267] : memref<2x80x128xf32, #tpu.memory_space<vmem>> -> memref<1x80x128xf32, #tpu.memory_space<vmem>>
        %get3A_1269 = tpu.memref_squeeze %get3A_1268 : memref<1x80x128xf32, #tpu.memory_space<vmem>> -> memref<80x128xf32, #tpu.memory_space<vmem>>
        %get3A_1270 = arith.index_cast %add3A_1175 : i32 to index
        %get3A_1271 = arith.constant 96 : index
        %get3A_1272 = tpu.vector_load %get3A_1269[%get3A_1270, %get3A_1271] {strides = array<i32>} : memref<80x128xf32, #tpu.memory_space<vmem>>, vector<16xf32>,
        %get3A_1273 = arith.constant 0 : i32
        %get3A_1274 = arith.constant 0 : i32
        %get3A_1275 = tpu.memref_slice %arg11[%and3A_107, %get3A_1273, %get3A_1274] : memref<2x80x128xf32, #tpu.memory_space<vmem>> -> memref<1x80x128xf32, #tpu.memory_space<vmem>>
        %get3A_1276 = tpu.memref_squeeze %get3A_1275 : memref<1x80x128xf32, #tpu.memory_space<vmem>> -> memref<80x128xf32, #tpu.memory_space<vmem>>
        %get3A_1277 = arith.index_cast %add3A_1175 : i32 to index
        %get3A_1278 = arith.constant 96 : index
        %get3A_1279 = tpu.vector_load %get3A_1276[%get3A_1277, %get3A_1278] {strides = array<i32>} : memref<80x128xf32, #tpu.memory_space<vmem>>, vector<16xf32>,
        %mul3A_1280 = arith.mulf %get3A_1272, %get3A_1279 : vector<16xf32>
        %get3A_1281 = arith.constant 0 : i32
        %get3A_1282 = arith.constant 0 : i32
        %get3A_1283 = tpu.memref_slice %arg10[%and3A_107, %get3A_1281, %get3A_1282] : memref<2x80x128xf32, #tpu.memory_space<vmem>> -> memref<1x80x128xf32, #tpu.memory_space<vmem>>
        %get3A_1284 = tpu.memref_squeeze %get3A_1283 : memref<1x80x128xf32, #tpu.memory_space<vmem>> -> memref<80x128xf32, #tpu.memory_space<vmem>>
        %get3A_1285 = arith.index_cast %add3A_1175 : i32 to index
        %get3A_1286 = arith.constant 112 : index
        %get3A_1287 = tpu.vector_load %get3A_1284[%get3A_1285, %get3A_1286] {strides = array<i32>} : memref<80x128xf32, #tpu.memory_space<vmem>>, vector<16xf32>,
        %get3A_1288 = arith.constant 0 : i32
        %get3A_1289 = arith.constant 0 : i32
        %get3A_1290 = tpu.memref_slice %arg11[%and3A_107, %get3A_1288, %get3A_1289] : memref<2x80x128xf32, #tpu.memory_space<vmem>> -> memref<1x80x128xf32, #tpu.memory_space<vmem>>
        %get3A_1291 = tpu.memref_squeeze %get3A_1290 : memref<1x80x128xf32, #tpu.memory_space<vmem>> -> memref<80x128xf32, #tpu.memory_space<vmem>>
        %get3A_1292 = arith.index_cast %add3A_1175 : i32 to index
        %get3A_1293 = arith.constant 112 : index
        %get3A_1294 = tpu.vector_load %get3A_1291[%get3A_1292, %get3A_1293] {strides = array<i32>} : memref<80x128xf32, #tpu.memory_space<vmem>>, vector<16xf32>,
        %mul3A_1295 = arith.mulf %get3A_1287, %get3A_1294 : vector<16xf32>
        %add3A_1296 = arith.addf %mul3A_1190, %mul3A_1205 : vector<16xf32>
        %add3A_1297 = arith.addf %mul3A_1220, %mul3A_1235 : vector<16xf32>
        %add3A_1298 = arith.addf %mul3A_1250, %mul3A_1265 : vector<16xf32>
        %add3A_1299 = arith.addf %mul3A_1280, %mul3A_1295 : vector<16xf32>
        %add3A_1300 = arith.addf %add3A_1296, %add3A_1297 : vector<16xf32>
        %add3A_1301 = arith.addf %add3A_1298, %add3A_1299 : vector<16xf32>
        %add3A_1302 = arith.addf %add3A_1300, %add3A_1301 : vector<16xf32>
        %swap3A_1303 = arith.index_cast %add3A_1175 : i32 to index
        %swap3A_1304 = arith.constant 0 : index
        %swap3A_1305 = tpu.vector_load %arg12[%swap3A_1303, %swap3A_1304] {strides = array<i32>} : memref<80x17xf32, #tpu.memory_space<vmem>>, vector<16xf32>,
        tpu.vector_store %arg12[%swap3A_1303, %swap3A_1304], %add3A_1302 {strides = array<i32>} : memref<80x17xf32, #tpu.memory_space<vmem>>, vector<16xf32>,
        %add3A_1306 = arith.constant 9 : i32
        %add3A_1307 = arith.addi %mul3A_119, %add3A_1306 : i32
        %get3A_1308 = arith.constant 0 : i32
        %get3A_1309 = arith.constant 0 : i32
        %get3A_1310 = tpu.memref_slice %arg10[%and3A_107, %get3A_1308, %get3A_1309] : memref<2x80x128xf32, #tpu.memory_space<vmem>> -> memref<1x80x128xf32, #tpu.memory_space<vmem>>
        %get3A_1311 = tpu.memref_squeeze %get3A_1310 : memref<1x80x128xf32, #tpu.memory_space<vmem>> -> memref<80x128xf32, #tpu.memory_space<vmem>>
        %get3A_1312 = arith.index_cast %add3A_1307 : i32 to index
        %get3A_1313 = arith.constant 0 : index
        %get3A_1314 = tpu.vector_load %get3A_1311[%get3A_1312, %get3A_1313] {strides = array<i32>} : memref<80x128xf32, #tpu.memory_space<vmem>>, vector<16xf32>,
        %get3A_1315 = arith.constant 0 : i32
        %get3A_1316 = arith.constant 0 : i32
        %get3A_1317 = tpu.memref_slice %arg11[%and3A_107, %get3A_1315, %get3A_1316] : memref<2x80x128xf32, #tpu.memory_space<vmem>> -> memref<1x80x128xf32, #tpu.memory_space<vmem>>
        %get3A_1318 = tpu.memref_squeeze %get3A_1317 : memref<1x80x128xf32, #tpu.memory_space<vmem>> -> memref<80x128xf32, #tpu.memory_space<vmem>>
        %get3A_1319 = arith.index_cast %add3A_1307 : i32 to index
        %get3A_1320 = arith.constant 0 : index
        %get3A_1321 = tpu.vector_load %get3A_1318[%get3A_1319, %get3A_1320] {strides = array<i32>} : memref<80x128xf32, #tpu.memory_space<vmem>>, vector<16xf32>,
        %mul3A_1322 = arith.mulf %get3A_1314, %get3A_1321 : vector<16xf32>
        %get3A_1323 = arith.constant 0 : i32
        %get3A_1324 = arith.constant 0 : i32
        %get3A_1325 = tpu.memref_slice %arg10[%and3A_107, %get3A_1323, %get3A_1324] : memref<2x80x128xf32, #tpu.memory_space<vmem>> -> memref<1x80x128xf32, #tpu.memory_space<vmem>>
        %get3A_1326 = tpu.memref_squeeze %get3A_1325 : memref<1x80x128xf32, #tpu.memory_space<vmem>> -> memref<80x128xf32, #tpu.memory_space<vmem>>
        %get3A_1327 = arith.index_cast %add3A_1307 : i32 to index
        %get3A_1328 = arith.constant 16 : index
        %get3A_1329 = tpu.vector_load %get3A_1326[%get3A_1327, %get3A_1328] {strides = array<i32>} : memref<80x128xf32, #tpu.memory_space<vmem>>, vector<16xf32>,
        %get3A_1330 = arith.constant 0 : i32
        %get3A_1331 = arith.constant 0 : i32
        %get3A_1332 = tpu.memref_slice %arg11[%and3A_107, %get3A_1330, %get3A_1331] : memref<2x80x128xf32, #tpu.memory_space<vmem>> -> memref<1x80x128xf32, #tpu.memory_space<vmem>>
        %get3A_1333 = tpu.memref_squeeze %get3A_1332 : memref<1x80x128xf32, #tpu.memory_space<vmem>> -> memref<80x128xf32, #tpu.memory_space<vmem>>
        %get3A_1334 = arith.index_cast %add3A_1307 : i32 to index
        %get3A_1335 = arith.constant 16 : index
        %get3A_1336 = tpu.vector_load %get3A_1333[%get3A_1334, %get3A_1335] {strides = array<i32>} : memref<80x128xf32, #tpu.memory_space<vmem>>, vector<16xf32>,
        %mul3A_1337 = arith.mulf %get3A_1329, %get3A_1336 : vector<16xf32>
        %get3A_1338 = arith.constant 0 : i32
        %get3A_1339 = arith.constant 0 : i32
        %get3A_1340 = tpu.memref_slice %arg10[%and3A_107, %get3A_1338, %get3A_1339] : memref<2x80x128xf32, #tpu.memory_space<vmem>> -> memref<1x80x128xf32, #tpu.memory_space<vmem>>
        %get3A_1341 = tpu.memref_squeeze %get3A_1340 : memref<1x80x128xf32, #tpu.memory_space<vmem>> -> memref<80x128xf32, #tpu.memory_space<vmem>>
        %get3A_1342 = arith.index_cast %add3A_1307 : i32 to index
        %get3A_1343 = arith.constant 32 : index
        %get3A_1344 = tpu.vector_load %get3A_1341[%get3A_1342, %get3A_1343] {strides = array<i32>} : memref<80x128xf32, #tpu.memory_space<vmem>>, vector<16xf32>,
        %get3A_1345 = arith.constant 0 : i32
        %get3A_1346 = arith.constant 0 : i32
        %get3A_1347 = tpu.memref_slice %arg11[%and3A_107, %get3A_1345, %get3A_1346] : memref<2x80x128xf32, #tpu.memory_space<vmem>> -> memref<1x80x128xf32, #tpu.memory_space<vmem>>
        %get3A_1348 = tpu.memref_squeeze %get3A_1347 : memref<1x80x128xf32, #tpu.memory_space<vmem>> -> memref<80x128xf32, #tpu.memory_space<vmem>>
        %get3A_1349 = arith.index_cast %add3A_1307 : i32 to index
        %get3A_1350 = arith.constant 32 : index
        %get3A_1351 = tpu.vector_load %get3A_1348[%get3A_1349, %get3A_1350] {strides = array<i32>} : memref<80x128xf32, #tpu.memory_space<vmem>>, vector<16xf32>,
        %mul3A_1352 = arith.mulf %get3A_1344, %get3A_1351 : vector<16xf32>
        %get3A_1353 = arith.constant 0 : i32
        %get3A_1354 = arith.constant 0 : i32
        %get3A_1355 = tpu.memref_slice %arg10[%and3A_107, %get3A_1353, %get3A_1354] : memref<2x80x128xf32, #tpu.memory_space<vmem>> -> memref<1x80x128xf32, #tpu.memory_space<vmem>>
        %get3A_1356 = tpu.memref_squeeze %get3A_1355 : memref<1x80x128xf32, #tpu.memory_space<vmem>> -> memref<80x128xf32, #tpu.memory_space<vmem>>
        %get3A_1357 = arith.index_cast %add3A_1307 : i32 to index
        %get3A_1358 = arith.constant 48 : index
        %get3A_1359 = tpu.vector_load %get3A_1356[%get3A_1357, %get3A_1358] {strides = array<i32>} : memref<80x128xf32, #tpu.memory_space<vmem>>, vector<16xf32>,
        %get3A_1360 = arith.constant 0 : i32
        %get3A_1361 = arith.constant 0 : i32
        %get3A_1362 = tpu.memref_slice %arg11[%and3A_107, %get3A_1360, %get3A_1361] : memref<2x80x128xf32, #tpu.memory_space<vmem>> -> memref<1x80x128xf32, #tpu.memory_space<vmem>>
        %get3A_1363 = tpu.memref_squeeze %get3A_1362 : memref<1x80x128xf32, #tpu.memory_space<vmem>> -> memref<80x128xf32, #tpu.memory_space<vmem>>
        %get3A_1364 = arith.index_cast %add3A_1307 : i32 to index
        %get3A_1365 = arith.constant 48 : index
        %get3A_1366 = tpu.vector_load %get3A_1363[%get3A_1364, %get3A_1365] {strides = array<i32>} : memref<80x128xf32, #tpu.memory_space<vmem>>, vector<16xf32>,
        %mul3A_1367 = arith.mulf %get3A_1359, %get3A_1366 : vector<16xf32>
        %get3A_1368 = arith.constant 0 : i32
        %get3A_1369 = arith.constant 0 : i32
        %get3A_1370 = tpu.memref_slice %arg10[%and3A_107, %get3A_1368, %get3A_1369] : memref<2x80x128xf32, #tpu.memory_space<vmem>> -> memref<1x80x128xf32, #tpu.memory_space<vmem>>
        %get3A_1371 = tpu.memref_squeeze %get3A_1370 : memref<1x80x128xf32, #tpu.memory_space<vmem>> -> memref<80x128xf32, #tpu.memory_space<vmem>>
        %get3A_1372 = arith.index_cast %add3A_1307 : i32 to index
        %get3A_1373 = arith.constant 64 : index
        %get3A_1374 = tpu.vector_load %get3A_1371[%get3A_1372, %get3A_1373] {strides = array<i32>} : memref<80x128xf32, #tpu.memory_space<vmem>>, vector<16xf32>,
        %get3A_1375 = arith.constant 0 : i32
        %get3A_1376 = arith.constant 0 : i32
        %get3A_1377 = tpu.memref_slice %arg11[%and3A_107, %get3A_1375, %get3A_1376] : memref<2x80x128xf32, #tpu.memory_space<vmem>> -> memref<1x80x128xf32, #tpu.memory_space<vmem>>
        %get3A_1378 = tpu.memref_squeeze %get3A_1377 : memref<1x80x128xf32, #tpu.memory_space<vmem>> -> memref<80x128xf32, #tpu.memory_space<vmem>>
        %get3A_1379 = arith.index_cast %add3A_1307 : i32 to index
        %get3A_1380 = arith.constant 64 : index
        %get3A_1381 = tpu.vector_load %get3A_1378[%get3A_1379, %get3A_1380] {strides = array<i32>} : memref<80x128xf32, #tpu.memory_space<vmem>>, vector<16xf32>,
        %mul3A_1382 = arith.mulf %get3A_1374, %get3A_1381 : vector<16xf32>
        %get3A_1383 = arith.constant 0 : i32
        %get3A_1384 = arith.constant 0 : i32
        %get3A_1385 = tpu.memref_slice %arg10[%and3A_107, %get3A_1383, %get3A_1384] : memref<2x80x128xf32, #tpu.memory_space<vmem>> -> memref<1x80x128xf32, #tpu.memory_space<vmem>>
        %get3A_1386 = tpu.memref_squeeze %get3A_1385 : memref<1x80x128xf32, #tpu.memory_space<vmem>> -> memref<80x128xf32, #tpu.memory_space<vmem>>
        %get3A_1387 = arith.index_cast %add3A_1307 : i32 to index
        %get3A_1388 = arith.constant 80 : index
        %get3A_1389 = tpu.vector_load %get3A_1386[%get3A_1387, %get3A_1388] {strides = array<i32>} : memref<80x128xf32, #tpu.memory_space<vmem>>, vector<16xf32>,
        %get3A_1390 = arith.constant 0 : i32
        %get3A_1391 = arith.constant 0 : i32
        %get3A_1392 = tpu.memref_slice %arg11[%and3A_107, %get3A_1390, %get3A_1391] : memref<2x80x128xf32, #tpu.memory_space<vmem>> -> memref<1x80x128xf32, #tpu.memory_space<vmem>>
        %get3A_1393 = tpu.memref_squeeze %get3A_1392 : memref<1x80x128xf32, #tpu.memory_space<vmem>> -> memref<80x128xf32, #tpu.memory_space<vmem>>
        %get3A_1394 = arith.index_cast %add3A_1307 : i32 to index
        %get3A_1395 = arith.constant 80 : index
        %get3A_1396 = tpu.vector_load %get3A_1393[%get3A_1394, %get3A_1395] {strides = array<i32>} : memref<80x128xf32, #tpu.memory_space<vmem>>, vector<16xf32>,
        %mul3A_1397 = arith.mulf %get3A_1389, %get3A_1396 : vector<16xf32>
        %get3A_1398 = arith.constant 0 : i32
        %get3A_1399 = arith.constant 0 : i32
        %get3A_1400 = tpu.memref_slice %arg10[%and3A_107, %get3A_1398, %get3A_1399] : memref<2x80x128xf32, #tpu.memory_space<vmem>> -> memref<1x80x128xf32, #tpu.memory_space<vmem>>
        %get3A_1401 = tpu.memref_squeeze %get3A_1400 : memref<1x80x128xf32, #tpu.memory_space<vmem>> -> memref<80x128xf32, #tpu.memory_space<vmem>>
        %get3A_1402 = arith.index_cast %add3A_1307 : i32 to index
        %get3A_1403 = arith.constant 96 : index
        %get3A_1404 = tpu.vector_load %get3A_1401[%get3A_1402, %get3A_1403] {strides = array<i32>} : memref<80x128xf32, #tpu.memory_space<vmem>>, vector<16xf32>,
        %get3A_1405 = arith.constant 0 : i32
        %get3A_1406 = arith.constant 0 : i32
        %get3A_1407 = tpu.memref_slice %arg11[%and3A_107, %get3A_1405, %get3A_1406] : memref<2x80x128xf32, #tpu.memory_space<vmem>> -> memref<1x80x128xf32, #tpu.memory_space<vmem>>
        %get3A_1408 = tpu.memref_squeeze %get3A_1407 : memref<1x80x128xf32, #tpu.memory_space<vmem>> -> memref<80x128xf32, #tpu.memory_space<vmem>>
        %get3A_1409 = arith.index_cast %add3A_1307 : i32 to index
        %get3A_1410 = arith.constant 96 : index
        %get3A_1411 = tpu.vector_load %get3A_1408[%get3A_1409, %get3A_1410] {strides = array<i32>} : memref<80x128xf32, #tpu.memory_space<vmem>>, vector<16xf32>,
        %mul3A_1412 = arith.mulf %get3A_1404, %get3A_1411 : vector<16xf32>
        %get3A_1413 = arith.constant 0 : i32
        %get3A_1414 = arith.constant 0 : i32
        %get3A_1415 = tpu.memref_slice %arg10[%and3A_107, %get3A_1413, %get3A_1414] : memref<2x80x128xf32, #tpu.memory_space<vmem>> -> memref<1x80x128xf32, #tpu.memory_space<vmem>>
        %get3A_1416 = tpu.memref_squeeze %get3A_1415 : memref<1x80x128xf32, #tpu.memory_space<vmem>> -> memref<80x128xf32, #tpu.memory_space<vmem>>
        %get3A_1417 = arith.index_cast %add3A_1307 : i32 to index
        %get3A_1418 = arith.constant 112 : index
        %get3A_1419 = tpu.vector_load %get3A_1416[%get3A_1417, %get3A_1418] {strides = array<i32>} : memref<80x128xf32, #tpu.memory_space<vmem>>, vector<16xf32>,
        %get3A_1420 = arith.constant 0 : i32
        %get3A_1421 = arith.constant 0 : i32
        %get3A_1422 = tpu.memref_slice %arg11[%and3A_107, %get3A_1420, %get3A_1421] : memref<2x80x128xf32, #tpu.memory_space<vmem>> -> memref<1x80x128xf32, #tpu.memory_space<vmem>>
        %get3A_1423 = tpu.memref_squeeze %get3A_1422 : memref<1x80x128xf32, #tpu.memory_space<vmem>> -> memref<80x128xf32, #tpu.memory_space<vmem>>
        %get3A_1424 = arith.index_cast %add3A_1307 : i32 to index
        %get3A_1425 = arith.constant 112 : index
        %get3A_1426 = tpu.vector_load %get3A_1423[%get3A_1424, %get3A_1425] {strides = array<i32>} : memref<80x128xf32, #tpu.memory_space<vmem>>, vector<16xf32>,
        %mul3A_1427 = arith.mulf %get3A_1419, %get3A_1426 : vector<16xf32>
        %add3A_1428 = arith.addf %mul3A_1322, %mul3A_1337 : vector<16xf32>
        %add3A_1429 = arith.addf %mul3A_1352, %mul3A_1367 : vector<16xf32>
        %add3A_1430 = arith.addf %mul3A_1382, %mul3A_1397 : vector<16xf32>
        %add3A_1431 = arith.addf %mul3A_1412, %mul3A_1427 : vector<16xf32>
        %add3A_1432 = arith.addf %add3A_1428, %add3A_1429 : vector<16xf32>
        %add3A_1433 = arith.addf %add3A_1430, %add3A_1431 : vector<16xf32>
        %add3A_1434 = arith.addf %add3A_1432, %add3A_1433 : vector<16xf32>
        %swap3A_1435 = arith.index_cast %add3A_1307 : i32 to index
        %swap3A_1436 = arith.constant 0 : index
        %swap3A_1437 = tpu.vector_load %arg12[%swap3A_1435, %swap3A_1436] {strides = array<i32>} : memref<80x17xf32, #tpu.memory_space<vmem>>, vector<16xf32>,
        tpu.vector_store %arg12[%swap3A_1435, %swap3A_1436], %add3A_1434 {strides = array<i32>} : memref<80x17xf32, #tpu.memory_space<vmem>>, vector<16xf32>,
        %add3A_1438 = arith.constant 10 : i32
        %add3A_1439 = arith.addi %mul3A_119, %add3A_1438 : i32
        %get3A_1440 = arith.constant 0 : i32
        %get3A_1441 = arith.constant 0 : i32
        %get3A_1442 = tpu.memref_slice %arg10[%and3A_107, %get3A_1440, %get3A_1441] : memref<2x80x128xf32, #tpu.memory_space<vmem>> -> memref<1x80x128xf32, #tpu.memory_space<vmem>>
        %get3A_1443 = tpu.memref_squeeze %get3A_1442 : memref<1x80x128xf32, #tpu.memory_space<vmem>> -> memref<80x128xf32, #tpu.memory_space<vmem>>
        %get3A_1444 = arith.index_cast %add3A_1439 : i32 to index
        %get3A_1445 = arith.constant 0 : index
        %get3A_1446 = tpu.vector_load %get3A_1443[%get3A_1444, %get3A_1445] {strides = array<i32>} : memref<80x128xf32, #tpu.memory_space<vmem>>, vector<16xf32>,
        %get3A_1447 = arith.constant 0 : i32
        %get3A_1448 = arith.constant 0 : i32
        %get3A_1449 = tpu.memref_slice %arg11[%and3A_107, %get3A_1447, %get3A_1448] : memref<2x80x128xf32, #tpu.memory_space<vmem>> -> memref<1x80x128xf32, #tpu.memory_space<vmem>>
        %get3A_1450 = tpu.memref_squeeze %get3A_1449 : memref<1x80x128xf32, #tpu.memory_space<vmem>> -> memref<80x128xf32, #tpu.memory_space<vmem>>
        %get3A_1451 = arith.index_cast %add3A_1439 : i32 to index
        %get3A_1452 = arith.constant 0 : index
        %get3A_1453 = tpu.vector_load %get3A_1450[%get3A_1451, %get3A_1452] {strides = array<i32>} : memref<80x128xf32, #tpu.memory_space<vmem>>, vector<16xf32>,
        %mul3A_1454 = arith.mulf %get3A_1446, %get3A_1453 : vector<16xf32>
        %get3A_1455 = arith.constant 0 : i32
        %get3A_1456 = arith.constant 0 : i32
        %get3A_1457 = tpu.memref_slice %arg10[%and3A_107, %get3A_1455, %get3A_1456] : memref<2x80x128xf32, #tpu.memory_space<vmem>> -> memref<1x80x128xf32, #tpu.memory_space<vmem>>
        %get3A_1458 = tpu.memref_squeeze %get3A_1457 : memref<1x80x128xf32, #tpu.memory_space<vmem>> -> memref<80x128xf32, #tpu.memory_space<vmem>>
        %get3A_1459 = arith.index_cast %add3A_1439 : i32 to index
        %get3A_1460 = arith.constant 16 : index
        %get3A_1461 = tpu.vector_load %get3A_1458[%get3A_1459, %get3A_1460] {strides = array<i32>} : memref<80x128xf32, #tpu.memory_space<vmem>>, vector<16xf32>,
        %get3A_1462 = arith.constant 0 : i32
        %get3A_1463 = arith.constant 0 : i32
        %get3A_1464 = tpu.memref_slice %arg11[%and3A_107, %get3A_1462, %get3A_1463] : memref<2x80x128xf32, #tpu.memory_space<vmem>> -> memref<1x80x128xf32, #tpu.memory_space<vmem>>
        %get3A_1465 = tpu.memref_squeeze %get3A_1464 : memref<1x80x128xf32, #tpu.memory_space<vmem>> -> memref<80x128xf32, #tpu.memory_space<vmem>>
        %get3A_1466 = arith.index_cast %add3A_1439 : i32 to index
        %get3A_1467 = arith.constant 16 : index
        %get3A_1468 = tpu.vector_load %get3A_1465[%get3A_1466, %get3A_1467] {strides = array<i32>} : memref<80x128xf32, #tpu.memory_space<vmem>>, vector<16xf32>,
        %mul3A_1469 = arith.mulf %get3A_1461, %get3A_1468 : vector<16xf32>
        %get3A_1470 = arith.constant 0 : i32
        %get3A_1471 = arith.constant 0 : i32
        %get3A_1472 = tpu.memref_slice %arg10[%and3A_107, %get3A_1470, %get3A_1471] : memref<2x80x128xf32, #tpu.memory_space<vmem>> -> memref<1x80x128xf32, #tpu.memory_space<vmem>>
        %get3A_1473 = tpu.memref_squeeze %get3A_1472 : memref<1x80x128xf32, #tpu.memory_space<vmem>> -> memref<80x128xf32, #tpu.memory_space<vmem>>
        %get3A_1474 = arith.index_cast %add3A_1439 : i32 to index
        %get3A_1475 = arith.constant 32 : index
        %get3A_1476 = tpu.vector_load %get3A_1473[%get3A_1474, %get3A_1475] {strides = array<i32>} : memref<80x128xf32, #tpu.memory_space<vmem>>, vector<16xf32>,
        %get3A_1477 = arith.constant 0 : i32
        %get3A_1478 = arith.constant 0 : i32
        %get3A_1479 = tpu.memref_slice %arg11[%and3A_107, %get3A_1477, %get3A_1478] : memref<2x80x128xf32, #tpu.memory_space<vmem>> -> memref<1x80x128xf32, #tpu.memory_space<vmem>>
        %get3A_1480 = tpu.memref_squeeze %get3A_1479 : memref<1x80x128xf32, #tpu.memory_space<vmem>> -> memref<80x128xf32, #tpu.memory_space<vmem>>
        %get3A_1481 = arith.index_cast %add3A_1439 : i32 to index
        %get3A_1482 = arith.constant 32 : index
        %get3A_1483 = tpu.vector_load %get3A_1480[%get3A_1481, %get3A_1482] {strides = array<i32>} : memref<80x128xf32, #tpu.memory_space<vmem>>, vector<16xf32>,
        %mul3A_1484 = arith.mulf %get3A_1476, %get3A_1483 : vector<16xf32>
        %get3A_1485 = arith.constant 0 : i32
        %get3A_1486 = arith.constant 0 : i32
        %get3A_1487 = tpu.memref_slice %arg10[%and3A_107, %get3A_1485, %get3A_1486] : memref<2x80x128xf32, #tpu.memory_space<vmem>> -> memref<1x80x128xf32, #tpu.memory_space<vmem>>
        %get3A_1488 = tpu.memref_squeeze %get3A_1487 : memref<1x80x128xf32, #tpu.memory_space<vmem>> -> memref<80x128xf32, #tpu.memory_space<vmem>>
        %get3A_1489 = arith.index_cast %add3A_1439 : i32 to index
        %get3A_1490 = arith.constant 48 : index
        %get3A_1491 = tpu.vector_load %get3A_1488[%get3A_1489, %get3A_1490] {strides = array<i32>} : memref<80x128xf32, #tpu.memory_space<vmem>>, vector<16xf32>,
        %get3A_1492 = arith.constant 0 : i32
        %get3A_1493 = arith.constant 0 : i32
        %get3A_1494 = tpu.memref_slice %arg11[%and3A_107, %get3A_1492, %get3A_1493] : memref<2x80x128xf32, #tpu.memory_space<vmem>> -> memref<1x80x128xf32, #tpu.memory_space<vmem>>
        %get3A_1495 = tpu.memref_squeeze %get3A_1494 : memref<1x80x128xf32, #tpu.memory_space<vmem>> -> memref<80x128xf32, #tpu.memory_space<vmem>>
        %get3A_1496 = arith.index_cast %add3A_1439 : i32 to index
        %get3A_1497 = arith.constant 48 : index
        %get3A_1498 = tpu.vector_load %get3A_1495[%get3A_1496, %get3A_1497] {strides = array<i32>} : memref<80x128xf32, #tpu.memory_space<vmem>>, vector<16xf32>,
        %mul3A_1499 = arith.mulf %get3A_1491, %get3A_1498 : vector<16xf32>
        %get3A_1500 = arith.constant 0 : i32
        %get3A_1501 = arith.constant 0 : i32
        %get3A_1502 = tpu.memref_slice %arg10[%and3A_107, %get3A_1500, %get3A_1501] : memref<2x80x128xf32, #tpu.memory_space<vmem>> -> memref<1x80x128xf32, #tpu.memory_space<vmem>>
        %get3A_1503 = tpu.memref_squeeze %get3A_1502 : memref<1x80x128xf32, #tpu.memory_space<vmem>> -> memref<80x128xf32, #tpu.memory_space<vmem>>
        %get3A_1504 = arith.index_cast %add3A_1439 : i32 to index
        %get3A_1505 = arith.constant 64 : index
        %get3A_1506 = tpu.vector_load %get3A_1503[%get3A_1504, %get3A_1505] {strides = array<i32>} : memref<80x128xf32, #tpu.memory_space<vmem>>, vector<16xf32>,
        %get3A_1507 = arith.constant 0 : i32
        %get3A_1508 = arith.constant 0 : i32
        %get3A_1509 = tpu.memref_slice %arg11[%and3A_107, %get3A_1507, %get3A_1508] : memref<2x80x128xf32, #tpu.memory_space<vmem>> -> memref<1x80x128xf32, #tpu.memory_space<vmem>>
        %get3A_1510 = tpu.memref_squeeze %get3A_1509 : memref<1x80x128xf32, #tpu.memory_space<vmem>> -> memref<80x128xf32, #tpu.memory_space<vmem>>
        %get3A_1511 = arith.index_cast %add3A_1439 : i32 to index
        %get3A_1512 = arith.constant 64 : index
        %get3A_1513 = tpu.vector_load %get3A_1510[%get3A_1511, %get3A_1512] {strides = array<i32>} : memref<80x128xf32, #tpu.memory_space<vmem>>, vector<16xf32>,
        %mul3A_1514 = arith.mulf %get3A_1506, %get3A_1513 : vector<16xf32>
        %get3A_1515 = arith.constant 0 : i32
        %get3A_1516 = arith.constant 0 : i32
        %get3A_1517 = tpu.memref_slice %arg10[%and3A_107, %get3A_1515, %get3A_1516] : memref<2x80x128xf32, #tpu.memory_space<vmem>> -> memref<1x80x128xf32, #tpu.memory_space<vmem>>
        %get3A_1518 = tpu.memref_squeeze %get3A_1517 : memref<1x80x128xf32, #tpu.memory_space<vmem>> -> memref<80x128xf32, #tpu.memory_space<vmem>>
        %get3A_1519 = arith.index_cast %add3A_1439 : i32 to index
        %get3A_1520 = arith.constant 80 : index
        %get3A_1521 = tpu.vector_load %get3A_1518[%get3A_1519, %get3A_1520] {strides = array<i32>} : memref<80x128xf32, #tpu.memory_space<vmem>>, vector<16xf32>,
        %get3A_1522 = arith.constant 0 : i32
        %get3A_1523 = arith.constant 0 : i32
        %get3A_1524 = tpu.memref_slice %arg11[%and3A_107, %get3A_1522, %get3A_1523] : memref<2x80x128xf32, #tpu.memory_space<vmem>> -> memref<1x80x128xf32, #tpu.memory_space<vmem>>
        %get3A_1525 = tpu.memref_squeeze %get3A_1524 : memref<1x80x128xf32, #tpu.memory_space<vmem>> -> memref<80x128xf32, #tpu.memory_space<vmem>>
        %get3A_1526 = arith.index_cast %add3A_1439 : i32 to index
        %get3A_1527 = arith.constant 80 : index
        %get3A_1528 = tpu.vector_load %get3A_1525[%get3A_1526, %get3A_1527] {strides = array<i32>} : memref<80x128xf32, #tpu.memory_space<vmem>>, vector<16xf32>,
        %mul3A_1529 = arith.mulf %get3A_1521, %get3A_1528 : vector<16xf32>
        %get3A_1530 = arith.constant 0 : i32
        %get3A_1531 = arith.constant 0 : i32
        %get3A_1532 = tpu.memref_slice %arg10[%and3A_107, %get3A_1530, %get3A_1531] : memref<2x80x128xf32, #tpu.memory_space<vmem>> -> memref<1x80x128xf32, #tpu.memory_space<vmem>>
        %get3A_1533 = tpu.memref_squeeze %get3A_1532 : memref<1x80x128xf32, #tpu.memory_space<vmem>> -> memref<80x128xf32, #tpu.memory_space<vmem>>
        %get3A_1534 = arith.index_cast %add3A_1439 : i32 to index
        %get3A_1535 = arith.constant 96 : index
        %get3A_1536 = tpu.vector_load %get3A_1533[%get3A_1534, %get3A_1535] {strides = array<i32>} : memref<80x128xf32, #tpu.memory_space<vmem>>, vector<16xf32>,
        %get3A_1537 = arith.constant 0 : i32
        %get3A_1538 = arith.constant 0 : i32
        %get3A_1539 = tpu.memref_slice %arg11[%and3A_107, %get3A_1537, %get3A_1538] : memref<2x80x128xf32, #tpu.memory_space<vmem>> -> memref<1x80x128xf32, #tpu.memory_space<vmem>>
        %get3A_1540 = tpu.memref_squeeze %get3A_1539 : memref<1x80x128xf32, #tpu.memory_space<vmem>> -> memref<80x128xf32, #tpu.memory_space<vmem>>
        %get3A_1541 = arith.index_cast %add3A_1439 : i32 to index
        %get3A_1542 = arith.constant 96 : index
        %get3A_1543 = tpu.vector_load %get3A_1540[%get3A_1541, %get3A_1542] {strides = array<i32>} : memref<80x128xf32, #tpu.memory_space<vmem>>, vector<16xf32>,
        %mul3A_1544 = arith.mulf %get3A_1536, %get3A_1543 : vector<16xf32>
        %get3A_1545 = arith.constant 0 : i32
        %get3A_1546 = arith.constant 0 : i32
        %get3A_1547 = tpu.memref_slice %arg10[%and3A_107, %get3A_1545, %get3A_1546] : memref<2x80x128xf32, #tpu.memory_space<vmem>> -> memref<1x80x128xf32, #tpu.memory_space<vmem>>
        %get3A_1548 = tpu.memref_squeeze %get3A_1547 : memref<1x80x128xf32, #tpu.memory_space<vmem>> -> memref<80x128xf32, #tpu.memory_space<vmem>>
        %get3A_1549 = arith.index_cast %add3A_1439 : i32 to index
        %get3A_1550 = arith.constant 112 : index
        %get3A_1551 = tpu.vector_load %get3A_1548[%get3A_1549, %get3A_1550] {strides = array<i32>} : memref<80x128xf32, #tpu.memory_space<vmem>>, vector<16xf32>,
        %get3A_1552 = arith.constant 0 : i32
        %get3A_1553 = arith.constant 0 : i32
        %get3A_1554 = tpu.memref_slice %arg11[%and3A_107, %get3A_1552, %get3A_1553] : memref<2x80x128xf32, #tpu.memory_space<vmem>> -> memref<1x80x128xf32, #tpu.memory_space<vmem>>
        %get3A_1555 = tpu.memref_squeeze %get3A_1554 : memref<1x80x128xf32, #tpu.memory_space<vmem>> -> memref<80x128xf32, #tpu.memory_space<vmem>>
        %get3A_1556 = arith.index_cast %add3A_1439 : i32 to index
        %get3A_1557 = arith.constant 112 : index
        %get3A_1558 = tpu.vector_load %get3A_1555[%get3A_1556, %get3A_1557] {strides = array<i32>} : memref<80x128xf32, #tpu.memory_space<vmem>>, vector<16xf32>,
        %mul3A_1559 = arith.mulf %get3A_1551, %get3A_1558 : vector<16xf32>
        %add3A_1560 = arith.addf %mul3A_1454, %mul3A_1469 : vector<16xf32>
        %add3A_1561 = arith.addf %mul3A_1484, %mul3A_1499 : vector<16xf32>
        %add3A_1562 = arith.addf %mul3A_1514, %mul3A_1529 : vector<16xf32>
        %add3A_1563 = arith.addf %mul3A_1544, %mul3A_1559 : vector<16xf32>
        %add3A_1564 = arith.addf %add3A_1560, %add3A_1561 : vector<16xf32>
        %add3A_1565 = arith.addf %add3A_1562, %add3A_1563 : vector<16xf32>
        %add3A_1566 = arith.addf %add3A_1564, %add3A_1565 : vector<16xf32>
        %swap3A_1567 = arith.index_cast %add3A_1439 : i32 to index
        %swap3A_1568 = arith.constant 0 : index
        %swap3A_1569 = tpu.vector_load %arg12[%swap3A_1567, %swap3A_1568] {strides = array<i32>} : memref<80x17xf32, #tpu.memory_space<vmem>>, vector<16xf32>,
        tpu.vector_store %arg12[%swap3A_1567, %swap3A_1568], %add3A_1566 {strides = array<i32>} : memref<80x17xf32, #tpu.memory_space<vmem>>, vector<16xf32>,
        %add3A_1570 = arith.constant 11 : i32
        %add3A_1571 = arith.addi %mul3A_119, %add3A_1570 : i32
        %get3A_1572 = arith.constant 0 : i32
        %get3A_1573 = arith.constant 0 : i32
        %get3A_1574 = tpu.memref_slice %arg10[%and3A_107, %get3A_1572, %get3A_1573] : memref<2x80x128xf32, #tpu.memory_space<vmem>> -> memref<1x80x128xf32, #tpu.memory_space<vmem>>
        %get3A_1575 = tpu.memref_squeeze %get3A_1574 : memref<1x80x128xf32, #tpu.memory_space<vmem>> -> memref<80x128xf32, #tpu.memory_space<vmem>>
        %get3A_1576 = arith.index_cast %add3A_1571 : i32 to index
        %get3A_1577 = arith.constant 0 : index
        %get3A_1578 = tpu.vector_load %get3A_1575[%get3A_1576, %get3A_1577] {strides = array<i32>} : memref<80x128xf32, #tpu.memory_space<vmem>>, vector<16xf32>,
        %get3A_1579 = arith.constant 0 : i32
        %get3A_1580 = arith.constant 0 : i32
        %get3A_1581 = tpu.memref_slice %arg11[%and3A_107, %get3A_1579, %get3A_1580] : memref<2x80x128xf32, #tpu.memory_space<vmem>> -> memref<1x80x128xf32, #tpu.memory_space<vmem>>
        %get3A_1582 = tpu.memref_squeeze %get3A_1581 : memref<1x80x128xf32, #tpu.memory_space<vmem>> -> memref<80x128xf32, #tpu.memory_space<vmem>>
        %get3A_1583 = arith.index_cast %add3A_1571 : i32 to index
        %get3A_1584 = arith.constant 0 : index
        %get3A_1585 = tpu.vector_load %get3A_1582[%get3A_1583, %get3A_1584] {strides = array<i32>} : memref<80x128xf32, #tpu.memory_space<vmem>>, vector<16xf32>,
        %mul3A_1586 = arith.mulf %get3A_1578, %get3A_1585 : vector<16xf32>
        %get3A_1587 = arith.constant 0 : i32
        %get3A_1588 = arith.constant 0 : i32
        %get3A_1589 = tpu.memref_slice %arg10[%and3A_107, %get3A_1587, %get3A_1588] : memref<2x80x128xf32, #tpu.memory_space<vmem>> -> memref<1x80x128xf32, #tpu.memory_space<vmem>>
        %get3A_1590 = tpu.memref_squeeze %get3A_1589 : memref<1x80x128xf32, #tpu.memory_space<vmem>> -> memref<80x128xf32, #tpu.memory_space<vmem>>
        %get3A_1591 = arith.index_cast %add3A_1571 : i32 to index
        %get3A_1592 = arith.constant 16 : index
        %get3A_1593 = tpu.vector_load %get3A_1590[%get3A_1591, %get3A_1592] {strides = array<i32>} : memref<80x128xf32, #tpu.memory_space<vmem>>, vector<16xf32>,
        %get3A_1594 = arith.constant 0 : i32
        %get3A_1595 = arith.constant 0 : i32
        %get3A_1596 = tpu.memref_slice %arg11[%and3A_107, %get3A_1594, %get3A_1595] : memref<2x80x128xf32, #tpu.memory_space<vmem>> -> memref<1x80x128xf32, #tpu.memory_space<vmem>>
        %get3A_1597 = tpu.memref_squeeze %get3A_1596 : memref<1x80x128xf32, #tpu.memory_space<vmem>> -> memref<80x128xf32, #tpu.memory_space<vmem>>
        %get3A_1598 = arith.index_cast %add3A_1571 : i32 to index
        %get3A_1599 = arith.constant 16 : index
        %get3A_1600 = tpu.vector_load %get3A_1597[%get3A_1598, %get3A_1599] {strides = array<i32>} : memref<80x128xf32, #tpu.memory_space<vmem>>, vector<16xf32>,
        %mul3A_1601 = arith.mulf %get3A_1593, %get3A_1600 : vector<16xf32>
        %get3A_1602 = arith.constant 0 : i32
        %get3A_1603 = arith.constant 0 : i32
        %get3A_1604 = tpu.memref_slice %arg10[%and3A_107, %get3A_1602, %get3A_1603] : memref<2x80x128xf32, #tpu.memory_space<vmem>> -> memref<1x80x128xf32, #tpu.memory_space<vmem>>
        %get3A_1605 = tpu.memref_squeeze %get3A_1604 : memref<1x80x128xf32, #tpu.memory_space<vmem>> -> memref<80x128xf32, #tpu.memory_space<vmem>>
        %get3A_1606 = arith.index_cast %add3A_1571 : i32 to index
        %get3A_1607 = arith.constant 32 : index
        %get3A_1608 = tpu.vector_load %get3A_1605[%get3A_1606, %get3A_1607] {strides = array<i32>} : memref<80x128xf32, #tpu.memory_space<vmem>>, vector<16xf32>,
        %get3A_1609 = arith.constant 0 : i32
        %get3A_1610 = arith.constant 0 : i32
        %get3A_1611 = tpu.memref_slice %arg11[%and3A_107, %get3A_1609, %get3A_1610] : memref<2x80x128xf32, #tpu.memory_space<vmem>> -> memref<1x80x128xf32, #tpu.memory_space<vmem>>
        %get3A_1612 = tpu.memref_squeeze %get3A_1611 : memref<1x80x128xf32, #tpu.memory_space<vmem>> -> memref<80x128xf32, #tpu.memory_space<vmem>>
        %get3A_1613 = arith.index_cast %add3A_1571 : i32 to index
        %get3A_1614 = arith.constant 32 : index
        %get3A_1615 = tpu.vector_load %get3A_1612[%get3A_1613, %get3A_1614] {strides = array<i32>} : memref<80x128xf32, #tpu.memory_space<vmem>>, vector<16xf32>,
        %mul3A_1616 = arith.mulf %get3A_1608, %get3A_1615 : vector<16xf32>
        %get3A_1617 = arith.constant 0 : i32
        %get3A_1618 = arith.constant 0 : i32
        %get3A_1619 = tpu.memref_slice %arg10[%and3A_107, %get3A_1617, %get3A_1618] : memref<2x80x128xf32, #tpu.memory_space<vmem>> -> memref<1x80x128xf32, #tpu.memory_space<vmem>>
        %get3A_1620 = tpu.memref_squeeze %get3A_1619 : memref<1x80x128xf32, #tpu.memory_space<vmem>> -> memref<80x128xf32, #tpu.memory_space<vmem>>
        %get3A_1621 = arith.index_cast %add3A_1571 : i32 to index
        %get3A_1622 = arith.constant 48 : index
        %get3A_1623 = tpu.vector_load %get3A_1620[%get3A_1621, %get3A_1622] {strides = array<i32>} : memref<80x128xf32, #tpu.memory_space<vmem>>, vector<16xf32>,
        %get3A_1624 = arith.constant 0 : i32
        %get3A_1625 = arith.constant 0 : i32
        %get3A_1626 = tpu.memref_slice %arg11[%and3A_107, %get3A_1624, %get3A_1625] : memref<2x80x128xf32, #tpu.memory_space<vmem>> -> memref<1x80x128xf32, #tpu.memory_space<vmem>>
        %get3A_1627 = tpu.memref_squeeze %get3A_1626 : memref<1x80x128xf32, #tpu.memory_space<vmem>> -> memref<80x128xf32, #tpu.memory_space<vmem>>
        %get3A_1628 = arith.index_cast %add3A_1571 : i32 to index
        %get3A_1629 = arith.constant 48 : index
        %get3A_1630 = tpu.vector_load %get3A_1627[%get3A_1628, %get3A_1629] {strides = array<i32>} : memref<80x128xf32, #tpu.memory_space<vmem>>, vector<16xf32>,
        %mul3A_1631 = arith.mulf %get3A_1623, %get3A_1630 : vector<16xf32>
        %get3A_1632 = arith.constant 0 : i32
        %get3A_1633 = arith.constant 0 : i32
        %get3A_1634 = tpu.memref_slice %arg10[%and3A_107, %get3A_1632, %get3A_1633] : memref<2x80x128xf32, #tpu.memory_space<vmem>> -> memref<1x80x128xf32, #tpu.memory_space<vmem>>
        %get3A_1635 = tpu.memref_squeeze %get3A_1634 : memref<1x80x128xf32, #tpu.memory_space<vmem>> -> memref<80x128xf32, #tpu.memory_space<vmem>>
        %get3A_1636 = arith.index_cast %add3A_1571 : i32 to index
        %get3A_1637 = arith.constant 64 : index
        %get3A_1638 = tpu.vector_load %get3A_1635[%get3A_1636, %get3A_1637] {strides = array<i32>} : memref<80x128xf32, #tpu.memory_space<vmem>>, vector<16xf32>,
        %get3A_1639 = arith.constant 0 : i32
        %get3A_1640 = arith.constant 0 : i32
        %get3A_1641 = tpu.memref_slice %arg11[%and3A_107, %get3A_1639, %get3A_1640] : memref<2x80x128xf32, #tpu.memory_space<vmem>> -> memref<1x80x128xf32, #tpu.memory_space<vmem>>
        %get3A_1642 = tpu.memref_squeeze %get3A_1641 : memref<1x80x128xf32, #tpu.memory_space<vmem>> -> memref<80x128xf32, #tpu.memory_space<vmem>>
        %get3A_1643 = arith.index_cast %add3A_1571 : i32 to index
        %get3A_1644 = arith.constant 64 : index
        %get3A_1645 = tpu.vector_load %get3A_1642[%get3A_1643, %get3A_1644] {strides = array<i32>} : memref<80x128xf32, #tpu.memory_space<vmem>>, vector<16xf32>,
        %mul3A_1646 = arith.mulf %get3A_1638, %get3A_1645 : vector<16xf32>
        %get3A_1647 = arith.constant 0 : i32
        %get3A_1648 = arith.constant 0 : i32
        %get3A_1649 = tpu.memref_slice %arg10[%and3A_107, %get3A_1647, %get3A_1648] : memref<2x80x128xf32, #tpu.memory_space<vmem>> -> memref<1x80x128xf32, #tpu.memory_space<vmem>>
        %get3A_1650 = tpu.memref_squeeze %get3A_1649 : memref<1x80x128xf32, #tpu.memory_space<vmem>> -> memref<80x128xf32, #tpu.memory_space<vmem>>
        %get3A_1651 = arith.index_cast %add3A_1571 : i32 to index
        %get3A_1652 = arith.constant 80 : index
        %get3A_1653 = tpu.vector_load %get3A_1650[%get3A_1651, %get3A_1652] {strides = array<i32>} : memref<80x128xf32, #tpu.memory_space<vmem>>, vector<16xf32>,
        %get3A_1654 = arith.constant 0 : i32
        %get3A_1655 = arith.constant 0 : i32
        %get3A_1656 = tpu.memref_slice %arg11[%and3A_107, %get3A_1654, %get3A_1655] : memref<2x80x128xf32, #tpu.memory_space<vmem>> -> memref<1x80x128xf32, #tpu.memory_space<vmem>>
        %get3A_1657 = tpu.memref_squeeze %get3A_1656 : memref<1x80x128xf32, #tpu.memory_space<vmem>> -> memref<80x128xf32, #tpu.memory_space<vmem>>
        %get3A_1658 = arith.index_cast %add3A_1571 : i32 to index
        %get3A_1659 = arith.constant 80 : index
        %get3A_1660 = tpu.vector_load %get3A_1657[%get3A_1658, %get3A_1659] {strides = array<i32>} : memref<80x128xf32, #tpu.memory_space<vmem>>, vector<16xf32>,
        %mul3A_1661 = arith.mulf %get3A_1653, %get3A_1660 : vector<16xf32>
        %get3A_1662 = arith.constant 0 : i32
        %get3A_1663 = arith.constant 0 : i32
        %get3A_1664 = tpu.memref_slice %arg10[%and3A_107, %get3A_1662, %get3A_1663] : memref<2x80x128xf32, #tpu.memory_space<vmem>> -> memref<1x80x128xf32, #tpu.memory_space<vmem>>
        %get3A_1665 = tpu.memref_squeeze %get3A_1664 : memref<1x80x128xf32, #tpu.memory_space<vmem>> -> memref<80x128xf32, #tpu.memory_space<vmem>>
        %get3A_1666 = arith.index_cast %add3A_1571 : i32 to index
        %get3A_1667 = arith.constant 96 : index
        %get3A_1668 = tpu.vector_load %get3A_1665[%get3A_1666, %get3A_1667] {strides = array<i32>} : memref<80x128xf32, #tpu.memory_space<vmem>>, vector<16xf32>,
        %get3A_1669 = arith.constant 0 : i32
        %get3A_1670 = arith.constant 0 : i32
        %get3A_1671 = tpu.memref_slice %arg11[%and3A_107, %get3A_1669, %get3A_1670] : memref<2x80x128xf32, #tpu.memory_space<vmem>> -> memref<1x80x128xf32, #tpu.memory_space<vmem>>
        %get3A_1672 = tpu.memref_squeeze %get3A_1671 : memref<1x80x128xf32, #tpu.memory_space<vmem>> -> memref<80x128xf32, #tpu.memory_space<vmem>>
        %get3A_1673 = arith.index_cast %add3A_1571 : i32 to index
        %get3A_1674 = arith.constant 96 : index
        %get3A_1675 = tpu.vector_load %get3A_1672[%get3A_1673, %get3A_1674] {strides = array<i32>} : memref<80x128xf32, #tpu.memory_space<vmem>>, vector<16xf32>,
        %mul3A_1676 = arith.mulf %get3A_1668, %get3A_1675 : vector<16xf32>
        %get3A_1677 = arith.constant 0 : i32
        %get3A_1678 = arith.constant 0 : i32
        %get3A_1679 = tpu.memref_slice %arg10[%and3A_107, %get3A_1677, %get3A_1678] : memref<2x80x128xf32, #tpu.memory_space<vmem>> -> memref<1x80x128xf32, #tpu.memory_space<vmem>>
        %get3A_1680 = tpu.memref_squeeze %get3A_1679 : memref<1x80x128xf32, #tpu.memory_space<vmem>> -> memref<80x128xf32, #tpu.memory_space<vmem>>
        %get3A_1681 = arith.index_cast %add3A_1571 : i32 to index
        %get3A_1682 = arith.constant 112 : index
        %get3A_1683 = tpu.vector_load %get3A_1680[%get3A_1681, %get3A_1682] {strides = array<i32>} : memref<80x128xf32, #tpu.memory_space<vmem>>, vector<16xf32>,
        %get3A_1684 = arith.constant 0 : i32
        %get3A_1685 = arith.constant 0 : i32
        %get3A_1686 = tpu.memref_slice %arg11[%and3A_107, %get3A_1684, %get3A_1685] : memref<2x80x128xf32, #tpu.memory_space<vmem>> -> memref<1x80x128xf32, #tpu.memory_space<vmem>>
        %get3A_1687 = tpu.memref_squeeze %get3A_1686 : memref<1x80x128xf32, #tpu.memory_space<vmem>> -> memref<80x128xf32, #tpu.memory_space<vmem>>
        %get3A_1688 = arith.index_cast %add3A_1571 : i32 to index
        %get3A_1689 = arith.constant 112 : index
        %get3A_1690 = tpu.vector_load %get3A_1687[%get3A_1688, %get3A_1689] {strides = array<i32>} : memref<80x128xf32, #tpu.memory_space<vmem>>, vector<16xf32>,
        %mul3A_1691 = arith.mulf %get3A_1683, %get3A_1690 : vector<16xf32>
        %add3A_1692 = arith.addf %mul3A_1586, %mul3A_1601 : vector<16xf32>
        %add3A_1693 = arith.addf %mul3A_1616, %mul3A_1631 : vector<16xf32>
        %add3A_1694 = arith.addf %mul3A_1646, %mul3A_1661 : vector<16xf32>
        %add3A_1695 = arith.addf %mul3A_1676, %mul3A_1691 : vector<16xf32>
        %add3A_1696 = arith.addf %add3A_1692, %add3A_1693 : vector<16xf32>
        %add3A_1697 = arith.addf %add3A_1694, %add3A_1695 : vector<16xf32>
        %add3A_1698 = arith.addf %add3A_1696, %add3A_1697 : vector<16xf32>
        %swap3A_1699 = arith.index_cast %add3A_1571 : i32 to index
        %swap3A_1700 = arith.constant 0 : index
        %swap3A_1701 = tpu.vector_load %arg12[%swap3A_1699, %swap3A_1700] {strides = array<i32>} : memref<80x17xf32, #tpu.memory_space<vmem>>, vector<16xf32>,
        tpu.vector_store %arg12[%swap3A_1699, %swap3A_1700], %add3A_1698 {strides = array<i32>} : memref<80x17xf32, #tpu.memory_space<vmem>>, vector<16xf32>,
        %add3A_1702 = arith.constant 12 : i32
        %add3A_1703 = arith.addi %mul3A_119, %add3A_1702 : i32
        %get3A_1704 = arith.constant 0 : i32
        %get3A_1705 = arith.constant 0 : i32
        %get3A_1706 = tpu.memref_slice %arg10[%and3A_107, %get3A_1704, %get3A_1705] : memref<2x80x128xf32, #tpu.memory_space<vmem>> -> memref<1x80x128xf32, #tpu.memory_space<vmem>>
        %get3A_1707 = tpu.memref_squeeze %get3A_1706 : memref<1x80x128xf32, #tpu.memory_space<vmem>> -> memref<80x128xf32, #tpu.memory_space<vmem>>
        %get3A_1708 = arith.index_cast %add3A_1703 : i32 to index
        %get3A_1709 = arith.constant 0 : index
        %get3A_1710 = tpu.vector_load %get3A_1707[%get3A_1708, %get3A_1709] {strides = array<i32>} : memref<80x128xf32, #tpu.memory_space<vmem>>, vector<16xf32>,
        %get3A_1711 = arith.constant 0 : i32
        %get3A_1712 = arith.constant 0 : i32
        %get3A_1713 = tpu.memref_slice %arg11[%and3A_107, %get3A_1711, %get3A_1712] : memref<2x80x128xf32, #tpu.memory_space<vmem>> -> memref<1x80x128xf32, #tpu.memory_space<vmem>>
        %get3A_1714 = tpu.memref_squeeze %get3A_1713 : memref<1x80x128xf32, #tpu.memory_space<vmem>> -> memref<80x128xf32, #tpu.memory_space<vmem>>
        %get3A_1715 = arith.index_cast %add3A_1703 : i32 to index
        %get3A_1716 = arith.constant 0 : index
        %get3A_1717 = tpu.vector_load %get3A_1714[%get3A_1715, %get3A_1716] {strides = array<i32>} : memref<80x128xf32, #tpu.memory_space<vmem>>, vector<16xf32>,
        %mul3A_1718 = arith.mulf %get3A_1710, %get3A_1717 : vector<16xf32>
        %get3A_1719 = arith.constant 0 : i32
        %get3A_1720 = arith.constant 0 : i32
        %get3A_1721 = tpu.memref_slice %arg10[%and3A_107, %get3A_1719, %get3A_1720] : memref<2x80x128xf32, #tpu.memory_space<vmem>> -> memref<1x80x128xf32, #tpu.memory_space<vmem>>
        %get3A_1722 = tpu.memref_squeeze %get3A_1721 : memref<1x80x128xf32, #tpu.memory_space<vmem>> -> memref<80x128xf32, #tpu.memory_space<vmem>>
        %get3A_1723 = arith.index_cast %add3A_1703 : i32 to index
        %get3A_1724 = arith.constant 16 : index
        %get3A_1725 = tpu.vector_load %get3A_1722[%get3A_1723, %get3A_1724] {strides = array<i32>} : memref<80x128xf32, #tpu.memory_space<vmem>>, vector<16xf32>,
        %get3A_1726 = arith.constant 0 : i32
        %get3A_1727 = arith.constant 0 : i32
        %get3A_1728 = tpu.memref_slice %arg11[%and3A_107, %get3A_1726, %get3A_1727] : memref<2x80x128xf32, #tpu.memory_space<vmem>> -> memref<1x80x128xf32, #tpu.memory_space<vmem>>
        %get3A_1729 = tpu.memref_squeeze %get3A_1728 : memref<1x80x128xf32, #tpu.memory_space<vmem>> -> memref<80x128xf32, #tpu.memory_space<vmem>>
        %get3A_1730 = arith.index_cast %add3A_1703 : i32 to index
        %get3A_1731 = arith.constant 16 : index
        %get3A_1732 = tpu.vector_load %get3A_1729[%get3A_1730, %get3A_1731] {strides = array<i32>} : memref<80x128xf32, #tpu.memory_space<vmem>>, vector<16xf32>,
        %mul3A_1733 = arith.mulf %get3A_1725, %get3A_1732 : vector<16xf32>
        %get3A_1734 = arith.constant 0 : i32
        %get3A_1735 = arith.constant 0 : i32
        %get3A_1736 = tpu.memref_slice %arg10[%and3A_107, %get3A_1734, %get3A_1735] : memref<2x80x128xf32, #tpu.memory_space<vmem>> -> memref<1x80x128xf32, #tpu.memory_space<vmem>>
        %get3A_1737 = tpu.memref_squeeze %get3A_1736 : memref<1x80x128xf32, #tpu.memory_space<vmem>> -> memref<80x128xf32, #tpu.memory_space<vmem>>
        %get3A_1738 = arith.index_cast %add3A_1703 : i32 to index
        %get3A_1739 = arith.constant 32 : index
        %get3A_1740 = tpu.vector_load %get3A_1737[%get3A_1738, %get3A_1739] {strides = array<i32>} : memref<80x128xf32, #tpu.memory_space<vmem>>, vector<16xf32>,
        %get3A_1741 = arith.constant 0 : i32
        %get3A_1742 = arith.constant 0 : i32
        %get3A_1743 = tpu.memref_slice %arg11[%and3A_107, %get3A_1741, %get3A_1742] : memref<2x80x128xf32, #tpu.memory_space<vmem>> -> memref<1x80x128xf32, #tpu.memory_space<vmem>>
        %get3A_1744 = tpu.memref_squeeze %get3A_1743 : memref<1x80x128xf32, #tpu.memory_space<vmem>> -> memref<80x128xf32, #tpu.memory_space<vmem>>
        %get3A_1745 = arith.index_cast %add3A_1703 : i32 to index
        %get3A_1746 = arith.constant 32 : index
        %get3A_1747 = tpu.vector_load %get3A_1744[%get3A_1745, %get3A_1746] {strides = array<i32>} : memref<80x128xf32, #tpu.memory_space<vmem>>, vector<16xf32>,
        %mul3A_1748 = arith.mulf %get3A_1740, %get3A_1747 : vector<16xf32>
        %get3A_1749 = arith.constant 0 : i32
        %get3A_1750 = arith.constant 0 : i32
        %get3A_1751 = tpu.memref_slice %arg10[%and3A_107, %get3A_1749, %get3A_1750] : memref<2x80x128xf32, #tpu.memory_space<vmem>> -> memref<1x80x128xf32, #tpu.memory_space<vmem>>
        %get3A_1752 = tpu.memref_squeeze %get3A_1751 : memref<1x80x128xf32, #tpu.memory_space<vmem>> -> memref<80x128xf32, #tpu.memory_space<vmem>>
        %get3A_1753 = arith.index_cast %add3A_1703 : i32 to index
        %get3A_1754 = arith.constant 48 : index
        %get3A_1755 = tpu.vector_load %get3A_1752[%get3A_1753, %get3A_1754] {strides = array<i32>} : memref<80x128xf32, #tpu.memory_space<vmem>>, vector<16xf32>,
        %get3A_1756 = arith.constant 0 : i32
        %get3A_1757 = arith.constant 0 : i32
        %get3A_1758 = tpu.memref_slice %arg11[%and3A_107, %get3A_1756, %get3A_1757] : memref<2x80x128xf32, #tpu.memory_space<vmem>> -> memref<1x80x128xf32, #tpu.memory_space<vmem>>
        %get3A_1759 = tpu.memref_squeeze %get3A_1758 : memref<1x80x128xf32, #tpu.memory_space<vmem>> -> memref<80x128xf32, #tpu.memory_space<vmem>>
        %get3A_1760 = arith.index_cast %add3A_1703 : i32 to index
        %get3A_1761 = arith.constant 48 : index
        %get3A_1762 = tpu.vector_load %get3A_1759[%get3A_1760, %get3A_1761] {strides = array<i32>} : memref<80x128xf32, #tpu.memory_space<vmem>>, vector<16xf32>,
        %mul3A_1763 = arith.mulf %get3A_1755, %get3A_1762 : vector<16xf32>
        %get3A_1764 = arith.constant 0 : i32
        %get3A_1765 = arith.constant 0 : i32
        %get3A_1766 = tpu.memref_slice %arg10[%and3A_107, %get3A_1764, %get3A_1765] : memref<2x80x128xf32, #tpu.memory_space<vmem>> -> memref<1x80x128xf32, #tpu.memory_space<vmem>>
        %get3A_1767 = tpu.memref_squeeze %get3A_1766 : memref<1x80x128xf32, #tpu.memory_space<vmem>> -> memref<80x128xf32, #tpu.memory_space<vmem>>
        %get3A_1768 = arith.index_cast %add3A_1703 : i32 to index
        %get3A_1769 = arith.constant 64 : index
        %get3A_1770 = tpu.vector_load %get3A_1767[%get3A_1768, %get3A_1769] {strides = array<i32>} : memref<80x128xf32, #tpu.memory_space<vmem>>, vector<16xf32>,
        %get3A_1771 = arith.constant 0 : i32
        %get3A_1772 = arith.constant 0 : i32
        %get3A_1773 = tpu.memref_slice %arg11[%and3A_107, %get3A_1771, %get3A_1772] : memref<2x80x128xf32, #tpu.memory_space<vmem>> -> memref<1x80x128xf32, #tpu.memory_space<vmem>>
        %get3A_1774 = tpu.memref_squeeze %get3A_1773 : memref<1x80x128xf32, #tpu.memory_space<vmem>> -> memref<80x128xf32, #tpu.memory_space<vmem>>
        %get3A_1775 = arith.index_cast %add3A_1703 : i32 to index
        %get3A_1776 = arith.constant 64 : index
        %get3A_1777 = tpu.vector_load %get3A_1774[%get3A_1775, %get3A_1776] {strides = array<i32>} : memref<80x128xf32, #tpu.memory_space<vmem>>, vector<16xf32>,
        %mul3A_1778 = arith.mulf %get3A_1770, %get3A_1777 : vector<16xf32>
        %get3A_1779 = arith.constant 0 : i32
        %get3A_1780 = arith.constant 0 : i32
        %get3A_1781 = tpu.memref_slice %arg10[%and3A_107, %get3A_1779, %get3A_1780] : memref<2x80x128xf32, #tpu.memory_space<vmem>> -> memref<1x80x128xf32, #tpu.memory_space<vmem>>
        %get3A_1782 = tpu.memref_squeeze %get3A_1781 : memref<1x80x128xf32, #tpu.memory_space<vmem>> -> memref<80x128xf32, #tpu.memory_space<vmem>>
        %get3A_1783 = arith.index_cast %add3A_1703 : i32 to index
        %get3A_1784 = arith.constant 80 : index
        %get3A_1785 = tpu.vector_load %get3A_1782[%get3A_1783, %get3A_1784] {strides = array<i32>} : memref<80x128xf32, #tpu.memory_space<vmem>>, vector<16xf32>,
        %get3A_1786 = arith.constant 0 : i32
        %get3A_1787 = arith.constant 0 : i32
        %get3A_1788 = tpu.memref_slice %arg11[%and3A_107, %get3A_1786, %get3A_1787] : memref<2x80x128xf32, #tpu.memory_space<vmem>> -> memref<1x80x128xf32, #tpu.memory_space<vmem>>
        %get3A_1789 = tpu.memref_squeeze %get3A_1788 : memref<1x80x128xf32, #tpu.memory_space<vmem>> -> memref<80x128xf32, #tpu.memory_space<vmem>>
        %get3A_1790 = arith.index_cast %add3A_1703 : i32 to index
        %get3A_1791 = arith.constant 80 : index
        %get3A_1792 = tpu.vector_load %get3A_1789[%get3A_1790, %get3A_1791] {strides = array<i32>} : memref<80x128xf32, #tpu.memory_space<vmem>>, vector<16xf32>,
        %mul3A_1793 = arith.mulf %get3A_1785, %get3A_1792 : vector<16xf32>
        %get3A_1794 = arith.constant 0 : i32
        %get3A_1795 = arith.constant 0 : i32
        %get3A_1796 = tpu.memref_slice %arg10[%and3A_107, %get3A_1794, %get3A_1795] : memref<2x80x128xf32, #tpu.memory_space<vmem>> -> memref<1x80x128xf32, #tpu.memory_space<vmem>>
        %get3A_1797 = tpu.memref_squeeze %get3A_1796 : memref<1x80x128xf32, #tpu.memory_space<vmem>> -> memref<80x128xf32, #tpu.memory_space<vmem>>
        %get3A_1798 = arith.index_cast %add3A_1703 : i32 to index
        %get3A_1799 = arith.constant 96 : index
        %get3A_1800 = tpu.vector_load %get3A_1797[%get3A_1798, %get3A_1799] {strides = array<i32>} : memref<80x128xf32, #tpu.memory_space<vmem>>, vector<16xf32>,
        %get3A_1801 = arith.constant 0 : i32
        %get3A_1802 = arith.constant 0 : i32
        %get3A_1803 = tpu.memref_slice %arg11[%and3A_107, %get3A_1801, %get3A_1802] : memref<2x80x128xf32, #tpu.memory_space<vmem>> -> memref<1x80x128xf32, #tpu.memory_space<vmem>>
        %get3A_1804 = tpu.memref_squeeze %get3A_1803 : memref<1x80x128xf32, #tpu.memory_space<vmem>> -> memref<80x128xf32, #tpu.memory_space<vmem>>
        %get3A_1805 = arith.index_cast %add3A_1703 : i32 to index
        %get3A_1806 = arith.constant 96 : index
        %get3A_1807 = tpu.vector_load %get3A_1804[%get3A_1805, %get3A_1806] {strides = array<i32>} : memref<80x128xf32, #tpu.memory_space<vmem>>, vector<16xf32>,
        %mul3A_1808 = arith.mulf %get3A_1800, %get3A_1807 : vector<16xf32>
        %get3A_1809 = arith.constant 0 : i32
        %get3A_1810 = arith.constant 0 : i32
        %get3A_1811 = tpu.memref_slice %arg10[%and3A_107, %get3A_1809, %get3A_1810] : memref<2x80x128xf32, #tpu.memory_space<vmem>> -> memref<1x80x128xf32, #tpu.memory_space<vmem>>
        %get3A_1812 = tpu.memref_squeeze %get3A_1811 : memref<1x80x128xf32, #tpu.memory_space<vmem>> -> memref<80x128xf32, #tpu.memory_space<vmem>>
        %get3A_1813 = arith.index_cast %add3A_1703 : i32 to index
        %get3A_1814 = arith.constant 112 : index
        %get3A_1815 = tpu.vector_load %get3A_1812[%get3A_1813, %get3A_1814] {strides = array<i32>} : memref<80x128xf32, #tpu.memory_space<vmem>>, vector<16xf32>,
        %get3A_1816 = arith.constant 0 : i32
        %get3A_1817 = arith.constant 0 : i32
        %get3A_1818 = tpu.memref_slice %arg11[%and3A_107, %get3A_1816, %get3A_1817] : memref<2x80x128xf32, #tpu.memory_space<vmem>> -> memref<1x80x128xf32, #tpu.memory_space<vmem>>
        %get3A_1819 = tpu.memref_squeeze %get3A_1818 : memref<1x80x128xf32, #tpu.memory_space<vmem>> -> memref<80x128xf32, #tpu.memory_space<vmem>>
        %get3A_1820 = arith.index_cast %add3A_1703 : i32 to index
        %get3A_1821 = arith.constant 112 : index
        %get3A_1822 = tpu.vector_load %get3A_1819[%get3A_1820, %get3A_1821] {strides = array<i32>} : memref<80x128xf32, #tpu.memory_space<vmem>>, vector<16xf32>,
        %mul3A_1823 = arith.mulf %get3A_1815, %get3A_1822 : vector<16xf32>
        %add3A_1824 = arith.addf %mul3A_1718, %mul3A_1733 : vector<16xf32>
        %add3A_1825 = arith.addf %mul3A_1748, %mul3A_1763 : vector<16xf32>
        %add3A_1826 = arith.addf %mul3A_1778, %mul3A_1793 : vector<16xf32>
        %add3A_1827 = arith.addf %mul3A_1808, %mul3A_1823 : vector<16xf32>
        %add3A_1828 = arith.addf %add3A_1824, %add3A_1825 : vector<16xf32>
        %add3A_1829 = arith.addf %add3A_1826, %add3A_1827 : vector<16xf32>
        %add3A_1830 = arith.addf %add3A_1828, %add3A_1829 : vector<16xf32>
        %swap3A_1831 = arith.index_cast %add3A_1703 : i32 to index
        %swap3A_1832 = arith.constant 0 : index
        %swap3A_1833 = tpu.vector_load %arg12[%swap3A_1831, %swap3A_1832] {strides = array<i32>} : memref<80x17xf32, #tpu.memory_space<vmem>>, vector<16xf32>,
        tpu.vector_store %arg12[%swap3A_1831, %swap3A_1832], %add3A_1830 {strides = array<i32>} : memref<80x17xf32, #tpu.memory_space<vmem>>, vector<16xf32>,
        %add3A_1834 = arith.constant 13 : i32
        %add3A_1835 = arith.addi %mul3A_119, %add3A_1834 : i32
        %get3A_1836 = arith.constant 0 : i32
        %get3A_1837 = arith.constant 0 : i32
        %get3A_1838 = tpu.memref_slice %arg10[%and3A_107, %get3A_1836, %get3A_1837] : memref<2x80x128xf32, #tpu.memory_space<vmem>> -> memref<1x80x128xf32, #tpu.memory_space<vmem>>
        %get3A_1839 = tpu.memref_squeeze %get3A_1838 : memref<1x80x128xf32, #tpu.memory_space<vmem>> -> memref<80x128xf32, #tpu.memory_space<vmem>>
        %get3A_1840 = arith.index_cast %add3A_1835 : i32 to index
        %get3A_1841 = arith.constant 0 : index
        %get3A_1842 = tpu.vector_load %get3A_1839[%get3A_1840, %get3A_1841] {strides = array<i32>} : memref<80x128xf32, #tpu.memory_space<vmem>>, vector<16xf32>,
        %get3A_1843 = arith.constant 0 : i32
        %get3A_1844 = arith.constant 0 : i32
        %get3A_1845 = tpu.memref_slice %arg11[%and3A_107, %get3A_1843, %get3A_1844] : memref<2x80x128xf32, #tpu.memory_space<vmem>> -> memref<1x80x128xf32, #tpu.memory_space<vmem>>
        %get3A_1846 = tpu.memref_squeeze %get3A_1845 : memref<1x80x128xf32, #tpu.memory_space<vmem>> -> memref<80x128xf32, #tpu.memory_space<vmem>>
        %get3A_1847 = arith.index_cast %add3A_1835 : i32 to index
        %get3A_1848 = arith.constant 0 : index
        %get3A_1849 = tpu.vector_load %get3A_1846[%get3A_1847, %get3A_1848] {strides = array<i32>} : memref<80x128xf32, #tpu.memory_space<vmem>>, vector<16xf32>,
        %mul3A_1850 = arith.mulf %get3A_1842, %get3A_1849 : vector<16xf32>
        %get3A_1851 = arith.constant 0 : i32
        %get3A_1852 = arith.constant 0 : i32
        %get3A_1853 = tpu.memref_slice %arg10[%and3A_107, %get3A_1851, %get3A_1852] : memref<2x80x128xf32, #tpu.memory_space<vmem>> -> memref<1x80x128xf32, #tpu.memory_space<vmem>>
        %get3A_1854 = tpu.memref_squeeze %get3A_1853 : memref<1x80x128xf32, #tpu.memory_space<vmem>> -> memref<80x128xf32, #tpu.memory_space<vmem>>
        %get3A_1855 = arith.index_cast %add3A_1835 : i32 to index
        %get3A_1856 = arith.constant 16 : index
        %get3A_1857 = tpu.vector_load %get3A_1854[%get3A_1855, %get3A_1856] {strides = array<i32>} : memref<80x128xf32, #tpu.memory_space<vmem>>, vector<16xf32>,
        %get3A_1858 = arith.constant 0 : i32
        %get3A_1859 = arith.constant 0 : i32
        %get3A_1860 = tpu.memref_slice %arg11[%and3A_107, %get3A_1858, %get3A_1859] : memref<2x80x128xf32, #tpu.memory_space<vmem>> -> memref<1x80x128xf32, #tpu.memory_space<vmem>>
        %get3A_1861 = tpu.memref_squeeze %get3A_1860 : memref<1x80x128xf32, #tpu.memory_space<vmem>> -> memref<80x128xf32, #tpu.memory_space<vmem>>
        %get3A_1862 = arith.index_cast %add3A_1835 : i32 to index
        %get3A_1863 = arith.constant 16 : index
        %get3A_1864 = tpu.vector_load %get3A_1861[%get3A_1862, %get3A_1863] {strides = array<i32>} : memref<80x128xf32, #tpu.memory_space<vmem>>, vector<16xf32>,
        %mul3A_1865 = arith.mulf %get3A_1857, %get3A_1864 : vector<16xf32>
        %get3A_1866 = arith.constant 0 : i32
        %get3A_1867 = arith.constant 0 : i32
        %get3A_1868 = tpu.memref_slice %arg10[%and3A_107, %get3A_1866, %get3A_1867] : memref<2x80x128xf32, #tpu.memory_space<vmem>> -> memref<1x80x128xf32, #tpu.memory_space<vmem>>
        %get3A_1869 = tpu.memref_squeeze %get3A_1868 : memref<1x80x128xf32, #tpu.memory_space<vmem>> -> memref<80x128xf32, #tpu.memory_space<vmem>>
        %get3A_1870 = arith.index_cast %add3A_1835 : i32 to index
        %get3A_1871 = arith.constant 32 : index
        %get3A_1872 = tpu.vector_load %get3A_1869[%get3A_1870, %get3A_1871] {strides = array<i32>} : memref<80x128xf32, #tpu.memory_space<vmem>>, vector<16xf32>,
        %get3A_1873 = arith.constant 0 : i32
        %get3A_1874 = arith.constant 0 : i32
        %get3A_1875 = tpu.memref_slice %arg11[%and3A_107, %get3A_1873, %get3A_1874] : memref<2x80x128xf32, #tpu.memory_space<vmem>> -> memref<1x80x128xf32, #tpu.memory_space<vmem>>
        %get3A_1876 = tpu.memref_squeeze %get3A_1875 : memref<1x80x128xf32, #tpu.memory_space<vmem>> -> memref<80x128xf32, #tpu.memory_space<vmem>>
        %get3A_1877 = arith.index_cast %add3A_1835 : i32 to index
        %get3A_1878 = arith.constant 32 : index
        %get3A_1879 = tpu.vector_load %get3A_1876[%get3A_1877, %get3A_1878] {strides = array<i32>} : memref<80x128xf32, #tpu.memory_space<vmem>>, vector<16xf32>,
        %mul3A_1880 = arith.mulf %get3A_1872, %get3A_1879 : vector<16xf32>
        %get3A_1881 = arith.constant 0 : i32
        %get3A_1882 = arith.constant 0 : i32
        %get3A_1883 = tpu.memref_slice %arg10[%and3A_107, %get3A_1881, %get3A_1882] : memref<2x80x128xf32, #tpu.memory_space<vmem>> -> memref<1x80x128xf32, #tpu.memory_space<vmem>>
        %get3A_1884 = tpu.memref_squeeze %get3A_1883 : memref<1x80x128xf32, #tpu.memory_space<vmem>> -> memref<80x128xf32, #tpu.memory_space<vmem>>
        %get3A_1885 = arith.index_cast %add3A_1835 : i32 to index
        %get3A_1886 = arith.constant 48 : index
        %get3A_1887 = tpu.vector_load %get3A_1884[%get3A_1885, %get3A_1886] {strides = array<i32>} : memref<80x128xf32, #tpu.memory_space<vmem>>, vector<16xf32>,
        %get3A_1888 = arith.constant 0 : i32
        %get3A_1889 = arith.constant 0 : i32
        %get3A_1890 = tpu.memref_slice %arg11[%and3A_107, %get3A_1888, %get3A_1889] : memref<2x80x128xf32, #tpu.memory_space<vmem>> -> memref<1x80x128xf32, #tpu.memory_space<vmem>>
        %get3A_1891 = tpu.memref_squeeze %get3A_1890 : memref<1x80x128xf32, #tpu.memory_space<vmem>> -> memref<80x128xf32, #tpu.memory_space<vmem>>
        %get3A_1892 = arith.index_cast %add3A_1835 : i32 to index
        %get3A_1893 = arith.constant 48 : index
        %get3A_1894 = tpu.vector_load %get3A_1891[%get3A_1892, %get3A_1893] {strides = array<i32>} : memref<80x128xf32, #tpu.memory_space<vmem>>, vector<16xf32>,
        %mul3A_1895 = arith.mulf %get3A_1887, %get3A_1894 : vector<16xf32>
        %get3A_1896 = arith.constant 0 : i32
        %get3A_1897 = arith.constant 0 : i32
        %get3A_1898 = tpu.memref_slice %arg10[%and3A_107, %get3A_1896, %get3A_1897] : memref<2x80x128xf32, #tpu.memory_space<vmem>> -> memref<1x80x128xf32, #tpu.memory_space<vmem>>
        %get3A_1899 = tpu.memref_squeeze %get3A_1898 : memref<1x80x128xf32, #tpu.memory_space<vmem>> -> memref<80x128xf32, #tpu.memory_space<vmem>>
        %get3A_1900 = arith.index_cast %add3A_1835 : i32 to index
        %get3A_1901 = arith.constant 64 : index
        %get3A_1902 = tpu.vector_load %get3A_1899[%get3A_1900, %get3A_1901] {strides = array<i32>} : memref<80x128xf32, #tpu.memory_space<vmem>>, vector<16xf32>,
        %get3A_1903 = arith.constant 0 : i32
        %get3A_1904 = arith.constant 0 : i32
        %get3A_1905 = tpu.memref_slice %arg11[%and3A_107, %get3A_1903, %get3A_1904] : memref<2x80x128xf32, #tpu.memory_space<vmem>> -> memref<1x80x128xf32, #tpu.memory_space<vmem>>
        %get3A_1906 = tpu.memref_squeeze %get3A_1905 : memref<1x80x128xf32, #tpu.memory_space<vmem>> -> memref<80x128xf32, #tpu.memory_space<vmem>>
        %get3A_1907 = arith.index_cast %add3A_1835 : i32 to index
        %get3A_1908 = arith.constant 64 : index
        %get3A_1909 = tpu.vector_load %get3A_1906[%get3A_1907, %get3A_1908] {strides = array<i32>} : memref<80x128xf32, #tpu.memory_space<vmem>>, vector<16xf32>,
        %mul3A_1910 = arith.mulf %get3A_1902, %get3A_1909 : vector<16xf32>
        %get3A_1911 = arith.constant 0 : i32
        %get3A_1912 = arith.constant 0 : i32
        %get3A_1913 = tpu.memref_slice %arg10[%and3A_107, %get3A_1911, %get3A_1912] : memref<2x80x128xf32, #tpu.memory_space<vmem>> -> memref<1x80x128xf32, #tpu.memory_space<vmem>>
        %get3A_1914 = tpu.memref_squeeze %get3A_1913 : memref<1x80x128xf32, #tpu.memory_space<vmem>> -> memref<80x128xf32, #tpu.memory_space<vmem>>
        %get3A_1915 = arith.index_cast %add3A_1835 : i32 to index
        %get3A_1916 = arith.constant 80 : index
        %get3A_1917 = tpu.vector_load %get3A_1914[%get3A_1915, %get3A_1916] {strides = array<i32>} : memref<80x128xf32, #tpu.memory_space<vmem>>, vector<16xf32>,
        %get3A_1918 = arith.constant 0 : i32
        %get3A_1919 = arith.constant 0 : i32
        %get3A_1920 = tpu.memref_slice %arg11[%and3A_107, %get3A_1918, %get3A_1919] : memref<2x80x128xf32, #tpu.memory_space<vmem>> -> memref<1x80x128xf32, #tpu.memory_space<vmem>>
        %get3A_1921 = tpu.memref_squeeze %get3A_1920 : memref<1x80x128xf32, #tpu.memory_space<vmem>> -> memref<80x128xf32, #tpu.memory_space<vmem>>
        %get3A_1922 = arith.index_cast %add3A_1835 : i32 to index
        %get3A_1923 = arith.constant 80 : index
        %get3A_1924 = tpu.vector_load %get3A_1921[%get3A_1922, %get3A_1923] {strides = array<i32>} : memref<80x128xf32, #tpu.memory_space<vmem>>, vector<16xf32>,
        %mul3A_1925 = arith.mulf %get3A_1917, %get3A_1924 : vector<16xf32>
        %get3A_1926 = arith.constant 0 : i32
        %get3A_1927 = arith.constant 0 : i32
        %get3A_1928 = tpu.memref_slice %arg10[%and3A_107, %get3A_1926, %get3A_1927] : memref<2x80x128xf32, #tpu.memory_space<vmem>> -> memref<1x80x128xf32, #tpu.memory_space<vmem>>
        %get3A_1929 = tpu.memref_squeeze %get3A_1928 : memref<1x80x128xf32, #tpu.memory_space<vmem>> -> memref<80x128xf32, #tpu.memory_space<vmem>>
        %get3A_1930 = arith.index_cast %add3A_1835 : i32 to index
        %get3A_1931 = arith.constant 96 : index
        %get3A_1932 = tpu.vector_load %get3A_1929[%get3A_1930, %get3A_1931] {strides = array<i32>} : memref<80x128xf32, #tpu.memory_space<vmem>>, vector<16xf32>,
        %get3A_1933 = arith.constant 0 : i32
        %get3A_1934 = arith.constant 0 : i32
        %get3A_1935 = tpu.memref_slice %arg11[%and3A_107, %get3A_1933, %get3A_1934] : memref<2x80x128xf32, #tpu.memory_space<vmem>> -> memref<1x80x128xf32, #tpu.memory_space<vmem>>
        %get3A_1936 = tpu.memref_squeeze %get3A_1935 : memref<1x80x128xf32, #tpu.memory_space<vmem>> -> memref<80x128xf32, #tpu.memory_space<vmem>>
        %get3A_1937 = arith.index_cast %add3A_1835 : i32 to index
        %get3A_1938 = arith.constant 96 : index
        %get3A_1939 = tpu.vector_load %get3A_1936[%get3A_1937, %get3A_1938] {strides = array<i32>} : memref<80x128xf32, #tpu.memory_space<vmem>>, vector<16xf32>,
        %mul3A_1940 = arith.mulf %get3A_1932, %get3A_1939 : vector<16xf32>
        %get3A_1941 = arith.constant 0 : i32
        %get3A_1942 = arith.constant 0 : i32
        %get3A_1943 = tpu.memref_slice %arg10[%and3A_107, %get3A_1941, %get3A_1942] : memref<2x80x128xf32, #tpu.memory_space<vmem>> -> memref<1x80x128xf32, #tpu.memory_space<vmem>>
        %get3A_1944 = tpu.memref_squeeze %get3A_1943 : memref<1x80x128xf32, #tpu.memory_space<vmem>> -> memref<80x128xf32, #tpu.memory_space<vmem>>
        %get3A_1945 = arith.index_cast %add3A_1835 : i32 to index
        %get3A_1946 = arith.constant 112 : index
        %get3A_1947 = tpu.vector_load %get3A_1944[%get3A_1945, %get3A_1946] {strides = array<i32>} : memref<80x128xf32, #tpu.memory_space<vmem>>, vector<16xf32>,
        %get3A_1948 = arith.constant 0 : i32
        %get3A_1949 = arith.constant 0 : i32
        %get3A_1950 = tpu.memref_slice %arg11[%and3A_107, %get3A_1948, %get3A_1949] : memref<2x80x128xf32, #tpu.memory_space<vmem>> -> memref<1x80x128xf32, #tpu.memory_space<vmem>>
        %get3A_1951 = tpu.memref_squeeze %get3A_1950 : memref<1x80x128xf32, #tpu.memory_space<vmem>> -> memref<80x128xf32, #tpu.memory_space<vmem>>
        %get3A_1952 = arith.index_cast %add3A_1835 : i32 to index
        %get3A_1953 = arith.constant 112 : index
        %get3A_1954 = tpu.vector_load %get3A_1951[%get3A_1952, %get3A_1953] {strides = array<i32>} : memref<80x128xf32, #tpu.memory_space<vmem>>, vector<16xf32>,
        %mul3A_1955 = arith.mulf %get3A_1947, %get3A_1954 : vector<16xf32>
        %add3A_1956 = arith.addf %mul3A_1850, %mul3A_1865 : vector<16xf32>
        %add3A_1957 = arith.addf %mul3A_1880, %mul3A_1895 : vector<16xf32>
        %add3A_1958 = arith.addf %mul3A_1910, %mul3A_1925 : vector<16xf32>
        %add3A_1959 = arith.addf %mul3A_1940, %mul3A_1955 : vector<16xf32>
        %add3A_1960 = arith.addf %add3A_1956, %add3A_1957 : vector<16xf32>
        %add3A_1961 = arith.addf %add3A_1958, %add3A_1959 : vector<16xf32>
        %add3A_1962 = arith.addf %add3A_1960, %add3A_1961 : vector<16xf32>
        %swap3A_1963 = arith.index_cast %add3A_1835 : i32 to index
        %swap3A_1964 = arith.constant 0 : index
        %swap3A_1965 = tpu.vector_load %arg12[%swap3A_1963, %swap3A_1964] {strides = array<i32>} : memref<80x17xf32, #tpu.memory_space<vmem>>, vector<16xf32>,
        tpu.vector_store %arg12[%swap3A_1963, %swap3A_1964], %add3A_1962 {strides = array<i32>} : memref<80x17xf32, #tpu.memory_space<vmem>>, vector<16xf32>,
        %add3A_1966 = arith.constant 14 : i32
        %add3A_1967 = arith.addi %mul3A_119, %add3A_1966 : i32
        %get3A_1968 = arith.constant 0 : i32
        %get3A_1969 = arith.constant 0 : i32
        %get3A_1970 = tpu.memref_slice %arg10[%and3A_107, %get3A_1968, %get3A_1969] : memref<2x80x128xf32, #tpu.memory_space<vmem>> -> memref<1x80x128xf32, #tpu.memory_space<vmem>>
        %get3A_1971 = tpu.memref_squeeze %get3A_1970 : memref<1x80x128xf32, #tpu.memory_space<vmem>> -> memref<80x128xf32, #tpu.memory_space<vmem>>
        %get3A_1972 = arith.index_cast %add3A_1967 : i32 to index
        %get3A_1973 = arith.constant 0 : index
        %get3A_1974 = tpu.vector_load %get3A_1971[%get3A_1972, %get3A_1973] {strides = array<i32>} : memref<80x128xf32, #tpu.memory_space<vmem>>, vector<16xf32>,
        %get3A_1975 = arith.constant 0 : i32
        %get3A_1976 = arith.constant 0 : i32
        %get3A_1977 = tpu.memref_slice %arg11[%and3A_107, %get3A_1975, %get3A_1976] : memref<2x80x128xf32, #tpu.memory_space<vmem>> -> memref<1x80x128xf32, #tpu.memory_space<vmem>>
        %get3A_1978 = tpu.memref_squeeze %get3A_1977 : memref<1x80x128xf32, #tpu.memory_space<vmem>> -> memref<80x128xf32, #tpu.memory_space<vmem>>
        %get3A_1979 = arith.index_cast %add3A_1967 : i32 to index
        %get3A_1980 = arith.constant 0 : index
        %get3A_1981 = tpu.vector_load %get3A_1978[%get3A_1979, %get3A_1980] {strides = array<i32>} : memref<80x128xf32, #tpu.memory_space<vmem>>, vector<16xf32>,
        %mul3A_1982 = arith.mulf %get3A_1974, %get3A_1981 : vector<16xf32>
        %get3A_1983 = arith.constant 0 : i32
        %get3A_1984 = arith.constant 0 : i32
        %get3A_1985 = tpu.memref_slice %arg10[%and3A_107, %get3A_1983, %get3A_1984] : memref<2x80x128xf32, #tpu.memory_space<vmem>> -> memref<1x80x128xf32, #tpu.memory_space<vmem>>
        %get3A_1986 = tpu.memref_squeeze %get3A_1985 : memref<1x80x128xf32, #tpu.memory_space<vmem>> -> memref<80x128xf32, #tpu.memory_space<vmem>>
        %get3A_1987 = arith.index_cast %add3A_1967 : i32 to index
        %get3A_1988 = arith.constant 16 : index
        %get3A_1989 = tpu.vector_load %get3A_1986[%get3A_1987, %get3A_1988] {strides = array<i32>} : memref<80x128xf32, #tpu.memory_space<vmem>>, vector<16xf32>,
        %get3A_1990 = arith.constant 0 : i32
        %get3A_1991 = arith.constant 0 : i32
        %get3A_1992 = tpu.memref_slice %arg11[%and3A_107, %get3A_1990, %get3A_1991] : memref<2x80x128xf32, #tpu.memory_space<vmem>> -> memref<1x80x128xf32, #tpu.memory_space<vmem>>
        %get3A_1993 = tpu.memref_squeeze %get3A_1992 : memref<1x80x128xf32, #tpu.memory_space<vmem>> -> memref<80x128xf32, #tpu.memory_space<vmem>>
        %get3A_1994 = arith.index_cast %add3A_1967 : i32 to index
        %get3A_1995 = arith.constant 16 : index
        %get3A_1996 = tpu.vector_load %get3A_1993[%get3A_1994, %get3A_1995] {strides = array<i32>} : memref<80x128xf32, #tpu.memory_space<vmem>>, vector<16xf32>,
        %mul3A_1997 = arith.mulf %get3A_1989, %get3A_1996 : vector<16xf32>
        %get3A_1998 = arith.constant 0 : i32
        %get3A_1999 = arith.constant 0 : i32
        %get3A_2000 = tpu.memref_slice %arg10[%and3A_107, %get3A_1998, %get3A_1999] : memref<2x80x128xf32, #tpu.memory_space<vmem>> -> memref<1x80x128xf32, #tpu.memory_space<vmem>>
        %get3A_2001 = tpu.memref_squeeze %get3A_2000 : memref<1x80x128xf32, #tpu.memory_space<vmem>> -> memref<80x128xf32, #tpu.memory_space<vmem>>
        %get3A_2002 = arith.index_cast %add3A_1967 : i32 to index
        %get3A_2003 = arith.constant 32 : index
        %get3A_2004 = tpu.vector_load %get3A_2001[%get3A_2002, %get3A_2003] {strides = array<i32>} : memref<80x128xf32, #tpu.memory_space<vmem>>, vector<16xf32>,
        %get3A_2005 = arith.constant 0 : i32
        %get3A_2006 = arith.constant 0 : i32
        %get3A_2007 = tpu.memref_slice %arg11[%and3A_107, %get3A_2005, %get3A_2006] : memref<2x80x128xf32, #tpu.memory_space<vmem>> -> memref<1x80x128xf32, #tpu.memory_space<vmem>>
        %get3A_2008 = tpu.memref_squeeze %get3A_2007 : memref<1x80x128xf32, #tpu.memory_space<vmem>> -> memref<80x128xf32, #tpu.memory_space<vmem>>
        %get3A_2009 = arith.index_cast %add3A_1967 : i32 to index
        %get3A_2010 = arith.constant 32 : index
        %get3A_2011 = tpu.vector_load %get3A_2008[%get3A_2009, %get3A_2010] {strides = array<i32>} : memref<80x128xf32, #tpu.memory_space<vmem>>, vector<16xf32>,
        %mul3A_2012 = arith.mulf %get3A_2004, %get3A_2011 : vector<16xf32>
        %get3A_2013 = arith.constant 0 : i32
        %get3A_2014 = arith.constant 0 : i32
        %get3A_2015 = tpu.memref_slice %arg10[%and3A_107, %get3A_2013, %get3A_2014] : memref<2x80x128xf32, #tpu.memory_space<vmem>> -> memref<1x80x128xf32, #tpu.memory_space<vmem>>
        %get3A_2016 = tpu.memref_squeeze %get3A_2015 : memref<1x80x128xf32, #tpu.memory_space<vmem>> -> memref<80x128xf32, #tpu.memory_space<vmem>>
        %get3A_2017 = arith.index_cast %add3A_1967 : i32 to index
        %get3A_2018 = arith.constant 48 : index
        %get3A_2019 = tpu.vector_load %get3A_2016[%get3A_2017, %get3A_2018] {strides = array<i32>} : memref<80x128xf32, #tpu.memory_space<vmem>>, vector<16xf32>,
        %get3A_2020 = arith.constant 0 : i32
        %get3A_2021 = arith.constant 0 : i32
        %get3A_2022 = tpu.memref_slice %arg11[%and3A_107, %get3A_2020, %get3A_2021] : memref<2x80x128xf32, #tpu.memory_space<vmem>> -> memref<1x80x128xf32, #tpu.memory_space<vmem>>
        %get3A_2023 = tpu.memref_squeeze %get3A_2022 : memref<1x80x128xf32, #tpu.memory_space<vmem>> -> memref<80x128xf32, #tpu.memory_space<vmem>>
        %get3A_2024 = arith.index_cast %add3A_1967 : i32 to index
        %get3A_2025 = arith.constant 48 : index
        %get3A_2026 = tpu.vector_load %get3A_2023[%get3A_2024, %get3A_2025] {strides = array<i32>} : memref<80x128xf32, #tpu.memory_space<vmem>>, vector<16xf32>,
        %mul3A_2027 = arith.mulf %get3A_2019, %get3A_2026 : vector<16xf32>
        %get3A_2028 = arith.constant 0 : i32
        %get3A_2029 = arith.constant 0 : i32
        %get3A_2030 = tpu.memref_slice %arg10[%and3A_107, %get3A_2028, %get3A_2029] : memref<2x80x128xf32, #tpu.memory_space<vmem>> -> memref<1x80x128xf32, #tpu.memory_space<vmem>>
        %get3A_2031 = tpu.memref_squeeze %get3A_2030 : memref<1x80x128xf32, #tpu.memory_space<vmem>> -> memref<80x128xf32, #tpu.memory_space<vmem>>
        %get3A_2032 = arith.index_cast %add3A_1967 : i32 to index
        %get3A_2033 = arith.constant 64 : index
        %get3A_2034 = tpu.vector_load %get3A_2031[%get3A_2032, %get3A_2033] {strides = array<i32>} : memref<80x128xf32, #tpu.memory_space<vmem>>, vector<16xf32>,
        %get3A_2035 = arith.constant 0 : i32
        %get3A_2036 = arith.constant 0 : i32
        %get3A_2037 = tpu.memref_slice %arg11[%and3A_107, %get3A_2035, %get3A_2036] : memref<2x80x128xf32, #tpu.memory_space<vmem>> -> memref<1x80x128xf32, #tpu.memory_space<vmem>>
        %get3A_2038 = tpu.memref_squeeze %get3A_2037 : memref<1x80x128xf32, #tpu.memory_space<vmem>> -> memref<80x128xf32, #tpu.memory_space<vmem>>
        %get3A_2039 = arith.index_cast %add3A_1967 : i32 to index
        %get3A_2040 = arith.constant 64 : index
        %get3A_2041 = tpu.vector_load %get3A_2038[%get3A_2039, %get3A_2040] {strides = array<i32>} : memref<80x128xf32, #tpu.memory_space<vmem>>, vector<16xf32>,
        %mul3A_2042 = arith.mulf %get3A_2034, %get3A_2041 : vector<16xf32>
        %get3A_2043 = arith.constant 0 : i32
        %get3A_2044 = arith.constant 0 : i32
        %get3A_2045 = tpu.memref_slice %arg10[%and3A_107, %get3A_2043, %get3A_2044] : memref<2x80x128xf32, #tpu.memory_space<vmem>> -> memref<1x80x128xf32, #tpu.memory_space<vmem>>
        %get3A_2046 = tpu.memref_squeeze %get3A_2045 : memref<1x80x128xf32, #tpu.memory_space<vmem>> -> memref<80x128xf32, #tpu.memory_space<vmem>>
        %get3A_2047 = arith.index_cast %add3A_1967 : i32 to index
        %get3A_2048 = arith.constant 80 : index
        %get3A_2049 = tpu.vector_load %get3A_2046[%get3A_2047, %get3A_2048] {strides = array<i32>} : memref<80x128xf32, #tpu.memory_space<vmem>>, vector<16xf32>,
        %get3A_2050 = arith.constant 0 : i32
        %get3A_2051 = arith.constant 0 : i32
        %get3A_2052 = tpu.memref_slice %arg11[%and3A_107, %get3A_2050, %get3A_2051] : memref<2x80x128xf32, #tpu.memory_space<vmem>> -> memref<1x80x128xf32, #tpu.memory_space<vmem>>
        %get3A_2053 = tpu.memref_squeeze %get3A_2052 : memref<1x80x128xf32, #tpu.memory_space<vmem>> -> memref<80x128xf32, #tpu.memory_space<vmem>>
        %get3A_2054 = arith.index_cast %add3A_1967 : i32 to index
        %get3A_2055 = arith.constant 80 : index
        %get3A_2056 = tpu.vector_load %get3A_2053[%get3A_2054, %get3A_2055] {strides = array<i32>} : memref<80x128xf32, #tpu.memory_space<vmem>>, vector<16xf32>,
        %mul3A_2057 = arith.mulf %get3A_2049, %get3A_2056 : vector<16xf32>
        %get3A_2058 = arith.constant 0 : i32
        %get3A_2059 = arith.constant 0 : i32
        %get3A_2060 = tpu.memref_slice %arg10[%and3A_107, %get3A_2058, %get3A_2059] : memref<2x80x128xf32, #tpu.memory_space<vmem>> -> memref<1x80x128xf32, #tpu.memory_space<vmem>>
        %get3A_2061 = tpu.memref_squeeze %get3A_2060 : memref<1x80x128xf32, #tpu.memory_space<vmem>> -> memref<80x128xf32, #tpu.memory_space<vmem>>
        %get3A_2062 = arith.index_cast %add3A_1967 : i32 to index
        %get3A_2063 = arith.constant 96 : index
        %get3A_2064 = tpu.vector_load %get3A_2061[%get3A_2062, %get3A_2063] {strides = array<i32>} : memref<80x128xf32, #tpu.memory_space<vmem>>, vector<16xf32>,
        %get3A_2065 = arith.constant 0 : i32
        %get3A_2066 = arith.constant 0 : i32
        %get3A_2067 = tpu.memref_slice %arg11[%and3A_107, %get3A_2065, %get3A_2066] : memref<2x80x128xf32, #tpu.memory_space<vmem>> -> memref<1x80x128xf32, #tpu.memory_space<vmem>>
        %get3A_2068 = tpu.memref_squeeze %get3A_2067 : memref<1x80x128xf32, #tpu.memory_space<vmem>> -> memref<80x128xf32, #tpu.memory_space<vmem>>
        %get3A_2069 = arith.index_cast %add3A_1967 : i32 to index
        %get3A_2070 = arith.constant 96 : index
        %get3A_2071 = tpu.vector_load %get3A_2068[%get3A_2069, %get3A_2070] {strides = array<i32>} : memref<80x128xf32, #tpu.memory_space<vmem>>, vector<16xf32>,
        %mul3A_2072 = arith.mulf %get3A_2064, %get3A_2071 : vector<16xf32>
        %get3A_2073 = arith.constant 0 : i32
        %get3A_2074 = arith.constant 0 : i32
        %get3A_2075 = tpu.memref_slice %arg10[%and3A_107, %get3A_2073, %get3A_2074] : memref<2x80x128xf32, #tpu.memory_space<vmem>> -> memref<1x80x128xf32, #tpu.memory_space<vmem>>
        %get3A_2076 = tpu.memref_squeeze %get3A_2075 : memref<1x80x128xf32, #tpu.memory_space<vmem>> -> memref<80x128xf32, #tpu.memory_space<vmem>>
        %get3A_2077 = arith.index_cast %add3A_1967 : i32 to index
        %get3A_2078 = arith.constant 112 : index
        %get3A_2079 = tpu.vector_load %get3A_2076[%get3A_2077, %get3A_2078] {strides = array<i32>} : memref<80x128xf32, #tpu.memory_space<vmem>>, vector<16xf32>,
        %get3A_2080 = arith.constant 0 : i32
        %get3A_2081 = arith.constant 0 : i32
        %get3A_2082 = tpu.memref_slice %arg11[%and3A_107, %get3A_2080, %get3A_2081] : memref<2x80x128xf32, #tpu.memory_space<vmem>> -> memref<1x80x128xf32, #tpu.memory_space<vmem>>
        %get3A_2083 = tpu.memref_squeeze %get3A_2082 : memref<1x80x128xf32, #tpu.memory_space<vmem>> -> memref<80x128xf32, #tpu.memory_space<vmem>>
        %get3A_2084 = arith.index_cast %add3A_1967 : i32 to index
        %get3A_2085 = arith.constant 112 : index
        %get3A_2086 = tpu.vector_load %get3A_2083[%get3A_2084, %get3A_2085] {strides = array<i32>} : memref<80x128xf32, #tpu.memory_space<vmem>>, vector<16xf32>,
        %mul3A_2087 = arith.mulf %get3A_2079, %get3A_2086 : vector<16xf32>
        %add3A_2088 = arith.addf %mul3A_1982, %mul3A_1997 : vector<16xf32>
        %add3A_2089 = arith.addf %mul3A_2012, %mul3A_2027 : vector<16xf32>
        %add3A_2090 = arith.addf %mul3A_2042, %mul3A_2057 : vector<16xf32>
        %add3A_2091 = arith.addf %mul3A_2072, %mul3A_2087 : vector<16xf32>
        %add3A_2092 = arith.addf %add3A_2088, %add3A_2089 : vector<16xf32>
        %add3A_2093 = arith.addf %add3A_2090, %add3A_2091 : vector<16xf32>
        %add3A_2094 = arith.addf %add3A_2092, %add3A_2093 : vector<16xf32>
        %swap3A_2095 = arith.index_cast %add3A_1967 : i32 to index
        %swap3A_2096 = arith.constant 0 : index
        %swap3A_2097 = tpu.vector_load %arg12[%swap3A_2095, %swap3A_2096] {strides = array<i32>} : memref<80x17xf32, #tpu.memory_space<vmem>>, vector<16xf32>,
        tpu.vector_store %arg12[%swap3A_2095, %swap3A_2096], %add3A_2094 {strides = array<i32>} : memref<80x17xf32, #tpu.memory_space<vmem>>, vector<16xf32>,
        %add3A_2098 = arith.constant 15 : i32
        %add3A_2099 = arith.addi %mul3A_119, %add3A_2098 : i32
        %get3A_2100 = arith.constant 0 : i32
        %get3A_2101 = arith.constant 0 : i32
        %get3A_2102 = tpu.memref_slice %arg10[%and3A_107, %get3A_2100, %get3A_2101] : memref<2x80x128xf32, #tpu.memory_space<vmem>> -> memref<1x80x128xf32, #tpu.memory_space<vmem>>
        %get3A_2103 = tpu.memref_squeeze %get3A_2102 : memref<1x80x128xf32, #tpu.memory_space<vmem>> -> memref<80x128xf32, #tpu.memory_space<vmem>>
        %get3A_2104 = arith.index_cast %add3A_2099 : i32 to index
        %get3A_2105 = arith.constant 0 : index
        %get3A_2106 = tpu.vector_load %get3A_2103[%get3A_2104, %get3A_2105] {strides = array<i32>} : memref<80x128xf32, #tpu.memory_space<vmem>>, vector<16xf32>,
        %get3A_2107 = arith.constant 0 : i32
        %get3A_2108 = arith.constant 0 : i32
        %get3A_2109 = tpu.memref_slice %arg11[%and3A_107, %get3A_2107, %get3A_2108] : memref<2x80x128xf32, #tpu.memory_space<vmem>> -> memref<1x80x128xf32, #tpu.memory_space<vmem>>
        %get3A_2110 = tpu.memref_squeeze %get3A_2109 : memref<1x80x128xf32, #tpu.memory_space<vmem>> -> memref<80x128xf32, #tpu.memory_space<vmem>>
        %get3A_2111 = arith.index_cast %add3A_2099 : i32 to index
        %get3A_2112 = arith.constant 0 : index
        %get3A_2113 = tpu.vector_load %get3A_2110[%get3A_2111, %get3A_2112] {strides = array<i32>} : memref<80x128xf32, #tpu.memory_space<vmem>>, vector<16xf32>,
        %mul3A_2114 = arith.mulf %get3A_2106, %get3A_2113 : vector<16xf32>
        %get3A_2115 = arith.constant 0 : i32
        %get3A_2116 = arith.constant 0 : i32
        %get3A_2117 = tpu.memref_slice %arg10[%and3A_107, %get3A_2115, %get3A_2116] : memref<2x80x128xf32, #tpu.memory_space<vmem>> -> memref<1x80x128xf32, #tpu.memory_space<vmem>>
        %get3A_2118 = tpu.memref_squeeze %get3A_2117 : memref<1x80x128xf32, #tpu.memory_space<vmem>> -> memref<80x128xf32, #tpu.memory_space<vmem>>
        %get3A_2119 = arith.index_cast %add3A_2099 : i32 to index
        %get3A_2120 = arith.constant 16 : index
        %get3A_2121 = tpu.vector_load %get3A_2118[%get3A_2119, %get3A_2120] {strides = array<i32>} : memref<80x128xf32, #tpu.memory_space<vmem>>, vector<16xf32>,
        %get3A_2122 = arith.constant 0 : i32
        %get3A_2123 = arith.constant 0 : i32
        %get3A_2124 = tpu.memref_slice %arg11[%and3A_107, %get3A_2122, %get3A_2123] : memref<2x80x128xf32, #tpu.memory_space<vmem>> -> memref<1x80x128xf32, #tpu.memory_space<vmem>>
        %get3A_2125 = tpu.memref_squeeze %get3A_2124 : memref<1x80x128xf32, #tpu.memory_space<vmem>> -> memref<80x128xf32, #tpu.memory_space<vmem>>
        %get3A_2126 = arith.index_cast %add3A_2099 : i32 to index
        %get3A_2127 = arith.constant 16 : index
        %get3A_2128 = tpu.vector_load %get3A_2125[%get3A_2126, %get3A_2127] {strides = array<i32>} : memref<80x128xf32, #tpu.memory_space<vmem>>, vector<16xf32>,
        %mul3A_2129 = arith.mulf %get3A_2121, %get3A_2128 : vector<16xf32>
        %get3A_2130 = arith.constant 0 : i32
        %get3A_2131 = arith.constant 0 : i32
        %get3A_2132 = tpu.memref_slice %arg10[%and3A_107, %get3A_2130, %get3A_2131] : memref<2x80x128xf32, #tpu.memory_space<vmem>> -> memref<1x80x128xf32, #tpu.memory_space<vmem>>
        %get3A_2133 = tpu.memref_squeeze %get3A_2132 : memref<1x80x128xf32, #tpu.memory_space<vmem>> -> memref<80x128xf32, #tpu.memory_space<vmem>>
        %get3A_2134 = arith.index_cast %add3A_2099 : i32 to index
        %get3A_2135 = arith.constant 32 : index
        %get3A_2136 = tpu.vector_load %get3A_2133[%get3A_2134, %get3A_2135] {strides = array<i32>} : memref<80x128xf32, #tpu.memory_space<vmem>>, vector<16xf32>,
        %get3A_2137 = arith.constant 0 : i32
        %get3A_2138 = arith.constant 0 : i32
        %get3A_2139 = tpu.memref_slice %arg11[%and3A_107, %get3A_2137, %get3A_2138] : memref<2x80x128xf32, #tpu.memory_space<vmem>> -> memref<1x80x128xf32, #tpu.memory_space<vmem>>
        %get3A_2140 = tpu.memref_squeeze %get3A_2139 : memref<1x80x128xf32, #tpu.memory_space<vmem>> -> memref<80x128xf32, #tpu.memory_space<vmem>>
        %get3A_2141 = arith.index_cast %add3A_2099 : i32 to index
        %get3A_2142 = arith.constant 32 : index
        %get3A_2143 = tpu.vector_load %get3A_2140[%get3A_2141, %get3A_2142] {strides = array<i32>} : memref<80x128xf32, #tpu.memory_space<vmem>>, vector<16xf32>,
        %mul3A_2144 = arith.mulf %get3A_2136, %get3A_2143 : vector<16xf32>
        %get3A_2145 = arith.constant 0 : i32
        %get3A_2146 = arith.constant 0 : i32
        %get3A_2147 = tpu.memref_slice %arg10[%and3A_107, %get3A_2145, %get3A_2146] : memref<2x80x128xf32, #tpu.memory_space<vmem>> -> memref<1x80x128xf32, #tpu.memory_space<vmem>>
        %get3A_2148 = tpu.memref_squeeze %get3A_2147 : memref<1x80x128xf32, #tpu.memory_space<vmem>> -> memref<80x128xf32, #tpu.memory_space<vmem>>
        %get3A_2149 = arith.index_cast %add3A_2099 : i32 to index
        %get3A_2150 = arith.constant 48 : index
        %get3A_2151 = tpu.vector_load %get3A_2148[%get3A_2149, %get3A_2150] {strides = array<i32>} : memref<80x128xf32, #tpu.memory_space<vmem>>, vector<16xf32>,
        %get3A_2152 = arith.constant 0 : i32
        %get3A_2153 = arith.constant 0 : i32
        %get3A_2154 = tpu.memref_slice %arg11[%and3A_107, %get3A_2152, %get3A_2153] : memref<2x80x128xf32, #tpu.memory_space<vmem>> -> memref<1x80x128xf32, #tpu.memory_space<vmem>>
        %get3A_2155 = tpu.memref_squeeze %get3A_2154 : memref<1x80x128xf32, #tpu.memory_space<vmem>> -> memref<80x128xf32, #tpu.memory_space<vmem>>
        %get3A_2156 = arith.index_cast %add3A_2099 : i32 to index
        %get3A_2157 = arith.constant 48 : index
        %get3A_2158 = tpu.vector_load %get3A_2155[%get3A_2156, %get3A_2157] {strides = array<i32>} : memref<80x128xf32, #tpu.memory_space<vmem>>, vector<16xf32>,
        %mul3A_2159 = arith.mulf %get3A_2151, %get3A_2158 : vector<16xf32>
        %get3A_2160 = arith.constant 0 : i32
        %get3A_2161 = arith.constant 0 : i32
        %get3A_2162 = tpu.memref_slice %arg10[%and3A_107, %get3A_2160, %get3A_2161] : memref<2x80x128xf32, #tpu.memory_space<vmem>> -> memref<1x80x128xf32, #tpu.memory_space<vmem>>
        %get3A_2163 = tpu.memref_squeeze %get3A_2162 : memref<1x80x128xf32, #tpu.memory_space<vmem>> -> memref<80x128xf32, #tpu.memory_space<vmem>>
        %get3A_2164 = arith.index_cast %add3A_2099 : i32 to index
        %get3A_2165 = arith.constant 64 : index
        %get3A_2166 = tpu.vector_load %get3A_2163[%get3A_2164, %get3A_2165] {strides = array<i32>} : memref<80x128xf32, #tpu.memory_space<vmem>>, vector<16xf32>,
        %get3A_2167 = arith.constant 0 : i32
        %get3A_2168 = arith.constant 0 : i32
        %get3A_2169 = tpu.memref_slice %arg11[%and3A_107, %get3A_2167, %get3A_2168] : memref<2x80x128xf32, #tpu.memory_space<vmem>> -> memref<1x80x128xf32, #tpu.memory_space<vmem>>
        %get3A_2170 = tpu.memref_squeeze %get3A_2169 : memref<1x80x128xf32, #tpu.memory_space<vmem>> -> memref<80x128xf32, #tpu.memory_space<vmem>>
        %get3A_2171 = arith.index_cast %add3A_2099 : i32 to index
        %get3A_2172 = arith.constant 64 : index
        %get3A_2173 = tpu.vector_load %get3A_2170[%get3A_2171, %get3A_2172] {strides = array<i32>} : memref<80x128xf32, #tpu.memory_space<vmem>>, vector<16xf32>,
        %mul3A_2174 = arith.mulf %get3A_2166, %get3A_2173 : vector<16xf32>
        %get3A_2175 = arith.constant 0 : i32
        %get3A_2176 = arith.constant 0 : i32
        %get3A_2177 = tpu.memref_slice %arg10[%and3A_107, %get3A_2175, %get3A_2176] : memref<2x80x128xf32, #tpu.memory_space<vmem>> -> memref<1x80x128xf32, #tpu.memory_space<vmem>>
        %get3A_2178 = tpu.memref_squeeze %get3A_2177 : memref<1x80x128xf32, #tpu.memory_space<vmem>> -> memref<80x128xf32, #tpu.memory_space<vmem>>
        %get3A_2179 = arith.index_cast %add3A_2099 : i32 to index
        %get3A_2180 = arith.constant 80 : index
        %get3A_2181 = tpu.vector_load %get3A_2178[%get3A_2179, %get3A_2180] {strides = array<i32>} : memref<80x128xf32, #tpu.memory_space<vmem>>, vector<16xf32>,
        %get3A_2182 = arith.constant 0 : i32
        %get3A_2183 = arith.constant 0 : i32
        %get3A_2184 = tpu.memref_slice %arg11[%and3A_107, %get3A_2182, %get3A_2183] : memref<2x80x128xf32, #tpu.memory_space<vmem>> -> memref<1x80x128xf32, #tpu.memory_space<vmem>>
        %get3A_2185 = tpu.memref_squeeze %get3A_2184 : memref<1x80x128xf32, #tpu.memory_space<vmem>> -> memref<80x128xf32, #tpu.memory_space<vmem>>
        %get3A_2186 = arith.index_cast %add3A_2099 : i32 to index
        %get3A_2187 = arith.constant 80 : index
        %get3A_2188 = tpu.vector_load %get3A_2185[%get3A_2186, %get3A_2187] {strides = array<i32>} : memref<80x128xf32, #tpu.memory_space<vmem>>, vector<16xf32>,
        %mul3A_2189 = arith.mulf %get3A_2181, %get3A_2188 : vector<16xf32>
        %get3A_2190 = arith.constant 0 : i32
        %get3A_2191 = arith.constant 0 : i32
        %get3A_2192 = tpu.memref_slice %arg10[%and3A_107, %get3A_2190, %get3A_2191] : memref<2x80x128xf32, #tpu.memory_space<vmem>> -> memref<1x80x128xf32, #tpu.memory_space<vmem>>
        %get3A_2193 = tpu.memref_squeeze %get3A_2192 : memref<1x80x128xf32, #tpu.memory_space<vmem>> -> memref<80x128xf32, #tpu.memory_space<vmem>>
        %get3A_2194 = arith.index_cast %add3A_2099 : i32 to index
        %get3A_2195 = arith.constant 96 : index
        %get3A_2196 = tpu.vector_load %get3A_2193[%get3A_2194, %get3A_2195] {strides = array<i32>} : memref<80x128xf32, #tpu.memory_space<vmem>>, vector<16xf32>,
        %get3A_2197 = arith.constant 0 : i32
        %get3A_2198 = arith.constant 0 : i32
        %get3A_2199 = tpu.memref_slice %arg11[%and3A_107, %get3A_2197, %get3A_2198] : memref<2x80x128xf32, #tpu.memory_space<vmem>> -> memref<1x80x128xf32, #tpu.memory_space<vmem>>
        %get3A_2200 = tpu.memref_squeeze %get3A_2199 : memref<1x80x128xf32, #tpu.memory_space<vmem>> -> memref<80x128xf32, #tpu.memory_space<vmem>>
        %get3A_2201 = arith.index_cast %add3A_2099 : i32 to index
        %get3A_2202 = arith.constant 96 : index
        %get3A_2203 = tpu.vector_load %get3A_2200[%get3A_2201, %get3A_2202] {strides = array<i32>} : memref<80x128xf32, #tpu.memory_space<vmem>>, vector<16xf32>,
        %mul3A_2204 = arith.mulf %get3A_2196, %get3A_2203 : vector<16xf32>
        %get3A_2205 = arith.constant 0 : i32
        %get3A_2206 = arith.constant 0 : i32
        %get3A_2207 = tpu.memref_slice %arg10[%and3A_107, %get3A_2205, %get3A_2206] : memref<2x80x128xf32, #tpu.memory_space<vmem>> -> memref<1x80x128xf32, #tpu.memory_space<vmem>>
        %get3A_2208 = tpu.memref_squeeze %get3A_2207 : memref<1x80x128xf32, #tpu.memory_space<vmem>> -> memref<80x128xf32, #tpu.memory_space<vmem>>
        %get3A_2209 = arith.index_cast %add3A_2099 : i32 to index
        %get3A_2210 = arith.constant 112 : index
        %get3A_2211 = tpu.vector_load %get3A_2208[%get3A_2209, %get3A_2210] {strides = array<i32>} : memref<80x128xf32, #tpu.memory_space<vmem>>, vector<16xf32>,
        %get3A_2212 = arith.constant 0 : i32
        %get3A_2213 = arith.constant 0 : i32
        %get3A_2214 = tpu.memref_slice %arg11[%and3A_107, %get3A_2212, %get3A_2213] : memref<2x80x128xf32, #tpu.memory_space<vmem>> -> memref<1x80x128xf32, #tpu.memory_space<vmem>>
        %get3A_2215 = tpu.memref_squeeze %get3A_2214 : memref<1x80x128xf32, #tpu.memory_space<vmem>> -> memref<80x128xf32, #tpu.memory_space<vmem>>
        %get3A_2216 = arith.index_cast %add3A_2099 : i32 to index
        %get3A_2217 = arith.constant 112 : index
        %get3A_2218 = tpu.vector_load %get3A_2215[%get3A_2216, %get3A_2217] {strides = array<i32>} : memref<80x128xf32, #tpu.memory_space<vmem>>, vector<16xf32>,
        %mul3A_2219 = arith.mulf %get3A_2211, %get3A_2218 : vector<16xf32>
        %add3A_2220 = arith.addf %mul3A_2114, %mul3A_2129 : vector<16xf32>
        %add3A_2221 = arith.addf %mul3A_2144, %mul3A_2159 : vector<16xf32>
        %add3A_2222 = arith.addf %mul3A_2174, %mul3A_2189 : vector<16xf32>
        %add3A_2223 = arith.addf %mul3A_2204, %mul3A_2219 : vector<16xf32>
        %add3A_2224 = arith.addf %add3A_2220, %add3A_2221 : vector<16xf32>
        %add3A_2225 = arith.addf %add3A_2222, %add3A_2223 : vector<16xf32>
        %add3A_2226 = arith.addf %add3A_2224, %add3A_2225 : vector<16xf32>
        %swap3A_2227 = arith.index_cast %add3A_2099 : i32 to index
        %swap3A_2228 = arith.constant 0 : index
        %swap3A_2229 = tpu.vector_load %arg12[%swap3A_2227, %swap3A_2228] {strides = array<i32>} : memref<80x17xf32, #tpu.memory_space<vmem>>, vector<16xf32>,
        tpu.vector_store %arg12[%swap3A_2227, %swap3A_2228], %add3A_2226 {strides = array<i32>} : memref<80x17xf32, #tpu.memory_space<vmem>>, vector<16xf32>,
        %broadcast_in_dim3A = arith.constant 1 : i32
        %broadcast_in_dim3A_2230 = vector.broadcast %broadcast_in_dim3A : i32 to vector<16xi32>
        %broadcast_in_dim3A_2231 = arith.constant 0 : i32
        %broadcast_in_dim3A_2232 = vector.broadcast %broadcast_in_dim3A_2231 : i32 to vector<16xi32>
        %broadcast_in_dim3A_2233 = arith.constant 0.000000e+00 : f32
        %broadcast_in_dim3A_2234 = vector.broadcast %broadcast_in_dim3A_2233 : f32 to vector<16xf32>
        %add3A_2235 = vector.broadcast %mul3A_119 : i32 to vector<16xi32>
        %add3A_2236 = arith.addi %iota3A, %add3A_2235 : vector<16xi32>
        %gather3A = tpu.vector_load_idx %arg12[%add3A_2236, %broadcast_in_dim3A_2232] : memref<80x17xf32, #tpu.memory_space<vmem>>[vector<16xi32>, vector<16xi32>], vector<16xf32>,
        %add3A_2237 = arith.addf %broadcast_in_dim3A_2234, %gather3A : vector<16xf32>
        %add3A_2238 = arith.addi %broadcast_in_dim3A_2232, %broadcast_in_dim3A_2230 : vector<16xi32>
        %gather3A_2239 = tpu.vector_load_idx %arg12[%add3A_2236, %add3A_2238] : memref<80x17xf32, #tpu.memory_space<vmem>>[vector<16xi32>, vector<16xi32>], vector<16xf32>,
        %add3A_2240 = arith.addf %add3A_2237, %gather3A_2239 : vector<16xf32>
        %add3A_2241 = arith.addi %add3A_2238, %broadcast_in_dim3A_2230 : vector<16xi32>
        %gather3A_2242 = tpu.vector_load_idx %arg12[%add3A_2236, %add3A_2241] : memref<80x17xf32, #tpu.memory_space<vmem>>[vector<16xi32>, vector<16xi32>], vector<16xf32>,
        %add3A_2243 = arith.addf %add3A_2240, %gather3A_2242 : vector<16xf32>
        %add3A_2244 = arith.addi %add3A_2241, %broadcast_in_dim3A_2230 : vector<16xi32>
        %gather3A_2245 = tpu.vector_load_idx %arg12[%add3A_2236, %add3A_2244] : memref<80x17xf32, #tpu.memory_space<vmem>>[vector<16xi32>, vector<16xi32>], vector<16xf32>,
        %add3A_2246 = arith.addf %add3A_2243, %gather3A_2245 : vector<16xf32>
        %add3A_2247 = arith.addi %add3A_2244, %broadcast_in_dim3A_2230 : vector<16xi32>
        %gather3A_2248 = tpu.vector_load_idx %arg12[%add3A_2236, %add3A_2247] : memref<80x17xf32, #tpu.memory_space<vmem>>[vector<16xi32>, vector<16xi32>], vector<16xf32>,
        %add3A_2249 = arith.addf %add3A_2246, %gather3A_2248 : vector<16xf32>
        %add3A_2250 = arith.addi %add3A_2247, %broadcast_in_dim3A_2230 : vector<16xi32>
        %gather3A_2251 = tpu.vector_load_idx %arg12[%add3A_2236, %add3A_2250] : memref<80x17xf32, #tpu.memory_space<vmem>>[vector<16xi32>, vector<16xi32>], vector<16xf32>,
        %add3A_2252 = arith.addf %add3A_2249, %gather3A_2251 : vector<16xf32>
        %add3A_2253 = arith.addi %add3A_2250, %broadcast_in_dim3A_2230 : vector<16xi32>
        %gather3A_2254 = tpu.vector_load_idx %arg12[%add3A_2236, %add3A_2253] : memref<80x17xf32, #tpu.memory_space<vmem>>[vector<16xi32>, vector<16xi32>], vector<16xf32>,
        %add3A_2255 = arith.addf %add3A_2252, %gather3A_2254 : vector<16xf32>
        %add3A_2256 = arith.addi %add3A_2253, %broadcast_in_dim3A_2230 : vector<16xi32>
        %gather3A_2257 = tpu.vector_load_idx %arg12[%add3A_2236, %add3A_2256] : memref<80x17xf32, #tpu.memory_space<vmem>>[vector<16xi32>, vector<16xi32>], vector<16xf32>,
        %add3A_2258 = arith.addf %add3A_2255, %gather3A_2257 : vector<16xf32>
        %add3A_2259 = arith.addi %add3A_2256, %broadcast_in_dim3A_2230 : vector<16xi32>
        %gather3A_2260 = tpu.vector_load_idx %arg12[%add3A_2236, %add3A_2259] : memref<80x17xf32, #tpu.memory_space<vmem>>[vector<16xi32>, vector<16xi32>], vector<16xf32>,
        %add3A_2261 = arith.addf %add3A_2258, %gather3A_2260 : vector<16xf32>
        %add3A_2262 = arith.addi %add3A_2259, %broadcast_in_dim3A_2230 : vector<16xi32>
        %gather3A_2263 = tpu.vector_load_idx %arg12[%add3A_2236, %add3A_2262] : memref<80x17xf32, #tpu.memory_space<vmem>>[vector<16xi32>, vector<16xi32>], vector<16xf32>,
        %add3A_2264 = arith.addf %add3A_2261, %gather3A_2263 : vector<16xf32>
        %add3A_2265 = arith.addi %add3A_2262, %broadcast_in_dim3A_2230 : vector<16xi32>
        %gather3A_2266 = tpu.vector_load_idx %arg12[%add3A_2236, %add3A_2265] : memref<80x17xf32, #tpu.memory_space<vmem>>[vector<16xi32>, vector<16xi32>], vector<16xf32>,
        %add3A_2267 = arith.addf %add3A_2264, %gather3A_2266 : vector<16xf32>
        %add3A_2268 = arith.addi %add3A_2265, %broadcast_in_dim3A_2230 : vector<16xi32>
        %gather3A_2269 = tpu.vector_load_idx %arg12[%add3A_2236, %add3A_2268] : memref<80x17xf32, #tpu.memory_space<vmem>>[vector<16xi32>, vector<16xi32>], vector<16xf32>,
        %add3A_2270 = arith.addf %add3A_2267, %gather3A_2269 : vector<16xf32>
        %add3A_2271 = arith.addi %add3A_2268, %broadcast_in_dim3A_2230 : vector<16xi32>
        %gather3A_2272 = tpu.vector_load_idx %arg12[%add3A_2236, %add3A_2271] : memref<80x17xf32, #tpu.memory_space<vmem>>[vector<16xi32>, vector<16xi32>], vector<16xf32>,
        %add3A_2273 = arith.addf %add3A_2270, %gather3A_2272 : vector<16xf32>
        %add3A_2274 = arith.addi %add3A_2271, %broadcast_in_dim3A_2230 : vector<16xi32>
        %gather3A_2275 = tpu.vector_load_idx %arg12[%add3A_2236, %add3A_2274] : memref<80x17xf32, #tpu.memory_space<vmem>>[vector<16xi32>, vector<16xi32>], vector<16xf32>,
        %add3A_2276 = arith.addf %add3A_2273, %gather3A_2275 : vector<16xf32>
        %add3A_2277 = arith.addi %add3A_2274, %broadcast_in_dim3A_2230 : vector<16xi32>
        %gather3A_2278 = tpu.vector_load_idx %arg12[%add3A_2236, %add3A_2277] : memref<80x17xf32, #tpu.memory_space<vmem>>[vector<16xi32>, vector<16xi32>], vector<16xf32>,
        %add3A_2279 = arith.addf %add3A_2276, %gather3A_2278 : vector<16xf32>
        %add3A_2280 = arith.addi %add3A_2277, %broadcast_in_dim3A_2230 : vector<16xi32>
        %gather3A_2281 = tpu.vector_load_idx %arg12[%add3A_2236, %add3A_2280] : memref<80x17xf32, #tpu.memory_space<vmem>>[vector<16xi32>, vector<16xi32>], vector<16xf32>,
        %add3A_2282 = arith.addf %add3A_2279, %gather3A_2281 : vector<16xf32>
        %add3A_2283 = arith.addi %add3A_2280, %broadcast_in_dim3A_2230 : vector<16xi32>
        %mul3A_2284 = arith.constant 80 : i32
        %mul3A_2285 = arith.muli %scan3A_58, %mul3A_2284 : i32
        %add3A_2286 = arith.addi %mul3A_2285, %mul3A_119 : i32
        %swap3A_2287 = arith.index_cast %add3A_2286 : i32 to index
        %swap3A_2288 = tpu.vector_load %arg9[%swap3A_2287] {strides = array<i32>} : memref<10000xf32, #tpu.memory_space<vmem>>, vector<16xf32>,
        tpu.vector_store %arg9[%swap3A_2287], %add3A_2282 {strides = array<i32>} : memref<10000xf32, #tpu.memory_space<vmem>>, vector<16xf32>,
        %scan3A_2289 = arith.constant 0 : i32
        scf.yield %scan3A_2289 : i32
      }
      %scan3A_114 = arith.constant 5 : i32
      %scan3A_115 = arith.constant 0 : i32
      scf.yield %scan3A_115 : i32
    }
    %scan3A_27 = arith.constant 124 : i32
    %and3A_28 = arith.constant 124 : i32
    %and3A_29 = arith.constant 1 : i32
    %and3A_30 = arith.andi %and3A_28, %and3A_29 : i32
    %dma_wait3A = arith.constant 0 : i32
    %dma_wait3A_31 = arith.constant 0 : i32
    %dma_wait3A_32 = tpu.memref_slice %arg10[%and3A_30, %dma_wait3A, %dma_wait3A_31] : memref<2x80x128xf32, #tpu.memory_space<vmem>> -> memref<1x80x128xf32, #tpu.memory_space<vmem>>
    %dma_wait3A_33 = tpu.memref_squeeze %dma_wait3A_32 : memref<1x80x128xf32, #tpu.memory_space<vmem>> -> memref<80x128xf32, #tpu.memory_space<vmem>>
    %dma_wait3A_34 = arith.constant 9920 : i32
    %dma_wait3A_35 = tpu.memref_slice %arg7[%dma_wait3A_34] : memref<10000xi32, #tpu.memory_space<vmem>> -> memref<80xi32, #tpu.memory_space<vmem>>
    %dma_wait3A_36 = arith.constant 0 : i32
    %dma_wait3A_37 = arith.constant 0 : i32
    %dma_wait3A_38 = tpu.memref_slice %arg2[%dma_wait3A_36, %dma_wait3A_37] : memref<10000x128xf32, #tpu.memory_space<hbm>> -> memref<10000x128xf32, #tpu.memory_space<hbm>>
    tpu.wait_indirect_dma semaphore(%arg13 : memref<!tpu.dma_semaphore, #tpu.memory_space<semaphore_mem>>) src(%dma_wait3A_38 : memref<10000x128xf32, #tpu.memory_space<hbm>>) dst(%dma_wait3A_33 : memref<80x128xf32, #tpu.memory_space<vmem>>)
    %dma_wait3A_39 = arith.constant 0 : i32
    %dma_wait3A_40 = arith.constant 0 : i32
    %dma_wait3A_41 = tpu.memref_slice %arg11[%and3A_30, %dma_wait3A_39, %dma_wait3A_40] : memref<2x80x128xf32, #tpu.memory_space<vmem>> -> memref<1x80x128xf32, #tpu.memory_space<vmem>>
    %dma_wait3A_42 = tpu.memref_squeeze %dma_wait3A_41 : memref<1x80x128xf32, #tpu.memory_space<vmem>> -> memref<80x128xf32, #tpu.memory_space<vmem>>
    %dma_wait3A_43 = arith.constant 9920 : i32
    %dma_wait3A_44 = tpu.memref_slice %arg8[%dma_wait3A_43] : memref<10000xi32, #tpu.memory_space<vmem>> -> memref<80xi32, #tpu.memory_space<vmem>>
    %dma_wait3A_45 = arith.constant 0 : i32
    %dma_wait3A_46 = arith.constant 0 : i32
    %dma_wait3A_47 = tpu.memref_slice %arg3[%dma_wait3A_45, %dma_wait3A_46] : memref<10000x128xf32, #tpu.memory_space<hbm>> -> memref<10000x128xf32, #tpu.memory_space<hbm>>
    tpu.wait_indirect_dma semaphore(%arg14 : memref<!tpu.dma_semaphore, #tpu.memory_space<semaphore_mem>>) src(%dma_wait3A_47 : memref<10000x128xf32, #tpu.memory_space<hbm>>) dst(%dma_wait3A_42 : memref<80x128xf32, #tpu.memory_space<vmem>>)
    %and3A_48 = arith.constant 124 : i32
    %and3A_49 = arith.constant 1 : i32
    %and3A_50 = arith.andi %and3A_48, %and3A_49 : i32
    %scan3A_51 = arith.constant 0 : i32
    %scan3A_52 = arith.constant 0 : i32
    %scan3A_53 = arith.constant 5 : i32
    %scan3A_54 = arith.addi %scan3A_52, %scan3A_53 : i32
    %scan3A_55 = arith.constant 1 : i32
    %scan3A_56 = scf.for %scan3A_58 = %scan3A_52 to %scan3A_54 step %scan3A_55 iter_args(%scan3A_59 = %scan3A_51) -> (i32)  : i32 {
      %mul3A_60 = arith.constant 16 : i32
      %mul3A_61 = arith.muli %scan3A_58, %mul3A_60 : i32
      %add3A_62 = arith.constant 0 : i32
      %add3A_63 = arith.addi %mul3A_61, %add3A_62 : i32
      %get3A = arith.constant 0 : i32
      %get3A_64 = arith.constant 0 : i32
      %get3A_65 = tpu.memref_slice %arg10[%and3A_50, %get3A, %get3A_64] : memref<2x80x128xf32, #tpu.memory_space<vmem>> -> memref<1x80x128xf32, #tpu.memory_space<vmem>>
      %get3A_66 = tpu.memref_squeeze %get3A_65 : memref<1x80x128xf32, #tpu.memory_space<vmem>> -> memref<80x128xf32, #tpu.memory_space<vmem>>
      %get3A_67 = arith.index_cast %add3A_63 : i32 to index
      %get3A_68 = arith.constant 0 : index
      %get3A_69 = tpu.vector_load %get3A_66[%get3A_67, %get3A_68] {strides = array<i32>} : memref<80x128xf32, #tpu.memory_space<vmem>>, vector<16xf32>,
      %get3A_70 = arith.constant 0 : i32
      %get3A_71 = arith.constant 0 : i32
      %get3A_72 = tpu.memref_slice %arg11[%and3A_50, %get3A_70, %get3A_71] : memref<2x80x128xf32, #tpu.memory_space<vmem>> -> memref<1x80x128xf32, #tpu.memory_space<vmem>>
      %get3A_73 = tpu.memref_squeeze %get3A_72 : memref<1x80x128xf32, #tpu.memory_space<vmem>> -> memref<80x128xf32, #tpu.memory_space<vmem>>
      %get3A_74 = arith.index_cast %add3A_63 : i32 to index
      %get3A_75 = arith.constant 0 : index
      %get3A_76 = tpu.vector_load %get3A_73[%get3A_74, %get3A_75] {strides = array<i32>} : memref<80x128xf32, #tpu.memory_space<vmem>>, vector<16xf32>,
      %mul3A_77 = arith.mulf %get3A_69, %get3A_76 : vector<16xf32>
      %get3A_78 = arith.constant 0 : i32
      %get3A_79 = arith.constant 0 : i32
      %get3A_80 = tpu.memref_slice %arg10[%and3A_50, %get3A_78, %get3A_79] : memref<2x80x128xf32, #tpu.memory_space<vmem>> -> memref<1x80x128xf32, #tpu.memory_space<vmem>>
      %get3A_81 = tpu.memref_squeeze %get3A_80 : memref<1x80x128xf32, #tpu.memory_space<vmem>> -> memref<80x128xf32, #tpu.memory_space<vmem>>
      %get3A_82 = arith.index_cast %add3A_63 : i32 to index
      %get3A_83 = arith.constant 16 : index
      %get3A_84 = tpu.vector_load %get3A_81[%get3A_82, %get3A_83] {strides = array<i32>} : memref<80x128xf32, #tpu.memory_space<vmem>>, vector<16xf32>,
      %get3A_85 = arith.constant 0 : i32
      %get3A_86 = arith.constant 0 : i32
      %get3A_87 = tpu.memref_slice %arg11[%and3A_50, %get3A_85, %get3A_86] : memref<2x80x128xf32, #tpu.memory_space<vmem>> -> memref<1x80x128xf32, #tpu.memory_space<vmem>>
      %get3A_88 = tpu.memref_squeeze %get3A_87 : memref<1x80x128xf32, #tpu.memory_space<vmem>> -> memref<80x128xf32, #tpu.memory_space<vmem>>
      %get3A_89 = arith.index_cast %add3A_63 : i32 to index
      %get3A_90 = arith.constant 16 : index
      %get3A_91 = tpu.vector_load %get3A_88[%get3A_89, %get3A_90] {strides = array<i32>} : memref<80x128xf32, #tpu.memory_space<vmem>>, vector<16xf32>,
      %mul3A_92 = arith.mulf %get3A_84, %get3A_91 : vector<16xf32>
      %get3A_93 = arith.constant 0 : i32
      %get3A_94 = arith.constant 0 : i32
      %get3A_95 = tpu.memref_slice %arg10[%and3A_50, %get3A_93, %get3A_94] : memref<2x80x128xf32, #tpu.memory_space<vmem>> -> memref<1x80x128xf32, #tpu.memory_space<vmem>>
      %get3A_96 = tpu.memref_squeeze %get3A_95 : memref<1x80x128xf32, #tpu.memory_space<vmem>> -> memref<80x128xf32, #tpu.memory_space<vmem>>
      %get3A_97 = arith.index_cast %add3A_63 : i32 to index
      %get3A_98 = arith.constant 32 : index
      %get3A_99 = tpu.vector_load %get3A_96[%get3A_97, %get3A_98] {strides = array<i32>} : memref<80x128xf32, #tpu.memory_space<vmem>>, vector<16xf32>,
      %get3A_100 = arith.constant 0 : i32
      %get3A_101 = arith.constant 0 : i32
      %get3A_102 = tpu.memref_slice %arg11[%and3A_50, %get3A_100, %get3A_101] : memref<2x80x128xf32, #tpu.memory_space<vmem>> -> memref<1x80x128xf32, #tpu.memory_space<vmem>>
      %get3A_103 = tpu.memref_squeeze %get3A_102 : memref<1x80x128xf32, #tpu.memory_space<vmem>> -> memref<80x128xf32, #tpu.memory_space<vmem>>
      %get3A_104 = arith.index_cast %add3A_63 : i32 to index
      %get3A_105 = arith.constant 32 : index
      %get3A_106 = tpu.vector_load %get3A_103[%get3A_104, %get3A_105] {strides = array<i32>} : memref<80x128xf32, #tpu.memory_space<vmem>>, vector<16xf32>,
      %mul3A_107 = arith.mulf %get3A_99, %get3A_106 : vector<16xf32>
      %get3A_108 = arith.constant 0 : i32
      %get3A_109 = arith.constant 0 : i32
      %get3A_110 = tpu.memref_slice %arg10[%and3A_50, %get3A_108, %get3A_109] : memref<2x80x128xf32, #tpu.memory_space<vmem>> -> memref<1x80x128xf32, #tpu.memory_space<vmem>>
      %get3A_111 = tpu.memref_squeeze %get3A_110 : memref<1x80x128xf32, #tpu.memory_space<vmem>> -> memref<80x128xf32, #tpu.memory_space<vmem>>
      %get3A_112 = arith.index_cast %add3A_63 : i32 to index
      %get3A_113 = arith.constant 48 : index
      %get3A_114 = tpu.vector_load %get3A_111[%get3A_112, %get3A_113] {strides = array<i32>} : memref<80x128xf32, #tpu.memory_space<vmem>>, vector<16xf32>,
      %get3A_115 = arith.constant 0 : i32
      %get3A_116 = arith.constant 0 : i32
      %get3A_117 = tpu.memref_slice %arg11[%and3A_50, %get3A_115, %get3A_116] : memref<2x80x128xf32, #tpu.memory_space<vmem>> -> memref<1x80x128xf32, #tpu.memory_space<vmem>>
      %get3A_118 = tpu.memref_squeeze %get3A_117 : memref<1x80x128xf32, #tpu.memory_space<vmem>> -> memref<80x128xf32, #tpu.memory_space<vmem>>
      %get3A_119 = arith.index_cast %add3A_63 : i32 to index
      %get3A_120 = arith.constant 48 : index
      %get3A_121 = tpu.vector_load %get3A_118[%get3A_119, %get3A_120] {strides = array<i32>} : memref<80x128xf32, #tpu.memory_space<vmem>>, vector<16xf32>,
      %mul3A_122 = arith.mulf %get3A_114, %get3A_121 : vector<16xf32>
      %get3A_123 = arith.constant 0 : i32
      %get3A_124 = arith.constant 0 : i32
      %get3A_125 = tpu.memref_slice %arg10[%and3A_50, %get3A_123, %get3A_124] : memref<2x80x128xf32, #tpu.memory_space<vmem>> -> memref<1x80x128xf32, #tpu.memory_space<vmem>>
      %get3A_126 = tpu.memref_squeeze %get3A_125 : memref<1x80x128xf32, #tpu.memory_space<vmem>> -> memref<80x128xf32, #tpu.memory_space<vmem>>
      %get3A_127 = arith.index_cast %add3A_63 : i32 to index
      %get3A_128 = arith.constant 64 : index
      %get3A_129 = tpu.vector_load %get3A_126[%get3A_127, %get3A_128] {strides = array<i32>} : memref<80x128xf32, #tpu.memory_space<vmem>>, vector<16xf32>,
      %get3A_130 = arith.constant 0 : i32
      %get3A_131 = arith.constant 0 : i32
      %get3A_132 = tpu.memref_slice %arg11[%and3A_50, %get3A_130, %get3A_131] : memref<2x80x128xf32, #tpu.memory_space<vmem>> -> memref<1x80x128xf32, #tpu.memory_space<vmem>>
      %get3A_133 = tpu.memref_squeeze %get3A_132 : memref<1x80x128xf32, #tpu.memory_space<vmem>> -> memref<80x128xf32, #tpu.memory_space<vmem>>
      %get3A_134 = arith.index_cast %add3A_63 : i32 to index
      %get3A_135 = arith.constant 64 : index
      %get3A_136 = tpu.vector_load %get3A_133[%get3A_134, %get3A_135] {strides = array<i32>} : memref<80x128xf32, #tpu.memory_space<vmem>>, vector<16xf32>,
      %mul3A_137 = arith.mulf %get3A_129, %get3A_136 : vector<16xf32>
      %get3A_138 = arith.constant 0 : i32
      %get3A_139 = arith.constant 0 : i32
      %get3A_140 = tpu.memref_slice %arg10[%and3A_50, %get3A_138, %get3A_139] : memref<2x80x128xf32, #tpu.memory_space<vmem>> -> memref<1x80x128xf32, #tpu.memory_space<vmem>>
      %get3A_141 = tpu.memref_squeeze %get3A_140 : memref<1x80x128xf32, #tpu.memory_space<vmem>> -> memref<80x128xf32, #tpu.memory_space<vmem>>
      %get3A_142 = arith.index_cast %add3A_63 : i32 to index
      %get3A_143 = arith.constant 80 : index
      %get3A_144 = tpu.vector_load %get3A_141[%get3A_142, %get3A_143] {strides = array<i32>} : memref<80x128xf32, #tpu.memory_space<vmem>>, vector<16xf32>,
      %get3A_145 = arith.constant 0 : i32
      %get3A_146 = arith.constant 0 : i32
      %get3A_147 = tpu.memref_slice %arg11[%and3A_50, %get3A_145, %get3A_146] : memref<2x80x128xf32, #tpu.memory_space<vmem>> -> memref<1x80x128xf32, #tpu.memory_space<vmem>>
      %get3A_148 = tpu.memref_squeeze %get3A_147 : memref<1x80x128xf32, #tpu.memory_space<vmem>> -> memref<80x128xf32, #tpu.memory_space<vmem>>
      %get3A_149 = arith.index_cast %add3A_63 : i32 to index
      %get3A_150 = arith.constant 80 : index
      %get3A_151 = tpu.vector_load %get3A_148[%get3A_149, %get3A_150] {strides = array<i32>} : memref<80x128xf32, #tpu.memory_space<vmem>>, vector<16xf32>,
      %mul3A_152 = arith.mulf %get3A_144, %get3A_151 : vector<16xf32>
      %get3A_153 = arith.constant 0 : i32
      %get3A_154 = arith.constant 0 : i32
      %get3A_155 = tpu.memref_slice %arg10[%and3A_50, %get3A_153, %get3A_154] : memref<2x80x128xf32, #tpu.memory_space<vmem>> -> memref<1x80x128xf32, #tpu.memory_space<vmem>>
      %get3A_156 = tpu.memref_squeeze %get3A_155 : memref<1x80x128xf32, #tpu.memory_space<vmem>> -> memref<80x128xf32, #tpu.memory_space<vmem>>
      %get3A_157 = arith.index_cast %add3A_63 : i32 to index
      %get3A_158 = arith.constant 96 : index
      %get3A_159 = tpu.vector_load %get3A_156[%get3A_157, %get3A_158] {strides = array<i32>} : memref<80x128xf32, #tpu.memory_space<vmem>>, vector<16xf32>,
      %get3A_160 = arith.constant 0 : i32
      %get3A_161 = arith.constant 0 : i32
      %get3A_162 = tpu.memref_slice %arg11[%and3A_50, %get3A_160, %get3A_161] : memref<2x80x128xf32, #tpu.memory_space<vmem>> -> memref<1x80x128xf32, #tpu.memory_space<vmem>>
      %get3A_163 = tpu.memref_squeeze %get3A_162 : memref<1x80x128xf32, #tpu.memory_space<vmem>> -> memref<80x128xf32, #tpu.memory_space<vmem>>
      %get3A_164 = arith.index_cast %add3A_63 : i32 to index
      %get3A_165 = arith.constant 96 : index
      %get3A_166 = tpu.vector_load %get3A_163[%get3A_164, %get3A_165] {strides = array<i32>} : memref<80x128xf32, #tpu.memory_space<vmem>>, vector<16xf32>,
      %mul3A_167 = arith.mulf %get3A_159, %get3A_166 : vector<16xf32>
      %get3A_168 = arith.constant 0 : i32
      %get3A_169 = arith.constant 0 : i32
      %get3A_170 = tpu.memref_slice %arg10[%and3A_50, %get3A_168, %get3A_169] : memref<2x80x128xf32, #tpu.memory_space<vmem>> -> memref<1x80x128xf32, #tpu.memory_space<vmem>>
      %get3A_171 = tpu.memref_squeeze %get3A_170 : memref<1x80x128xf32, #tpu.memory_space<vmem>> -> memref<80x128xf32, #tpu.memory_space<vmem>>
      %get3A_172 = arith.index_cast %add3A_63 : i32 to index
      %get3A_173 = arith.constant 112 : index
      %get3A_174 = tpu.vector_load %get3A_171[%get3A_172, %get3A_173] {strides = array<i32>} : memref<80x128xf32, #tpu.memory_space<vmem>>, vector<16xf32>,
      %get3A_175 = arith.constant 0 : i32
      %get3A_176 = arith.constant 0 : i32
      %get3A_177 = tpu.memref_slice %arg11[%and3A_50, %get3A_175, %get3A_176] : memref<2x80x128xf32, #tpu.memory_space<vmem>> -> memref<1x80x128xf32, #tpu.memory_space<vmem>>
      %get3A_178 = tpu.memref_squeeze %get3A_177 : memref<1x80x128xf32, #tpu.memory_space<vmem>> -> memref<80x128xf32, #tpu.memory_space<vmem>>
      %get3A_179 = arith.index_cast %add3A_63 : i32 to index
      %get3A_180 = arith.constant 112 : index
      %get3A_181 = tpu.vector_load %get3A_178[%get3A_179, %get3A_180] {strides = array<i32>} : memref<80x128xf32, #tpu.memory_space<vmem>>, vector<16xf32>,
      %mul3A_182 = arith.mulf %get3A_174, %get3A_181 : vector<16xf32>
      %add3A_183 = arith.addf %mul3A_77, %mul3A_92 : vector<16xf32>
      %add3A_184 = arith.addf %mul3A_107, %mul3A_122 : vector<16xf32>
      %add3A_185 = arith.addf %mul3A_137, %mul3A_152 : vector<16xf32>
      %add3A_186 = arith.addf %mul3A_167, %mul3A_182 : vector<16xf32>
      %add3A_187 = arith.addf %add3A_183, %add3A_184 : vector<16xf32>
      %add3A_188 = arith.addf %add3A_185, %add3A_186 : vector<16xf32>
      %add3A_189 = arith.addf %add3A_187, %add3A_188 : vector<16xf32>
      %swap3A = arith.index_cast %add3A_63 : i32 to index
      %swap3A_190 = arith.constant 0 : index
      %swap3A_191 = tpu.vector_load %arg12[%swap3A, %swap3A_190] {strides = array<i32>} : memref<80x17xf32, #tpu.memory_space<vmem>>, vector<16xf32>,
      tpu.vector_store %arg12[%swap3A, %swap3A_190], %add3A_189 {strides = array<i32>} : memref<80x17xf32, #tpu.memory_space<vmem>>, vector<16xf32>,
      %add3A_192 = arith.constant 1 : i32
      %add3A_193 = arith.addi %mul3A_61, %add3A_192 : i32
      %get3A_194 = arith.constant 0 : i32
      %get3A_195 = arith.constant 0 : i32
      %get3A_196 = tpu.memref_slice %arg10[%and3A_50, %get3A_194, %get3A_195] : memref<2x80x128xf32, #tpu.memory_space<vmem>> -> memref<1x80x128xf32, #tpu.memory_space<vmem>>
      %get3A_197 = tpu.memref_squeeze %get3A_196 : memref<1x80x128xf32, #tpu.memory_space<vmem>> -> memref<80x128xf32, #tpu.memory_space<vmem>>
      %get3A_198 = arith.index_cast %add3A_193 : i32 to index
      %get3A_199 = arith.constant 0 : index
      %get3A_200 = tpu.vector_load %get3A_197[%get3A_198, %get3A_199] {strides = array<i32>} : memref<80x128xf32, #tpu.memory_space<vmem>>, vector<16xf32>,
      %get3A_201 = arith.constant 0 : i32
      %get3A_202 = arith.constant 0 : i32
      %get3A_203 = tpu.memref_slice %arg11[%and3A_50, %get3A_201, %get3A_202] : memref<2x80x128xf32, #tpu.memory_space<vmem>> -> memref<1x80x128xf32, #tpu.memory_space<vmem>>
      %get3A_204 = tpu.memref_squeeze %get3A_203 : memref<1x80x128xf32, #tpu.memory_space<vmem>> -> memref<80x128xf32, #tpu.memory_space<vmem>>
      %get3A_205 = arith.index_cast %add3A_193 : i32 to index
      %get3A_206 = arith.constant 0 : index
      %get3A_207 = tpu.vector_load %get3A_204[%get3A_205, %get3A_206] {strides = array<i32>} : memref<80x128xf32, #tpu.memory_space<vmem>>, vector<16xf32>,
      %mul3A_208 = arith.mulf %get3A_200, %get3A_207 : vector<16xf32>
      %get3A_209 = arith.constant 0 : i32
      %get3A_210 = arith.constant 0 : i32
      %get3A_211 = tpu.memref_slice %arg10[%and3A_50, %get3A_209, %get3A_210] : memref<2x80x128xf32, #tpu.memory_space<vmem>> -> memref<1x80x128xf32, #tpu.memory_space<vmem>>
      %get3A_212 = tpu.memref_squeeze %get3A_211 : memref<1x80x128xf32, #tpu.memory_space<vmem>> -> memref<80x128xf32, #tpu.memory_space<vmem>>
      %get3A_213 = arith.index_cast %add3A_193 : i32 to index
      %get3A_214 = arith.constant 16 : index
      %get3A_215 = tpu.vector_load %get3A_212[%get3A_213, %get3A_214] {strides = array<i32>} : memref<80x128xf32, #tpu.memory_space<vmem>>, vector<16xf32>,
      %get3A_216 = arith.constant 0 : i32
      %get3A_217 = arith.constant 0 : i32
      %get3A_218 = tpu.memref_slice %arg11[%and3A_50, %get3A_216, %get3A_217] : memref<2x80x128xf32, #tpu.memory_space<vmem>> -> memref<1x80x128xf32, #tpu.memory_space<vmem>>
      %get3A_219 = tpu.memref_squeeze %get3A_218 : memref<1x80x128xf32, #tpu.memory_space<vmem>> -> memref<80x128xf32, #tpu.memory_space<vmem>>
      %get3A_220 = arith.index_cast %add3A_193 : i32 to index
      %get3A_221 = arith.constant 16 : index
      %get3A_222 = tpu.vector_load %get3A_219[%get3A_220, %get3A_221] {strides = array<i32>} : memref<80x128xf32, #tpu.memory_space<vmem>>, vector<16xf32>,
      %mul3A_223 = arith.mulf %get3A_215, %get3A_222 : vector<16xf32>
      %get3A_224 = arith.constant 0 : i32
      %get3A_225 = arith.constant 0 : i32
      %get3A_226 = tpu.memref_slice %arg10[%and3A_50, %get3A_224, %get3A_225] : memref<2x80x128xf32, #tpu.memory_space<vmem>> -> memref<1x80x128xf32, #tpu.memory_space<vmem>>
      %get3A_227 = tpu.memref_squeeze %get3A_226 : memref<1x80x128xf32, #tpu.memory_space<vmem>> -> memref<80x128xf32, #tpu.memory_space<vmem>>
      %get3A_228 = arith.index_cast %add3A_193 : i32 to index
      %get3A_229 = arith.constant 32 : index
      %get3A_230 = tpu.vector_load %get3A_227[%get3A_228, %get3A_229] {strides = array<i32>} : memref<80x128xf32, #tpu.memory_space<vmem>>, vector<16xf32>,
      %get3A_231 = arith.constant 0 : i32
      %get3A_232 = arith.constant 0 : i32
      %get3A_233 = tpu.memref_slice %arg11[%and3A_50, %get3A_231, %get3A_232] : memref<2x80x128xf32, #tpu.memory_space<vmem>> -> memref<1x80x128xf32, #tpu.memory_space<vmem>>
      %get3A_234 = tpu.memref_squeeze %get3A_233 : memref<1x80x128xf32, #tpu.memory_space<vmem>> -> memref<80x128xf32, #tpu.memory_space<vmem>>
      %get3A_235 = arith.index_cast %add3A_193 : i32 to index
      %get3A_236 = arith.constant 32 : index
      %get3A_237 = tpu.vector_load %get3A_234[%get3A_235, %get3A_236] {strides = array<i32>} : memref<80x128xf32, #tpu.memory_space<vmem>>, vector<16xf32>,
      %mul3A_238 = arith.mulf %get3A_230, %get3A_237 : vector<16xf32>
      %get3A_239 = arith.constant 0 : i32
      %get3A_240 = arith.constant 0 : i32
      %get3A_241 = tpu.memref_slice %arg10[%and3A_50, %get3A_239, %get3A_240] : memref<2x80x128xf32, #tpu.memory_space<vmem>> -> memref<1x80x128xf32, #tpu.memory_space<vmem>>
      %get3A_242 = tpu.memref_squeeze %get3A_241 : memref<1x80x128xf32, #tpu.memory_space<vmem>> -> memref<80x128xf32, #tpu.memory_space<vmem>>
      %get3A_243 = arith.index_cast %add3A_193 : i32 to index
      %get3A_244 = arith.constant 48 : index
      %get3A_245 = tpu.vector_load %get3A_242[%get3A_243, %get3A_244] {strides = array<i32>} : memref<80x128xf32, #tpu.memory_space<vmem>>, vector<16xf32>,
      %get3A_246 = arith.constant 0 : i32
      %get3A_247 = arith.constant 0 : i32
      %get3A_248 = tpu.memref_slice %arg11[%and3A_50, %get3A_246, %get3A_247] : memref<2x80x128xf32, #tpu.memory_space<vmem>> -> memref<1x80x128xf32, #tpu.memory_space<vmem>>
      %get3A_249 = tpu.memref_squeeze %get3A_248 : memref<1x80x128xf32, #tpu.memory_space<vmem>> -> memref<80x128xf32, #tpu.memory_space<vmem>>
      %get3A_250 = arith.index_cast %add3A_193 : i32 to index
      %get3A_251 = arith.constant 48 : index
      %get3A_252 = tpu.vector_load %get3A_249[%get3A_250, %get3A_251] {strides = array<i32>} : memref<80x128xf32, #tpu.memory_space<vmem>>, vector<16xf32>,
      %mul3A_253 = arith.mulf %get3A_245, %get3A_252 : vector<16xf32>
      %get3A_254 = arith.constant 0 : i32
      %get3A_255 = arith.constant 0 : i32
      %get3A_256 = tpu.memref_slice %arg10[%and3A_50, %get3A_254, %get3A_255] : memref<2x80x128xf32, #tpu.memory_space<vmem>> -> memref<1x80x128xf32, #tpu.memory_space<vmem>>
      %get3A_257 = tpu.memref_squeeze %get3A_256 : memref<1x80x128xf32, #tpu.memory_space<vmem>> -> memref<80x128xf32, #tpu.memory_space<vmem>>
      %get3A_258 = arith.index_cast %add3A_193 : i32 to index
      %get3A_259 = arith.constant 64 : index
      %get3A_260 = tpu.vector_load %get3A_257[%get3A_258, %get3A_259] {strides = array<i32>} : memref<80x128xf32, #tpu.memory_space<vmem>>, vector<16xf32>,
      %get3A_261 = arith.constant 0 : i32
      %get3A_262 = arith.constant 0 : i32
      %get3A_263 = tpu.memref_slice %arg11[%and3A_50, %get3A_261, %get3A_262] : memref<2x80x128xf32, #tpu.memory_space<vmem>> -> memref<1x80x128xf32, #tpu.memory_space<vmem>>
      %get3A_264 = tpu.memref_squeeze %get3A_263 : memref<1x80x128xf32, #tpu.memory_space<vmem>> -> memref<80x128xf32, #tpu.memory_space<vmem>>
      %get3A_265 = arith.index_cast %add3A_193 : i32 to index
      %get3A_266 = arith.constant 64 : index
      %get3A_267 = tpu.vector_load %get3A_264[%get3A_265, %get3A_266] {strides = array<i32>} : memref<80x128xf32, #tpu.memory_space<vmem>>, vector<16xf32>,
      %mul3A_268 = arith.mulf %get3A_260, %get3A_267 : vector<16xf32>
      %get3A_269 = arith.constant 0 : i32
      %get3A_270 = arith.constant 0 : i32
      %get3A_271 = tpu.memref_slice %arg10[%and3A_50, %get3A_269, %get3A_270] : memref<2x80x128xf32, #tpu.memory_space<vmem>> -> memref<1x80x128xf32, #tpu.memory_space<vmem>>
      %get3A_272 = tpu.memref_squeeze %get3A_271 : memref<1x80x128xf32, #tpu.memory_space<vmem>> -> memref<80x128xf32, #tpu.memory_space<vmem>>
      %get3A_273 = arith.index_cast %add3A_193 : i32 to index
      %get3A_274 = arith.constant 80 : index
      %get3A_275 = tpu.vector_load %get3A_272[%get3A_273, %get3A_274] {strides = array<i32>} : memref<80x128xf32, #tpu.memory_space<vmem>>, vector<16xf32>,
      %get3A_276 = arith.constant 0 : i32
      %get3A_277 = arith.constant 0 : i32
      %get3A_278 = tpu.memref_slice %arg11[%and3A_50, %get3A_276, %get3A_277] : memref<2x80x128xf32, #tpu.memory_space<vmem>> -> memref<1x80x128xf32, #tpu.memory_space<vmem>>
      %get3A_279 = tpu.memref_squeeze %get3A_278 : memref<1x80x128xf32, #tpu.memory_space<vmem>> -> memref<80x128xf32, #tpu.memory_space<vmem>>
      %get3A_280 = arith.index_cast %add3A_193 : i32 to index
      %get3A_281 = arith.constant 80 : index
      %get3A_282 = tpu.vector_load %get3A_279[%get3A_280, %get3A_281] {strides = array<i32>} : memref<80x128xf32, #tpu.memory_space<vmem>>, vector<16xf32>,
      %mul3A_283 = arith.mulf %get3A_275, %get3A_282 : vector<16xf32>
      %get3A_284 = arith.constant 0 : i32
      %get3A_285 = arith.constant 0 : i32
      %get3A_286 = tpu.memref_slice %arg10[%and3A_50, %get3A_284, %get3A_285] : memref<2x80x128xf32, #tpu.memory_space<vmem>> -> memref<1x80x128xf32, #tpu.memory_space<vmem>>
      %get3A_287 = tpu.memref_squeeze %get3A_286 : memref<1x80x128xf32, #tpu.memory_space<vmem>> -> memref<80x128xf32, #tpu.memory_space<vmem>>
      %get3A_288 = arith.index_cast %add3A_193 : i32 to index
      %get3A_289 = arith.constant 96 : index
      %get3A_290 = tpu.vector_load %get3A_287[%get3A_288, %get3A_289] {strides = array<i32>} : memref<80x128xf32, #tpu.memory_space<vmem>>, vector<16xf32>,
      %get3A_291 = arith.constant 0 : i32
      %get3A_292 = arith.constant 0 : i32
      %get3A_293 = tpu.memref_slice %arg11[%and3A_50, %get3A_291, %get3A_292] : memref<2x80x128xf32, #tpu.memory_space<vmem>> -> memref<1x80x128xf32, #tpu.memory_space<vmem>>
      %get3A_294 = tpu.memref_squeeze %get3A_293 : memref<1x80x128xf32, #tpu.memory_space<vmem>> -> memref<80x128xf32, #tpu.memory_space<vmem>>
      %get3A_295 = arith.index_cast %add3A_193 : i32 to index
      %get3A_296 = arith.constant 96 : index
      %get3A_297 = tpu.vector_load %get3A_294[%get3A_295, %get3A_296] {strides = array<i32>} : memref<80x128xf32, #tpu.memory_space<vmem>>, vector<16xf32>,
      %mul3A_298 = arith.mulf %get3A_290, %get3A_297 : vector<16xf32>
      %get3A_299 = arith.constant 0 : i32
      %get3A_300 = arith.constant 0 : i32
      %get3A_301 = tpu.memref_slice %arg10[%and3A_50, %get3A_299, %get3A_300] : memref<2x80x128xf32, #tpu.memory_space<vmem>> -> memref<1x80x128xf32, #tpu.memory_space<vmem>>
      %get3A_302 = tpu.memref_squeeze %get3A_301 : memref<1x80x128xf32, #tpu.memory_space<vmem>> -> memref<80x128xf32, #tpu.memory_space<vmem>>
      %get3A_303 = arith.index_cast %add3A_193 : i32 to index
      %get3A_304 = arith.constant 112 : index
      %get3A_305 = tpu.vector_load %get3A_302[%get3A_303, %get3A_304] {strides = array<i32>} : memref<80x128xf32, #tpu.memory_space<vmem>>, vector<16xf32>,
      %get3A_306 = arith.constant 0 : i32
      %get3A_307 = arith.constant 0 : i32
      %get3A_308 = tpu.memref_slice %arg11[%and3A_50, %get3A_306, %get3A_307] : memref<2x80x128xf32, #tpu.memory_space<vmem>> -> memref<1x80x128xf32, #tpu.memory_space<vmem>>
      %get3A_309 = tpu.memref_squeeze %get3A_308 : memref<1x80x128xf32, #tpu.memory_space<vmem>> -> memref<80x128xf32, #tpu.memory_space<vmem>>
      %get3A_310 = arith.index_cast %add3A_193 : i32 to index
      %get3A_311 = arith.constant 112 : index
      %get3A_312 = tpu.vector_load %get3A_309[%get3A_310, %get3A_311] {strides = array<i32>} : memref<80x128xf32, #tpu.memory_space<vmem>>, vector<16xf32>,
      %mul3A_313 = arith.mulf %get3A_305, %get3A_312 : vector<16xf32>
      %add3A_314 = arith.addf %mul3A_208, %mul3A_223 : vector<16xf32>
      %add3A_315 = arith.addf %mul3A_238, %mul3A_253 : vector<16xf32>
      %add3A_316 = arith.addf %mul3A_268, %mul3A_283 : vector<16xf32>
      %add3A_317 = arith.addf %mul3A_298, %mul3A_313 : vector<16xf32>
      %add3A_318 = arith.addf %add3A_314, %add3A_315 : vector<16xf32>
      %add3A_319 = arith.addf %add3A_316, %add3A_317 : vector<16xf32>
      %add3A_320 = arith.addf %add3A_318, %add3A_319 : vector<16xf32>
      %swap3A_321 = arith.index_cast %add3A_193 : i32 to index
      %swap3A_322 = arith.constant 0 : index
      %swap3A_323 = tpu.vector_load %arg12[%swap3A_321, %swap3A_322] {strides = array<i32>} : memref<80x17xf32, #tpu.memory_space<vmem>>, vector<16xf32>,
      tpu.vector_store %arg12[%swap3A_321, %swap3A_322], %add3A_320 {strides = array<i32>} : memref<80x17xf32, #tpu.memory_space<vmem>>, vector<16xf32>,
      %add3A_324 = arith.constant 2 : i32
      %add3A_325 = arith.addi %mul3A_61, %add3A_324 : i32
      %get3A_326 = arith.constant 0 : i32
      %get3A_327 = arith.constant 0 : i32
      %get3A_328 = tpu.memref_slice %arg10[%and3A_50, %get3A_326, %get3A_327] : memref<2x80x128xf32, #tpu.memory_space<vmem>> -> memref<1x80x128xf32, #tpu.memory_space<vmem>>
      %get3A_329 = tpu.memref_squeeze %get3A_328 : memref<1x80x128xf32, #tpu.memory_space<vmem>> -> memref<80x128xf32, #tpu.memory_space<vmem>>
      %get3A_330 = arith.index_cast %add3A_325 : i32 to index
      %get3A_331 = arith.constant 0 : index
      %get3A_332 = tpu.vector_load %get3A_329[%get3A_330, %get3A_331] {strides = array<i32>} : memref<80x128xf32, #tpu.memory_space<vmem>>, vector<16xf32>,
      %get3A_333 = arith.constant 0 : i32
      %get3A_334 = arith.constant 0 : i32
      %get3A_335 = tpu.memref_slice %arg11[%and3A_50, %get3A_333, %get3A_334] : memref<2x80x128xf32, #tpu.memory_space<vmem>> -> memref<1x80x128xf32, #tpu.memory_space<vmem>>
      %get3A_336 = tpu.memref_squeeze %get3A_335 : memref<1x80x128xf32, #tpu.memory_space<vmem>> -> memref<80x128xf32, #tpu.memory_space<vmem>>
      %get3A_337 = arith.index_cast %add3A_325 : i32 to index
      %get3A_338 = arith.constant 0 : index
      %get3A_339 = tpu.vector_load %get3A_336[%get3A_337, %get3A_338] {strides = array<i32>} : memref<80x128xf32, #tpu.memory_space<vmem>>, vector<16xf32>,
      %mul3A_340 = arith.mulf %get3A_332, %get3A_339 : vector<16xf32>
      %get3A_341 = arith.constant 0 : i32
      %get3A_342 = arith.constant 0 : i32
      %get3A_343 = tpu.memref_slice %arg10[%and3A_50, %get3A_341, %get3A_342] : memref<2x80x128xf32, #tpu.memory_space<vmem>> -> memref<1x80x128xf32, #tpu.memory_space<vmem>>
      %get3A_344 = tpu.memref_squeeze %get3A_343 : memref<1x80x128xf32, #tpu.memory_space<vmem>> -> memref<80x128xf32, #tpu.memory_space<vmem>>
      %get3A_345 = arith.index_cast %add3A_325 : i32 to index
      %get3A_346 = arith.constant 16 : index
      %get3A_347 = tpu.vector_load %get3A_344[%get3A_345, %get3A_346] {strides = array<i32>} : memref<80x128xf32, #tpu.memory_space<vmem>>, vector<16xf32>,
      %get3A_348 = arith.constant 0 : i32
      %get3A_349 = arith.constant 0 : i32
      %get3A_350 = tpu.memref_slice %arg11[%and3A_50, %get3A_348, %get3A_349] : memref<2x80x128xf32, #tpu.memory_space<vmem>> -> memref<1x80x128xf32, #tpu.memory_space<vmem>>
      %get3A_351 = tpu.memref_squeeze %get3A_350 : memref<1x80x128xf32, #tpu.memory_space<vmem>> -> memref<80x128xf32, #tpu.memory_space<vmem>>
      %get3A_352 = arith.index_cast %add3A_325 : i32 to index
      %get3A_353 = arith.constant 16 : index
      %get3A_354 = tpu.vector_load %get3A_351[%get3A_352, %get3A_353] {strides = array<i32>} : memref<80x128xf32, #tpu.memory_space<vmem>>, vector<16xf32>,
      %mul3A_355 = arith.mulf %get3A_347, %get3A_354 : vector<16xf32>
      %get3A_356 = arith.constant 0 : i32
      %get3A_357 = arith.constant 0 : i32
      %get3A_358 = tpu.memref_slice %arg10[%and3A_50, %get3A_356, %get3A_357] : memref<2x80x128xf32, #tpu.memory_space<vmem>> -> memref<1x80x128xf32, #tpu.memory_space<vmem>>
      %get3A_359 = tpu.memref_squeeze %get3A_358 : memref<1x80x128xf32, #tpu.memory_space<vmem>> -> memref<80x128xf32, #tpu.memory_space<vmem>>
      %get3A_360 = arith.index_cast %add3A_325 : i32 to index
      %get3A_361 = arith.constant 32 : index
      %get3A_362 = tpu.vector_load %get3A_359[%get3A_360, %get3A_361] {strides = array<i32>} : memref<80x128xf32, #tpu.memory_space<vmem>>, vector<16xf32>,
      %get3A_363 = arith.constant 0 : i32
      %get3A_364 = arith.constant 0 : i32
      %get3A_365 = tpu.memref_slice %arg11[%and3A_50, %get3A_363, %get3A_364] : memref<2x80x128xf32, #tpu.memory_space<vmem>> -> memref<1x80x128xf32, #tpu.memory_space<vmem>>
      %get3A_366 = tpu.memref_squeeze %get3A_365 : memref<1x80x128xf32, #tpu.memory_space<vmem>> -> memref<80x128xf32, #tpu.memory_space<vmem>>
      %get3A_367 = arith.index_cast %add3A_325 : i32 to index
      %get3A_368 = arith.constant 32 : index
      %get3A_369 = tpu.vector_load %get3A_366[%get3A_367, %get3A_368] {strides = array<i32>} : memref<80x128xf32, #tpu.memory_space<vmem>>, vector<16xf32>,
      %mul3A_370 = arith.mulf %get3A_362, %get3A_369 : vector<16xf32>
      %get3A_371 = arith.constant 0 : i32
      %get3A_372 = arith.constant 0 : i32
      %get3A_373 = tpu.memref_slice %arg10[%and3A_50, %get3A_371, %get3A_372] : memref<2x80x128xf32, #tpu.memory_space<vmem>> -> memref<1x80x128xf32, #tpu.memory_space<vmem>>
      %get3A_374 = tpu.memref_squeeze %get3A_373 : memref<1x80x128xf32, #tpu.memory_space<vmem>> -> memref<80x128xf32, #tpu.memory_space<vmem>>
      %get3A_375 = arith.index_cast %add3A_325 : i32 to index
      %get3A_376 = arith.constant 48 : index
      %get3A_377 = tpu.vector_load %get3A_374[%get3A_375, %get3A_376] {strides = array<i32>} : memref<80x128xf32, #tpu.memory_space<vmem>>, vector<16xf32>,
      %get3A_378 = arith.constant 0 : i32
      %get3A_379 = arith.constant 0 : i32
      %get3A_380 = tpu.memref_slice %arg11[%and3A_50, %get3A_378, %get3A_379] : memref<2x80x128xf32, #tpu.memory_space<vmem>> -> memref<1x80x128xf32, #tpu.memory_space<vmem>>
      %get3A_381 = tpu.memref_squeeze %get3A_380 : memref<1x80x128xf32, #tpu.memory_space<vmem>> -> memref<80x128xf32, #tpu.memory_space<vmem>>
      %get3A_382 = arith.index_cast %add3A_325 : i32 to index
      %get3A_383 = arith.constant 48 : index
      %get3A_384 = tpu.vector_load %get3A_381[%get3A_382, %get3A_383] {strides = array<i32>} : memref<80x128xf32, #tpu.memory_space<vmem>>, vector<16xf32>,
      %mul3A_385 = arith.mulf %get3A_377, %get3A_384 : vector<16xf32>
      %get3A_386 = arith.constant 0 : i32
      %get3A_387 = arith.constant 0 : i32
      %get3A_388 = tpu.memref_slice %arg10[%and3A_50, %get3A_386, %get3A_387] : memref<2x80x128xf32, #tpu.memory_space<vmem>> -> memref<1x80x128xf32, #tpu.memory_space<vmem>>
      %get3A_389 = tpu.memref_squeeze %get3A_388 : memref<1x80x128xf32, #tpu.memory_space<vmem>> -> memref<80x128xf32, #tpu.memory_space<vmem>>
      %get3A_390 = arith.index_cast %add3A_325 : i32 to index
      %get3A_391 = arith.constant 64 : index
      %get3A_392 = tpu.vector_load %get3A_389[%get3A_390, %get3A_391] {strides = array<i32>} : memref<80x128xf32, #tpu.memory_space<vmem>>, vector<16xf32>,
      %get3A_393 = arith.constant 0 : i32
      %get3A_394 = arith.constant 0 : i32
      %get3A_395 = tpu.memref_slice %arg11[%and3A_50, %get3A_393, %get3A_394] : memref<2x80x128xf32, #tpu.memory_space<vmem>> -> memref<1x80x128xf32, #tpu.memory_space<vmem>>
      %get3A_396 = tpu.memref_squeeze %get3A_395 : memref<1x80x128xf32, #tpu.memory_space<vmem>> -> memref<80x128xf32, #tpu.memory_space<vmem>>
      %get3A_397 = arith.index_cast %add3A_325 : i32 to index
      %get3A_398 = arith.constant 64 : index
      %get3A_399 = tpu.vector_load %get3A_396[%get3A_397, %get3A_398] {strides = array<i32>} : memref<80x128xf32, #tpu.memory_space<vmem>>, vector<16xf32>,
      %mul3A_400 = arith.mulf %get3A_392, %get3A_399 : vector<16xf32>
      %get3A_401 = arith.constant 0 : i32
      %get3A_402 = arith.constant 0 : i32
      %get3A_403 = tpu.memref_slice %arg10[%and3A_50, %get3A_401, %get3A_402] : memref<2x80x128xf32, #tpu.memory_space<vmem>> -> memref<1x80x128xf32, #tpu.memory_space<vmem>>
      %get3A_404 = tpu.memref_squeeze %get3A_403 : memref<1x80x128xf32, #tpu.memory_space<vmem>> -> memref<80x128xf32, #tpu.memory_space<vmem>>
      %get3A_405 = arith.index_cast %add3A_325 : i32 to index
      %get3A_406 = arith.constant 80 : index
      %get3A_407 = tpu.vector_load %get3A_404[%get3A_405, %get3A_406] {strides = array<i32>} : memref<80x128xf32, #tpu.memory_space<vmem>>, vector<16xf32>,
      %get3A_408 = arith.constant 0 : i32
      %get3A_409 = arith.constant 0 : i32
      %get3A_410 = tpu.memref_slice %arg11[%and3A_50, %get3A_408, %get3A_409] : memref<2x80x128xf32, #tpu.memory_space<vmem>> -> memref<1x80x128xf32, #tpu.memory_space<vmem>>
      %get3A_411 = tpu.memref_squeeze %get3A_410 : memref<1x80x128xf32, #tpu.memory_space<vmem>> -> memref<80x128xf32, #tpu.memory_space<vmem>>
      %get3A_412 = arith.index_cast %add3A_325 : i32 to index
      %get3A_413 = arith.constant 80 : index
      %get3A_414 = tpu.vector_load %get3A_411[%get3A_412, %get3A_413] {strides = array<i32>} : memref<80x128xf32, #tpu.memory_space<vmem>>, vector<16xf32>,
      %mul3A_415 = arith.mulf %get3A_407, %get3A_414 : vector<16xf32>
      %get3A_416 = arith.constant 0 : i32
      %get3A_417 = arith.constant 0 : i32
      %get3A_418 = tpu.memref_slice %arg10[%and3A_50, %get3A_416, %get3A_417] : memref<2x80x128xf32, #tpu.memory_space<vmem>> -> memref<1x80x128xf32, #tpu.memory_space<vmem>>
      %get3A_419 = tpu.memref_squeeze %get3A_418 : memref<1x80x128xf32, #tpu.memory_space<vmem>> -> memref<80x128xf32, #tpu.memory_space<vmem>>
      %get3A_420 = arith.index_cast %add3A_325 : i32 to index
      %get3A_421 = arith.constant 96 : index
      %get3A_422 = tpu.vector_load %get3A_419[%get3A_420, %get3A_421] {strides = array<i32>} : memref<80x128xf32, #tpu.memory_space<vmem>>, vector<16xf32>,
      %get3A_423 = arith.constant 0 : i32
      %get3A_424 = arith.constant 0 : i32
      %get3A_425 = tpu.memref_slice %arg11[%and3A_50, %get3A_423, %get3A_424] : memref<2x80x128xf32, #tpu.memory_space<vmem>> -> memref<1x80x128xf32, #tpu.memory_space<vmem>>
      %get3A_426 = tpu.memref_squeeze %get3A_425 : memref<1x80x128xf32, #tpu.memory_space<vmem>> -> memref<80x128xf32, #tpu.memory_space<vmem>>
      %get3A_427 = arith.index_cast %add3A_325 : i32 to index
      %get3A_428 = arith.constant 96 : index
      %get3A_429 = tpu.vector_load %get3A_426[%get3A_427, %get3A_428] {strides = array<i32>} : memref<80x128xf32, #tpu.memory_space<vmem>>, vector<16xf32>,
      %mul3A_430 = arith.mulf %get3A_422, %get3A_429 : vector<16xf32>
      %get3A_431 = arith.constant 0 : i32
      %get3A_432 = arith.constant 0 : i32
      %get3A_433 = tpu.memref_slice %arg10[%and3A_50, %get3A_431, %get3A_432] : memref<2x80x128xf32, #tpu.memory_space<vmem>> -> memref<1x80x128xf32, #tpu.memory_space<vmem>>
      %get3A_434 = tpu.memref_squeeze %get3A_433 : memref<1x80x128xf32, #tpu.memory_space<vmem>> -> memref<80x128xf32, #tpu.memory_space<vmem>>
      %get3A_435 = arith.index_cast %add3A_325 : i32 to index
      %get3A_436 = arith.constant 112 : index
      %get3A_437 = tpu.vector_load %get3A_434[%get3A_435, %get3A_436] {strides = array<i32>} : memref<80x128xf32, #tpu.memory_space<vmem>>, vector<16xf32>,
      %get3A_438 = arith.constant 0 : i32
      %get3A_439 = arith.constant 0 : i32
      %get3A_440 = tpu.memref_slice %arg11[%and3A_50, %get3A_438, %get3A_439] : memref<2x80x128xf32, #tpu.memory_space<vmem>> -> memref<1x80x128xf32, #tpu.memory_space<vmem>>
      %get3A_441 = tpu.memref_squeeze %get3A_440 : memref<1x80x128xf32, #tpu.memory_space<vmem>> -> memref<80x128xf32, #tpu.memory_space<vmem>>
      %get3A_442 = arith.index_cast %add3A_325 : i32 to index
      %get3A_443 = arith.constant 112 : index
      %get3A_444 = tpu.vector_load %get3A_441[%get3A_442, %get3A_443] {strides = array<i32>} : memref<80x128xf32, #tpu.memory_space<vmem>>, vector<16xf32>,
      %mul3A_445 = arith.mulf %get3A_437, %get3A_444 : vector<16xf32>
      %add3A_446 = arith.addf %mul3A_340, %mul3A_355 : vector<16xf32>
      %add3A_447 = arith.addf %mul3A_370, %mul3A_385 : vector<16xf32>
      %add3A_448 = arith.addf %mul3A_400, %mul3A_415 : vector<16xf32>
      %add3A_449 = arith.addf %mul3A_430, %mul3A_445 : vector<16xf32>
      %add3A_450 = arith.addf %add3A_446, %add3A_447 : vector<16xf32>
      %add3A_451 = arith.addf %add3A_448, %add3A_449 : vector<16xf32>
      %add3A_452 = arith.addf %add3A_450, %add3A_451 : vector<16xf32>
      %swap3A_453 = arith.index_cast %add3A_325 : i32 to index
      %swap3A_454 = arith.constant 0 : index
      %swap3A_455 = tpu.vector_load %arg12[%swap3A_453, %swap3A_454] {strides = array<i32>} : memref<80x17xf32, #tpu.memory_space<vmem>>, vector<16xf32>,
      tpu.vector_store %arg12[%swap3A_453, %swap3A_454], %add3A_452 {strides = array<i32>} : memref<80x17xf32, #tpu.memory_space<vmem>>, vector<16xf32>,
      %add3A_456 = arith.constant 3 : i32
      %add3A_457 = arith.addi %mul3A_61, %add3A_456 : i32
      %get3A_458 = arith.constant 0 : i32
      %get3A_459 = arith.constant 0 : i32
      %get3A_460 = tpu.memref_slice %arg10[%and3A_50, %get3A_458, %get3A_459] : memref<2x80x128xf32, #tpu.memory_space<vmem>> -> memref<1x80x128xf32, #tpu.memory_space<vmem>>
      %get3A_461 = tpu.memref_squeeze %get3A_460 : memref<1x80x128xf32, #tpu.memory_space<vmem>> -> memref<80x128xf32, #tpu.memory_space<vmem>>
      %get3A_462 = arith.index_cast %add3A_457 : i32 to index
      %get3A_463 = arith.constant 0 : index
      %get3A_464 = tpu.vector_load %get3A_461[%get3A_462, %get3A_463] {strides = array<i32>} : memref<80x128xf32, #tpu.memory_space<vmem>>, vector<16xf32>,
      %get3A_465 = arith.constant 0 : i32
      %get3A_466 = arith.constant 0 : i32
      %get3A_467 = tpu.memref_slice %arg11[%and3A_50, %get3A_465, %get3A_466] : memref<2x80x128xf32, #tpu.memory_space<vmem>> -> memref<1x80x128xf32, #tpu.memory_space<vmem>>
      %get3A_468 = tpu.memref_squeeze %get3A_467 : memref<1x80x128xf32, #tpu.memory_space<vmem>> -> memref<80x128xf32, #tpu.memory_space<vmem>>
      %get3A_469 = arith.index_cast %add3A_457 : i32 to index
      %get3A_470 = arith.constant 0 : index
      %get3A_471 = tpu.vector_load %get3A_468[%get3A_469, %get3A_470] {strides = array<i32>} : memref<80x128xf32, #tpu.memory_space<vmem>>, vector<16xf32>,
      %mul3A_472 = arith.mulf %get3A_464, %get3A_471 : vector<16xf32>
      %get3A_473 = arith.constant 0 : i32
      %get3A_474 = arith.constant 0 : i32
      %get3A_475 = tpu.memref_slice %arg10[%and3A_50, %get3A_473, %get3A_474] : memref<2x80x128xf32, #tpu.memory_space<vmem>> -> memref<1x80x128xf32, #tpu.memory_space<vmem>>
      %get3A_476 = tpu.memref_squeeze %get3A_475 : memref<1x80x128xf32, #tpu.memory_space<vmem>> -> memref<80x128xf32, #tpu.memory_space<vmem>>
      %get3A_477 = arith.index_cast %add3A_457 : i32 to index
      %get3A_478 = arith.constant 16 : index
      %get3A_479 = tpu.vector_load %get3A_476[%get3A_477, %get3A_478] {strides = array<i32>} : memref<80x128xf32, #tpu.memory_space<vmem>>, vector<16xf32>,
      %get3A_480 = arith.constant 0 : i32
      %get3A_481 = arith.constant 0 : i32
      %get3A_482 = tpu.memref_slice %arg11[%and3A_50, %get3A_480, %get3A_481] : memref<2x80x128xf32, #tpu.memory_space<vmem>> -> memref<1x80x128xf32, #tpu.memory_space<vmem>>
      %get3A_483 = tpu.memref_squeeze %get3A_482 : memref<1x80x128xf32, #tpu.memory_space<vmem>> -> memref<80x128xf32, #tpu.memory_space<vmem>>
      %get3A_484 = arith.index_cast %add3A_457 : i32 to index
      %get3A_485 = arith.constant 16 : index
      %get3A_486 = tpu.vector_load %get3A_483[%get3A_484, %get3A_485] {strides = array<i32>} : memref<80x128xf32, #tpu.memory_space<vmem>>, vector<16xf32>,
      %mul3A_487 = arith.mulf %get3A_479, %get3A_486 : vector<16xf32>
      %get3A_488 = arith.constant 0 : i32
      %get3A_489 = arith.constant 0 : i32
      %get3A_490 = tpu.memref_slice %arg10[%and3A_50, %get3A_488, %get3A_489] : memref<2x80x128xf32, #tpu.memory_space<vmem>> -> memref<1x80x128xf32, #tpu.memory_space<vmem>>
      %get3A_491 = tpu.memref_squeeze %get3A_490 : memref<1x80x128xf32, #tpu.memory_space<vmem>> -> memref<80x128xf32, #tpu.memory_space<vmem>>
      %get3A_492 = arith.index_cast %add3A_457 : i32 to index
      %get3A_493 = arith.constant 32 : index
      %get3A_494 = tpu.vector_load %get3A_491[%get3A_492, %get3A_493] {strides = array<i32>} : memref<80x128xf32, #tpu.memory_space<vmem>>, vector<16xf32>,
      %get3A_495 = arith.constant 0 : i32
      %get3A_496 = arith.constant 0 : i32
      %get3A_497 = tpu.memref_slice %arg11[%and3A_50, %get3A_495, %get3A_496] : memref<2x80x128xf32, #tpu.memory_space<vmem>> -> memref<1x80x128xf32, #tpu.memory_space<vmem>>
      %get3A_498 = tpu.memref_squeeze %get3A_497 : memref<1x80x128xf32, #tpu.memory_space<vmem>> -> memref<80x128xf32, #tpu.memory_space<vmem>>
      %get3A_499 = arith.index_cast %add3A_457 : i32 to index
      %get3A_500 = arith.constant 32 : index
      %get3A_501 = tpu.vector_load %get3A_498[%get3A_499, %get3A_500] {strides = array<i32>} : memref<80x128xf32, #tpu.memory_space<vmem>>, vector<16xf32>,
      %mul3A_502 = arith.mulf %get3A_494, %get3A_501 : vector<16xf32>
      %get3A_503 = arith.constant 0 : i32
      %get3A_504 = arith.constant 0 : i32
      %get3A_505 = tpu.memref_slice %arg10[%and3A_50, %get3A_503, %get3A_504] : memref<2x80x128xf32, #tpu.memory_space<vmem>> -> memref<1x80x128xf32, #tpu.memory_space<vmem>>
      %get3A_506 = tpu.memref_squeeze %get3A_505 : memref<1x80x128xf32, #tpu.memory_space<vmem>> -> memref<80x128xf32, #tpu.memory_space<vmem>>
      %get3A_507 = arith.index_cast %add3A_457 : i32 to index
      %get3A_508 = arith.constant 48 : index
      %get3A_509 = tpu.vector_load %get3A_506[%get3A_507, %get3A_508] {strides = array<i32>} : memref<80x128xf32, #tpu.memory_space<vmem>>, vector<16xf32>,
      %get3A_510 = arith.constant 0 : i32
      %get3A_511 = arith.constant 0 : i32
      %get3A_512 = tpu.memref_slice %arg11[%and3A_50, %get3A_510, %get3A_511] : memref<2x80x128xf32, #tpu.memory_space<vmem>> -> memref<1x80x128xf32, #tpu.memory_space<vmem>>
      %get3A_513 = tpu.memref_squeeze %get3A_512 : memref<1x80x128xf32, #tpu.memory_space<vmem>> -> memref<80x128xf32, #tpu.memory_space<vmem>>
      %get3A_514 = arith.index_cast %add3A_457 : i32 to index
      %get3A_515 = arith.constant 48 : index
      %get3A_516 = tpu.vector_load %get3A_513[%get3A_514, %get3A_515] {strides = array<i32>} : memref<80x128xf32, #tpu.memory_space<vmem>>, vector<16xf32>,
      %mul3A_517 = arith.mulf %get3A_509, %get3A_516 : vector<16xf32>
      %get3A_518 = arith.constant 0 : i32
      %get3A_519 = arith.constant 0 : i32
      %get3A_520 = tpu.memref_slice %arg10[%and3A_50, %get3A_518, %get3A_519] : memref<2x80x128xf32, #tpu.memory_space<vmem>> -> memref<1x80x128xf32, #tpu.memory_space<vmem>>
      %get3A_521 = tpu.memref_squeeze %get3A_520 : memref<1x80x128xf32, #tpu.memory_space<vmem>> -> memref<80x128xf32, #tpu.memory_space<vmem>>
      %get3A_522 = arith.index_cast %add3A_457 : i32 to index
      %get3A_523 = arith.constant 64 : index
      %get3A_524 = tpu.vector_load %get3A_521[%get3A_522, %get3A_523] {strides = array<i32>} : memref<80x128xf32, #tpu.memory_space<vmem>>, vector<16xf32>,
      %get3A_525 = arith.constant 0 : i32
      %get3A_526 = arith.constant 0 : i32
      %get3A_527 = tpu.memref_slice %arg11[%and3A_50, %get3A_525, %get3A_526] : memref<2x80x128xf32, #tpu.memory_space<vmem>> -> memref<1x80x128xf32, #tpu.memory_space<vmem>>
      %get3A_528 = tpu.memref_squeeze %get3A_527 : memref<1x80x128xf32, #tpu.memory_space<vmem>> -> memref<80x128xf32, #tpu.memory_space<vmem>>
      %get3A_529 = arith.index_cast %add3A_457 : i32 to index
      %get3A_530 = arith.constant 64 : index
      %get3A_531 = tpu.vector_load %get3A_528[%get3A_529, %get3A_530] {strides = array<i32>} : memref<80x128xf32, #tpu.memory_space<vmem>>, vector<16xf32>,
      %mul3A_532 = arith.mulf %get3A_524, %get3A_531 : vector<16xf32>
      %get3A_533 = arith.constant 0 : i32
      %get3A_534 = arith.constant 0 : i32
      %get3A_535 = tpu.memref_slice %arg10[%and3A_50, %get3A_533, %get3A_534] : memref<2x80x128xf32, #tpu.memory_space<vmem>> -> memref<1x80x128xf32, #tpu.memory_space<vmem>>
      %get3A_536 = tpu.memref_squeeze %get3A_535 : memref<1x80x128xf32, #tpu.memory_space<vmem>> -> memref<80x128xf32, #tpu.memory_space<vmem>>
      %get3A_537 = arith.index_cast %add3A_457 : i32 to index
      %get3A_538 = arith.constant 80 : index
      %get3A_539 = tpu.vector_load %get3A_536[%get3A_537, %get3A_538] {strides = array<i32>} : memref<80x128xf32, #tpu.memory_space<vmem>>, vector<16xf32>,
      %get3A_540 = arith.constant 0 : i32
      %get3A_541 = arith.constant 0 : i32
      %get3A_542 = tpu.memref_slice %arg11[%and3A_50, %get3A_540, %get3A_541] : memref<2x80x128xf32, #tpu.memory_space<vmem>> -> memref<1x80x128xf32, #tpu.memory_space<vmem>>
      %get3A_543 = tpu.memref_squeeze %get3A_542 : memref<1x80x128xf32, #tpu.memory_space<vmem>> -> memref<80x128xf32, #tpu.memory_space<vmem>>
      %get3A_544 = arith.index_cast %add3A_457 : i32 to index
      %get3A_545 = arith.constant 80 : index
      %get3A_546 = tpu.vector_load %get3A_543[%get3A_544, %get3A_545] {strides = array<i32>} : memref<80x128xf32, #tpu.memory_space<vmem>>, vector<16xf32>,
      %mul3A_547 = arith.mulf %get3A_539, %get3A_546 : vector<16xf32>
      %get3A_548 = arith.constant 0 : i32
      %get3A_549 = arith.constant 0 : i32
      %get3A_550 = tpu.memref_slice %arg10[%and3A_50, %get3A_548, %get3A_549] : memref<2x80x128xf32, #tpu.memory_space<vmem>> -> memref<1x80x128xf32, #tpu.memory_space<vmem>>
      %get3A_551 = tpu.memref_squeeze %get3A_550 : memref<1x80x128xf32, #tpu.memory_space<vmem>> -> memref<80x128xf32, #tpu.memory_space<vmem>>
      %get3A_552 = arith.index_cast %add3A_457 : i32 to index
      %get3A_553 = arith.constant 96 : index
      %get3A_554 = tpu.vector_load %get3A_551[%get3A_552, %get3A_553] {strides = array<i32>} : memref<80x128xf32, #tpu.memory_space<vmem>>, vector<16xf32>,
      %get3A_555 = arith.constant 0 : i32
      %get3A_556 = arith.constant 0 : i32
      %get3A_557 = tpu.memref_slice %arg11[%and3A_50, %get3A_555, %get3A_556] : memref<2x80x128xf32, #tpu.memory_space<vmem>> -> memref<1x80x128xf32, #tpu.memory_space<vmem>>
      %get3A_558 = tpu.memref_squeeze %get3A_557 : memref<1x80x128xf32, #tpu.memory_space<vmem>> -> memref<80x128xf32, #tpu.memory_space<vmem>>
      %get3A_559 = arith.index_cast %add3A_457 : i32 to index
      %get3A_560 = arith.constant 96 : index
      %get3A_561 = tpu.vector_load %get3A_558[%get3A_559, %get3A_560] {strides = array<i32>} : memref<80x128xf32, #tpu.memory_space<vmem>>, vector<16xf32>,
      %mul3A_562 = arith.mulf %get3A_554, %get3A_561 : vector<16xf32>
      %get3A_563 = arith.constant 0 : i32
      %get3A_564 = arith.constant 0 : i32
      %get3A_565 = tpu.memref_slice %arg10[%and3A_50, %get3A_563, %get3A_564] : memref<2x80x128xf32, #tpu.memory_space<vmem>> -> memref<1x80x128xf32, #tpu.memory_space<vmem>>
      %get3A_566 = tpu.memref_squeeze %get3A_565 : memref<1x80x128xf32, #tpu.memory_space<vmem>> -> memref<80x128xf32, #tpu.memory_space<vmem>>
      %get3A_567 = arith.index_cast %add3A_457 : i32 to index
      %get3A_568 = arith.constant 112 : index
      %get3A_569 = tpu.vector_load %get3A_566[%get3A_567, %get3A_568] {strides = array<i32>} : memref<80x128xf32, #tpu.memory_space<vmem>>, vector<16xf32>,
      %get3A_570 = arith.constant 0 : i32
      %get3A_571 = arith.constant 0 : i32
      %get3A_572 = tpu.memref_slice %arg11[%and3A_50, %get3A_570, %get3A_571] : memref<2x80x128xf32, #tpu.memory_space<vmem>> -> memref<1x80x128xf32, #tpu.memory_space<vmem>>
      %get3A_573 = tpu.memref_squeeze %get3A_572 : memref<1x80x128xf32, #tpu.memory_space<vmem>> -> memref<80x128xf32, #tpu.memory_space<vmem>>
      %get3A_574 = arith.index_cast %add3A_457 : i32 to index
      %get3A_575 = arith.constant 112 : index
      %get3A_576 = tpu.vector_load %get3A_573[%get3A_574, %get3A_575] {strides = array<i32>} : memref<80x128xf32, #tpu.memory_space<vmem>>, vector<16xf32>,
      %mul3A_577 = arith.mulf %get3A_569, %get3A_576 : vector<16xf32>
      %add3A_578 = arith.addf %mul3A_472, %mul3A_487 : vector<16xf32>
      %add3A_579 = arith.addf %mul3A_502, %mul3A_517 : vector<16xf32>
      %add3A_580 = arith.addf %mul3A_532, %mul3A_547 : vector<16xf32>
      %add3A_581 = arith.addf %mul3A_562, %mul3A_577 : vector<16xf32>
      %add3A_582 = arith.addf %add3A_578, %add3A_579 : vector<16xf32>
      %add3A_583 = arith.addf %add3A_580, %add3A_581 : vector<16xf32>
      %add3A_584 = arith.addf %add3A_582, %add3A_583 : vector<16xf32>
      %swap3A_585 = arith.index_cast %add3A_457 : i32 to index
      %swap3A_586 = arith.constant 0 : index
      %swap3A_587 = tpu.vector_load %arg12[%swap3A_585, %swap3A_586] {strides = array<i32>} : memref<80x17xf32, #tpu.memory_space<vmem>>, vector<16xf32>,
      tpu.vector_store %arg12[%swap3A_585, %swap3A_586], %add3A_584 {strides = array<i32>} : memref<80x17xf32, #tpu.memory_space<vmem>>, vector<16xf32>,
      %add3A_588 = arith.constant 4 : i32
      %add3A_589 = arith.addi %mul3A_61, %add3A_588 : i32
      %get3A_590 = arith.constant 0 : i32
      %get3A_591 = arith.constant 0 : i32
      %get3A_592 = tpu.memref_slice %arg10[%and3A_50, %get3A_590, %get3A_591] : memref<2x80x128xf32, #tpu.memory_space<vmem>> -> memref<1x80x128xf32, #tpu.memory_space<vmem>>
      %get3A_593 = tpu.memref_squeeze %get3A_592 : memref<1x80x128xf32, #tpu.memory_space<vmem>> -> memref<80x128xf32, #tpu.memory_space<vmem>>
      %get3A_594 = arith.index_cast %add3A_589 : i32 to index
      %get3A_595 = arith.constant 0 : index
      %get3A_596 = tpu.vector_load %get3A_593[%get3A_594, %get3A_595] {strides = array<i32>} : memref<80x128xf32, #tpu.memory_space<vmem>>, vector<16xf32>,
      %get3A_597 = arith.constant 0 : i32
      %get3A_598 = arith.constant 0 : i32
      %get3A_599 = tpu.memref_slice %arg11[%and3A_50, %get3A_597, %get3A_598] : memref<2x80x128xf32, #tpu.memory_space<vmem>> -> memref<1x80x128xf32, #tpu.memory_space<vmem>>
      %get3A_600 = tpu.memref_squeeze %get3A_599 : memref<1x80x128xf32, #tpu.memory_space<vmem>> -> memref<80x128xf32, #tpu.memory_space<vmem>>
      %get3A_601 = arith.index_cast %add3A_589 : i32 to index
      %get3A_602 = arith.constant 0 : index
      %get3A_603 = tpu.vector_load %get3A_600[%get3A_601, %get3A_602] {strides = array<i32>} : memref<80x128xf32, #tpu.memory_space<vmem>>, vector<16xf32>,
      %mul3A_604 = arith.mulf %get3A_596, %get3A_603 : vector<16xf32>
      %get3A_605 = arith.constant 0 : i32
      %get3A_606 = arith.constant 0 : i32
      %get3A_607 = tpu.memref_slice %arg10[%and3A_50, %get3A_605, %get3A_606] : memref<2x80x128xf32, #tpu.memory_space<vmem>> -> memref<1x80x128xf32, #tpu.memory_space<vmem>>
      %get3A_608 = tpu.memref_squeeze %get3A_607 : memref<1x80x128xf32, #tpu.memory_space<vmem>> -> memref<80x128xf32, #tpu.memory_space<vmem>>
      %get3A_609 = arith.index_cast %add3A_589 : i32 to index
      %get3A_610 = arith.constant 16 : index
      %get3A_611 = tpu.vector_load %get3A_608[%get3A_609, %get3A_610] {strides = array<i32>} : memref<80x128xf32, #tpu.memory_space<vmem>>, vector<16xf32>,
      %get3A_612 = arith.constant 0 : i32
      %get3A_613 = arith.constant 0 : i32
      %get3A_614 = tpu.memref_slice %arg11[%and3A_50, %get3A_612, %get3A_613] : memref<2x80x128xf32, #tpu.memory_space<vmem>> -> memref<1x80x128xf32, #tpu.memory_space<vmem>>
      %get3A_615 = tpu.memref_squeeze %get3A_614 : memref<1x80x128xf32, #tpu.memory_space<vmem>> -> memref<80x128xf32, #tpu.memory_space<vmem>>
      %get3A_616 = arith.index_cast %add3A_589 : i32 to index
      %get3A_617 = arith.constant 16 : index
      %get3A_618 = tpu.vector_load %get3A_615[%get3A_616, %get3A_617] {strides = array<i32>} : memref<80x128xf32, #tpu.memory_space<vmem>>, vector<16xf32>,
      %mul3A_619 = arith.mulf %get3A_611, %get3A_618 : vector<16xf32>
      %get3A_620 = arith.constant 0 : i32
      %get3A_621 = arith.constant 0 : i32
      %get3A_622 = tpu.memref_slice %arg10[%and3A_50, %get3A_620, %get3A_621] : memref<2x80x128xf32, #tpu.memory_space<vmem>> -> memref<1x80x128xf32, #tpu.memory_space<vmem>>
      %get3A_623 = tpu.memref_squeeze %get3A_622 : memref<1x80x128xf32, #tpu.memory_space<vmem>> -> memref<80x128xf32, #tpu.memory_space<vmem>>
      %get3A_624 = arith.index_cast %add3A_589 : i32 to index
      %get3A_625 = arith.constant 32 : index
      %get3A_626 = tpu.vector_load %get3A_623[%get3A_624, %get3A_625] {strides = array<i32>} : memref<80x128xf32, #tpu.memory_space<vmem>>, vector<16xf32>,
      %get3A_627 = arith.constant 0 : i32
      %get3A_628 = arith.constant 0 : i32
      %get3A_629 = tpu.memref_slice %arg11[%and3A_50, %get3A_627, %get3A_628] : memref<2x80x128xf32, #tpu.memory_space<vmem>> -> memref<1x80x128xf32, #tpu.memory_space<vmem>>
      %get3A_630 = tpu.memref_squeeze %get3A_629 : memref<1x80x128xf32, #tpu.memory_space<vmem>> -> memref<80x128xf32, #tpu.memory_space<vmem>>
      %get3A_631 = arith.index_cast %add3A_589 : i32 to index
      %get3A_632 = arith.constant 32 : index
      %get3A_633 = tpu.vector_load %get3A_630[%get3A_631, %get3A_632] {strides = array<i32>} : memref<80x128xf32, #tpu.memory_space<vmem>>, vector<16xf32>,
      %mul3A_634 = arith.mulf %get3A_626, %get3A_633 : vector<16xf32>
      %get3A_635 = arith.constant 0 : i32
      %get3A_636 = arith.constant 0 : i32
      %get3A_637 = tpu.memref_slice %arg10[%and3A_50, %get3A_635, %get3A_636] : memref<2x80x128xf32, #tpu.memory_space<vmem>> -> memref<1x80x128xf32, #tpu.memory_space<vmem>>
      %get3A_638 = tpu.memref_squeeze %get3A_637 : memref<1x80x128xf32, #tpu.memory_space<vmem>> -> memref<80x128xf32, #tpu.memory_space<vmem>>
      %get3A_639 = arith.index_cast %add3A_589 : i32 to index
      %get3A_640 = arith.constant 48 : index
      %get3A_641 = tpu.vector_load %get3A_638[%get3A_639, %get3A_640] {strides = array<i32>} : memref<80x128xf32, #tpu.memory_space<vmem>>, vector<16xf32>,
      %get3A_642 = arith.constant 0 : i32
      %get3A_643 = arith.constant 0 : i32
      %get3A_644 = tpu.memref_slice %arg11[%and3A_50, %get3A_642, %get3A_643] : memref<2x80x128xf32, #tpu.memory_space<vmem>> -> memref<1x80x128xf32, #tpu.memory_space<vmem>>
      %get3A_645 = tpu.memref_squeeze %get3A_644 : memref<1x80x128xf32, #tpu.memory_space<vmem>> -> memref<80x128xf32, #tpu.memory_space<vmem>>
      %get3A_646 = arith.index_cast %add3A_589 : i32 to index
      %get3A_647 = arith.constant 48 : index
      %get3A_648 = tpu.vector_load %get3A_645[%get3A_646, %get3A_647] {strides = array<i32>} : memref<80x128xf32, #tpu.memory_space<vmem>>, vector<16xf32>,
      %mul3A_649 = arith.mulf %get3A_641, %get3A_648 : vector<16xf32>
      %get3A_650 = arith.constant 0 : i32
      %get3A_651 = arith.constant 0 : i32
      %get3A_652 = tpu.memref_slice %arg10[%and3A_50, %get3A_650, %get3A_651] : memref<2x80x128xf32, #tpu.memory_space<vmem>> -> memref<1x80x128xf32, #tpu.memory_space<vmem>>
      %get3A_653 = tpu.memref_squeeze %get3A_652 : memref<1x80x128xf32, #tpu.memory_space<vmem>> -> memref<80x128xf32, #tpu.memory_space<vmem>>
      %get3A_654 = arith.index_cast %add3A_589 : i32 to index
      %get3A_655 = arith.constant 64 : index
      %get3A_656 = tpu.vector_load %get3A_653[%get3A_654, %get3A_655] {strides = array<i32>} : memref<80x128xf32, #tpu.memory_space<vmem>>, vector<16xf32>,
      %get3A_657 = arith.constant 0 : i32
      %get3A_658 = arith.constant 0 : i32
      %get3A_659 = tpu.memref_slice %arg11[%and3A_50, %get3A_657, %get3A_658] : memref<2x80x128xf32, #tpu.memory_space<vmem>> -> memref<1x80x128xf32, #tpu.memory_space<vmem>>
      %get3A_660 = tpu.memref_squeeze %get3A_659 : memref<1x80x128xf32, #tpu.memory_space<vmem>> -> memref<80x128xf32, #tpu.memory_space<vmem>>
      %get3A_661 = arith.index_cast %add3A_589 : i32 to index
      %get3A_662 = arith.constant 64 : index
      %get3A_663 = tpu.vector_load %get3A_660[%get3A_661, %get3A_662] {strides = array<i32>} : memref<80x128xf32, #tpu.memory_space<vmem>>, vector<16xf32>,
      %mul3A_664 = arith.mulf %get3A_656, %get3A_663 : vector<16xf32>
      %get3A_665 = arith.constant 0 : i32
      %get3A_666 = arith.constant 0 : i32
      %get3A_667 = tpu.memref_slice %arg10[%and3A_50, %get3A_665, %get3A_666] : memref<2x80x128xf32, #tpu.memory_space<vmem>> -> memref<1x80x128xf32, #tpu.memory_space<vmem>>
      %get3A_668 = tpu.memref_squeeze %get3A_667 : memref<1x80x128xf32, #tpu.memory_space<vmem>> -> memref<80x128xf32, #tpu.memory_space<vmem>>
      %get3A_669 = arith.index_cast %add3A_589 : i32 to index
      %get3A_670 = arith.constant 80 : index
      %get3A_671 = tpu.vector_load %get3A_668[%get3A_669, %get3A_670] {strides = array<i32>} : memref<80x128xf32, #tpu.memory_space<vmem>>, vector<16xf32>,
      %get3A_672 = arith.constant 0 : i32
      %get3A_673 = arith.constant 0 : i32
      %get3A_674 = tpu.memref_slice %arg11[%and3A_50, %get3A_672, %get3A_673] : memref<2x80x128xf32, #tpu.memory_space<vmem>> -> memref<1x80x128xf32, #tpu.memory_space<vmem>>
      %get3A_675 = tpu.memref_squeeze %get3A_674 : memref<1x80x128xf32, #tpu.memory_space<vmem>> -> memref<80x128xf32, #tpu.memory_space<vmem>>
      %get3A_676 = arith.index_cast %add3A_589 : i32 to index
      %get3A_677 = arith.constant 80 : index
      %get3A_678 = tpu.vector_load %get3A_675[%get3A_676, %get3A_677] {strides = array<i32>} : memref<80x128xf32, #tpu.memory_space<vmem>>, vector<16xf32>,
      %mul3A_679 = arith.mulf %get3A_671, %get3A_678 : vector<16xf32>
      %get3A_680 = arith.constant 0 : i32
      %get3A_681 = arith.constant 0 : i32
      %get3A_682 = tpu.memref_slice %arg10[%and3A_50, %get3A_680, %get3A_681] : memref<2x80x128xf32, #tpu.memory_space<vmem>> -> memref<1x80x128xf32, #tpu.memory_space<vmem>>
      %get3A_683 = tpu.memref_squeeze %get3A_682 : memref<1x80x128xf32, #tpu.memory_space<vmem>> -> memref<80x128xf32, #tpu.memory_space<vmem>>
      %get3A_684 = arith.index_cast %add3A_589 : i32 to index
      %get3A_685 = arith.constant 96 : index
      %get3A_686 = tpu.vector_load %get3A_683[%get3A_684, %get3A_685] {strides = array<i32>} : memref<80x128xf32, #tpu.memory_space<vmem>>, vector<16xf32>,
      %get3A_687 = arith.constant 0 : i32
      %get3A_688 = arith.constant 0 : i32
      %get3A_689 = tpu.memref_slice %arg11[%and3A_50, %get3A_687, %get3A_688] : memref<2x80x128xf32, #tpu.memory_space<vmem>> -> memref<1x80x128xf32, #tpu.memory_space<vmem>>
      %get3A_690 = tpu.memref_squeeze %get3A_689 : memref<1x80x128xf32, #tpu.memory_space<vmem>> -> memref<80x128xf32, #tpu.memory_space<vmem>>
      %get3A_691 = arith.index_cast %add3A_589 : i32 to index
      %get3A_692 = arith.constant 96 : index
      %get3A_693 = tpu.vector_load %get3A_690[%get3A_691, %get3A_692] {strides = array<i32>} : memref<80x128xf32, #tpu.memory_space<vmem>>, vector<16xf32>,
      %mul3A_694 = arith.mulf %get3A_686, %get3A_693 : vector<16xf32>
      %get3A_695 = arith.constant 0 : i32
      %get3A_696 = arith.constant 0 : i32
      %get3A_697 = tpu.memref_slice %arg10[%and3A_50, %get3A_695, %get3A_696] : memref<2x80x128xf32, #tpu.memory_space<vmem>> -> memref<1x80x128xf32, #tpu.memory_space<vmem>>
      %get3A_698 = tpu.memref_squeeze %get3A_697 : memref<1x80x128xf32, #tpu.memory_space<vmem>> -> memref<80x128xf32, #tpu.memory_space<vmem>>
      %get3A_699 = arith.index_cast %add3A_589 : i32 to index
      %get3A_700 = arith.constant 112 : index
      %get3A_701 = tpu.vector_load %get3A_698[%get3A_699, %get3A_700] {strides = array<i32>} : memref<80x128xf32, #tpu.memory_space<vmem>>, vector<16xf32>,
      %get3A_702 = arith.constant 0 : i32
      %get3A_703 = arith.constant 0 : i32
      %get3A_704 = tpu.memref_slice %arg11[%and3A_50, %get3A_702, %get3A_703] : memref<2x80x128xf32, #tpu.memory_space<vmem>> -> memref<1x80x128xf32, #tpu.memory_space<vmem>>
      %get3A_705 = tpu.memref_squeeze %get3A_704 : memref<1x80x128xf32, #tpu.memory_space<vmem>> -> memref<80x128xf32, #tpu.memory_space<vmem>>
      %get3A_706 = arith.index_cast %add3A_589 : i32 to index
      %get3A_707 = arith.constant 112 : index
      %get3A_708 = tpu.vector_load %get3A_705[%get3A_706, %get3A_707] {strides = array<i32>} : memref<80x128xf32, #tpu.memory_space<vmem>>, vector<16xf32>,
      %mul3A_709 = arith.mulf %get3A_701, %get3A_708 : vector<16xf32>
      %add3A_710 = arith.addf %mul3A_604, %mul3A_619 : vector<16xf32>
      %add3A_711 = arith.addf %mul3A_634, %mul3A_649 : vector<16xf32>
      %add3A_712 = arith.addf %mul3A_664, %mul3A_679 : vector<16xf32>
      %add3A_713 = arith.addf %mul3A_694, %mul3A_709 : vector<16xf32>
      %add3A_714 = arith.addf %add3A_710, %add3A_711 : vector<16xf32>
      %add3A_715 = arith.addf %add3A_712, %add3A_713 : vector<16xf32>
      %add3A_716 = arith.addf %add3A_714, %add3A_715 : vector<16xf32>
      %swap3A_717 = arith.index_cast %add3A_589 : i32 to index
      %swap3A_718 = arith.constant 0 : index
      %swap3A_719 = tpu.vector_load %arg12[%swap3A_717, %swap3A_718] {strides = array<i32>} : memref<80x17xf32, #tpu.memory_space<vmem>>, vector<16xf32>,
      tpu.vector_store %arg12[%swap3A_717, %swap3A_718], %add3A_716 {strides = array<i32>} : memref<80x17xf32, #tpu.memory_space<vmem>>, vector<16xf32>,
      %add3A_720 = arith.constant 5 : i32
      %add3A_721 = arith.addi %mul3A_61, %add3A_720 : i32
      %get3A_722 = arith.constant 0 : i32
      %get3A_723 = arith.constant 0 : i32
      %get3A_724 = tpu.memref_slice %arg10[%and3A_50, %get3A_722, %get3A_723] : memref<2x80x128xf32, #tpu.memory_space<vmem>> -> memref<1x80x128xf32, #tpu.memory_space<vmem>>
      %get3A_725 = tpu.memref_squeeze %get3A_724 : memref<1x80x128xf32, #tpu.memory_space<vmem>> -> memref<80x128xf32, #tpu.memory_space<vmem>>
      %get3A_726 = arith.index_cast %add3A_721 : i32 to index
      %get3A_727 = arith.constant 0 : index
      %get3A_728 = tpu.vector_load %get3A_725[%get3A_726, %get3A_727] {strides = array<i32>} : memref<80x128xf32, #tpu.memory_space<vmem>>, vector<16xf32>,
      %get3A_729 = arith.constant 0 : i32
      %get3A_730 = arith.constant 0 : i32
      %get3A_731 = tpu.memref_slice %arg11[%and3A_50, %get3A_729, %get3A_730] : memref<2x80x128xf32, #tpu.memory_space<vmem>> -> memref<1x80x128xf32, #tpu.memory_space<vmem>>
      %get3A_732 = tpu.memref_squeeze %get3A_731 : memref<1x80x128xf32, #tpu.memory_space<vmem>> -> memref<80x128xf32, #tpu.memory_space<vmem>>
      %get3A_733 = arith.index_cast %add3A_721 : i32 to index
      %get3A_734 = arith.constant 0 : index
      %get3A_735 = tpu.vector_load %get3A_732[%get3A_733, %get3A_734] {strides = array<i32>} : memref<80x128xf32, #tpu.memory_space<vmem>>, vector<16xf32>,
      %mul3A_736 = arith.mulf %get3A_728, %get3A_735 : vector<16xf32>
      %get3A_737 = arith.constant 0 : i32
      %get3A_738 = arith.constant 0 : i32
      %get3A_739 = tpu.memref_slice %arg10[%and3A_50, %get3A_737, %get3A_738] : memref<2x80x128xf32, #tpu.memory_space<vmem>> -> memref<1x80x128xf32, #tpu.memory_space<vmem>>
      %get3A_740 = tpu.memref_squeeze %get3A_739 : memref<1x80x128xf32, #tpu.memory_space<vmem>> -> memref<80x128xf32, #tpu.memory_space<vmem>>
      %get3A_741 = arith.index_cast %add3A_721 : i32 to index
      %get3A_742 = arith.constant 16 : index
      %get3A_743 = tpu.vector_load %get3A_740[%get3A_741, %get3A_742] {strides = array<i32>} : memref<80x128xf32, #tpu.memory_space<vmem>>, vector<16xf32>,
      %get3A_744 = arith.constant 0 : i32
      %get3A_745 = arith.constant 0 : i32
      %get3A_746 = tpu.memref_slice %arg11[%and3A_50, %get3A_744, %get3A_745] : memref<2x80x128xf32, #tpu.memory_space<vmem>> -> memref<1x80x128xf32, #tpu.memory_space<vmem>>
      %get3A_747 = tpu.memref_squeeze %get3A_746 : memref<1x80x128xf32, #tpu.memory_space<vmem>> -> memref<80x128xf32, #tpu.memory_space<vmem>>
      %get3A_748 = arith.index_cast %add3A_721 : i32 to index
      %get3A_749 = arith.constant 16 : index
      %get3A_750 = tpu.vector_load %get3A_747[%get3A_748, %get3A_749] {strides = array<i32>} : memref<80x128xf32, #tpu.memory_space<vmem>>, vector<16xf32>,
      %mul3A_751 = arith.mulf %get3A_743, %get3A_750 : vector<16xf32>
      %get3A_752 = arith.constant 0 : i32
      %get3A_753 = arith.constant 0 : i32
      %get3A_754 = tpu.memref_slice %arg10[%and3A_50, %get3A_752, %get3A_753] : memref<2x80x128xf32, #tpu.memory_space<vmem>> -> memref<1x80x128xf32, #tpu.memory_space<vmem>>
      %get3A_755 = tpu.memref_squeeze %get3A_754 : memref<1x80x128xf32, #tpu.memory_space<vmem>> -> memref<80x128xf32, #tpu.memory_space<vmem>>
      %get3A_756 = arith.index_cast %add3A_721 : i32 to index
      %get3A_757 = arith.constant 32 : index
      %get3A_758 = tpu.vector_load %get3A_755[%get3A_756, %get3A_757] {strides = array<i32>} : memref<80x128xf32, #tpu.memory_space<vmem>>, vector<16xf32>,
      %get3A_759 = arith.constant 0 : i32
      %get3A_760 = arith.constant 0 : i32
      %get3A_761 = tpu.memref_slice %arg11[%and3A_50, %get3A_759, %get3A_760] : memref<2x80x128xf32, #tpu.memory_space<vmem>> -> memref<1x80x128xf32, #tpu.memory_space<vmem>>
      %get3A_762 = tpu.memref_squeeze %get3A_761 : memref<1x80x128xf32, #tpu.memory_space<vmem>> -> memref<80x128xf32, #tpu.memory_space<vmem>>
      %get3A_763 = arith.index_cast %add3A_721 : i32 to index
      %get3A_764 = arith.constant 32 : index
      %get3A_765 = tpu.vector_load %get3A_762[%get3A_763, %get3A_764] {strides = array<i32>} : memref<80x128xf32, #tpu.memory_space<vmem>>, vector<16xf32>,
      %mul3A_766 = arith.mulf %get3A_758, %get3A_765 : vector<16xf32>
      %get3A_767 = arith.constant 0 : i32
      %get3A_768 = arith.constant 0 : i32
      %get3A_769 = tpu.memref_slice %arg10[%and3A_50, %get3A_767, %get3A_768] : memref<2x80x128xf32, #tpu.memory_space<vmem>> -> memref<1x80x128xf32, #tpu.memory_space<vmem>>
      %get3A_770 = tpu.memref_squeeze %get3A_769 : memref<1x80x128xf32, #tpu.memory_space<vmem>> -> memref<80x128xf32, #tpu.memory_space<vmem>>
      %get3A_771 = arith.index_cast %add3A_721 : i32 to index
      %get3A_772 = arith.constant 48 : index
      %get3A_773 = tpu.vector_load %get3A_770[%get3A_771, %get3A_772] {strides = array<i32>} : memref<80x128xf32, #tpu.memory_space<vmem>>, vector<16xf32>,
      %get3A_774 = arith.constant 0 : i32
      %get3A_775 = arith.constant 0 : i32
      %get3A_776 = tpu.memref_slice %arg11[%and3A_50, %get3A_774, %get3A_775] : memref<2x80x128xf32, #tpu.memory_space<vmem>> -> memref<1x80x128xf32, #tpu.memory_space<vmem>>
      %get3A_777 = tpu.memref_squeeze %get3A_776 : memref<1x80x128xf32, #tpu.memory_space<vmem>> -> memref<80x128xf32, #tpu.memory_space<vmem>>
      %get3A_778 = arith.index_cast %add3A_721 : i32 to index
      %get3A_779 = arith.constant 48 : index
      %get3A_780 = tpu.vector_load %get3A_777[%get3A_778, %get3A_779] {strides = array<i32>} : memref<80x128xf32, #tpu.memory_space<vmem>>, vector<16xf32>,
      %mul3A_781 = arith.mulf %get3A_773, %get3A_780 : vector<16xf32>
      %get3A_782 = arith.constant 0 : i32
      %get3A_783 = arith.constant 0 : i32
      %get3A_784 = tpu.memref_slice %arg10[%and3A_50, %get3A_782, %get3A_783] : memref<2x80x128xf32, #tpu.memory_space<vmem>> -> memref<1x80x128xf32, #tpu.memory_space<vmem>>
      %get3A_785 = tpu.memref_squeeze %get3A_784 : memref<1x80x128xf32, #tpu.memory_space<vmem>> -> memref<80x128xf32, #tpu.memory_space<vmem>>
      %get3A_786 = arith.index_cast %add3A_721 : i32 to index
      %get3A_787 = arith.constant 64 : index
      %get3A_788 = tpu.vector_load %get3A_785[%get3A_786, %get3A_787] {strides = array<i32>} : memref<80x128xf32, #tpu.memory_space<vmem>>, vector<16xf32>,
      %get3A_789 = arith.constant 0 : i32
      %get3A_790 = arith.constant 0 : i32
      %get3A_791 = tpu.memref_slice %arg11[%and3A_50, %get3A_789, %get3A_790] : memref<2x80x128xf32, #tpu.memory_space<vmem>> -> memref<1x80x128xf32, #tpu.memory_space<vmem>>
      %get3A_792 = tpu.memref_squeeze %get3A_791 : memref<1x80x128xf32, #tpu.memory_space<vmem>> -> memref<80x128xf32, #tpu.memory_space<vmem>>
      %get3A_793 = arith.index_cast %add3A_721 : i32 to index
      %get3A_794 = arith.constant 64 : index
      %get3A_795 = tpu.vector_load %get3A_792[%get3A_793, %get3A_794] {strides = array<i32>} : memref<80x128xf32, #tpu.memory_space<vmem>>, vector<16xf32>,
      %mul3A_796 = arith.mulf %get3A_788, %get3A_795 : vector<16xf32>
      %get3A_797 = arith.constant 0 : i32
      %get3A_798 = arith.constant 0 : i32
      %get3A_799 = tpu.memref_slice %arg10[%and3A_50, %get3A_797, %get3A_798] : memref<2x80x128xf32, #tpu.memory_space<vmem>> -> memref<1x80x128xf32, #tpu.memory_space<vmem>>
      %get3A_800 = tpu.memref_squeeze %get3A_799 : memref<1x80x128xf32, #tpu.memory_space<vmem>> -> memref<80x128xf32, #tpu.memory_space<vmem>>
      %get3A_801 = arith.index_cast %add3A_721 : i32 to index
      %get3A_802 = arith.constant 80 : index
      %get3A_803 = tpu.vector_load %get3A_800[%get3A_801, %get3A_802] {strides = array<i32>} : memref<80x128xf32, #tpu.memory_space<vmem>>, vector<16xf32>,
      %get3A_804 = arith.constant 0 : i32
      %get3A_805 = arith.constant 0 : i32
      %get3A_806 = tpu.memref_slice %arg11[%and3A_50, %get3A_804, %get3A_805] : memref<2x80x128xf32, #tpu.memory_space<vmem>> -> memref<1x80x128xf32, #tpu.memory_space<vmem>>
      %get3A_807 = tpu.memref_squeeze %get3A_806 : memref<1x80x128xf32, #tpu.memory_space<vmem>> -> memref<80x128xf32, #tpu.memory_space<vmem>>
      %get3A_808 = arith.index_cast %add3A_721 : i32 to index
      %get3A_809 = arith.constant 80 : index
      %get3A_810 = tpu.vector_load %get3A_807[%get3A_808, %get3A_809] {strides = array<i32>} : memref<80x128xf32, #tpu.memory_space<vmem>>, vector<16xf32>,
      %mul3A_811 = arith.mulf %get3A_803, %get3A_810 : vector<16xf32>
      %get3A_812 = arith.constant 0 : i32
      %get3A_813 = arith.constant 0 : i32
      %get3A_814 = tpu.memref_slice %arg10[%and3A_50, %get3A_812, %get3A_813] : memref<2x80x128xf32, #tpu.memory_space<vmem>> -> memref<1x80x128xf32, #tpu.memory_space<vmem>>
      %get3A_815 = tpu.memref_squeeze %get3A_814 : memref<1x80x128xf32, #tpu.memory_space<vmem>> -> memref<80x128xf32, #tpu.memory_space<vmem>>
      %get3A_816 = arith.index_cast %add3A_721 : i32 to index
      %get3A_817 = arith.constant 96 : index
      %get3A_818 = tpu.vector_load %get3A_815[%get3A_816, %get3A_817] {strides = array<i32>} : memref<80x128xf32, #tpu.memory_space<vmem>>, vector<16xf32>,
      %get3A_819 = arith.constant 0 : i32
      %get3A_820 = arith.constant 0 : i32
      %get3A_821 = tpu.memref_slice %arg11[%and3A_50, %get3A_819, %get3A_820] : memref<2x80x128xf32, #tpu.memory_space<vmem>> -> memref<1x80x128xf32, #tpu.memory_space<vmem>>
      %get3A_822 = tpu.memref_squeeze %get3A_821 : memref<1x80x128xf32, #tpu.memory_space<vmem>> -> memref<80x128xf32, #tpu.memory_space<vmem>>
      %get3A_823 = arith.index_cast %add3A_721 : i32 to index
      %get3A_824 = arith.constant 96 : index
      %get3A_825 = tpu.vector_load %get3A_822[%get3A_823, %get3A_824] {strides = array<i32>} : memref<80x128xf32, #tpu.memory_space<vmem>>, vector<16xf32>,
      %mul3A_826 = arith.mulf %get3A_818, %get3A_825 : vector<16xf32>
      %get3A_827 = arith.constant 0 : i32
      %get3A_828 = arith.constant 0 : i32
      %get3A_829 = tpu.memref_slice %arg10[%and3A_50, %get3A_827, %get3A_828] : memref<2x80x128xf32, #tpu.memory_space<vmem>> -> memref<1x80x128xf32, #tpu.memory_space<vmem>>
      %get3A_830 = tpu.memref_squeeze %get3A_829 : memref<1x80x128xf32, #tpu.memory_space<vmem>> -> memref<80x128xf32, #tpu.memory_space<vmem>>
      %get3A_831 = arith.index_cast %add3A_721 : i32 to index
      %get3A_832 = arith.constant 112 : index
      %get3A_833 = tpu.vector_load %get3A_830[%get3A_831, %get3A_832] {strides = array<i32>} : memref<80x128xf32, #tpu.memory_space<vmem>>, vector<16xf32>,
      %get3A_834 = arith.constant 0 : i32
      %get3A_835 = arith.constant 0 : i32
      %get3A_836 = tpu.memref_slice %arg11[%and3A_50, %get3A_834, %get3A_835] : memref<2x80x128xf32, #tpu.memory_space<vmem>> -> memref<1x80x128xf32, #tpu.memory_space<vmem>>
      %get3A_837 = tpu.memref_squeeze %get3A_836 : memref<1x80x128xf32, #tpu.memory_space<vmem>> -> memref<80x128xf32, #tpu.memory_space<vmem>>
      %get3A_838 = arith.index_cast %add3A_721 : i32 to index
      %get3A_839 = arith.constant 112 : index
      %get3A_840 = tpu.vector_load %get3A_837[%get3A_838, %get3A_839] {strides = array<i32>} : memref<80x128xf32, #tpu.memory_space<vmem>>, vector<16xf32>,
      %mul3A_841 = arith.mulf %get3A_833, %get3A_840 : vector<16xf32>
      %add3A_842 = arith.addf %mul3A_736, %mul3A_751 : vector<16xf32>
      %add3A_843 = arith.addf %mul3A_766, %mul3A_781 : vector<16xf32>
      %add3A_844 = arith.addf %mul3A_796, %mul3A_811 : vector<16xf32>
      %add3A_845 = arith.addf %mul3A_826, %mul3A_841 : vector<16xf32>
      %add3A_846 = arith.addf %add3A_842, %add3A_843 : vector<16xf32>
      %add3A_847 = arith.addf %add3A_844, %add3A_845 : vector<16xf32>
      %add3A_848 = arith.addf %add3A_846, %add3A_847 : vector<16xf32>
      %swap3A_849 = arith.index_cast %add3A_721 : i32 to index
      %swap3A_850 = arith.constant 0 : index
      %swap3A_851 = tpu.vector_load %arg12[%swap3A_849, %swap3A_850] {strides = array<i32>} : memref<80x17xf32, #tpu.memory_space<vmem>>, vector<16xf32>,
      tpu.vector_store %arg12[%swap3A_849, %swap3A_850], %add3A_848 {strides = array<i32>} : memref<80x17xf32, #tpu.memory_space<vmem>>, vector<16xf32>,
      %add3A_852 = arith.constant 6 : i32
      %add3A_853 = arith.addi %mul3A_61, %add3A_852 : i32
      %get3A_854 = arith.constant 0 : i32
      %get3A_855 = arith.constant 0 : i32
      %get3A_856 = tpu.memref_slice %arg10[%and3A_50, %get3A_854, %get3A_855] : memref<2x80x128xf32, #tpu.memory_space<vmem>> -> memref<1x80x128xf32, #tpu.memory_space<vmem>>
      %get3A_857 = tpu.memref_squeeze %get3A_856 : memref<1x80x128xf32, #tpu.memory_space<vmem>> -> memref<80x128xf32, #tpu.memory_space<vmem>>
      %get3A_858 = arith.index_cast %add3A_853 : i32 to index
      %get3A_859 = arith.constant 0 : index
      %get3A_860 = tpu.vector_load %get3A_857[%get3A_858, %get3A_859] {strides = array<i32>} : memref<80x128xf32, #tpu.memory_space<vmem>>, vector<16xf32>,
      %get3A_861 = arith.constant 0 : i32
      %get3A_862 = arith.constant 0 : i32
      %get3A_863 = tpu.memref_slice %arg11[%and3A_50, %get3A_861, %get3A_862] : memref<2x80x128xf32, #tpu.memory_space<vmem>> -> memref<1x80x128xf32, #tpu.memory_space<vmem>>
      %get3A_864 = tpu.memref_squeeze %get3A_863 : memref<1x80x128xf32, #tpu.memory_space<vmem>> -> memref<80x128xf32, #tpu.memory_space<vmem>>
      %get3A_865 = arith.index_cast %add3A_853 : i32 to index
      %get3A_866 = arith.constant 0 : index
      %get3A_867 = tpu.vector_load %get3A_864[%get3A_865, %get3A_866] {strides = array<i32>} : memref<80x128xf32, #tpu.memory_space<vmem>>, vector<16xf32>,
      %mul3A_868 = arith.mulf %get3A_860, %get3A_867 : vector<16xf32>
      %get3A_869 = arith.constant 0 : i32
      %get3A_870 = arith.constant 0 : i32
      %get3A_871 = tpu.memref_slice %arg10[%and3A_50, %get3A_869, %get3A_870] : memref<2x80x128xf32, #tpu.memory_space<vmem>> -> memref<1x80x128xf32, #tpu.memory_space<vmem>>
      %get3A_872 = tpu.memref_squeeze %get3A_871 : memref<1x80x128xf32, #tpu.memory_space<vmem>> -> memref<80x128xf32, #tpu.memory_space<vmem>>
      %get3A_873 = arith.index_cast %add3A_853 : i32 to index
      %get3A_874 = arith.constant 16 : index
      %get3A_875 = tpu.vector_load %get3A_872[%get3A_873, %get3A_874] {strides = array<i32>} : memref<80x128xf32, #tpu.memory_space<vmem>>, vector<16xf32>,
      %get3A_876 = arith.constant 0 : i32
      %get3A_877 = arith.constant 0 : i32
      %get3A_878 = tpu.memref_slice %arg11[%and3A_50, %get3A_876, %get3A_877] : memref<2x80x128xf32, #tpu.memory_space<vmem>> -> memref<1x80x128xf32, #tpu.memory_space<vmem>>
      %get3A_879 = tpu.memref_squeeze %get3A_878 : memref<1x80x128xf32, #tpu.memory_space<vmem>> -> memref<80x128xf32, #tpu.memory_space<vmem>>
      %get3A_880 = arith.index_cast %add3A_853 : i32 to index
      %get3A_881 = arith.constant 16 : index
      %get3A_882 = tpu.vector_load %get3A_879[%get3A_880, %get3A_881] {strides = array<i32>} : memref<80x128xf32, #tpu.memory_space<vmem>>, vector<16xf32>,
      %mul3A_883 = arith.mulf %get3A_875, %get3A_882 : vector<16xf32>
      %get3A_884 = arith.constant 0 : i32
      %get3A_885 = arith.constant 0 : i32
      %get3A_886 = tpu.memref_slice %arg10[%and3A_50, %get3A_884, %get3A_885] : memref<2x80x128xf32, #tpu.memory_space<vmem>> -> memref<1x80x128xf32, #tpu.memory_space<vmem>>
      %get3A_887 = tpu.memref_squeeze %get3A_886 : memref<1x80x128xf32, #tpu.memory_space<vmem>> -> memref<80x128xf32, #tpu.memory_space<vmem>>
      %get3A_888 = arith.index_cast %add3A_853 : i32 to index
      %get3A_889 = arith.constant 32 : index
      %get3A_890 = tpu.vector_load %get3A_887[%get3A_888, %get3A_889] {strides = array<i32>} : memref<80x128xf32, #tpu.memory_space<vmem>>, vector<16xf32>,
      %get3A_891 = arith.constant 0 : i32
      %get3A_892 = arith.constant 0 : i32
      %get3A_893 = tpu.memref_slice %arg11[%and3A_50, %get3A_891, %get3A_892] : memref<2x80x128xf32, #tpu.memory_space<vmem>> -> memref<1x80x128xf32, #tpu.memory_space<vmem>>
      %get3A_894 = tpu.memref_squeeze %get3A_893 : memref<1x80x128xf32, #tpu.memory_space<vmem>> -> memref<80x128xf32, #tpu.memory_space<vmem>>
      %get3A_895 = arith.index_cast %add3A_853 : i32 to index
      %get3A_896 = arith.constant 32 : index
      %get3A_897 = tpu.vector_load %get3A_894[%get3A_895, %get3A_896] {strides = array<i32>} : memref<80x128xf32, #tpu.memory_space<vmem>>, vector<16xf32>,
      %mul3A_898 = arith.mulf %get3A_890, %get3A_897 : vector<16xf32>
      %get3A_899 = arith.constant 0 : i32
      %get3A_900 = arith.constant 0 : i32
      %get3A_901 = tpu.memref_slice %arg10[%and3A_50, %get3A_899, %get3A_900] : memref<2x80x128xf32, #tpu.memory_space<vmem>> -> memref<1x80x128xf32, #tpu.memory_space<vmem>>
      %get3A_902 = tpu.memref_squeeze %get3A_901 : memref<1x80x128xf32, #tpu.memory_space<vmem>> -> memref<80x128xf32, #tpu.memory_space<vmem>>
      %get3A_903 = arith.index_cast %add3A_853 : i32 to index
      %get3A_904 = arith.constant 48 : index
      %get3A_905 = tpu.vector_load %get3A_902[%get3A_903, %get3A_904] {strides = array<i32>} : memref<80x128xf32, #tpu.memory_space<vmem>>, vector<16xf32>,
      %get3A_906 = arith.constant 0 : i32
      %get3A_907 = arith.constant 0 : i32
      %get3A_908 = tpu.memref_slice %arg11[%and3A_50, %get3A_906, %get3A_907] : memref<2x80x128xf32, #tpu.memory_space<vmem>> -> memref<1x80x128xf32, #tpu.memory_space<vmem>>
      %get3A_909 = tpu.memref_squeeze %get3A_908 : memref<1x80x128xf32, #tpu.memory_space<vmem>> -> memref<80x128xf32, #tpu.memory_space<vmem>>
      %get3A_910 = arith.index_cast %add3A_853 : i32 to index
      %get3A_911 = arith.constant 48 : index
      %get3A_912 = tpu.vector_load %get3A_909[%get3A_910, %get3A_911] {strides = array<i32>} : memref<80x128xf32, #tpu.memory_space<vmem>>, vector<16xf32>,
      %mul3A_913 = arith.mulf %get3A_905, %get3A_912 : vector<16xf32>
      %get3A_914 = arith.constant 0 : i32
      %get3A_915 = arith.constant 0 : i32
      %get3A_916 = tpu.memref_slice %arg10[%and3A_50, %get3A_914, %get3A_915] : memref<2x80x128xf32, #tpu.memory_space<vmem>> -> memref<1x80x128xf32, #tpu.memory_space<vmem>>
      %get3A_917 = tpu.memref_squeeze %get3A_916 : memref<1x80x128xf32, #tpu.memory_space<vmem>> -> memref<80x128xf32, #tpu.memory_space<vmem>>
      %get3A_918 = arith.index_cast %add3A_853 : i32 to index
      %get3A_919 = arith.constant 64 : index
      %get3A_920 = tpu.vector_load %get3A_917[%get3A_918, %get3A_919] {strides = array<i32>} : memref<80x128xf32, #tpu.memory_space<vmem>>, vector<16xf32>,
      %get3A_921 = arith.constant 0 : i32
      %get3A_922 = arith.constant 0 : i32
      %get3A_923 = tpu.memref_slice %arg11[%and3A_50, %get3A_921, %get3A_922] : memref<2x80x128xf32, #tpu.memory_space<vmem>> -> memref<1x80x128xf32, #tpu.memory_space<vmem>>
      %get3A_924 = tpu.memref_squeeze %get3A_923 : memref<1x80x128xf32, #tpu.memory_space<vmem>> -> memref<80x128xf32, #tpu.memory_space<vmem>>
      %get3A_925 = arith.index_cast %add3A_853 : i32 to index
      %get3A_926 = arith.constant 64 : index
      %get3A_927 = tpu.vector_load %get3A_924[%get3A_925, %get3A_926] {strides = array<i32>} : memref<80x128xf32, #tpu.memory_space<vmem>>, vector<16xf32>,
      %mul3A_928 = arith.mulf %get3A_920, %get3A_927 : vector<16xf32>
      %get3A_929 = arith.constant 0 : i32
      %get3A_930 = arith.constant 0 : i32
      %get3A_931 = tpu.memref_slice %arg10[%and3A_50, %get3A_929, %get3A_930] : memref<2x80x128xf32, #tpu.memory_space<vmem>> -> memref<1x80x128xf32, #tpu.memory_space<vmem>>
      %get3A_932 = tpu.memref_squeeze %get3A_931 : memref<1x80x128xf32, #tpu.memory_space<vmem>> -> memref<80x128xf32, #tpu.memory_space<vmem>>
      %get3A_933 = arith.index_cast %add3A_853 : i32 to index
      %get3A_934 = arith.constant 80 : index
      %get3A_935 = tpu.vector_load %get3A_932[%get3A_933, %get3A_934] {strides = array<i32>} : memref<80x128xf32, #tpu.memory_space<vmem>>, vector<16xf32>,
      %get3A_936 = arith.constant 0 : i32
      %get3A_937 = arith.constant 0 : i32
      %get3A_938 = tpu.memref_slice %arg11[%and3A_50, %get3A_936, %get3A_937] : memref<2x80x128xf32, #tpu.memory_space<vmem>> -> memref<1x80x128xf32, #tpu.memory_space<vmem>>
      %get3A_939 = tpu.memref_squeeze %get3A_938 : memref<1x80x128xf32, #tpu.memory_space<vmem>> -> memref<80x128xf32, #tpu.memory_space<vmem>>
      %get3A_940 = arith.index_cast %add3A_853 : i32 to index
      %get3A_941 = arith.constant 80 : index
      %get3A_942 = tpu.vector_load %get3A_939[%get3A_940, %get3A_941] {strides = array<i32>} : memref<80x128xf32, #tpu.memory_space<vmem>>, vector<16xf32>,
      %mul3A_943 = arith.mulf %get3A_935, %get3A_942 : vector<16xf32>
      %get3A_944 = arith.constant 0 : i32
      %get3A_945 = arith.constant 0 : i32
      %get3A_946 = tpu.memref_slice %arg10[%and3A_50, %get3A_944, %get3A_945] : memref<2x80x128xf32, #tpu.memory_space<vmem>> -> memref<1x80x128xf32, #tpu.memory_space<vmem>>
      %get3A_947 = tpu.memref_squeeze %get3A_946 : memref<1x80x128xf32, #tpu.memory_space<vmem>> -> memref<80x128xf32, #tpu.memory_space<vmem>>
      %get3A_948 = arith.index_cast %add3A_853 : i32 to index
      %get3A_949 = arith.constant 96 : index
      %get3A_950 = tpu.vector_load %get3A_947[%get3A_948, %get3A_949] {strides = array<i32>} : memref<80x128xf32, #tpu.memory_space<vmem>>, vector<16xf32>,
      %get3A_951 = arith.constant 0 : i32
      %get3A_952 = arith.constant 0 : i32
      %get3A_953 = tpu.memref_slice %arg11[%and3A_50, %get3A_951, %get3A_952] : memref<2x80x128xf32, #tpu.memory_space<vmem>> -> memref<1x80x128xf32, #tpu.memory_space<vmem>>
      %get3A_954 = tpu.memref_squeeze %get3A_953 : memref<1x80x128xf32, #tpu.memory_space<vmem>> -> memref<80x128xf32, #tpu.memory_space<vmem>>
      %get3A_955 = arith.index_cast %add3A_853 : i32 to index
      %get3A_956 = arith.constant 96 : index
      %get3A_957 = tpu.vector_load %get3A_954[%get3A_955, %get3A_956] {strides = array<i32>} : memref<80x128xf32, #tpu.memory_space<vmem>>, vector<16xf32>,
      %mul3A_958 = arith.mulf %get3A_950, %get3A_957 : vector<16xf32>
      %get3A_959 = arith.constant 0 : i32
      %get3A_960 = arith.constant 0 : i32
      %get3A_961 = tpu.memref_slice %arg10[%and3A_50, %get3A_959, %get3A_960] : memref<2x80x128xf32, #tpu.memory_space<vmem>> -> memref<1x80x128xf32, #tpu.memory_space<vmem>>
      %get3A_962 = tpu.memref_squeeze %get3A_961 : memref<1x80x128xf32, #tpu.memory_space<vmem>> -> memref<80x128xf32, #tpu.memory_space<vmem>>
      %get3A_963 = arith.index_cast %add3A_853 : i32 to index
      %get3A_964 = arith.constant 112 : index
      %get3A_965 = tpu.vector_load %get3A_962[%get3A_963, %get3A_964] {strides = array<i32>} : memref<80x128xf32, #tpu.memory_space<vmem>>, vector<16xf32>,
      %get3A_966 = arith.constant 0 : i32
      %get3A_967 = arith.constant 0 : i32
      %get3A_968 = tpu.memref_slice %arg11[%and3A_50, %get3A_966, %get3A_967] : memref<2x80x128xf32, #tpu.memory_space<vmem>> -> memref<1x80x128xf32, #tpu.memory_space<vmem>>
      %get3A_969 = tpu.memref_squeeze %get3A_968 : memref<1x80x128xf32, #tpu.memory_space<vmem>> -> memref<80x128xf32, #tpu.memory_space<vmem>>
      %get3A_970 = arith.index_cast %add3A_853 : i32 to index
      %get3A_971 = arith.constant 112 : index
      %get3A_972 = tpu.vector_load %get3A_969[%get3A_970, %get3A_971] {strides = array<i32>} : memref<80x128xf32, #tpu.memory_space<vmem>>, vector<16xf32>,
      %mul3A_973 = arith.mulf %get3A_965, %get3A_972 : vector<16xf32>
      %add3A_974 = arith.addf %mul3A_868, %mul3A_883 : vector<16xf32>
      %add3A_975 = arith.addf %mul3A_898, %mul3A_913 : vector<16xf32>
      %add3A_976 = arith.addf %mul3A_928, %mul3A_943 : vector<16xf32>
      %add3A_977 = arith.addf %mul3A_958, %mul3A_973 : vector<16xf32>
      %add3A_978 = arith.addf %add3A_974, %add3A_975 : vector<16xf32>
      %add3A_979 = arith.addf %add3A_976, %add3A_977 : vector<16xf32>
      %add3A_980 = arith.addf %add3A_978, %add3A_979 : vector<16xf32>
      %swap3A_981 = arith.index_cast %add3A_853 : i32 to index
      %swap3A_982 = arith.constant 0 : index
      %swap3A_983 = tpu.vector_load %arg12[%swap3A_981, %swap3A_982] {strides = array<i32>} : memref<80x17xf32, #tpu.memory_space<vmem>>, vector<16xf32>,
      tpu.vector_store %arg12[%swap3A_981, %swap3A_982], %add3A_980 {strides = array<i32>} : memref<80x17xf32, #tpu.memory_space<vmem>>, vector<16xf32>,
      %add3A_984 = arith.constant 7 : i32
      %add3A_985 = arith.addi %mul3A_61, %add3A_984 : i32
      %get3A_986 = arith.constant 0 : i32
      %get3A_987 = arith.constant 0 : i32
      %get3A_988 = tpu.memref_slice %arg10[%and3A_50, %get3A_986, %get3A_987] : memref<2x80x128xf32, #tpu.memory_space<vmem>> -> memref<1x80x128xf32, #tpu.memory_space<vmem>>
      %get3A_989 = tpu.memref_squeeze %get3A_988 : memref<1x80x128xf32, #tpu.memory_space<vmem>> -> memref<80x128xf32, #tpu.memory_space<vmem>>
      %get3A_990 = arith.index_cast %add3A_985 : i32 to index
      %get3A_991 = arith.constant 0 : index
      %get3A_992 = tpu.vector_load %get3A_989[%get3A_990, %get3A_991] {strides = array<i32>} : memref<80x128xf32, #tpu.memory_space<vmem>>, vector<16xf32>,
      %get3A_993 = arith.constant 0 : i32
      %get3A_994 = arith.constant 0 : i32
      %get3A_995 = tpu.memref_slice %arg11[%and3A_50, %get3A_993, %get3A_994] : memref<2x80x128xf32, #tpu.memory_space<vmem>> -> memref<1x80x128xf32, #tpu.memory_space<vmem>>
      %get3A_996 = tpu.memref_squeeze %get3A_995 : memref<1x80x128xf32, #tpu.memory_space<vmem>> -> memref<80x128xf32, #tpu.memory_space<vmem>>
      %get3A_997 = arith.index_cast %add3A_985 : i32 to index
      %get3A_998 = arith.constant 0 : index
      %get3A_999 = tpu.vector_load %get3A_996[%get3A_997, %get3A_998] {strides = array<i32>} : memref<80x128xf32, #tpu.memory_space<vmem>>, vector<16xf32>,
      %mul3A_1000 = arith.mulf %get3A_992, %get3A_999 : vector<16xf32>
      %get3A_1001 = arith.constant 0 : i32
      %get3A_1002 = arith.constant 0 : i32
      %get3A_1003 = tpu.memref_slice %arg10[%and3A_50, %get3A_1001, %get3A_1002] : memref<2x80x128xf32, #tpu.memory_space<vmem>> -> memref<1x80x128xf32, #tpu.memory_space<vmem>>
      %get3A_1004 = tpu.memref_squeeze %get3A_1003 : memref<1x80x128xf32, #tpu.memory_space<vmem>> -> memref<80x128xf32, #tpu.memory_space<vmem>>
      %get3A_1005 = arith.index_cast %add3A_985 : i32 to index
      %get3A_1006 = arith.constant 16 : index
      %get3A_1007 = tpu.vector_load %get3A_1004[%get3A_1005, %get3A_1006] {strides = array<i32>} : memref<80x128xf32, #tpu.memory_space<vmem>>, vector<16xf32>,
      %get3A_1008 = arith.constant 0 : i32
      %get3A_1009 = arith.constant 0 : i32
      %get3A_1010 = tpu.memref_slice %arg11[%and3A_50, %get3A_1008, %get3A_1009] : memref<2x80x128xf32, #tpu.memory_space<vmem>> -> memref<1x80x128xf32, #tpu.memory_space<vmem>>
      %get3A_1011 = tpu.memref_squeeze %get3A_1010 : memref<1x80x128xf32, #tpu.memory_space<vmem>> -> memref<80x128xf32, #tpu.memory_space<vmem>>
      %get3A_1012 = arith.index_cast %add3A_985 : i32 to index
      %get3A_1013 = arith.constant 16 : index
      %get3A_1014 = tpu.vector_load %get3A_1011[%get3A_1012, %get3A_1013] {strides = array<i32>} : memref<80x128xf32, #tpu.memory_space<vmem>>, vector<16xf32>,
      %mul3A_1015 = arith.mulf %get3A_1007, %get3A_1014 : vector<16xf32>
      %get3A_1016 = arith.constant 0 : i32
      %get3A_1017 = arith.constant 0 : i32
      %get3A_1018 = tpu.memref_slice %arg10[%and3A_50, %get3A_1016, %get3A_1017] : memref<2x80x128xf32, #tpu.memory_space<vmem>> -> memref<1x80x128xf32, #tpu.memory_space<vmem>>
      %get3A_1019 = tpu.memref_squeeze %get3A_1018 : memref<1x80x128xf32, #tpu.memory_space<vmem>> -> memref<80x128xf32, #tpu.memory_space<vmem>>
      %get3A_1020 = arith.index_cast %add3A_985 : i32 to index
      %get3A_1021 = arith.constant 32 : index
      %get3A_1022 = tpu.vector_load %get3A_1019[%get3A_1020, %get3A_1021] {strides = array<i32>} : memref<80x128xf32, #tpu.memory_space<vmem>>, vector<16xf32>,
      %get3A_1023 = arith.constant 0 : i32
      %get3A_1024 = arith.constant 0 : i32
      %get3A_1025 = tpu.memref_slice %arg11[%and3A_50, %get3A_1023, %get3A_1024] : memref<2x80x128xf32, #tpu.memory_space<vmem>> -> memref<1x80x128xf32, #tpu.memory_space<vmem>>
      %get3A_1026 = tpu.memref_squeeze %get3A_1025 : memref<1x80x128xf32, #tpu.memory_space<vmem>> -> memref<80x128xf32, #tpu.memory_space<vmem>>
      %get3A_1027 = arith.index_cast %add3A_985 : i32 to index
      %get3A_1028 = arith.constant 32 : index
      %get3A_1029 = tpu.vector_load %get3A_1026[%get3A_1027, %get3A_1028] {strides = array<i32>} : memref<80x128xf32, #tpu.memory_space<vmem>>, vector<16xf32>,
      %mul3A_1030 = arith.mulf %get3A_1022, %get3A_1029 : vector<16xf32>
      %get3A_1031 = arith.constant 0 : i32
      %get3A_1032 = arith.constant 0 : i32
      %get3A_1033 = tpu.memref_slice %arg10[%and3A_50, %get3A_1031, %get3A_1032] : memref<2x80x128xf32, #tpu.memory_space<vmem>> -> memref<1x80x128xf32, #tpu.memory_space<vmem>>
      %get3A_1034 = tpu.memref_squeeze %get3A_1033 : memref<1x80x128xf32, #tpu.memory_space<vmem>> -> memref<80x128xf32, #tpu.memory_space<vmem>>
      %get3A_1035 = arith.index_cast %add3A_985 : i32 to index
      %get3A_1036 = arith.constant 48 : index
      %get3A_1037 = tpu.vector_load %get3A_1034[%get3A_1035, %get3A_1036] {strides = array<i32>} : memref<80x128xf32, #tpu.memory_space<vmem>>, vector<16xf32>,
      %get3A_1038 = arith.constant 0 : i32
      %get3A_1039 = arith.constant 0 : i32
      %get3A_1040 = tpu.memref_slice %arg11[%and3A_50, %get3A_1038, %get3A_1039] : memref<2x80x128xf32, #tpu.memory_space<vmem>> -> memref<1x80x128xf32, #tpu.memory_space<vmem>>
      %get3A_1041 = tpu.memref_squeeze %get3A_1040 : memref<1x80x128xf32, #tpu.memory_space<vmem>> -> memref<80x128xf32, #tpu.memory_space<vmem>>
      %get3A_1042 = arith.index_cast %add3A_985 : i32 to index
      %get3A_1043 = arith.constant 48 : index
      %get3A_1044 = tpu.vector_load %get3A_1041[%get3A_1042, %get3A_1043] {strides = array<i32>} : memref<80x128xf32, #tpu.memory_space<vmem>>, vector<16xf32>,
      %mul3A_1045 = arith.mulf %get3A_1037, %get3A_1044 : vector<16xf32>
      %get3A_1046 = arith.constant 0 : i32
      %get3A_1047 = arith.constant 0 : i32
      %get3A_1048 = tpu.memref_slice %arg10[%and3A_50, %get3A_1046, %get3A_1047] : memref<2x80x128xf32, #tpu.memory_space<vmem>> -> memref<1x80x128xf32, #tpu.memory_space<vmem>>
      %get3A_1049 = tpu.memref_squeeze %get3A_1048 : memref<1x80x128xf32, #tpu.memory_space<vmem>> -> memref<80x128xf32, #tpu.memory_space<vmem>>
      %get3A_1050 = arith.index_cast %add3A_985 : i32 to index
      %get3A_1051 = arith.constant 64 : index
      %get3A_1052 = tpu.vector_load %get3A_1049[%get3A_1050, %get3A_1051] {strides = array<i32>} : memref<80x128xf32, #tpu.memory_space<vmem>>, vector<16xf32>,
      %get3A_1053 = arith.constant 0 : i32
      %get3A_1054 = arith.constant 0 : i32
      %get3A_1055 = tpu.memref_slice %arg11[%and3A_50, %get3A_1053, %get3A_1054] : memref<2x80x128xf32, #tpu.memory_space<vmem>> -> memref<1x80x128xf32, #tpu.memory_space<vmem>>
      %get3A_1056 = tpu.memref_squeeze %get3A_1055 : memref<1x80x128xf32, #tpu.memory_space<vmem>> -> memref<80x128xf32, #tpu.memory_space<vmem>>
      %get3A_1057 = arith.index_cast %add3A_985 : i32 to index
      %get3A_1058 = arith.constant 64 : index
      %get3A_1059 = tpu.vector_load %get3A_1056[%get3A_1057, %get3A_1058] {strides = array<i32>} : memref<80x128xf32, #tpu.memory_space<vmem>>, vector<16xf32>,
      %mul3A_1060 = arith.mulf %get3A_1052, %get3A_1059 : vector<16xf32>
      %get3A_1061 = arith.constant 0 : i32
      %get3A_1062 = arith.constant 0 : i32
      %get3A_1063 = tpu.memref_slice %arg10[%and3A_50, %get3A_1061, %get3A_1062] : memref<2x80x128xf32, #tpu.memory_space<vmem>> -> memref<1x80x128xf32, #tpu.memory_space<vmem>>
      %get3A_1064 = tpu.memref_squeeze %get3A_1063 : memref<1x80x128xf32, #tpu.memory_space<vmem>> -> memref<80x128xf32, #tpu.memory_space<vmem>>
      %get3A_1065 = arith.index_cast %add3A_985 : i32 to index
      %get3A_1066 = arith.constant 80 : index
      %get3A_1067 = tpu.vector_load %get3A_1064[%get3A_1065, %get3A_1066] {strides = array<i32>} : memref<80x128xf32, #tpu.memory_space<vmem>>, vector<16xf32>,
      %get3A_1068 = arith.constant 0 : i32
      %get3A_1069 = arith.constant 0 : i32
      %get3A_1070 = tpu.memref_slice %arg11[%and3A_50, %get3A_1068, %get3A_1069] : memref<2x80x128xf32, #tpu.memory_space<vmem>> -> memref<1x80x128xf32, #tpu.memory_space<vmem>>
      %get3A_1071 = tpu.memref_squeeze %get3A_1070 : memref<1x80x128xf32, #tpu.memory_space<vmem>> -> memref<80x128xf32, #tpu.memory_space<vmem>>
      %get3A_1072 = arith.index_cast %add3A_985 : i32 to index
      %get3A_1073 = arith.constant 80 : index
      %get3A_1074 = tpu.vector_load %get3A_1071[%get3A_1072, %get3A_1073] {strides = array<i32>} : memref<80x128xf32, #tpu.memory_space<vmem>>, vector<16xf32>,
      %mul3A_1075 = arith.mulf %get3A_1067, %get3A_1074 : vector<16xf32>
      %get3A_1076 = arith.constant 0 : i32
      %get3A_1077 = arith.constant 0 : i32
      %get3A_1078 = tpu.memref_slice %arg10[%and3A_50, %get3A_1076, %get3A_1077] : memref<2x80x128xf32, #tpu.memory_space<vmem>> -> memref<1x80x128xf32, #tpu.memory_space<vmem>>
      %get3A_1079 = tpu.memref_squeeze %get3A_1078 : memref<1x80x128xf32, #tpu.memory_space<vmem>> -> memref<80x128xf32, #tpu.memory_space<vmem>>
      %get3A_1080 = arith.index_cast %add3A_985 : i32 to index
      %get3A_1081 = arith.constant 96 : index
      %get3A_1082 = tpu.vector_load %get3A_1079[%get3A_1080, %get3A_1081] {strides = array<i32>} : memref<80x128xf32, #tpu.memory_space<vmem>>, vector<16xf32>,
      %get3A_1083 = arith.constant 0 : i32
      %get3A_1084 = arith.constant 0 : i32
      %get3A_1085 = tpu.memref_slice %arg11[%and3A_50, %get3A_1083, %get3A_1084] : memref<2x80x128xf32, #tpu.memory_space<vmem>> -> memref<1x80x128xf32, #tpu.memory_space<vmem>>
      %get3A_1086 = tpu.memref_squeeze %get3A_1085 : memref<1x80x128xf32, #tpu.memory_space<vmem>> -> memref<80x128xf32, #tpu.memory_space<vmem>>
      %get3A_1087 = arith.index_cast %add3A_985 : i32 to index
      %get3A_1088 = arith.constant 96 : index
      %get3A_1089 = tpu.vector_load %get3A_1086[%get3A_1087, %get3A_1088] {strides = array<i32>} : memref<80x128xf32, #tpu.memory_space<vmem>>, vector<16xf32>,
      %mul3A_1090 = arith.mulf %get3A_1082, %get3A_1089 : vector<16xf32>
      %get3A_1091 = arith.constant 0 : i32
      %get3A_1092 = arith.constant 0 : i32
      %get3A_1093 = tpu.memref_slice %arg10[%and3A_50, %get3A_1091, %get3A_1092] : memref<2x80x128xf32, #tpu.memory_space<vmem>> -> memref<1x80x128xf32, #tpu.memory_space<vmem>>
      %get3A_1094 = tpu.memref_squeeze %get3A_1093 : memref<1x80x128xf32, #tpu.memory_space<vmem>> -> memref<80x128xf32, #tpu.memory_space<vmem>>
      %get3A_1095 = arith.index_cast %add3A_985 : i32 to index
      %get3A_1096 = arith.constant 112 : index
      %get3A_1097 = tpu.vector_load %get3A_1094[%get3A_1095, %get3A_1096] {strides = array<i32>} : memref<80x128xf32, #tpu.memory_space<vmem>>, vector<16xf32>,
      %get3A_1098 = arith.constant 0 : i32
      %get3A_1099 = arith.constant 0 : i32
      %get3A_1100 = tpu.memref_slice %arg11[%and3A_50, %get3A_1098, %get3A_1099] : memref<2x80x128xf32, #tpu.memory_space<vmem>> -> memref<1x80x128xf32, #tpu.memory_space<vmem>>
      %get3A_1101 = tpu.memref_squeeze %get3A_1100 : memref<1x80x128xf32, #tpu.memory_space<vmem>> -> memref<80x128xf32, #tpu.memory_space<vmem>>
      %get3A_1102 = arith.index_cast %add3A_985 : i32 to index
      %get3A_1103 = arith.constant 112 : index
      %get3A_1104 = tpu.vector_load %get3A_1101[%get3A_1102, %get3A_1103] {strides = array<i32>} : memref<80x128xf32, #tpu.memory_space<vmem>>, vector<16xf32>,
      %mul3A_1105 = arith.mulf %get3A_1097, %get3A_1104 : vector<16xf32>
      %add3A_1106 = arith.addf %mul3A_1000, %mul3A_1015 : vector<16xf32>
      %add3A_1107 = arith.addf %mul3A_1030, %mul3A_1045 : vector<16xf32>
      %add3A_1108 = arith.addf %mul3A_1060, %mul3A_1075 : vector<16xf32>
      %add3A_1109 = arith.addf %mul3A_1090, %mul3A_1105 : vector<16xf32>
      %add3A_1110 = arith.addf %add3A_1106, %add3A_1107 : vector<16xf32>
      %add3A_1111 = arith.addf %add3A_1108, %add3A_1109 : vector<16xf32>
      %add3A_1112 = arith.addf %add3A_1110, %add3A_1111 : vector<16xf32>
      %swap3A_1113 = arith.index_cast %add3A_985 : i32 to index
      %swap3A_1114 = arith.constant 0 : index
      %swap3A_1115 = tpu.vector_load %arg12[%swap3A_1113, %swap3A_1114] {strides = array<i32>} : memref<80x17xf32, #tpu.memory_space<vmem>>, vector<16xf32>,
      tpu.vector_store %arg12[%swap3A_1113, %swap3A_1114], %add3A_1112 {strides = array<i32>} : memref<80x17xf32, #tpu.memory_space<vmem>>, vector<16xf32>,
      %add3A_1116 = arith.constant 8 : i32
      %add3A_1117 = arith.addi %mul3A_61, %add3A_1116 : i32
      %get3A_1118 = arith.constant 0 : i32
      %get3A_1119 = arith.constant 0 : i32
      %get3A_1120 = tpu.memref_slice %arg10[%and3A_50, %get3A_1118, %get3A_1119] : memref<2x80x128xf32, #tpu.memory_space<vmem>> -> memref<1x80x128xf32, #tpu.memory_space<vmem>>
      %get3A_1121 = tpu.memref_squeeze %get3A_1120 : memref<1x80x128xf32, #tpu.memory_space<vmem>> -> memref<80x128xf32, #tpu.memory_space<vmem>>
      %get3A_1122 = arith.index_cast %add3A_1117 : i32 to index
      %get3A_1123 = arith.constant 0 : index
      %get3A_1124 = tpu.vector_load %get3A_1121[%get3A_1122, %get3A_1123] {strides = array<i32>} : memref<80x128xf32, #tpu.memory_space<vmem>>, vector<16xf32>,
      %get3A_1125 = arith.constant 0 : i32
      %get3A_1126 = arith.constant 0 : i32
      %get3A_1127 = tpu.memref_slice %arg11[%and3A_50, %get3A_1125, %get3A_1126] : memref<2x80x128xf32, #tpu.memory_space<vmem>> -> memref<1x80x128xf32, #tpu.memory_space<vmem>>
      %get3A_1128 = tpu.memref_squeeze %get3A_1127 : memref<1x80x128xf32, #tpu.memory_space<vmem>> -> memref<80x128xf32, #tpu.memory_space<vmem>>
      %get3A_1129 = arith.index_cast %add3A_1117 : i32 to index
      %get3A_1130 = arith.constant 0 : index
      %get3A_1131 = tpu.vector_load %get3A_1128[%get3A_1129, %get3A_1130] {strides = array<i32>} : memref<80x128xf32, #tpu.memory_space<vmem>>, vector<16xf32>,
      %mul3A_1132 = arith.mulf %get3A_1124, %get3A_1131 : vector<16xf32>
      %get3A_1133 = arith.constant 0 : i32
      %get3A_1134 = arith.constant 0 : i32
      %get3A_1135 = tpu.memref_slice %arg10[%and3A_50, %get3A_1133, %get3A_1134] : memref<2x80x128xf32, #tpu.memory_space<vmem>> -> memref<1x80x128xf32, #tpu.memory_space<vmem>>
      %get3A_1136 = tpu.memref_squeeze %get3A_1135 : memref<1x80x128xf32, #tpu.memory_space<vmem>> -> memref<80x128xf32, #tpu.memory_space<vmem>>
      %get3A_1137 = arith.index_cast %add3A_1117 : i32 to index
      %get3A_1138 = arith.constant 16 : index
      %get3A_1139 = tpu.vector_load %get3A_1136[%get3A_1137, %get3A_1138] {strides = array<i32>} : memref<80x128xf32, #tpu.memory_space<vmem>>, vector<16xf32>,
      %get3A_1140 = arith.constant 0 : i32
      %get3A_1141 = arith.constant 0 : i32
      %get3A_1142 = tpu.memref_slice %arg11[%and3A_50, %get3A_1140, %get3A_1141] : memref<2x80x128xf32, #tpu.memory_space<vmem>> -> memref<1x80x128xf32, #tpu.memory_space<vmem>>
      %get3A_1143 = tpu.memref_squeeze %get3A_1142 : memref<1x80x128xf32, #tpu.memory_space<vmem>> -> memref<80x128xf32, #tpu.memory_space<vmem>>
      %get3A_1144 = arith.index_cast %add3A_1117 : i32 to index
      %get3A_1145 = arith.constant 16 : index
      %get3A_1146 = tpu.vector_load %get3A_1143[%get3A_1144, %get3A_1145] {strides = array<i32>} : memref<80x128xf32, #tpu.memory_space<vmem>>, vector<16xf32>,
      %mul3A_1147 = arith.mulf %get3A_1139, %get3A_1146 : vector<16xf32>
      %get3A_1148 = arith.constant 0 : i32
      %get3A_1149 = arith.constant 0 : i32
      %get3A_1150 = tpu.memref_slice %arg10[%and3A_50, %get3A_1148, %get3A_1149] : memref<2x80x128xf32, #tpu.memory_space<vmem>> -> memref<1x80x128xf32, #tpu.memory_space<vmem>>
      %get3A_1151 = tpu.memref_squeeze %get3A_1150 : memref<1x80x128xf32, #tpu.memory_space<vmem>> -> memref<80x128xf32, #tpu.memory_space<vmem>>
      %get3A_1152 = arith.index_cast %add3A_1117 : i32 to index
      %get3A_1153 = arith.constant 32 : index
      %get3A_1154 = tpu.vector_load %get3A_1151[%get3A_1152, %get3A_1153] {strides = array<i32>} : memref<80x128xf32, #tpu.memory_space<vmem>>, vector<16xf32>,
      %get3A_1155 = arith.constant 0 : i32
      %get3A_1156 = arith.constant 0 : i32
      %get3A_1157 = tpu.memref_slice %arg11[%and3A_50, %get3A_1155, %get3A_1156] : memref<2x80x128xf32, #tpu.memory_space<vmem>> -> memref<1x80x128xf32, #tpu.memory_space<vmem>>
      %get3A_1158 = tpu.memref_squeeze %get3A_1157 : memref<1x80x128xf32, #tpu.memory_space<vmem>> -> memref<80x128xf32, #tpu.memory_space<vmem>>
      %get3A_1159 = arith.index_cast %add3A_1117 : i32 to index
      %get3A_1160 = arith.constant 32 : index
      %get3A_1161 = tpu.vector_load %get3A_1158[%get3A_1159, %get3A_1160] {strides = array<i32>} : memref<80x128xf32, #tpu.memory_space<vmem>>, vector<16xf32>,
      %mul3A_1162 = arith.mulf %get3A_1154, %get3A_1161 : vector<16xf32>
      %get3A_1163 = arith.constant 0 : i32
      %get3A_1164 = arith.constant 0 : i32
      %get3A_1165 = tpu.memref_slice %arg10[%and3A_50, %get3A_1163, %get3A_1164] : memref<2x80x128xf32, #tpu.memory_space<vmem>> -> memref<1x80x128xf32, #tpu.memory_space<vmem>>
      %get3A_1166 = tpu.memref_squeeze %get3A_1165 : memref<1x80x128xf32, #tpu.memory_space<vmem>> -> memref<80x128xf32, #tpu.memory_space<vmem>>
      %get3A_1167 = arith.index_cast %add3A_1117 : i32 to index
      %get3A_1168 = arith.constant 48 : index
      %get3A_1169 = tpu.vector_load %get3A_1166[%get3A_1167, %get3A_1168] {strides = array<i32>} : memref<80x128xf32, #tpu.memory_space<vmem>>, vector<16xf32>,
      %get3A_1170 = arith.constant 0 : i32
      %get3A_1171 = arith.constant 0 : i32
      %get3A_1172 = tpu.memref_slice %arg11[%and3A_50, %get3A_1170, %get3A_1171] : memref<2x80x128xf32, #tpu.memory_space<vmem>> -> memref<1x80x128xf32, #tpu.memory_space<vmem>>
      %get3A_1173 = tpu.memref_squeeze %get3A_1172 : memref<1x80x128xf32, #tpu.memory_space<vmem>> -> memref<80x128xf32, #tpu.memory_space<vmem>>
      %get3A_1174 = arith.index_cast %add3A_1117 : i32 to index
      %get3A_1175 = arith.constant 48 : index
      %get3A_1176 = tpu.vector_load %get3A_1173[%get3A_1174, %get3A_1175] {strides = array<i32>} : memref<80x128xf32, #tpu.memory_space<vmem>>, vector<16xf32>,
      %mul3A_1177 = arith.mulf %get3A_1169, %get3A_1176 : vector<16xf32>
      %get3A_1178 = arith.constant 0 : i32
      %get3A_1179 = arith.constant 0 : i32
      %get3A_1180 = tpu.memref_slice %arg10[%and3A_50, %get3A_1178, %get3A_1179] : memref<2x80x128xf32, #tpu.memory_space<vmem>> -> memref<1x80x128xf32, #tpu.memory_space<vmem>>
      %get3A_1181 = tpu.memref_squeeze %get3A_1180 : memref<1x80x128xf32, #tpu.memory_space<vmem>> -> memref<80x128xf32, #tpu.memory_space<vmem>>
      %get3A_1182 = arith.index_cast %add3A_1117 : i32 to index
      %get3A_1183 = arith.constant 64 : index
      %get3A_1184 = tpu.vector_load %get3A_1181[%get3A_1182, %get3A_1183] {strides = array<i32>} : memref<80x128xf32, #tpu.memory_space<vmem>>, vector<16xf32>,
      %get3A_1185 = arith.constant 0 : i32
      %get3A_1186 = arith.constant 0 : i32
      %get3A_1187 = tpu.memref_slice %arg11[%and3A_50, %get3A_1185, %get3A_1186] : memref<2x80x128xf32, #tpu.memory_space<vmem>> -> memref<1x80x128xf32, #tpu.memory_space<vmem>>
      %get3A_1188 = tpu.memref_squeeze %get3A_1187 : memref<1x80x128xf32, #tpu.memory_space<vmem>> -> memref<80x128xf32, #tpu.memory_space<vmem>>
      %get3A_1189 = arith.index_cast %add3A_1117 : i32 to index
      %get3A_1190 = arith.constant 64 : index
      %get3A_1191 = tpu.vector_load %get3A_1188[%get3A_1189, %get3A_1190] {strides = array<i32>} : memref<80x128xf32, #tpu.memory_space<vmem>>, vector<16xf32>,
      %mul3A_1192 = arith.mulf %get3A_1184, %get3A_1191 : vector<16xf32>
      %get3A_1193 = arith.constant 0 : i32
      %get3A_1194 = arith.constant 0 : i32
      %get3A_1195 = tpu.memref_slice %arg10[%and3A_50, %get3A_1193, %get3A_1194] : memref<2x80x128xf32, #tpu.memory_space<vmem>> -> memref<1x80x128xf32, #tpu.memory_space<vmem>>
      %get3A_1196 = tpu.memref_squeeze %get3A_1195 : memref<1x80x128xf32, #tpu.memory_space<vmem>> -> memref<80x128xf32, #tpu.memory_space<vmem>>
      %get3A_1197 = arith.index_cast %add3A_1117 : i32 to index
      %get3A_1198 = arith.constant 80 : index
      %get3A_1199 = tpu.vector_load %get3A_1196[%get3A_1197, %get3A_1198] {strides = array<i32>} : memref<80x128xf32, #tpu.memory_space<vmem>>, vector<16xf32>,
      %get3A_1200 = arith.constant 0 : i32
      %get3A_1201 = arith.constant 0 : i32
      %get3A_1202 = tpu.memref_slice %arg11[%and3A_50, %get3A_1200, %get3A_1201] : memref<2x80x128xf32, #tpu.memory_space<vmem>> -> memref<1x80x128xf32, #tpu.memory_space<vmem>>
      %get3A_1203 = tpu.memref_squeeze %get3A_1202 : memref<1x80x128xf32, #tpu.memory_space<vmem>> -> memref<80x128xf32, #tpu.memory_space<vmem>>
      %get3A_1204 = arith.index_cast %add3A_1117 : i32 to index
      %get3A_1205 = arith.constant 80 : index
      %get3A_1206 = tpu.vector_load %get3A_1203[%get3A_1204, %get3A_1205] {strides = array<i32>} : memref<80x128xf32, #tpu.memory_space<vmem>>, vector<16xf32>,
      %mul3A_1207 = arith.mulf %get3A_1199, %get3A_1206 : vector<16xf32>
      %get3A_1208 = arith.constant 0 : i32
      %get3A_1209 = arith.constant 0 : i32
      %get3A_1210 = tpu.memref_slice %arg10[%and3A_50, %get3A_1208, %get3A_1209] : memref<2x80x128xf32, #tpu.memory_space<vmem>> -> memref<1x80x128xf32, #tpu.memory_space<vmem>>
      %get3A_1211 = tpu.memref_squeeze %get3A_1210 : memref<1x80x128xf32, #tpu.memory_space<vmem>> -> memref<80x128xf32, #tpu.memory_space<vmem>>
      %get3A_1212 = arith.index_cast %add3A_1117 : i32 to index
      %get3A_1213 = arith.constant 96 : index
      %get3A_1214 = tpu.vector_load %get3A_1211[%get3A_1212, %get3A_1213] {strides = array<i32>} : memref<80x128xf32, #tpu.memory_space<vmem>>, vector<16xf32>,
      %get3A_1215 = arith.constant 0 : i32
      %get3A_1216 = arith.constant 0 : i32
      %get3A_1217 = tpu.memref_slice %arg11[%and3A_50, %get3A_1215, %get3A_1216] : memref<2x80x128xf32, #tpu.memory_space<vmem>> -> memref<1x80x128xf32, #tpu.memory_space<vmem>>
      %get3A_1218 = tpu.memref_squeeze %get3A_1217 : memref<1x80x128xf32, #tpu.memory_space<vmem>> -> memref<80x128xf32, #tpu.memory_space<vmem>>
      %get3A_1219 = arith.index_cast %add3A_1117 : i32 to index
      %get3A_1220 = arith.constant 96 : index
      %get3A_1221 = tpu.vector_load %get3A_1218[%get3A_1219, %get3A_1220] {strides = array<i32>} : memref<80x128xf32, #tpu.memory_space<vmem>>, vector<16xf32>,
      %mul3A_1222 = arith.mulf %get3A_1214, %get3A_1221 : vector<16xf32>
      %get3A_1223 = arith.constant 0 : i32
      %get3A_1224 = arith.constant 0 : i32
      %get3A_1225 = tpu.memref_slice %arg10[%and3A_50, %get3A_1223, %get3A_1224] : memref<2x80x128xf32, #tpu.memory_space<vmem>> -> memref<1x80x128xf32, #tpu.memory_space<vmem>>
      %get3A_1226 = tpu.memref_squeeze %get3A_1225 : memref<1x80x128xf32, #tpu.memory_space<vmem>> -> memref<80x128xf32, #tpu.memory_space<vmem>>
      %get3A_1227 = arith.index_cast %add3A_1117 : i32 to index
      %get3A_1228 = arith.constant 112 : index
      %get3A_1229 = tpu.vector_load %get3A_1226[%get3A_1227, %get3A_1228] {strides = array<i32>} : memref<80x128xf32, #tpu.memory_space<vmem>>, vector<16xf32>,
      %get3A_1230 = arith.constant 0 : i32
      %get3A_1231 = arith.constant 0 : i32
      %get3A_1232 = tpu.memref_slice %arg11[%and3A_50, %get3A_1230, %get3A_1231] : memref<2x80x128xf32, #tpu.memory_space<vmem>> -> memref<1x80x128xf32, #tpu.memory_space<vmem>>
      %get3A_1233 = tpu.memref_squeeze %get3A_1232 : memref<1x80x128xf32, #tpu.memory_space<vmem>> -> memref<80x128xf32, #tpu.memory_space<vmem>>
      %get3A_1234 = arith.index_cast %add3A_1117 : i32 to index
      %get3A_1235 = arith.constant 112 : index
      %get3A_1236 = tpu.vector_load %get3A_1233[%get3A_1234, %get3A_1235] {strides = array<i32>} : memref<80x128xf32, #tpu.memory_space<vmem>>, vector<16xf32>,
      %mul3A_1237 = arith.mulf %get3A_1229, %get3A_1236 : vector<16xf32>
      %add3A_1238 = arith.addf %mul3A_1132, %mul3A_1147 : vector<16xf32>
      %add3A_1239 = arith.addf %mul3A_1162, %mul3A_1177 : vector<16xf32>
      %add3A_1240 = arith.addf %mul3A_1192, %mul3A_1207 : vector<16xf32>
      %add3A_1241 = arith.addf %mul3A_1222, %mul3A_1237 : vector<16xf32>
      %add3A_1242 = arith.addf %add3A_1238, %add3A_1239 : vector<16xf32>
      %add3A_1243 = arith.addf %add3A_1240, %add3A_1241 : vector<16xf32>
      %add3A_1244 = arith.addf %add3A_1242, %add3A_1243 : vector<16xf32>
      %swap3A_1245 = arith.index_cast %add3A_1117 : i32 to index
      %swap3A_1246 = arith.constant 0 : index
      %swap3A_1247 = tpu.vector_load %arg12[%swap3A_1245, %swap3A_1246] {strides = array<i32>} : memref<80x17xf32, #tpu.memory_space<vmem>>, vector<16xf32>,
      tpu.vector_store %arg12[%swap3A_1245, %swap3A_1246], %add3A_1244 {strides = array<i32>} : memref<80x17xf32, #tpu.memory_space<vmem>>, vector<16xf32>,
      %add3A_1248 = arith.constant 9 : i32
      %add3A_1249 = arith.addi %mul3A_61, %add3A_1248 : i32
      %get3A_1250 = arith.constant 0 : i32
      %get3A_1251 = arith.constant 0 : i32
      %get3A_1252 = tpu.memref_slice %arg10[%and3A_50, %get3A_1250, %get3A_1251] : memref<2x80x128xf32, #tpu.memory_space<vmem>> -> memref<1x80x128xf32, #tpu.memory_space<vmem>>
      %get3A_1253 = tpu.memref_squeeze %get3A_1252 : memref<1x80x128xf32, #tpu.memory_space<vmem>> -> memref<80x128xf32, #tpu.memory_space<vmem>>
      %get3A_1254 = arith.index_cast %add3A_1249 : i32 to index
      %get3A_1255 = arith.constant 0 : index
      %get3A_1256 = tpu.vector_load %get3A_1253[%get3A_1254, %get3A_1255] {strides = array<i32>} : memref<80x128xf32, #tpu.memory_space<vmem>>, vector<16xf32>,
      %get3A_1257 = arith.constant 0 : i32
      %get3A_1258 = arith.constant 0 : i32
      %get3A_1259 = tpu.memref_slice %arg11[%and3A_50, %get3A_1257, %get3A_1258] : memref<2x80x128xf32, #tpu.memory_space<vmem>> -> memref<1x80x128xf32, #tpu.memory_space<vmem>>
      %get3A_1260 = tpu.memref_squeeze %get3A_1259 : memref<1x80x128xf32, #tpu.memory_space<vmem>> -> memref<80x128xf32, #tpu.memory_space<vmem>>
      %get3A_1261 = arith.index_cast %add3A_1249 : i32 to index
      %get3A_1262 = arith.constant 0 : index
      %get3A_1263 = tpu.vector_load %get3A_1260[%get3A_1261, %get3A_1262] {strides = array<i32>} : memref<80x128xf32, #tpu.memory_space<vmem>>, vector<16xf32>,
      %mul3A_1264 = arith.mulf %get3A_1256, %get3A_1263 : vector<16xf32>
      %get3A_1265 = arith.constant 0 : i32
      %get3A_1266 = arith.constant 0 : i32
      %get3A_1267 = tpu.memref_slice %arg10[%and3A_50, %get3A_1265, %get3A_1266] : memref<2x80x128xf32, #tpu.memory_space<vmem>> -> memref<1x80x128xf32, #tpu.memory_space<vmem>>
      %get3A_1268 = tpu.memref_squeeze %get3A_1267 : memref<1x80x128xf32, #tpu.memory_space<vmem>> -> memref<80x128xf32, #tpu.memory_space<vmem>>
      %get3A_1269 = arith.index_cast %add3A_1249 : i32 to index
      %get3A_1270 = arith.constant 16 : index
      %get3A_1271 = tpu.vector_load %get3A_1268[%get3A_1269, %get3A_1270] {strides = array<i32>} : memref<80x128xf32, #tpu.memory_space<vmem>>, vector<16xf32>,
      %get3A_1272 = arith.constant 0 : i32
      %get3A_1273 = arith.constant 0 : i32
      %get3A_1274 = tpu.memref_slice %arg11[%and3A_50, %get3A_1272, %get3A_1273] : memref<2x80x128xf32, #tpu.memory_space<vmem>> -> memref<1x80x128xf32, #tpu.memory_space<vmem>>
      %get3A_1275 = tpu.memref_squeeze %get3A_1274 : memref<1x80x128xf32, #tpu.memory_space<vmem>> -> memref<80x128xf32, #tpu.memory_space<vmem>>
      %get3A_1276 = arith.index_cast %add3A_1249 : i32 to index
      %get3A_1277 = arith.constant 16 : index
      %get3A_1278 = tpu.vector_load %get3A_1275[%get3A_1276, %get3A_1277] {strides = array<i32>} : memref<80x128xf32, #tpu.memory_space<vmem>>, vector<16xf32>,
      %mul3A_1279 = arith.mulf %get3A_1271, %get3A_1278 : vector<16xf32>
      %get3A_1280 = arith.constant 0 : i32
      %get3A_1281 = arith.constant 0 : i32
      %get3A_1282 = tpu.memref_slice %arg10[%and3A_50, %get3A_1280, %get3A_1281] : memref<2x80x128xf32, #tpu.memory_space<vmem>> -> memref<1x80x128xf32, #tpu.memory_space<vmem>>
      %get3A_1283 = tpu.memref_squeeze %get3A_1282 : memref<1x80x128xf32, #tpu.memory_space<vmem>> -> memref<80x128xf32, #tpu.memory_space<vmem>>
      %get3A_1284 = arith.index_cast %add3A_1249 : i32 to index
      %get3A_1285 = arith.constant 32 : index
      %get3A_1286 = tpu.vector_load %get3A_1283[%get3A_1284, %get3A_1285] {strides = array<i32>} : memref<80x128xf32, #tpu.memory_space<vmem>>, vector<16xf32>,
      %get3A_1287 = arith.constant 0 : i32
      %get3A_1288 = arith.constant 0 : i32
      %get3A_1289 = tpu.memref_slice %arg11[%and3A_50, %get3A_1287, %get3A_1288] : memref<2x80x128xf32, #tpu.memory_space<vmem>> -> memref<1x80x128xf32, #tpu.memory_space<vmem>>
      %get3A_1290 = tpu.memref_squeeze %get3A_1289 : memref<1x80x128xf32, #tpu.memory_space<vmem>> -> memref<80x128xf32, #tpu.memory_space<vmem>>
      %get3A_1291 = arith.index_cast %add3A_1249 : i32 to index
      %get3A_1292 = arith.constant 32 : index
      %get3A_1293 = tpu.vector_load %get3A_1290[%get3A_1291, %get3A_1292] {strides = array<i32>} : memref<80x128xf32, #tpu.memory_space<vmem>>, vector<16xf32>,
      %mul3A_1294 = arith.mulf %get3A_1286, %get3A_1293 : vector<16xf32>
      %get3A_1295 = arith.constant 0 : i32
      %get3A_1296 = arith.constant 0 : i32
      %get3A_1297 = tpu.memref_slice %arg10[%and3A_50, %get3A_1295, %get3A_1296] : memref<2x80x128xf32, #tpu.memory_space<vmem>> -> memref<1x80x128xf32, #tpu.memory_space<vmem>>
      %get3A_1298 = tpu.memref_squeeze %get3A_1297 : memref<1x80x128xf32, #tpu.memory_space<vmem>> -> memref<80x128xf32, #tpu.memory_space<vmem>>
      %get3A_1299 = arith.index_cast %add3A_1249 : i32 to index
      %get3A_1300 = arith.constant 48 : index
      %get3A_1301 = tpu.vector_load %get3A_1298[%get3A_1299, %get3A_1300] {strides = array<i32>} : memref<80x128xf32, #tpu.memory_space<vmem>>, vector<16xf32>,
      %get3A_1302 = arith.constant 0 : i32
      %get3A_1303 = arith.constant 0 : i32
      %get3A_1304 = tpu.memref_slice %arg11[%and3A_50, %get3A_1302, %get3A_1303] : memref<2x80x128xf32, #tpu.memory_space<vmem>> -> memref<1x80x128xf32, #tpu.memory_space<vmem>>
      %get3A_1305 = tpu.memref_squeeze %get3A_1304 : memref<1x80x128xf32, #tpu.memory_space<vmem>> -> memref<80x128xf32, #tpu.memory_space<vmem>>
      %get3A_1306 = arith.index_cast %add3A_1249 : i32 to index
      %get3A_1307 = arith.constant 48 : index
      %get3A_1308 = tpu.vector_load %get3A_1305[%get3A_1306, %get3A_1307] {strides = array<i32>} : memref<80x128xf32, #tpu.memory_space<vmem>>, vector<16xf32>,
      %mul3A_1309 = arith.mulf %get3A_1301, %get3A_1308 : vector<16xf32>
      %get3A_1310 = arith.constant 0 : i32
      %get3A_1311 = arith.constant 0 : i32
      %get3A_1312 = tpu.memref_slice %arg10[%and3A_50, %get3A_1310, %get3A_1311] : memref<2x80x128xf32, #tpu.memory_space<vmem>> -> memref<1x80x128xf32, #tpu.memory_space<vmem>>
      %get3A_1313 = tpu.memref_squeeze %get3A_1312 : memref<1x80x128xf32, #tpu.memory_space<vmem>> -> memref<80x128xf32, #tpu.memory_space<vmem>>
      %get3A_1314 = arith.index_cast %add3A_1249 : i32 to index
      %get3A_1315 = arith.constant 64 : index
      %get3A_1316 = tpu.vector_load %get3A_1313[%get3A_1314, %get3A_1315] {strides = array<i32>} : memref<80x128xf32, #tpu.memory_space<vmem>>, vector<16xf32>,
      %get3A_1317 = arith.constant 0 : i32
      %get3A_1318 = arith.constant 0 : i32
      %get3A_1319 = tpu.memref_slice %arg11[%and3A_50, %get3A_1317, %get3A_1318] : memref<2x80x128xf32, #tpu.memory_space<vmem>> -> memref<1x80x128xf32, #tpu.memory_space<vmem>>
      %get3A_1320 = tpu.memref_squeeze %get3A_1319 : memref<1x80x128xf32, #tpu.memory_space<vmem>> -> memref<80x128xf32, #tpu.memory_space<vmem>>
      %get3A_1321 = arith.index_cast %add3A_1249 : i32 to index
      %get3A_1322 = arith.constant 64 : index
      %get3A_1323 = tpu.vector_load %get3A_1320[%get3A_1321, %get3A_1322] {strides = array<i32>} : memref<80x128xf32, #tpu.memory_space<vmem>>, vector<16xf32>,
      %mul3A_1324 = arith.mulf %get3A_1316, %get3A_1323 : vector<16xf32>
      %get3A_1325 = arith.constant 0 : i32
      %get3A_1326 = arith.constant 0 : i32
      %get3A_1327 = tpu.memref_slice %arg10[%and3A_50, %get3A_1325, %get3A_1326] : memref<2x80x128xf32, #tpu.memory_space<vmem>> -> memref<1x80x128xf32, #tpu.memory_space<vmem>>
      %get3A_1328 = tpu.memref_squeeze %get3A_1327 : memref<1x80x128xf32, #tpu.memory_space<vmem>> -> memref<80x128xf32, #tpu.memory_space<vmem>>
      %get3A_1329 = arith.index_cast %add3A_1249 : i32 to index
      %get3A_1330 = arith.constant 80 : index
      %get3A_1331 = tpu.vector_load %get3A_1328[%get3A_1329, %get3A_1330] {strides = array<i32>} : memref<80x128xf32, #tpu.memory_space<vmem>>, vector<16xf32>,
      %get3A_1332 = arith.constant 0 : i32
      %get3A_1333 = arith.constant 0 : i32
      %get3A_1334 = tpu.memref_slice %arg11[%and3A_50, %get3A_1332, %get3A_1333] : memref<2x80x128xf32, #tpu.memory_space<vmem>> -> memref<1x80x128xf32, #tpu.memory_space<vmem>>
      %get3A_1335 = tpu.memref_squeeze %get3A_1334 : memref<1x80x128xf32, #tpu.memory_space<vmem>> -> memref<80x128xf32, #tpu.memory_space<vmem>>
      %get3A_1336 = arith.index_cast %add3A_1249 : i32 to index
      %get3A_1337 = arith.constant 80 : index
      %get3A_1338 = tpu.vector_load %get3A_1335[%get3A_1336, %get3A_1337] {strides = array<i32>} : memref<80x128xf32, #tpu.memory_space<vmem>>, vector<16xf32>,
      %mul3A_1339 = arith.mulf %get3A_1331, %get3A_1338 : vector<16xf32>
      %get3A_1340 = arith.constant 0 : i32
      %get3A_1341 = arith.constant 0 : i32
      %get3A_1342 = tpu.memref_slice %arg10[%and3A_50, %get3A_1340, %get3A_1341] : memref<2x80x128xf32, #tpu.memory_space<vmem>> -> memref<1x80x128xf32, #tpu.memory_space<vmem>>
      %get3A_1343 = tpu.memref_squeeze %get3A_1342 : memref<1x80x128xf32, #tpu.memory_space<vmem>> -> memref<80x128xf32, #tpu.memory_space<vmem>>
      %get3A_1344 = arith.index_cast %add3A_1249 : i32 to index
      %get3A_1345 = arith.constant 96 : index
      %get3A_1346 = tpu.vector_load %get3A_1343[%get3A_1344, %get3A_1345] {strides = array<i32>} : memref<80x128xf32, #tpu.memory_space<vmem>>, vector<16xf32>,
      %get3A_1347 = arith.constant 0 : i32
      %get3A_1348 = arith.constant 0 : i32
      %get3A_1349 = tpu.memref_slice %arg11[%and3A_50, %get3A_1347, %get3A_1348] : memref<2x80x128xf32, #tpu.memory_space<vmem>> -> memref<1x80x128xf32, #tpu.memory_space<vmem>>
      %get3A_1350 = tpu.memref_squeeze %get3A_1349 : memref<1x80x128xf32, #tpu.memory_space<vmem>> -> memref<80x128xf32, #tpu.memory_space<vmem>>
      %get3A_1351 = arith.index_cast %add3A_1249 : i32 to index
      %get3A_1352 = arith.constant 96 : index
      %get3A_1353 = tpu.vector_load %get3A_1350[%get3A_1351, %get3A_1352] {strides = array<i32>} : memref<80x128xf32, #tpu.memory_space<vmem>>, vector<16xf32>,
      %mul3A_1354 = arith.mulf %get3A_1346, %get3A_1353 : vector<16xf32>
      %get3A_1355 = arith.constant 0 : i32
      %get3A_1356 = arith.constant 0 : i32
      %get3A_1357 = tpu.memref_slice %arg10[%and3A_50, %get3A_1355, %get3A_1356] : memref<2x80x128xf32, #tpu.memory_space<vmem>> -> memref<1x80x128xf32, #tpu.memory_space<vmem>>
      %get3A_1358 = tpu.memref_squeeze %get3A_1357 : memref<1x80x128xf32, #tpu.memory_space<vmem>> -> memref<80x128xf32, #tpu.memory_space<vmem>>
      %get3A_1359 = arith.index_cast %add3A_1249 : i32 to index
      %get3A_1360 = arith.constant 112 : index
      %get3A_1361 = tpu.vector_load %get3A_1358[%get3A_1359, %get3A_1360] {strides = array<i32>} : memref<80x128xf32, #tpu.memory_space<vmem>>, vector<16xf32>,
      %get3A_1362 = arith.constant 0 : i32
      %get3A_1363 = arith.constant 0 : i32
      %get3A_1364 = tpu.memref_slice %arg11[%and3A_50, %get3A_1362, %get3A_1363] : memref<2x80x128xf32, #tpu.memory_space<vmem>> -> memref<1x80x128xf32, #tpu.memory_space<vmem>>
      %get3A_1365 = tpu.memref_squeeze %get3A_1364 : memref<1x80x128xf32, #tpu.memory_space<vmem>> -> memref<80x128xf32, #tpu.memory_space<vmem>>
      %get3A_1366 = arith.index_cast %add3A_1249 : i32 to index
      %get3A_1367 = arith.constant 112 : index
      %get3A_1368 = tpu.vector_load %get3A_1365[%get3A_1366, %get3A_1367] {strides = array<i32>} : memref<80x128xf32, #tpu.memory_space<vmem>>, vector<16xf32>,
      %mul3A_1369 = arith.mulf %get3A_1361, %get3A_1368 : vector<16xf32>
      %add3A_1370 = arith.addf %mul3A_1264, %mul3A_1279 : vector<16xf32>
      %add3A_1371 = arith.addf %mul3A_1294, %mul3A_1309 : vector<16xf32>
      %add3A_1372 = arith.addf %mul3A_1324, %mul3A_1339 : vector<16xf32>
      %add3A_1373 = arith.addf %mul3A_1354, %mul3A_1369 : vector<16xf32>
      %add3A_1374 = arith.addf %add3A_1370, %add3A_1371 : vector<16xf32>
      %add3A_1375 = arith.addf %add3A_1372, %add3A_1373 : vector<16xf32>
      %add3A_1376 = arith.addf %add3A_1374, %add3A_1375 : vector<16xf32>
      %swap3A_1377 = arith.index_cast %add3A_1249 : i32 to index
      %swap3A_1378 = arith.constant 0 : index
      %swap3A_1379 = tpu.vector_load %arg12[%swap3A_1377, %swap3A_1378] {strides = array<i32>} : memref<80x17xf32, #tpu.memory_space<vmem>>, vector<16xf32>,
      tpu.vector_store %arg12[%swap3A_1377, %swap3A_1378], %add3A_1376 {strides = array<i32>} : memref<80x17xf32, #tpu.memory_space<vmem>>, vector<16xf32>,
      %add3A_1380 = arith.constant 10 : i32
      %add3A_1381 = arith.addi %mul3A_61, %add3A_1380 : i32
      %get3A_1382 = arith.constant 0 : i32
      %get3A_1383 = arith.constant 0 : i32
      %get3A_1384 = tpu.memref_slice %arg10[%and3A_50, %get3A_1382, %get3A_1383] : memref<2x80x128xf32, #tpu.memory_space<vmem>> -> memref<1x80x128xf32, #tpu.memory_space<vmem>>
      %get3A_1385 = tpu.memref_squeeze %get3A_1384 : memref<1x80x128xf32, #tpu.memory_space<vmem>> -> memref<80x128xf32, #tpu.memory_space<vmem>>
      %get3A_1386 = arith.index_cast %add3A_1381 : i32 to index
      %get3A_1387 = arith.constant 0 : index
      %get3A_1388 = tpu.vector_load %get3A_1385[%get3A_1386, %get3A_1387] {strides = array<i32>} : memref<80x128xf32, #tpu.memory_space<vmem>>, vector<16xf32>,
      %get3A_1389 = arith.constant 0 : i32
      %get3A_1390 = arith.constant 0 : i32
      %get3A_1391 = tpu.memref_slice %arg11[%and3A_50, %get3A_1389, %get3A_1390] : memref<2x80x128xf32, #tpu.memory_space<vmem>> -> memref<1x80x128xf32, #tpu.memory_space<vmem>>
      %get3A_1392 = tpu.memref_squeeze %get3A_1391 : memref<1x80x128xf32, #tpu.memory_space<vmem>> -> memref<80x128xf32, #tpu.memory_space<vmem>>
      %get3A_1393 = arith.index_cast %add3A_1381 : i32 to index
      %get3A_1394 = arith.constant 0 : index
      %get3A_1395 = tpu.vector_load %get3A_1392[%get3A_1393, %get3A_1394] {strides = array<i32>} : memref<80x128xf32, #tpu.memory_space<vmem>>, vector<16xf32>,
      %mul3A_1396 = arith.mulf %get3A_1388, %get3A_1395 : vector<16xf32>
      %get3A_1397 = arith.constant 0 : i32
      %get3A_1398 = arith.constant 0 : i32
      %get3A_1399 = tpu.memref_slice %arg10[%and3A_50, %get3A_1397, %get3A_1398] : memref<2x80x128xf32, #tpu.memory_space<vmem>> -> memref<1x80x128xf32, #tpu.memory_space<vmem>>
      %get3A_1400 = tpu.memref_squeeze %get3A_1399 : memref<1x80x128xf32, #tpu.memory_space<vmem>> -> memref<80x128xf32, #tpu.memory_space<vmem>>
      %get3A_1401 = arith.index_cast %add3A_1381 : i32 to index
      %get3A_1402 = arith.constant 16 : index
      %get3A_1403 = tpu.vector_load %get3A_1400[%get3A_1401, %get3A_1402] {strides = array<i32>} : memref<80x128xf32, #tpu.memory_space<vmem>>, vector<16xf32>,
      %get3A_1404 = arith.constant 0 : i32
      %get3A_1405 = arith.constant 0 : i32
      %get3A_1406 = tpu.memref_slice %arg11[%and3A_50, %get3A_1404, %get3A_1405] : memref<2x80x128xf32, #tpu.memory_space<vmem>> -> memref<1x80x128xf32, #tpu.memory_space<vmem>>
      %get3A_1407 = tpu.memref_squeeze %get3A_1406 : memref<1x80x128xf32, #tpu.memory_space<vmem>> -> memref<80x128xf32, #tpu.memory_space<vmem>>
      %get3A_1408 = arith.index_cast %add3A_1381 : i32 to index
      %get3A_1409 = arith.constant 16 : index
      %get3A_1410 = tpu.vector_load %get3A_1407[%get3A_1408, %get3A_1409] {strides = array<i32>} : memref<80x128xf32, #tpu.memory_space<vmem>>, vector<16xf32>,
      %mul3A_1411 = arith.mulf %get3A_1403, %get3A_1410 : vector<16xf32>
      %get3A_1412 = arith.constant 0 : i32
      %get3A_1413 = arith.constant 0 : i32
      %get3A_1414 = tpu.memref_slice %arg10[%and3A_50, %get3A_1412, %get3A_1413] : memref<2x80x128xf32, #tpu.memory_space<vmem>> -> memref<1x80x128xf32, #tpu.memory_space<vmem>>
      %get3A_1415 = tpu.memref_squeeze %get3A_1414 : memref<1x80x128xf32, #tpu.memory_space<vmem>> -> memref<80x128xf32, #tpu.memory_space<vmem>>
      %get3A_1416 = arith.index_cast %add3A_1381 : i32 to index
      %get3A_1417 = arith.constant 32 : index
      %get3A_1418 = tpu.vector_load %get3A_1415[%get3A_1416, %get3A_1417] {strides = array<i32>} : memref<80x128xf32, #tpu.memory_space<vmem>>, vector<16xf32>,
      %get3A_1419 = arith.constant 0 : i32
      %get3A_1420 = arith.constant 0 : i32
      %get3A_1421 = tpu.memref_slice %arg11[%and3A_50, %get3A_1419, %get3A_1420] : memref<2x80x128xf32, #tpu.memory_space<vmem>> -> memref<1x80x128xf32, #tpu.memory_space<vmem>>
      %get3A_1422 = tpu.memref_squeeze %get3A_1421 : memref<1x80x128xf32, #tpu.memory_space<vmem>> -> memref<80x128xf32, #tpu.memory_space<vmem>>
      %get3A_1423 = arith.index_cast %add3A_1381 : i32 to index
      %get3A_1424 = arith.constant 32 : index
      %get3A_1425 = tpu.vector_load %get3A_1422[%get3A_1423, %get3A_1424] {strides = array<i32>} : memref<80x128xf32, #tpu.memory_space<vmem>>, vector<16xf32>,
      %mul3A_1426 = arith.mulf %get3A_1418, %get3A_1425 : vector<16xf32>
      %get3A_1427 = arith.constant 0 : i32
      %get3A_1428 = arith.constant 0 : i32
      %get3A_1429 = tpu.memref_slice %arg10[%and3A_50, %get3A_1427, %get3A_1428] : memref<2x80x128xf32, #tpu.memory_space<vmem>> -> memref<1x80x128xf32, #tpu.memory_space<vmem>>
      %get3A_1430 = tpu.memref_squeeze %get3A_1429 : memref<1x80x128xf32, #tpu.memory_space<vmem>> -> memref<80x128xf32, #tpu.memory_space<vmem>>
      %get3A_1431 = arith.index_cast %add3A_1381 : i32 to index
      %get3A_1432 = arith.constant 48 : index
      %get3A_1433 = tpu.vector_load %get3A_1430[%get3A_1431, %get3A_1432] {strides = array<i32>} : memref<80x128xf32, #tpu.memory_space<vmem>>, vector<16xf32>,
      %get3A_1434 = arith.constant 0 : i32
      %get3A_1435 = arith.constant 0 : i32
      %get3A_1436 = tpu.memref_slice %arg11[%and3A_50, %get3A_1434, %get3A_1435] : memref<2x80x128xf32, #tpu.memory_space<vmem>> -> memref<1x80x128xf32, #tpu.memory_space<vmem>>
      %get3A_1437 = tpu.memref_squeeze %get3A_1436 : memref<1x80x128xf32, #tpu.memory_space<vmem>> -> memref<80x128xf32, #tpu.memory_space<vmem>>
      %get3A_1438 = arith.index_cast %add3A_1381 : i32 to index
      %get3A_1439 = arith.constant 48 : index
      %get3A_1440 = tpu.vector_load %get3A_1437[%get3A_1438, %get3A_1439] {strides = array<i32>} : memref<80x128xf32, #tpu.memory_space<vmem>>, vector<16xf32>,
      %mul3A_1441 = arith.mulf %get3A_1433, %get3A_1440 : vector<16xf32>
      %get3A_1442 = arith.constant 0 : i32
      %get3A_1443 = arith.constant 0 : i32
      %get3A_1444 = tpu.memref_slice %arg10[%and3A_50, %get3A_1442, %get3A_1443] : memref<2x80x128xf32, #tpu.memory_space<vmem>> -> memref<1x80x128xf32, #tpu.memory_space<vmem>>
      %get3A_1445 = tpu.memref_squeeze %get3A_1444 : memref<1x80x128xf32, #tpu.memory_space<vmem>> -> memref<80x128xf32, #tpu.memory_space<vmem>>
      %get3A_1446 = arith.index_cast %add3A_1381 : i32 to index
      %get3A_1447 = arith.constant 64 : index
      %get3A_1448 = tpu.vector_load %get3A_1445[%get3A_1446, %get3A_1447] {strides = array<i32>} : memref<80x128xf32, #tpu.memory_space<vmem>>, vector<16xf32>,
      %get3A_1449 = arith.constant 0 : i32
      %get3A_1450 = arith.constant 0 : i32
      %get3A_1451 = tpu.memref_slice %arg11[%and3A_50, %get3A_1449, %get3A_1450] : memref<2x80x128xf32, #tpu.memory_space<vmem>> -> memref<1x80x128xf32, #tpu.memory_space<vmem>>
      %get3A_1452 = tpu.memref_squeeze %get3A_1451 : memref<1x80x128xf32, #tpu.memory_space<vmem>> -> memref<80x128xf32, #tpu.memory_space<vmem>>
      %get3A_1453 = arith.index_cast %add3A_1381 : i32 to index
      %get3A_1454 = arith.constant 64 : index
      %get3A_1455 = tpu.vector_load %get3A_1452[%get3A_1453, %get3A_1454] {strides = array<i32>} : memref<80x128xf32, #tpu.memory_space<vmem>>, vector<16xf32>,
      %mul3A_1456 = arith.mulf %get3A_1448, %get3A_1455 : vector<16xf32>
      %get3A_1457 = arith.constant 0 : i32
      %get3A_1458 = arith.constant 0 : i32
      %get3A_1459 = tpu.memref_slice %arg10[%and3A_50, %get3A_1457, %get3A_1458] : memref<2x80x128xf32, #tpu.memory_space<vmem>> -> memref<1x80x128xf32, #tpu.memory_space<vmem>>
      %get3A_1460 = tpu.memref_squeeze %get3A_1459 : memref<1x80x128xf32, #tpu.memory_space<vmem>> -> memref<80x128xf32, #tpu.memory_space<vmem>>
      %get3A_1461 = arith.index_cast %add3A_1381 : i32 to index
      %get3A_1462 = arith.constant 80 : index
      %get3A_1463 = tpu.vector_load %get3A_1460[%get3A_1461, %get3A_1462] {strides = array<i32>} : memref<80x128xf32, #tpu.memory_space<vmem>>, vector<16xf32>,
      %get3A_1464 = arith.constant 0 : i32
      %get3A_1465 = arith.constant 0 : i32
      %get3A_1466 = tpu.memref_slice %arg11[%and3A_50, %get3A_1464, %get3A_1465] : memref<2x80x128xf32, #tpu.memory_space<vmem>> -> memref<1x80x128xf32, #tpu.memory_space<vmem>>
      %get3A_1467 = tpu.memref_squeeze %get3A_1466 : memref<1x80x128xf32, #tpu.memory_space<vmem>> -> memref<80x128xf32, #tpu.memory_space<vmem>>
      %get3A_1468 = arith.index_cast %add3A_1381 : i32 to index
      %get3A_1469 = arith.constant 80 : index
      %get3A_1470 = tpu.vector_load %get3A_1467[%get3A_1468, %get3A_1469] {strides = array<i32>} : memref<80x128xf32, #tpu.memory_space<vmem>>, vector<16xf32>,
      %mul3A_1471 = arith.mulf %get3A_1463, %get3A_1470 : vector<16xf32>
      %get3A_1472 = arith.constant 0 : i32
      %get3A_1473 = arith.constant 0 : i32
      %get3A_1474 = tpu.memref_slice %arg10[%and3A_50, %get3A_1472, %get3A_1473] : memref<2x80x128xf32, #tpu.memory_space<vmem>> -> memref<1x80x128xf32, #tpu.memory_space<vmem>>
      %get3A_1475 = tpu.memref_squeeze %get3A_1474 : memref<1x80x128xf32, #tpu.memory_space<vmem>> -> memref<80x128xf32, #tpu.memory_space<vmem>>
      %get3A_1476 = arith.index_cast %add3A_1381 : i32 to index
      %get3A_1477 = arith.constant 96 : index
      %get3A_1478 = tpu.vector_load %get3A_1475[%get3A_1476, %get3A_1477] {strides = array<i32>} : memref<80x128xf32, #tpu.memory_space<vmem>>, vector<16xf32>,
      %get3A_1479 = arith.constant 0 : i32
      %get3A_1480 = arith.constant 0 : i32
      %get3A_1481 = tpu.memref_slice %arg11[%and3A_50, %get3A_1479, %get3A_1480] : memref<2x80x128xf32, #tpu.memory_space<vmem>> -> memref<1x80x128xf32, #tpu.memory_space<vmem>>
      %get3A_1482 = tpu.memref_squeeze %get3A_1481 : memref<1x80x128xf32, #tpu.memory_space<vmem>> -> memref<80x128xf32, #tpu.memory_space<vmem>>
      %get3A_1483 = arith.index_cast %add3A_1381 : i32 to index
      %get3A_1484 = arith.constant 96 : index
      %get3A_1485 = tpu.vector_load %get3A_1482[%get3A_1483, %get3A_1484] {strides = array<i32>} : memref<80x128xf32, #tpu.memory_space<vmem>>, vector<16xf32>,
      %mul3A_1486 = arith.mulf %get3A_1478, %get3A_1485 : vector<16xf32>
      %get3A_1487 = arith.constant 0 : i32
      %get3A_1488 = arith.constant 0 : i32
      %get3A_1489 = tpu.memref_slice %arg10[%and3A_50, %get3A_1487, %get3A_1488] : memref<2x80x128xf32, #tpu.memory_space<vmem>> -> memref<1x80x128xf32, #tpu.memory_space<vmem>>
      %get3A_1490 = tpu.memref_squeeze %get3A_1489 : memref<1x80x128xf32, #tpu.memory_space<vmem>> -> memref<80x128xf32, #tpu.memory_space<vmem>>
      %get3A_1491 = arith.index_cast %add3A_1381 : i32 to index
      %get3A_1492 = arith.constant 112 : index
      %get3A_1493 = tpu.vector_load %get3A_1490[%get3A_1491, %get3A_1492] {strides = array<i32>} : memref<80x128xf32, #tpu.memory_space<vmem>>, vector<16xf32>,
      %get3A_1494 = arith.constant 0 : i32
      %get3A_1495 = arith.constant 0 : i32
      %get3A_1496 = tpu.memref_slice %arg11[%and3A_50, %get3A_1494, %get3A_1495] : memref<2x80x128xf32, #tpu.memory_space<vmem>> -> memref<1x80x128xf32, #tpu.memory_space<vmem>>
      %get3A_1497 = tpu.memref_squeeze %get3A_1496 : memref<1x80x128xf32, #tpu.memory_space<vmem>> -> memref<80x128xf32, #tpu.memory_space<vmem>>
      %get3A_1498 = arith.index_cast %add3A_1381 : i32 to index
      %get3A_1499 = arith.constant 112 : index
      %get3A_1500 = tpu.vector_load %get3A_1497[%get3A_1498, %get3A_1499] {strides = array<i32>} : memref<80x128xf32, #tpu.memory_space<vmem>>, vector<16xf32>,
      %mul3A_1501 = arith.mulf %get3A_1493, %get3A_1500 : vector<16xf32>
      %add3A_1502 = arith.addf %mul3A_1396, %mul3A_1411 : vector<16xf32>
      %add3A_1503 = arith.addf %mul3A_1426, %mul3A_1441 : vector<16xf32>
      %add3A_1504 = arith.addf %mul3A_1456, %mul3A_1471 : vector<16xf32>
      %add3A_1505 = arith.addf %mul3A_1486, %mul3A_1501 : vector<16xf32>
      %add3A_1506 = arith.addf %add3A_1502, %add3A_1503 : vector<16xf32>
      %add3A_1507 = arith.addf %add3A_1504, %add3A_1505 : vector<16xf32>
      %add3A_1508 = arith.addf %add3A_1506, %add3A_1507 : vector<16xf32>
      %swap3A_1509 = arith.index_cast %add3A_1381 : i32 to index
      %swap3A_1510 = arith.constant 0 : index
      %swap3A_1511 = tpu.vector_load %arg12[%swap3A_1509, %swap3A_1510] {strides = array<i32>} : memref<80x17xf32, #tpu.memory_space<vmem>>, vector<16xf32>,
      tpu.vector_store %arg12[%swap3A_1509, %swap3A_1510], %add3A_1508 {strides = array<i32>} : memref<80x17xf32, #tpu.memory_space<vmem>>, vector<16xf32>,
      %add3A_1512 = arith.constant 11 : i32
      %add3A_1513 = arith.addi %mul3A_61, %add3A_1512 : i32
      %get3A_1514 = arith.constant 0 : i32
      %get3A_1515 = arith.constant 0 : i32
      %get3A_1516 = tpu.memref_slice %arg10[%and3A_50, %get3A_1514, %get3A_1515] : memref<2x80x128xf32, #tpu.memory_space<vmem>> -> memref<1x80x128xf32, #tpu.memory_space<vmem>>
      %get3A_1517 = tpu.memref_squeeze %get3A_1516 : memref<1x80x128xf32, #tpu.memory_space<vmem>> -> memref<80x128xf32, #tpu.memory_space<vmem>>
      %get3A_1518 = arith.index_cast %add3A_1513 : i32 to index
      %get3A_1519 = arith.constant 0 : index
      %get3A_1520 = tpu.vector_load %get3A_1517[%get3A_1518, %get3A_1519] {strides = array<i32>} : memref<80x128xf32, #tpu.memory_space<vmem>>, vector<16xf32>,
      %get3A_1521 = arith.constant 0 : i32
      %get3A_1522 = arith.constant 0 : i32
      %get3A_1523 = tpu.memref_slice %arg11[%and3A_50, %get3A_1521, %get3A_1522] : memref<2x80x128xf32, #tpu.memory_space<vmem>> -> memref<1x80x128xf32, #tpu.memory_space<vmem>>
      %get3A_1524 = tpu.memref_squeeze %get3A_1523 : memref<1x80x128xf32, #tpu.memory_space<vmem>> -> memref<80x128xf32, #tpu.memory_space<vmem>>
      %get3A_1525 = arith.index_cast %add3A_1513 : i32 to index
      %get3A_1526 = arith.constant 0 : index
      %get3A_1527 = tpu.vector_load %get3A_1524[%get3A_1525, %get3A_1526] {strides = array<i32>} : memref<80x128xf32, #tpu.memory_space<vmem>>, vector<16xf32>,
      %mul3A_1528 = arith.mulf %get3A_1520, %get3A_1527 : vector<16xf32>
      %get3A_1529 = arith.constant 0 : i32
      %get3A_1530 = arith.constant 0 : i32
      %get3A_1531 = tpu.memref_slice %arg10[%and3A_50, %get3A_1529, %get3A_1530] : memref<2x80x128xf32, #tpu.memory_space<vmem>> -> memref<1x80x128xf32, #tpu.memory_space<vmem>>
      %get3A_1532 = tpu.memref_squeeze %get3A_1531 : memref<1x80x128xf32, #tpu.memory_space<vmem>> -> memref<80x128xf32, #tpu.memory_space<vmem>>
      %get3A_1533 = arith.index_cast %add3A_1513 : i32 to index
      %get3A_1534 = arith.constant 16 : index
      %get3A_1535 = tpu.vector_load %get3A_1532[%get3A_1533, %get3A_1534] {strides = array<i32>} : memref<80x128xf32, #tpu.memory_space<vmem>>, vector<16xf32>,
      %get3A_1536 = arith.constant 0 : i32
      %get3A_1537 = arith.constant 0 : i32
      %get3A_1538 = tpu.memref_slice %arg11[%and3A_50, %get3A_1536, %get3A_1537] : memref<2x80x128xf32, #tpu.memory_space<vmem>> -> memref<1x80x128xf32, #tpu.memory_space<vmem>>
      %get3A_1539 = tpu.memref_squeeze %get3A_1538 : memref<1x80x128xf32, #tpu.memory_space<vmem>> -> memref<80x128xf32, #tpu.memory_space<vmem>>
      %get3A_1540 = arith.index_cast %add3A_1513 : i32 to index
      %get3A_1541 = arith.constant 16 : index
      %get3A_1542 = tpu.vector_load %get3A_1539[%get3A_1540, %get3A_1541] {strides = array<i32>} : memref<80x128xf32, #tpu.memory_space<vmem>>, vector<16xf32>,
      %mul3A_1543 = arith.mulf %get3A_1535, %get3A_1542 : vector<16xf32>
      %get3A_1544 = arith.constant 0 : i32
      %get3A_1545 = arith.constant 0 : i32
      %get3A_1546 = tpu.memref_slice %arg10[%and3A_50, %get3A_1544, %get3A_1545] : memref<2x80x128xf32, #tpu.memory_space<vmem>> -> memref<1x80x128xf32, #tpu.memory_space<vmem>>
      %get3A_1547 = tpu.memref_squeeze %get3A_1546 : memref<1x80x128xf32, #tpu.memory_space<vmem>> -> memref<80x128xf32, #tpu.memory_space<vmem>>
      %get3A_1548 = arith.index_cast %add3A_1513 : i32 to index
      %get3A_1549 = arith.constant 32 : index
      %get3A_1550 = tpu.vector_load %get3A_1547[%get3A_1548, %get3A_1549] {strides = array<i32>} : memref<80x128xf32, #tpu.memory_space<vmem>>, vector<16xf32>,
      %get3A_1551 = arith.constant 0 : i32
      %get3A_1552 = arith.constant 0 : i32
      %get3A_1553 = tpu.memref_slice %arg11[%and3A_50, %get3A_1551, %get3A_1552] : memref<2x80x128xf32, #tpu.memory_space<vmem>> -> memref<1x80x128xf32, #tpu.memory_space<vmem>>
      %get3A_1554 = tpu.memref_squeeze %get3A_1553 : memref<1x80x128xf32, #tpu.memory_space<vmem>> -> memref<80x128xf32, #tpu.memory_space<vmem>>
      %get3A_1555 = arith.index_cast %add3A_1513 : i32 to index
      %get3A_1556 = arith.constant 32 : index
      %get3A_1557 = tpu.vector_load %get3A_1554[%get3A_1555, %get3A_1556] {strides = array<i32>} : memref<80x128xf32, #tpu.memory_space<vmem>>, vector<16xf32>,
      %mul3A_1558 = arith.mulf %get3A_1550, %get3A_1557 : vector<16xf32>
      %get3A_1559 = arith.constant 0 : i32
      %get3A_1560 = arith.constant 0 : i32
      %get3A_1561 = tpu.memref_slice %arg10[%and3A_50, %get3A_1559, %get3A_1560] : memref<2x80x128xf32, #tpu.memory_space<vmem>> -> memref<1x80x128xf32, #tpu.memory_space<vmem>>
      %get3A_1562 = tpu.memref_squeeze %get3A_1561 : memref<1x80x128xf32, #tpu.memory_space<vmem>> -> memref<80x128xf32, #tpu.memory_space<vmem>>
      %get3A_1563 = arith.index_cast %add3A_1513 : i32 to index
      %get3A_1564 = arith.constant 48 : index
      %get3A_1565 = tpu.vector_load %get3A_1562[%get3A_1563, %get3A_1564] {strides = array<i32>} : memref<80x128xf32, #tpu.memory_space<vmem>>, vector<16xf32>,
      %get3A_1566 = arith.constant 0 : i32
      %get3A_1567 = arith.constant 0 : i32
      %get3A_1568 = tpu.memref_slice %arg11[%and3A_50, %get3A_1566, %get3A_1567] : memref<2x80x128xf32, #tpu.memory_space<vmem>> -> memref<1x80x128xf32, #tpu.memory_space<vmem>>
      %get3A_1569 = tpu.memref_squeeze %get3A_1568 : memref<1x80x128xf32, #tpu.memory_space<vmem>> -> memref<80x128xf32, #tpu.memory_space<vmem>>
      %get3A_1570 = arith.index_cast %add3A_1513 : i32 to index
      %get3A_1571 = arith.constant 48 : index
      %get3A_1572 = tpu.vector_load %get3A_1569[%get3A_1570, %get3A_1571] {strides = array<i32>} : memref<80x128xf32, #tpu.memory_space<vmem>>, vector<16xf32>,
      %mul3A_1573 = arith.mulf %get3A_1565, %get3A_1572 : vector<16xf32>
      %get3A_1574 = arith.constant 0 : i32
      %get3A_1575 = arith.constant 0 : i32
      %get3A_1576 = tpu.memref_slice %arg10[%and3A_50, %get3A_1574, %get3A_1575] : memref<2x80x128xf32, #tpu.memory_space<vmem>> -> memref<1x80x128xf32, #tpu.memory_space<vmem>>
      %get3A_1577 = tpu.memref_squeeze %get3A_1576 : memref<1x80x128xf32, #tpu.memory_space<vmem>> -> memref<80x128xf32, #tpu.memory_space<vmem>>
      %get3A_1578 = arith.index_cast %add3A_1513 : i32 to index
      %get3A_1579 = arith.constant 64 : index
      %get3A_1580 = tpu.vector_load %get3A_1577[%get3A_1578, %get3A_1579] {strides = array<i32>} : memref<80x128xf32, #tpu.memory_space<vmem>>, vector<16xf32>,
      %get3A_1581 = arith.constant 0 : i32
      %get3A_1582 = arith.constant 0 : i32
      %get3A_1583 = tpu.memref_slice %arg11[%and3A_50, %get3A_1581, %get3A_1582] : memref<2x80x128xf32, #tpu.memory_space<vmem>> -> memref<1x80x128xf32, #tpu.memory_space<vmem>>
      %get3A_1584 = tpu.memref_squeeze %get3A_1583 : memref<1x80x128xf32, #tpu.memory_space<vmem>> -> memref<80x128xf32, #tpu.memory_space<vmem>>
      %get3A_1585 = arith.index_cast %add3A_1513 : i32 to index
      %get3A_1586 = arith.constant 64 : index
      %get3A_1587 = tpu.vector_load %get3A_1584[%get3A_1585, %get3A_1586] {strides = array<i32>} : memref<80x128xf32, #tpu.memory_space<vmem>>, vector<16xf32>,
      %mul3A_1588 = arith.mulf %get3A_1580, %get3A_1587 : vector<16xf32>
      %get3A_1589 = arith.constant 0 : i32
      %get3A_1590 = arith.constant 0 : i32
      %get3A_1591 = tpu.memref_slice %arg10[%and3A_50, %get3A_1589, %get3A_1590] : memref<2x80x128xf32, #tpu.memory_space<vmem>> -> memref<1x80x128xf32, #tpu.memory_space<vmem>>
      %get3A_1592 = tpu.memref_squeeze %get3A_1591 : memref<1x80x128xf32, #tpu.memory_space<vmem>> -> memref<80x128xf32, #tpu.memory_space<vmem>>
      %get3A_1593 = arith.index_cast %add3A_1513 : i32 to index
      %get3A_1594 = arith.constant 80 : index
      %get3A_1595 = tpu.vector_load %get3A_1592[%get3A_1593, %get3A_1594] {strides = array<i32>} : memref<80x128xf32, #tpu.memory_space<vmem>>, vector<16xf32>,
      %get3A_1596 = arith.constant 0 : i32
      %get3A_1597 = arith.constant 0 : i32
      %get3A_1598 = tpu.memref_slice %arg11[%and3A_50, %get3A_1596, %get3A_1597] : memref<2x80x128xf32, #tpu.memory_space<vmem>> -> memref<1x80x128xf32, #tpu.memory_space<vmem>>
      %get3A_1599 = tpu.memref_squeeze %get3A_1598 : memref<1x80x128xf32, #tpu.memory_space<vmem>> -> memref<80x128xf32, #tpu.memory_space<vmem>>
      %get3A_1600 = arith.index_cast %add3A_1513 : i32 to index
      %get3A_1601 = arith.constant 80 : index
      %get3A_1602 = tpu.vector_load %get3A_1599[%get3A_1600, %get3A_1601] {strides = array<i32>} : memref<80x128xf32, #tpu.memory_space<vmem>>, vector<16xf32>,
      %mul3A_1603 = arith.mulf %get3A_1595, %get3A_1602 : vector<16xf32>
      %get3A_1604 = arith.constant 0 : i32
      %get3A_1605 = arith.constant 0 : i32
      %get3A_1606 = tpu.memref_slice %arg10[%and3A_50, %get3A_1604, %get3A_1605] : memref<2x80x128xf32, #tpu.memory_space<vmem>> -> memref<1x80x128xf32, #tpu.memory_space<vmem>>
      %get3A_1607 = tpu.memref_squeeze %get3A_1606 : memref<1x80x128xf32, #tpu.memory_space<vmem>> -> memref<80x128xf32, #tpu.memory_space<vmem>>
      %get3A_1608 = arith.index_cast %add3A_1513 : i32 to index
      %get3A_1609 = arith.constant 96 : index
      %get3A_1610 = tpu.vector_load %get3A_1607[%get3A_1608, %get3A_1609] {strides = array<i32>} : memref<80x128xf32, #tpu.memory_space<vmem>>, vector<16xf32>,
      %get3A_1611 = arith.constant 0 : i32
      %get3A_1612 = arith.constant 0 : i32
      %get3A_1613 = tpu.memref_slice %arg11[%and3A_50, %get3A_1611, %get3A_1612] : memref<2x80x128xf32, #tpu.memory_space<vmem>> -> memref<1x80x128xf32, #tpu.memory_space<vmem>>
      %get3A_1614 = tpu.memref_squeeze %get3A_1613 : memref<1x80x128xf32, #tpu.memory_space<vmem>> -> memref<80x128xf32, #tpu.memory_space<vmem>>
      %get3A_1615 = arith.index_cast %add3A_1513 : i32 to index
      %get3A_1616 = arith.constant 96 : index
      %get3A_1617 = tpu.vector_load %get3A_1614[%get3A_1615, %get3A_1616] {strides = array<i32>} : memref<80x128xf32, #tpu.memory_space<vmem>>, vector<16xf32>,
      %mul3A_1618 = arith.mulf %get3A_1610, %get3A_1617 : vector<16xf32>
      %get3A_1619 = arith.constant 0 : i32
      %get3A_1620 = arith.constant 0 : i32
      %get3A_1621 = tpu.memref_slice %arg10[%and3A_50, %get3A_1619, %get3A_1620] : memref<2x80x128xf32, #tpu.memory_space<vmem>> -> memref<1x80x128xf32, #tpu.memory_space<vmem>>
      %get3A_1622 = tpu.memref_squeeze %get3A_1621 : memref<1x80x128xf32, #tpu.memory_space<vmem>> -> memref<80x128xf32, #tpu.memory_space<vmem>>
      %get3A_1623 = arith.index_cast %add3A_1513 : i32 to index
      %get3A_1624 = arith.constant 112 : index
      %get3A_1625 = tpu.vector_load %get3A_1622[%get3A_1623, %get3A_1624] {strides = array<i32>} : memref<80x128xf32, #tpu.memory_space<vmem>>, vector<16xf32>,
      %get3A_1626 = arith.constant 0 : i32
      %get3A_1627 = arith.constant 0 : i32
      %get3A_1628 = tpu.memref_slice %arg11[%and3A_50, %get3A_1626, %get3A_1627] : memref<2x80x128xf32, #tpu.memory_space<vmem>> -> memref<1x80x128xf32, #tpu.memory_space<vmem>>
      %get3A_1629 = tpu.memref_squeeze %get3A_1628 : memref<1x80x128xf32, #tpu.memory_space<vmem>> -> memref<80x128xf32, #tpu.memory_space<vmem>>
      %get3A_1630 = arith.index_cast %add3A_1513 : i32 to index
      %get3A_1631 = arith.constant 112 : index
      %get3A_1632 = tpu.vector_load %get3A_1629[%get3A_1630, %get3A_1631] {strides = array<i32>} : memref<80x128xf32, #tpu.memory_space<vmem>>, vector<16xf32>,
      %mul3A_1633 = arith.mulf %get3A_1625, %get3A_1632 : vector<16xf32>
      %add3A_1634 = arith.addf %mul3A_1528, %mul3A_1543 : vector<16xf32>
      %add3A_1635 = arith.addf %mul3A_1558, %mul3A_1573 : vector<16xf32>
      %add3A_1636 = arith.addf %mul3A_1588, %mul3A_1603 : vector<16xf32>
      %add3A_1637 = arith.addf %mul3A_1618, %mul3A_1633 : vector<16xf32>
      %add3A_1638 = arith.addf %add3A_1634, %add3A_1635 : vector<16xf32>
      %add3A_1639 = arith.addf %add3A_1636, %add3A_1637 : vector<16xf32>
      %add3A_1640 = arith.addf %add3A_1638, %add3A_1639 : vector<16xf32>
      %swap3A_1641 = arith.index_cast %add3A_1513 : i32 to index
      %swap3A_1642 = arith.constant 0 : index
      %swap3A_1643 = tpu.vector_load %arg12[%swap3A_1641, %swap3A_1642] {strides = array<i32>} : memref<80x17xf32, #tpu.memory_space<vmem>>, vector<16xf32>,
      tpu.vector_store %arg12[%swap3A_1641, %swap3A_1642], %add3A_1640 {strides = array<i32>} : memref<80x17xf32, #tpu.memory_space<vmem>>, vector<16xf32>,
      %add3A_1644 = arith.constant 12 : i32
      %add3A_1645 = arith.addi %mul3A_61, %add3A_1644 : i32
      %get3A_1646 = arith.constant 0 : i32
      %get3A_1647 = arith.constant 0 : i32
      %get3A_1648 = tpu.memref_slice %arg10[%and3A_50, %get3A_1646, %get3A_1647] : memref<2x80x128xf32, #tpu.memory_space<vmem>> -> memref<1x80x128xf32, #tpu.memory_space<vmem>>
      %get3A_1649 = tpu.memref_squeeze %get3A_1648 : memref<1x80x128xf32, #tpu.memory_space<vmem>> -> memref<80x128xf32, #tpu.memory_space<vmem>>
      %get3A_1650 = arith.index_cast %add3A_1645 : i32 to index
      %get3A_1651 = arith.constant 0 : index
      %get3A_1652 = tpu.vector_load %get3A_1649[%get3A_1650, %get3A_1651] {strides = array<i32>} : memref<80x128xf32, #tpu.memory_space<vmem>>, vector<16xf32>,
      %get3A_1653 = arith.constant 0 : i32
      %get3A_1654 = arith.constant 0 : i32
      %get3A_1655 = tpu.memref_slice %arg11[%and3A_50, %get3A_1653, %get3A_1654] : memref<2x80x128xf32, #tpu.memory_space<vmem>> -> memref<1x80x128xf32, #tpu.memory_space<vmem>>
      %get3A_1656 = tpu.memref_squeeze %get3A_1655 : memref<1x80x128xf32, #tpu.memory_space<vmem>> -> memref<80x128xf32, #tpu.memory_space<vmem>>
      %get3A_1657 = arith.index_cast %add3A_1645 : i32 to index
      %get3A_1658 = arith.constant 0 : index
      %get3A_1659 = tpu.vector_load %get3A_1656[%get3A_1657, %get3A_1658] {strides = array<i32>} : memref<80x128xf32, #tpu.memory_space<vmem>>, vector<16xf32>,
      %mul3A_1660 = arith.mulf %get3A_1652, %get3A_1659 : vector<16xf32>
      %get3A_1661 = arith.constant 0 : i32
      %get3A_1662 = arith.constant 0 : i32
      %get3A_1663 = tpu.memref_slice %arg10[%and3A_50, %get3A_1661, %get3A_1662] : memref<2x80x128xf32, #tpu.memory_space<vmem>> -> memref<1x80x128xf32, #tpu.memory_space<vmem>>
      %get3A_1664 = tpu.memref_squeeze %get3A_1663 : memref<1x80x128xf32, #tpu.memory_space<vmem>> -> memref<80x128xf32, #tpu.memory_space<vmem>>
      %get3A_1665 = arith.index_cast %add3A_1645 : i32 to index
      %get3A_1666 = arith.constant 16 : index
      %get3A_1667 = tpu.vector_load %get3A_1664[%get3A_1665, %get3A_1666] {strides = array<i32>} : memref<80x128xf32, #tpu.memory_space<vmem>>, vector<16xf32>,
      %get3A_1668 = arith.constant 0 : i32
      %get3A_1669 = arith.constant 0 : i32
      %get3A_1670 = tpu.memref_slice %arg11[%and3A_50, %get3A_1668, %get3A_1669] : memref<2x80x128xf32, #tpu.memory_space<vmem>> -> memref<1x80x128xf32, #tpu.memory_space<vmem>>
      %get3A_1671 = tpu.memref_squeeze %get3A_1670 : memref<1x80x128xf32, #tpu.memory_space<vmem>> -> memref<80x128xf32, #tpu.memory_space<vmem>>
      %get3A_1672 = arith.index_cast %add3A_1645 : i32 to index
      %get3A_1673 = arith.constant 16 : index
      %get3A_1674 = tpu.vector_load %get3A_1671[%get3A_1672, %get3A_1673] {strides = array<i32>} : memref<80x128xf32, #tpu.memory_space<vmem>>, vector<16xf32>,
      %mul3A_1675 = arith.mulf %get3A_1667, %get3A_1674 : vector<16xf32>
      %get3A_1676 = arith.constant 0 : i32
      %get3A_1677 = arith.constant 0 : i32
      %get3A_1678 = tpu.memref_slice %arg10[%and3A_50, %get3A_1676, %get3A_1677] : memref<2x80x128xf32, #tpu.memory_space<vmem>> -> memref<1x80x128xf32, #tpu.memory_space<vmem>>
      %get3A_1679 = tpu.memref_squeeze %get3A_1678 : memref<1x80x128xf32, #tpu.memory_space<vmem>> -> memref<80x128xf32, #tpu.memory_space<vmem>>
      %get3A_1680 = arith.index_cast %add3A_1645 : i32 to index
      %get3A_1681 = arith.constant 32 : index
      %get3A_1682 = tpu.vector_load %get3A_1679[%get3A_1680, %get3A_1681] {strides = array<i32>} : memref<80x128xf32, #tpu.memory_space<vmem>>, vector<16xf32>,
      %get3A_1683 = arith.constant 0 : i32
      %get3A_1684 = arith.constant 0 : i32
      %get3A_1685 = tpu.memref_slice %arg11[%and3A_50, %get3A_1683, %get3A_1684] : memref<2x80x128xf32, #tpu.memory_space<vmem>> -> memref<1x80x128xf32, #tpu.memory_space<vmem>>
      %get3A_1686 = tpu.memref_squeeze %get3A_1685 : memref<1x80x128xf32, #tpu.memory_space<vmem>> -> memref<80x128xf32, #tpu.memory_space<vmem>>
      %get3A_1687 = arith.index_cast %add3A_1645 : i32 to index
      %get3A_1688 = arith.constant 32 : index
      %get3A_1689 = tpu.vector_load %get3A_1686[%get3A_1687, %get3A_1688] {strides = array<i32>} : memref<80x128xf32, #tpu.memory_space<vmem>>, vector<16xf32>,
      %mul3A_1690 = arith.mulf %get3A_1682, %get3A_1689 : vector<16xf32>
      %get3A_1691 = arith.constant 0 : i32
      %get3A_1692 = arith.constant 0 : i32
      %get3A_1693 = tpu.memref_slice %arg10[%and3A_50, %get3A_1691, %get3A_1692] : memref<2x80x128xf32, #tpu.memory_space<vmem>> -> memref<1x80x128xf32, #tpu.memory_space<vmem>>
      %get3A_1694 = tpu.memref_squeeze %get3A_1693 : memref<1x80x128xf32, #tpu.memory_space<vmem>> -> memref<80x128xf32, #tpu.memory_space<vmem>>
      %get3A_1695 = arith.index_cast %add3A_1645 : i32 to index
      %get3A_1696 = arith.constant 48 : index
      %get3A_1697 = tpu.vector_load %get3A_1694[%get3A_1695, %get3A_1696] {strides = array<i32>} : memref<80x128xf32, #tpu.memory_space<vmem>>, vector<16xf32>,
      %get3A_1698 = arith.constant 0 : i32
      %get3A_1699 = arith.constant 0 : i32
      %get3A_1700 = tpu.memref_slice %arg11[%and3A_50, %get3A_1698, %get3A_1699] : memref<2x80x128xf32, #tpu.memory_space<vmem>> -> memref<1x80x128xf32, #tpu.memory_space<vmem>>
      %get3A_1701 = tpu.memref_squeeze %get3A_1700 : memref<1x80x128xf32, #tpu.memory_space<vmem>> -> memref<80x128xf32, #tpu.memory_space<vmem>>
      %get3A_1702 = arith.index_cast %add3A_1645 : i32 to index
      %get3A_1703 = arith.constant 48 : index
      %get3A_1704 = tpu.vector_load %get3A_1701[%get3A_1702, %get3A_1703] {strides = array<i32>} : memref<80x128xf32, #tpu.memory_space<vmem>>, vector<16xf32>,
      %mul3A_1705 = arith.mulf %get3A_1697, %get3A_1704 : vector<16xf32>
      %get3A_1706 = arith.constant 0 : i32
      %get3A_1707 = arith.constant 0 : i32
      %get3A_1708 = tpu.memref_slice %arg10[%and3A_50, %get3A_1706, %get3A_1707] : memref<2x80x128xf32, #tpu.memory_space<vmem>> -> memref<1x80x128xf32, #tpu.memory_space<vmem>>
      %get3A_1709 = tpu.memref_squeeze %get3A_1708 : memref<1x80x128xf32, #tpu.memory_space<vmem>> -> memref<80x128xf32, #tpu.memory_space<vmem>>
      %get3A_1710 = arith.index_cast %add3A_1645 : i32 to index
      %get3A_1711 = arith.constant 64 : index
      %get3A_1712 = tpu.vector_load %get3A_1709[%get3A_1710, %get3A_1711] {strides = array<i32>} : memref<80x128xf32, #tpu.memory_space<vmem>>, vector<16xf32>,
      %get3A_1713 = arith.constant 0 : i32
      %get3A_1714 = arith.constant 0 : i32
      %get3A_1715 = tpu.memref_slice %arg11[%and3A_50, %get3A_1713, %get3A_1714] : memref<2x80x128xf32, #tpu.memory_space<vmem>> -> memref<1x80x128xf32, #tpu.memory_space<vmem>>
      %get3A_1716 = tpu.memref_squeeze %get3A_1715 : memref<1x80x128xf32, #tpu.memory_space<vmem>> -> memref<80x128xf32, #tpu.memory_space<vmem>>
      %get3A_1717 = arith.index_cast %add3A_1645 : i32 to index
      %get3A_1718 = arith.constant 64 : index
      %get3A_1719 = tpu.vector_load %get3A_1716[%get3A_1717, %get3A_1718] {strides = array<i32>} : memref<80x128xf32, #tpu.memory_space<vmem>>, vector<16xf32>,
      %mul3A_1720 = arith.mulf %get3A_1712, %get3A_1719 : vector<16xf32>
      %get3A_1721 = arith.constant 0 : i32
      %get3A_1722 = arith.constant 0 : i32
      %get3A_1723 = tpu.memref_slice %arg10[%and3A_50, %get3A_1721, %get3A_1722] : memref<2x80x128xf32, #tpu.memory_space<vmem>> -> memref<1x80x128xf32, #tpu.memory_space<vmem>>
      %get3A_1724 = tpu.memref_squeeze %get3A_1723 : memref<1x80x128xf32, #tpu.memory_space<vmem>> -> memref<80x128xf32, #tpu.memory_space<vmem>>
      %get3A_1725 = arith.index_cast %add3A_1645 : i32 to index
      %get3A_1726 = arith.constant 80 : index
      %get3A_1727 = tpu.vector_load %get3A_1724[%get3A_1725, %get3A_1726] {strides = array<i32>} : memref<80x128xf32, #tpu.memory_space<vmem>>, vector<16xf32>,
      %get3A_1728 = arith.constant 0 : i32
      %get3A_1729 = arith.constant 0 : i32
      %get3A_1730 = tpu.memref_slice %arg11[%and3A_50, %get3A_1728, %get3A_1729] : memref<2x80x128xf32, #tpu.memory_space<vmem>> -> memref<1x80x128xf32, #tpu.memory_space<vmem>>
      %get3A_1731 = tpu.memref_squeeze %get3A_1730 : memref<1x80x128xf32, #tpu.memory_space<vmem>> -> memref<80x128xf32, #tpu.memory_space<vmem>>
      %get3A_1732 = arith.index_cast %add3A_1645 : i32 to index
      %get3A_1733 = arith.constant 80 : index
      %get3A_1734 = tpu.vector_load %get3A_1731[%get3A_1732, %get3A_1733] {strides = array<i32>} : memref<80x128xf32, #tpu.memory_space<vmem>>, vector<16xf32>,
      %mul3A_1735 = arith.mulf %get3A_1727, %get3A_1734 : vector<16xf32>
      %get3A_1736 = arith.constant 0 : i32
      %get3A_1737 = arith.constant 0 : i32
      %get3A_1738 = tpu.memref_slice %arg10[%and3A_50, %get3A_1736, %get3A_1737] : memref<2x80x128xf32, #tpu.memory_space<vmem>> -> memref<1x80x128xf32, #tpu.memory_space<vmem>>
      %get3A_1739 = tpu.memref_squeeze %get3A_1738 : memref<1x80x128xf32, #tpu.memory_space<vmem>> -> memref<80x128xf32, #tpu.memory_space<vmem>>
      %get3A_1740 = arith.index_cast %add3A_1645 : i32 to index
      %get3A_1741 = arith.constant 96 : index
      %get3A_1742 = tpu.vector_load %get3A_1739[%get3A_1740, %get3A_1741] {strides = array<i32>} : memref<80x128xf32, #tpu.memory_space<vmem>>, vector<16xf32>,
      %get3A_1743 = arith.constant 0 : i32
      %get3A_1744 = arith.constant 0 : i32
      %get3A_1745 = tpu.memref_slice %arg11[%and3A_50, %get3A_1743, %get3A_1744] : memref<2x80x128xf32, #tpu.memory_space<vmem>> -> memref<1x80x128xf32, #tpu.memory_space<vmem>>
      %get3A_1746 = tpu.memref_squeeze %get3A_1745 : memref<1x80x128xf32, #tpu.memory_space<vmem>> -> memref<80x128xf32, #tpu.memory_space<vmem>>
      %get3A_1747 = arith.index_cast %add3A_1645 : i32 to index
      %get3A_1748 = arith.constant 96 : index
      %get3A_1749 = tpu.vector_load %get3A_1746[%get3A_1747, %get3A_1748] {strides = array<i32>} : memref<80x128xf32, #tpu.memory_space<vmem>>, vector<16xf32>,
      %mul3A_1750 = arith.mulf %get3A_1742, %get3A_1749 : vector<16xf32>
      %get3A_1751 = arith.constant 0 : i32
      %get3A_1752 = arith.constant 0 : i32
      %get3A_1753 = tpu.memref_slice %arg10[%and3A_50, %get3A_1751, %get3A_1752] : memref<2x80x128xf32, #tpu.memory_space<vmem>> -> memref<1x80x128xf32, #tpu.memory_space<vmem>>
      %get3A_1754 = tpu.memref_squeeze %get3A_1753 : memref<1x80x128xf32, #tpu.memory_space<vmem>> -> memref<80x128xf32, #tpu.memory_space<vmem>>
      %get3A_1755 = arith.index_cast %add3A_1645 : i32 to index
      %get3A_1756 = arith.constant 112 : index
      %get3A_1757 = tpu.vector_load %get3A_1754[%get3A_1755, %get3A_1756] {strides = array<i32>} : memref<80x128xf32, #tpu.memory_space<vmem>>, vector<16xf32>,
      %get3A_1758 = arith.constant 0 : i32
      %get3A_1759 = arith.constant 0 : i32
      %get3A_1760 = tpu.memref_slice %arg11[%and3A_50, %get3A_1758, %get3A_1759] : memref<2x80x128xf32, #tpu.memory_space<vmem>> -> memref<1x80x128xf32, #tpu.memory_space<vmem>>
      %get3A_1761 = tpu.memref_squeeze %get3A_1760 : memref<1x80x128xf32, #tpu.memory_space<vmem>> -> memref<80x128xf32, #tpu.memory_space<vmem>>
      %get3A_1762 = arith.index_cast %add3A_1645 : i32 to index
      %get3A_1763 = arith.constant 112 : index
      %get3A_1764 = tpu.vector_load %get3A_1761[%get3A_1762, %get3A_1763] {strides = array<i32>} : memref<80x128xf32, #tpu.memory_space<vmem>>, vector<16xf32>,
      %mul3A_1765 = arith.mulf %get3A_1757, %get3A_1764 : vector<16xf32>
      %add3A_1766 = arith.addf %mul3A_1660, %mul3A_1675 : vector<16xf32>
      %add3A_1767 = arith.addf %mul3A_1690, %mul3A_1705 : vector<16xf32>
      %add3A_1768 = arith.addf %mul3A_1720, %mul3A_1735 : vector<16xf32>
      %add3A_1769 = arith.addf %mul3A_1750, %mul3A_1765 : vector<16xf32>
      %add3A_1770 = arith.addf %add3A_1766, %add3A_1767 : vector<16xf32>
      %add3A_1771 = arith.addf %add3A_1768, %add3A_1769 : vector<16xf32>
      %add3A_1772 = arith.addf %add3A_1770, %add3A_1771 : vector<16xf32>
      %swap3A_1773 = arith.index_cast %add3A_1645 : i32 to index
      %swap3A_1774 = arith.constant 0 : index
      %swap3A_1775 = tpu.vector_load %arg12[%swap3A_1773, %swap3A_1774] {strides = array<i32>} : memref<80x17xf32, #tpu.memory_space<vmem>>, vector<16xf32>,
      tpu.vector_store %arg12[%swap3A_1773, %swap3A_1774], %add3A_1772 {strides = array<i32>} : memref<80x17xf32, #tpu.memory_space<vmem>>, vector<16xf32>,
      %add3A_1776 = arith.constant 13 : i32
      %add3A_1777 = arith.addi %mul3A_61, %add3A_1776 : i32
      %get3A_1778 = arith.constant 0 : i32
      %get3A_1779 = arith.constant 0 : i32
      %get3A_1780 = tpu.memref_slice %arg10[%and3A_50, %get3A_1778, %get3A_1779] : memref<2x80x128xf32, #tpu.memory_space<vmem>> -> memref<1x80x128xf32, #tpu.memory_space<vmem>>
      %get3A_1781 = tpu.memref_squeeze %get3A_1780 : memref<1x80x128xf32, #tpu.memory_space<vmem>> -> memref<80x128xf32, #tpu.memory_space<vmem>>
      %get3A_1782 = arith.index_cast %add3A_1777 : i32 to index
      %get3A_1783 = arith.constant 0 : index
      %get3A_1784 = tpu.vector_load %get3A_1781[%get3A_1782, %get3A_1783] {strides = array<i32>} : memref<80x128xf32, #tpu.memory_space<vmem>>, vector<16xf32>,
      %get3A_1785 = arith.constant 0 : i32
      %get3A_1786 = arith.constant 0 : i32
      %get3A_1787 = tpu.memref_slice %arg11[%and3A_50, %get3A_1785, %get3A_1786] : memref<2x80x128xf32, #tpu.memory_space<vmem>> -> memref<1x80x128xf32, #tpu.memory_space<vmem>>
      %get3A_1788 = tpu.memref_squeeze %get3A_1787 : memref<1x80x128xf32, #tpu.memory_space<vmem>> -> memref<80x128xf32, #tpu.memory_space<vmem>>
      %get3A_1789 = arith.index_cast %add3A_1777 : i32 to index
      %get3A_1790 = arith.constant 0 : index
      %get3A_1791 = tpu.vector_load %get3A_1788[%get3A_1789, %get3A_1790] {strides = array<i32>} : memref<80x128xf32, #tpu.memory_space<vmem>>, vector<16xf32>,
      %mul3A_1792 = arith.mulf %get3A_1784, %get3A_1791 : vector<16xf32>
      %get3A_1793 = arith.constant 0 : i32
      %get3A_1794 = arith.constant 0 : i32
      %get3A_1795 = tpu.memref_slice %arg10[%and3A_50, %get3A_1793, %get3A_1794] : memref<2x80x128xf32, #tpu.memory_space<vmem>> -> memref<1x80x128xf32, #tpu.memory_space<vmem>>
      %get3A_1796 = tpu.memref_squeeze %get3A_1795 : memref<1x80x128xf32, #tpu.memory_space<vmem>> -> memref<80x128xf32, #tpu.memory_space<vmem>>
      %get3A_1797 = arith.index_cast %add3A_1777 : i32 to index
      %get3A_1798 = arith.constant 16 : index
      %get3A_1799 = tpu.vector_load %get3A_1796[%get3A_1797, %get3A_1798] {strides = array<i32>} : memref<80x128xf32, #tpu.memory_space<vmem>>, vector<16xf32>,
      %get3A_1800 = arith.constant 0 : i32
      %get3A_1801 = arith.constant 0 : i32
      %get3A_1802 = tpu.memref_slice %arg11[%and3A_50, %get3A_1800, %get3A_1801] : memref<2x80x128xf32, #tpu.memory_space<vmem>> -> memref<1x80x128xf32, #tpu.memory_space<vmem>>
      %get3A_1803 = tpu.memref_squeeze %get3A_1802 : memref<1x80x128xf32, #tpu.memory_space<vmem>> -> memref<80x128xf32, #tpu.memory_space<vmem>>
      %get3A_1804 = arith.index_cast %add3A_1777 : i32 to index
      %get3A_1805 = arith.constant 16 : index
      %get3A_1806 = tpu.vector_load %get3A_1803[%get3A_1804, %get3A_1805] {strides = array<i32>} : memref<80x128xf32, #tpu.memory_space<vmem>>, vector<16xf32>,
      %mul3A_1807 = arith.mulf %get3A_1799, %get3A_1806 : vector<16xf32>
      %get3A_1808 = arith.constant 0 : i32
      %get3A_1809 = arith.constant 0 : i32
      %get3A_1810 = tpu.memref_slice %arg10[%and3A_50, %get3A_1808, %get3A_1809] : memref<2x80x128xf32, #tpu.memory_space<vmem>> -> memref<1x80x128xf32, #tpu.memory_space<vmem>>
      %get3A_1811 = tpu.memref_squeeze %get3A_1810 : memref<1x80x128xf32, #tpu.memory_space<vmem>> -> memref<80x128xf32, #tpu.memory_space<vmem>>
      %get3A_1812 = arith.index_cast %add3A_1777 : i32 to index
      %get3A_1813 = arith.constant 32 : index
      %get3A_1814 = tpu.vector_load %get3A_1811[%get3A_1812, %get3A_1813] {strides = array<i32>} : memref<80x128xf32, #tpu.memory_space<vmem>>, vector<16xf32>,
      %get3A_1815 = arith.constant 0 : i32
      %get3A_1816 = arith.constant 0 : i32
      %get3A_1817 = tpu.memref_slice %arg11[%and3A_50, %get3A_1815, %get3A_1816] : memref<2x80x128xf32, #tpu.memory_space<vmem>> -> memref<1x80x128xf32, #tpu.memory_space<vmem>>
      %get3A_1818 = tpu.memref_squeeze %get3A_1817 : memref<1x80x128xf32, #tpu.memory_space<vmem>> -> memref<80x128xf32, #tpu.memory_space<vmem>>
      %get3A_1819 = arith.index_cast %add3A_1777 : i32 to index
      %get3A_1820 = arith.constant 32 : index
      %get3A_1821 = tpu.vector_load %get3A_1818[%get3A_1819, %get3A_1820] {strides = array<i32>} : memref<80x128xf32, #tpu.memory_space<vmem>>, vector<16xf32>,
      %mul3A_1822 = arith.mulf %get3A_1814, %get3A_1821 : vector<16xf32>
      %get3A_1823 = arith.constant 0 : i32
      %get3A_1824 = arith.constant 0 : i32
      %get3A_1825 = tpu.memref_slice %arg10[%and3A_50, %get3A_1823, %get3A_1824] : memref<2x80x128xf32, #tpu.memory_space<vmem>> -> memref<1x80x128xf32, #tpu.memory_space<vmem>>
      %get3A_1826 = tpu.memref_squeeze %get3A_1825 : memref<1x80x128xf32, #tpu.memory_space<vmem>> -> memref<80x128xf32, #tpu.memory_space<vmem>>
      %get3A_1827 = arith.index_cast %add3A_1777 : i32 to index
      %get3A_1828 = arith.constant 48 : index
      %get3A_1829 = tpu.vector_load %get3A_1826[%get3A_1827, %get3A_1828] {strides = array<i32>} : memref<80x128xf32, #tpu.memory_space<vmem>>, vector<16xf32>,
      %get3A_1830 = arith.constant 0 : i32
      %get3A_1831 = arith.constant 0 : i32
      %get3A_1832 = tpu.memref_slice %arg11[%and3A_50, %get3A_1830, %get3A_1831] : memref<2x80x128xf32, #tpu.memory_space<vmem>> -> memref<1x80x128xf32, #tpu.memory_space<vmem>>
      %get3A_1833 = tpu.memref_squeeze %get3A_1832 : memref<1x80x128xf32, #tpu.memory_space<vmem>> -> memref<80x128xf32, #tpu.memory_space<vmem>>
      %get3A_1834 = arith.index_cast %add3A_1777 : i32 to index
      %get3A_1835 = arith.constant 48 : index
      %get3A_1836 = tpu.vector_load %get3A_1833[%get3A_1834, %get3A_1835] {strides = array<i32>} : memref<80x128xf32, #tpu.memory_space<vmem>>, vector<16xf32>,
      %mul3A_1837 = arith.mulf %get3A_1829, %get3A_1836 : vector<16xf32>
      %get3A_1838 = arith.constant 0 : i32
      %get3A_1839 = arith.constant 0 : i32
      %get3A_1840 = tpu.memref_slice %arg10[%and3A_50, %get3A_1838, %get3A_1839] : memref<2x80x128xf32, #tpu.memory_space<vmem>> -> memref<1x80x128xf32, #tpu.memory_space<vmem>>
      %get3A_1841 = tpu.memref_squeeze %get3A_1840 : memref<1x80x128xf32, #tpu.memory_space<vmem>> -> memref<80x128xf32, #tpu.memory_space<vmem>>
      %get3A_1842 = arith.index_cast %add3A_1777 : i32 to index
      %get3A_1843 = arith.constant 64 : index
      %get3A_1844 = tpu.vector_load %get3A_1841[%get3A_1842, %get3A_1843] {strides = array<i32>} : memref<80x128xf32, #tpu.memory_space<vmem>>, vector<16xf32>,
      %get3A_1845 = arith.constant 0 : i32
      %get3A_1846 = arith.constant 0 : i32
      %get3A_1847 = tpu.memref_slice %arg11[%and3A_50, %get3A_1845, %get3A_1846] : memref<2x80x128xf32, #tpu.memory_space<vmem>> -> memref<1x80x128xf32, #tpu.memory_space<vmem>>
      %get3A_1848 = tpu.memref_squeeze %get3A_1847 : memref<1x80x128xf32, #tpu.memory_space<vmem>> -> memref<80x128xf32, #tpu.memory_space<vmem>>
      %get3A_1849 = arith.index_cast %add3A_1777 : i32 to index
      %get3A_1850 = arith.constant 64 : index
      %get3A_1851 = tpu.vector_load %get3A_1848[%get3A_1849, %get3A_1850] {strides = array<i32>} : memref<80x128xf32, #tpu.memory_space<vmem>>, vector<16xf32>,
      %mul3A_1852 = arith.mulf %get3A_1844, %get3A_1851 : vector<16xf32>
      %get3A_1853 = arith.constant 0 : i32
      %get3A_1854 = arith.constant 0 : i32
      %get3A_1855 = tpu.memref_slice %arg10[%and3A_50, %get3A_1853, %get3A_1854] : memref<2x80x128xf32, #tpu.memory_space<vmem>> -> memref<1x80x128xf32, #tpu.memory_space<vmem>>
      %get3A_1856 = tpu.memref_squeeze %get3A_1855 : memref<1x80x128xf32, #tpu.memory_space<vmem>> -> memref<80x128xf32, #tpu.memory_space<vmem>>
      %get3A_1857 = arith.index_cast %add3A_1777 : i32 to index
      %get3A_1858 = arith.constant 80 : index
      %get3A_1859 = tpu.vector_load %get3A_1856[%get3A_1857, %get3A_1858] {strides = array<i32>} : memref<80x128xf32, #tpu.memory_space<vmem>>, vector<16xf32>,
      %get3A_1860 = arith.constant 0 : i32
      %get3A_1861 = arith.constant 0 : i32
      %get3A_1862 = tpu.memref_slice %arg11[%and3A_50, %get3A_1860, %get3A_1861] : memref<2x80x128xf32, #tpu.memory_space<vmem>> -> memref<1x80x128xf32, #tpu.memory_space<vmem>>
      %get3A_1863 = tpu.memref_squeeze %get3A_1862 : memref<1x80x128xf32, #tpu.memory_space<vmem>> -> memref<80x128xf32, #tpu.memory_space<vmem>>
      %get3A_1864 = arith.index_cast %add3A_1777 : i32 to index
      %get3A_1865 = arith.constant 80 : index
      %get3A_1866 = tpu.vector_load %get3A_1863[%get3A_1864, %get3A_1865] {strides = array<i32>} : memref<80x128xf32, #tpu.memory_space<vmem>>, vector<16xf32>,
      %mul3A_1867 = arith.mulf %get3A_1859, %get3A_1866 : vector<16xf32>
      %get3A_1868 = arith.constant 0 : i32
      %get3A_1869 = arith.constant 0 : i32
      %get3A_1870 = tpu.memref_slice %arg10[%and3A_50, %get3A_1868, %get3A_1869] : memref<2x80x128xf32, #tpu.memory_space<vmem>> -> memref<1x80x128xf32, #tpu.memory_space<vmem>>
      %get3A_1871 = tpu.memref_squeeze %get3A_1870 : memref<1x80x128xf32, #tpu.memory_space<vmem>> -> memref<80x128xf32, #tpu.memory_space<vmem>>
      %get3A_1872 = arith.index_cast %add3A_1777 : i32 to index
      %get3A_1873 = arith.constant 96 : index
      %get3A_1874 = tpu.vector_load %get3A_1871[%get3A_1872, %get3A_1873] {strides = array<i32>} : memref<80x128xf32, #tpu.memory_space<vmem>>, vector<16xf32>,
      %get3A_1875 = arith.constant 0 : i32
      %get3A_1876 = arith.constant 0 : i32
      %get3A_1877 = tpu.memref_slice %arg11[%and3A_50, %get3A_1875, %get3A_1876] : memref<2x80x128xf32, #tpu.memory_space<vmem>> -> memref<1x80x128xf32, #tpu.memory_space<vmem>>
      %get3A_1878 = tpu.memref_squeeze %get3A_1877 : memref<1x80x128xf32, #tpu.memory_space<vmem>> -> memref<80x128xf32, #tpu.memory_space<vmem>>
      %get3A_1879 = arith.index_cast %add3A_1777 : i32 to index
      %get3A_1880 = arith.constant 96 : index
      %get3A_1881 = tpu.vector_load %get3A_1878[%get3A_1879, %get3A_1880] {strides = array<i32>} : memref<80x128xf32, #tpu.memory_space<vmem>>, vector<16xf32>,
      %mul3A_1882 = arith.mulf %get3A_1874, %get3A_1881 : vector<16xf32>
      %get3A_1883 = arith.constant 0 : i32
      %get3A_1884 = arith.constant 0 : i32
      %get3A_1885 = tpu.memref_slice %arg10[%and3A_50, %get3A_1883, %get3A_1884] : memref<2x80x128xf32, #tpu.memory_space<vmem>> -> memref<1x80x128xf32, #tpu.memory_space<vmem>>
      %get3A_1886 = tpu.memref_squeeze %get3A_1885 : memref<1x80x128xf32, #tpu.memory_space<vmem>> -> memref<80x128xf32, #tpu.memory_space<vmem>>
      %get3A_1887 = arith.index_cast %add3A_1777 : i32 to index
      %get3A_1888 = arith.constant 112 : index
      %get3A_1889 = tpu.vector_load %get3A_1886[%get3A_1887, %get3A_1888] {strides = array<i32>} : memref<80x128xf32, #tpu.memory_space<vmem>>, vector<16xf32>,
      %get3A_1890 = arith.constant 0 : i32
      %get3A_1891 = arith.constant 0 : i32
      %get3A_1892 = tpu.memref_slice %arg11[%and3A_50, %get3A_1890, %get3A_1891] : memref<2x80x128xf32, #tpu.memory_space<vmem>> -> memref<1x80x128xf32, #tpu.memory_space<vmem>>
      %get3A_1893 = tpu.memref_squeeze %get3A_1892 : memref<1x80x128xf32, #tpu.memory_space<vmem>> -> memref<80x128xf32, #tpu.memory_space<vmem>>
      %get3A_1894 = arith.index_cast %add3A_1777 : i32 to index
      %get3A_1895 = arith.constant 112 : index
      %get3A_1896 = tpu.vector_load %get3A_1893[%get3A_1894, %get3A_1895] {strides = array<i32>} : memref<80x128xf32, #tpu.memory_space<vmem>>, vector<16xf32>,
      %mul3A_1897 = arith.mulf %get3A_1889, %get3A_1896 : vector<16xf32>
      %add3A_1898 = arith.addf %mul3A_1792, %mul3A_1807 : vector<16xf32>
      %add3A_1899 = arith.addf %mul3A_1822, %mul3A_1837 : vector<16xf32>
      %add3A_1900 = arith.addf %mul3A_1852, %mul3A_1867 : vector<16xf32>
      %add3A_1901 = arith.addf %mul3A_1882, %mul3A_1897 : vector<16xf32>
      %add3A_1902 = arith.addf %add3A_1898, %add3A_1899 : vector<16xf32>
      %add3A_1903 = arith.addf %add3A_1900, %add3A_1901 : vector<16xf32>
      %add3A_1904 = arith.addf %add3A_1902, %add3A_1903 : vector<16xf32>
      %swap3A_1905 = arith.index_cast %add3A_1777 : i32 to index
      %swap3A_1906 = arith.constant 0 : index
      %swap3A_1907 = tpu.vector_load %arg12[%swap3A_1905, %swap3A_1906] {strides = array<i32>} : memref<80x17xf32, #tpu.memory_space<vmem>>, vector<16xf32>,
      tpu.vector_store %arg12[%swap3A_1905, %swap3A_1906], %add3A_1904 {strides = array<i32>} : memref<80x17xf32, #tpu.memory_space<vmem>>, vector<16xf32>,
      %add3A_1908 = arith.constant 14 : i32
      %add3A_1909 = arith.addi %mul3A_61, %add3A_1908 : i32
      %get3A_1910 = arith.constant 0 : i32
      %get3A_1911 = arith.constant 0 : i32
      %get3A_1912 = tpu.memref_slice %arg10[%and3A_50, %get3A_1910, %get3A_1911] : memref<2x80x128xf32, #tpu.memory_space<vmem>> -> memref<1x80x128xf32, #tpu.memory_space<vmem>>
      %get3A_1913 = tpu.memref_squeeze %get3A_1912 : memref<1x80x128xf32, #tpu.memory_space<vmem>> -> memref<80x128xf32, #tpu.memory_space<vmem>>
      %get3A_1914 = arith.index_cast %add3A_1909 : i32 to index
      %get3A_1915 = arith.constant 0 : index
      %get3A_1916 = tpu.vector_load %get3A_1913[%get3A_1914, %get3A_1915] {strides = array<i32>} : memref<80x128xf32, #tpu.memory_space<vmem>>, vector<16xf32>,
      %get3A_1917 = arith.constant 0 : i32
      %get3A_1918 = arith.constant 0 : i32
      %get3A_1919 = tpu.memref_slice %arg11[%and3A_50, %get3A_1917, %get3A_1918] : memref<2x80x128xf32, #tpu.memory_space<vmem>> -> memref<1x80x128xf32, #tpu.memory_space<vmem>>
      %get3A_1920 = tpu.memref_squeeze %get3A_1919 : memref<1x80x128xf32, #tpu.memory_space<vmem>> -> memref<80x128xf32, #tpu.memory_space<vmem>>
      %get3A_1921 = arith.index_cast %add3A_1909 : i32 to index
      %get3A_1922 = arith.constant 0 : index
      %get3A_1923 = tpu.vector_load %get3A_1920[%get3A_1921, %get3A_1922] {strides = array<i32>} : memref<80x128xf32, #tpu.memory_space<vmem>>, vector<16xf32>,
      %mul3A_1924 = arith.mulf %get3A_1916, %get3A_1923 : vector<16xf32>
      %get3A_1925 = arith.constant 0 : i32
      %get3A_1926 = arith.constant 0 : i32
      %get3A_1927 = tpu.memref_slice %arg10[%and3A_50, %get3A_1925, %get3A_1926] : memref<2x80x128xf32, #tpu.memory_space<vmem>> -> memref<1x80x128xf32, #tpu.memory_space<vmem>>
      %get3A_1928 = tpu.memref_squeeze %get3A_1927 : memref<1x80x128xf32, #tpu.memory_space<vmem>> -> memref<80x128xf32, #tpu.memory_space<vmem>>
      %get3A_1929 = arith.index_cast %add3A_1909 : i32 to index
      %get3A_1930 = arith.constant 16 : index
      %get3A_1931 = tpu.vector_load %get3A_1928[%get3A_1929, %get3A_1930] {strides = array<i32>} : memref<80x128xf32, #tpu.memory_space<vmem>>, vector<16xf32>,
      %get3A_1932 = arith.constant 0 : i32
      %get3A_1933 = arith.constant 0 : i32
      %get3A_1934 = tpu.memref_slice %arg11[%and3A_50, %get3A_1932, %get3A_1933] : memref<2x80x128xf32, #tpu.memory_space<vmem>> -> memref<1x80x128xf32, #tpu.memory_space<vmem>>
      %get3A_1935 = tpu.memref_squeeze %get3A_1934 : memref<1x80x128xf32, #tpu.memory_space<vmem>> -> memref<80x128xf32, #tpu.memory_space<vmem>>
      %get3A_1936 = arith.index_cast %add3A_1909 : i32 to index
      %get3A_1937 = arith.constant 16 : index
      %get3A_1938 = tpu.vector_load %get3A_1935[%get3A_1936, %get3A_1937] {strides = array<i32>} : memref<80x128xf32, #tpu.memory_space<vmem>>, vector<16xf32>,
      %mul3A_1939 = arith.mulf %get3A_1931, %get3A_1938 : vector<16xf32>
      %get3A_1940 = arith.constant 0 : i32
      %get3A_1941 = arith.constant 0 : i32
      %get3A_1942 = tpu.memref_slice %arg10[%and3A_50, %get3A_1940, %get3A_1941] : memref<2x80x128xf32, #tpu.memory_space<vmem>> -> memref<1x80x128xf32, #tpu.memory_space<vmem>>
      %get3A_1943 = tpu.memref_squeeze %get3A_1942 : memref<1x80x128xf32, #tpu.memory_space<vmem>> -> memref<80x128xf32, #tpu.memory_space<vmem>>
      %get3A_1944 = arith.index_cast %add3A_1909 : i32 to index
      %get3A_1945 = arith.constant 32 : index
      %get3A_1946 = tpu.vector_load %get3A_1943[%get3A_1944, %get3A_1945] {strides = array<i32>} : memref<80x128xf32, #tpu.memory_space<vmem>>, vector<16xf32>,
      %get3A_1947 = arith.constant 0 : i32
      %get3A_1948 = arith.constant 0 : i32
      %get3A_1949 = tpu.memref_slice %arg11[%and3A_50, %get3A_1947, %get3A_1948] : memref<2x80x128xf32, #tpu.memory_space<vmem>> -> memref<1x80x128xf32, #tpu.memory_space<vmem>>
      %get3A_1950 = tpu.memref_squeeze %get3A_1949 : memref<1x80x128xf32, #tpu.memory_space<vmem>> -> memref<80x128xf32, #tpu.memory_space<vmem>>
      %get3A_1951 = arith.index_cast %add3A_1909 : i32 to index
      %get3A_1952 = arith.constant 32 : index
      %get3A_1953 = tpu.vector_load %get3A_1950[%get3A_1951, %get3A_1952] {strides = array<i32>} : memref<80x128xf32, #tpu.memory_space<vmem>>, vector<16xf32>,
      %mul3A_1954 = arith.mulf %get3A_1946, %get3A_1953 : vector<16xf32>
      %get3A_1955 = arith.constant 0 : i32
      %get3A_1956 = arith.constant 0 : i32
      %get3A_1957 = tpu.memref_slice %arg10[%and3A_50, %get3A_1955, %get3A_1956] : memref<2x80x128xf32, #tpu.memory_space<vmem>> -> memref<1x80x128xf32, #tpu.memory_space<vmem>>
      %get3A_1958 = tpu.memref_squeeze %get3A_1957 : memref<1x80x128xf32, #tpu.memory_space<vmem>> -> memref<80x128xf32, #tpu.memory_space<vmem>>
      %get3A_1959 = arith.index_cast %add3A_1909 : i32 to index
      %get3A_1960 = arith.constant 48 : index
      %get3A_1961 = tpu.vector_load %get3A_1958[%get3A_1959, %get3A_1960] {strides = array<i32>} : memref<80x128xf32, #tpu.memory_space<vmem>>, vector<16xf32>,
      %get3A_1962 = arith.constant 0 : i32
      %get3A_1963 = arith.constant 0 : i32
      %get3A_1964 = tpu.memref_slice %arg11[%and3A_50, %get3A_1962, %get3A_1963] : memref<2x80x128xf32, #tpu.memory_space<vmem>> -> memref<1x80x128xf32, #tpu.memory_space<vmem>>
      %get3A_1965 = tpu.memref_squeeze %get3A_1964 : memref<1x80x128xf32, #tpu.memory_space<vmem>> -> memref<80x128xf32, #tpu.memory_space<vmem>>
      %get3A_1966 = arith.index_cast %add3A_1909 : i32 to index
      %get3A_1967 = arith.constant 48 : index
      %get3A_1968 = tpu.vector_load %get3A_1965[%get3A_1966, %get3A_1967] {strides = array<i32>} : memref<80x128xf32, #tpu.memory_space<vmem>>, vector<16xf32>,
      %mul3A_1969 = arith.mulf %get3A_1961, %get3A_1968 : vector<16xf32>
      %get3A_1970 = arith.constant 0 : i32
      %get3A_1971 = arith.constant 0 : i32
      %get3A_1972 = tpu.memref_slice %arg10[%and3A_50, %get3A_1970, %get3A_1971] : memref<2x80x128xf32, #tpu.memory_space<vmem>> -> memref<1x80x128xf32, #tpu.memory_space<vmem>>
      %get3A_1973 = tpu.memref_squeeze %get3A_1972 : memref<1x80x128xf32, #tpu.memory_space<vmem>> -> memref<80x128xf32, #tpu.memory_space<vmem>>
      %get3A_1974 = arith.index_cast %add3A_1909 : i32 to index
      %get3A_1975 = arith.constant 64 : index
      %get3A_1976 = tpu.vector_load %get3A_1973[%get3A_1974, %get3A_1975] {strides = array<i32>} : memref<80x128xf32, #tpu.memory_space<vmem>>, vector<16xf32>,
      %get3A_1977 = arith.constant 0 : i32
      %get3A_1978 = arith.constant 0 : i32
      %get3A_1979 = tpu.memref_slice %arg11[%and3A_50, %get3A_1977, %get3A_1978] : memref<2x80x128xf32, #tpu.memory_space<vmem>> -> memref<1x80x128xf32, #tpu.memory_space<vmem>>
      %get3A_1980 = tpu.memref_squeeze %get3A_1979 : memref<1x80x128xf32, #tpu.memory_space<vmem>> -> memref<80x128xf32, #tpu.memory_space<vmem>>
      %get3A_1981 = arith.index_cast %add3A_1909 : i32 to index
      %get3A_1982 = arith.constant 64 : index
      %get3A_1983 = tpu.vector_load %get3A_1980[%get3A_1981, %get3A_1982] {strides = array<i32>} : memref<80x128xf32, #tpu.memory_space<vmem>>, vector<16xf32>,
      %mul3A_1984 = arith.mulf %get3A_1976, %get3A_1983 : vector<16xf32>
      %get3A_1985 = arith.constant 0 : i32
      %get3A_1986 = arith.constant 0 : i32
      %get3A_1987 = tpu.memref_slice %arg10[%and3A_50, %get3A_1985, %get3A_1986] : memref<2x80x128xf32, #tpu.memory_space<vmem>> -> memref<1x80x128xf32, #tpu.memory_space<vmem>>
      %get3A_1988 = tpu.memref_squeeze %get3A_1987 : memref<1x80x128xf32, #tpu.memory_space<vmem>> -> memref<80x128xf32, #tpu.memory_space<vmem>>
      %get3A_1989 = arith.index_cast %add3A_1909 : i32 to index
      %get3A_1990 = arith.constant 80 : index
      %get3A_1991 = tpu.vector_load %get3A_1988[%get3A_1989, %get3A_1990] {strides = array<i32>} : memref<80x128xf32, #tpu.memory_space<vmem>>, vector<16xf32>,
      %get3A_1992 = arith.constant 0 : i32
      %get3A_1993 = arith.constant 0 : i32
      %get3A_1994 = tpu.memref_slice %arg11[%and3A_50, %get3A_1992, %get3A_1993] : memref<2x80x128xf32, #tpu.memory_space<vmem>> -> memref<1x80x128xf32, #tpu.memory_space<vmem>>
      %get3A_1995 = tpu.memref_squeeze %get3A_1994 : memref<1x80x128xf32, #tpu.memory_space<vmem>> -> memref<80x128xf32, #tpu.memory_space<vmem>>
      %get3A_1996 = arith.index_cast %add3A_1909 : i32 to index
      %get3A_1997 = arith.constant 80 : index
      %get3A_1998 = tpu.vector_load %get3A_1995[%get3A_1996, %get3A_1997] {strides = array<i32>} : memref<80x128xf32, #tpu.memory_space<vmem>>, vector<16xf32>,
      %mul3A_1999 = arith.mulf %get3A_1991, %get3A_1998 : vector<16xf32>
      %get3A_2000 = arith.constant 0 : i32
      %get3A_2001 = arith.constant 0 : i32
      %get3A_2002 = tpu.memref_slice %arg10[%and3A_50, %get3A_2000, %get3A_2001] : memref<2x80x128xf32, #tpu.memory_space<vmem>> -> memref<1x80x128xf32, #tpu.memory_space<vmem>>
      %get3A_2003 = tpu.memref_squeeze %get3A_2002 : memref<1x80x128xf32, #tpu.memory_space<vmem>> -> memref<80x128xf32, #tpu.memory_space<vmem>>
      %get3A_2004 = arith.index_cast %add3A_1909 : i32 to index
      %get3A_2005 = arith.constant 96 : index
      %get3A_2006 = tpu.vector_load %get3A_2003[%get3A_2004, %get3A_2005] {strides = array<i32>} : memref<80x128xf32, #tpu.memory_space<vmem>>, vector<16xf32>,
      %get3A_2007 = arith.constant 0 : i32
      %get3A_2008 = arith.constant 0 : i32
      %get3A_2009 = tpu.memref_slice %arg11[%and3A_50, %get3A_2007, %get3A_2008] : memref<2x80x128xf32, #tpu.memory_space<vmem>> -> memref<1x80x128xf32, #tpu.memory_space<vmem>>
      %get3A_2010 = tpu.memref_squeeze %get3A_2009 : memref<1x80x128xf32, #tpu.memory_space<vmem>> -> memref<80x128xf32, #tpu.memory_space<vmem>>
      %get3A_2011 = arith.index_cast %add3A_1909 : i32 to index
      %get3A_2012 = arith.constant 96 : index
      %get3A_2013 = tpu.vector_load %get3A_2010[%get3A_2011, %get3A_2012] {strides = array<i32>} : memref<80x128xf32, #tpu.memory_space<vmem>>, vector<16xf32>,
      %mul3A_2014 = arith.mulf %get3A_2006, %get3A_2013 : vector<16xf32>
      %get3A_2015 = arith.constant 0 : i32
      %get3A_2016 = arith.constant 0 : i32
      %get3A_2017 = tpu.memref_slice %arg10[%and3A_50, %get3A_2015, %get3A_2016] : memref<2x80x128xf32, #tpu.memory_space<vmem>> -> memref<1x80x128xf32, #tpu.memory_space<vmem>>
      %get3A_2018 = tpu.memref_squeeze %get3A_2017 : memref<1x80x128xf32, #tpu.memory_space<vmem>> -> memref<80x128xf32, #tpu.memory_space<vmem>>
      %get3A_2019 = arith.index_cast %add3A_1909 : i32 to index
      %get3A_2020 = arith.constant 112 : index
      %get3A_2021 = tpu.vector_load %get3A_2018[%get3A_2019, %get3A_2020] {strides = array<i32>} : memref<80x128xf32, #tpu.memory_space<vmem>>, vector<16xf32>,
      %get3A_2022 = arith.constant 0 : i32
      %get3A_2023 = arith.constant 0 : i32
      %get3A_2024 = tpu.memref_slice %arg11[%and3A_50, %get3A_2022, %get3A_2023] : memref<2x80x128xf32, #tpu.memory_space<vmem>> -> memref<1x80x128xf32, #tpu.memory_space<vmem>>
      %get3A_2025 = tpu.memref_squeeze %get3A_2024 : memref<1x80x128xf32, #tpu.memory_space<vmem>> -> memref<80x128xf32, #tpu.memory_space<vmem>>
      %get3A_2026 = arith.index_cast %add3A_1909 : i32 to index
      %get3A_2027 = arith.constant 112 : index
      %get3A_2028 = tpu.vector_load %get3A_2025[%get3A_2026, %get3A_2027] {strides = array<i32>} : memref<80x128xf32, #tpu.memory_space<vmem>>, vector<16xf32>,
      %mul3A_2029 = arith.mulf %get3A_2021, %get3A_2028 : vector<16xf32>
      %add3A_2030 = arith.addf %mul3A_1924, %mul3A_1939 : vector<16xf32>
      %add3A_2031 = arith.addf %mul3A_1954, %mul3A_1969 : vector<16xf32>
      %add3A_2032 = arith.addf %mul3A_1984, %mul3A_1999 : vector<16xf32>
      %add3A_2033 = arith.addf %mul3A_2014, %mul3A_2029 : vector<16xf32>
      %add3A_2034 = arith.addf %add3A_2030, %add3A_2031 : vector<16xf32>
      %add3A_2035 = arith.addf %add3A_2032, %add3A_2033 : vector<16xf32>
      %add3A_2036 = arith.addf %add3A_2034, %add3A_2035 : vector<16xf32>
      %swap3A_2037 = arith.index_cast %add3A_1909 : i32 to index
      %swap3A_2038 = arith.constant 0 : index
      %swap3A_2039 = tpu.vector_load %arg12[%swap3A_2037, %swap3A_2038] {strides = array<i32>} : memref<80x17xf32, #tpu.memory_space<vmem>>, vector<16xf32>,
      tpu.vector_store %arg12[%swap3A_2037, %swap3A_2038], %add3A_2036 {strides = array<i32>} : memref<80x17xf32, #tpu.memory_space<vmem>>, vector<16xf32>,
      %add3A_2040 = arith.constant 15 : i32
      %add3A_2041 = arith.addi %mul3A_61, %add3A_2040 : i32
      %get3A_2042 = arith.constant 0 : i32
      %get3A_2043 = arith.constant 0 : i32
      %get3A_2044 = tpu.memref_slice %arg10[%and3A_50, %get3A_2042, %get3A_2043] : memref<2x80x128xf32, #tpu.memory_space<vmem>> -> memref<1x80x128xf32, #tpu.memory_space<vmem>>
      %get3A_2045 = tpu.memref_squeeze %get3A_2044 : memref<1x80x128xf32, #tpu.memory_space<vmem>> -> memref<80x128xf32, #tpu.memory_space<vmem>>
      %get3A_2046 = arith.index_cast %add3A_2041 : i32 to index
      %get3A_2047 = arith.constant 0 : index
      %get3A_2048 = tpu.vector_load %get3A_2045[%get3A_2046, %get3A_2047] {strides = array<i32>} : memref<80x128xf32, #tpu.memory_space<vmem>>, vector<16xf32>,
      %get3A_2049 = arith.constant 0 : i32
      %get3A_2050 = arith.constant 0 : i32
      %get3A_2051 = tpu.memref_slice %arg11[%and3A_50, %get3A_2049, %get3A_2050] : memref<2x80x128xf32, #tpu.memory_space<vmem>> -> memref<1x80x128xf32, #tpu.memory_space<vmem>>
      %get3A_2052 = tpu.memref_squeeze %get3A_2051 : memref<1x80x128xf32, #tpu.memory_space<vmem>> -> memref<80x128xf32, #tpu.memory_space<vmem>>
      %get3A_2053 = arith.index_cast %add3A_2041 : i32 to index
      %get3A_2054 = arith.constant 0 : index
      %get3A_2055 = tpu.vector_load %get3A_2052[%get3A_2053, %get3A_2054] {strides = array<i32>} : memref<80x128xf32, #tpu.memory_space<vmem>>, vector<16xf32>,
      %mul3A_2056 = arith.mulf %get3A_2048, %get3A_2055 : vector<16xf32>
      %get3A_2057 = arith.constant 0 : i32
      %get3A_2058 = arith.constant 0 : i32
      %get3A_2059 = tpu.memref_slice %arg10[%and3A_50, %get3A_2057, %get3A_2058] : memref<2x80x128xf32, #tpu.memory_space<vmem>> -> memref<1x80x128xf32, #tpu.memory_space<vmem>>
      %get3A_2060 = tpu.memref_squeeze %get3A_2059 : memref<1x80x128xf32, #tpu.memory_space<vmem>> -> memref<80x128xf32, #tpu.memory_space<vmem>>
      %get3A_2061 = arith.index_cast %add3A_2041 : i32 to index
      %get3A_2062 = arith.constant 16 : index
      %get3A_2063 = tpu.vector_load %get3A_2060[%get3A_2061, %get3A_2062] {strides = array<i32>} : memref<80x128xf32, #tpu.memory_space<vmem>>, vector<16xf32>,
      %get3A_2064 = arith.constant 0 : i32
      %get3A_2065 = arith.constant 0 : i32
      %get3A_2066 = tpu.memref_slice %arg11[%and3A_50, %get3A_2064, %get3A_2065] : memref<2x80x128xf32, #tpu.memory_space<vmem>> -> memref<1x80x128xf32, #tpu.memory_space<vmem>>
      %get3A_2067 = tpu.memref_squeeze %get3A_2066 : memref<1x80x128xf32, #tpu.memory_space<vmem>> -> memref<80x128xf32, #tpu.memory_space<vmem>>
      %get3A_2068 = arith.index_cast %add3A_2041 : i32 to index
      %get3A_2069 = arith.constant 16 : index
      %get3A_2070 = tpu.vector_load %get3A_2067[%get3A_2068, %get3A_2069] {strides = array<i32>} : memref<80x128xf32, #tpu.memory_space<vmem>>, vector<16xf32>,
      %mul3A_2071 = arith.mulf %get3A_2063, %get3A_2070 : vector<16xf32>
      %get3A_2072 = arith.constant 0 : i32
      %get3A_2073 = arith.constant 0 : i32
      %get3A_2074 = tpu.memref_slice %arg10[%and3A_50, %get3A_2072, %get3A_2073] : memref<2x80x128xf32, #tpu.memory_space<vmem>> -> memref<1x80x128xf32, #tpu.memory_space<vmem>>
      %get3A_2075 = tpu.memref_squeeze %get3A_2074 : memref<1x80x128xf32, #tpu.memory_space<vmem>> -> memref<80x128xf32, #tpu.memory_space<vmem>>
      %get3A_2076 = arith.index_cast %add3A_2041 : i32 to index
      %get3A_2077 = arith.constant 32 : index
      %get3A_2078 = tpu.vector_load %get3A_2075[%get3A_2076, %get3A_2077] {strides = array<i32>} : memref<80x128xf32, #tpu.memory_space<vmem>>, vector<16xf32>,
      %get3A_2079 = arith.constant 0 : i32
      %get3A_2080 = arith.constant 0 : i32
      %get3A_2081 = tpu.memref_slice %arg11[%and3A_50, %get3A_2079, %get3A_2080] : memref<2x80x128xf32, #tpu.memory_space<vmem>> -> memref<1x80x128xf32, #tpu.memory_space<vmem>>
      %get3A_2082 = tpu.memref_squeeze %get3A_2081 : memref<1x80x128xf32, #tpu.memory_space<vmem>> -> memref<80x128xf32, #tpu.memory_space<vmem>>
      %get3A_2083 = arith.index_cast %add3A_2041 : i32 to index
      %get3A_2084 = arith.constant 32 : index
      %get3A_2085 = tpu.vector_load %get3A_2082[%get3A_2083, %get3A_2084] {strides = array<i32>} : memref<80x128xf32, #tpu.memory_space<vmem>>, vector<16xf32>,
      %mul3A_2086 = arith.mulf %get3A_2078, %get3A_2085 : vector<16xf32>
      %get3A_2087 = arith.constant 0 : i32
      %get3A_2088 = arith.constant 0 : i32
      %get3A_2089 = tpu.memref_slice %arg10[%and3A_50, %get3A_2087, %get3A_2088] : memref<2x80x128xf32, #tpu.memory_space<vmem>> -> memref<1x80x128xf32, #tpu.memory_space<vmem>>
      %get3A_2090 = tpu.memref_squeeze %get3A_2089 : memref<1x80x128xf32, #tpu.memory_space<vmem>> -> memref<80x128xf32, #tpu.memory_space<vmem>>
      %get3A_2091 = arith.index_cast %add3A_2041 : i32 to index
      %get3A_2092 = arith.constant 48 : index
      %get3A_2093 = tpu.vector_load %get3A_2090[%get3A_2091, %get3A_2092] {strides = array<i32>} : memref<80x128xf32, #tpu.memory_space<vmem>>, vector<16xf32>,
      %get3A_2094 = arith.constant 0 : i32
      %get3A_2095 = arith.constant 0 : i32
      %get3A_2096 = tpu.memref_slice %arg11[%and3A_50, %get3A_2094, %get3A_2095] : memref<2x80x128xf32, #tpu.memory_space<vmem>> -> memref<1x80x128xf32, #tpu.memory_space<vmem>>
      %get3A_2097 = tpu.memref_squeeze %get3A_2096 : memref<1x80x128xf32, #tpu.memory_space<vmem>> -> memref<80x128xf32, #tpu.memory_space<vmem>>
      %get3A_2098 = arith.index_cast %add3A_2041 : i32 to index
      %get3A_2099 = arith.constant 48 : index
      %get3A_2100 = tpu.vector_load %get3A_2097[%get3A_2098, %get3A_2099] {strides = array<i32>} : memref<80x128xf32, #tpu.memory_space<vmem>>, vector<16xf32>,
      %mul3A_2101 = arith.mulf %get3A_2093, %get3A_2100 : vector<16xf32>
      %get3A_2102 = arith.constant 0 : i32
      %get3A_2103 = arith.constant 0 : i32
      %get3A_2104 = tpu.memref_slice %arg10[%and3A_50, %get3A_2102, %get3A_2103] : memref<2x80x128xf32, #tpu.memory_space<vmem>> -> memref<1x80x128xf32, #tpu.memory_space<vmem>>
      %get3A_2105 = tpu.memref_squeeze %get3A_2104 : memref<1x80x128xf32, #tpu.memory_space<vmem>> -> memref<80x128xf32, #tpu.memory_space<vmem>>
      %get3A_2106 = arith.index_cast %add3A_2041 : i32 to index
      %get3A_2107 = arith.constant 64 : index
      %get3A_2108 = tpu.vector_load %get3A_2105[%get3A_2106, %get3A_2107] {strides = array<i32>} : memref<80x128xf32, #tpu.memory_space<vmem>>, vector<16xf32>,
      %get3A_2109 = arith.constant 0 : i32
      %get3A_2110 = arith.constant 0 : i32
      %get3A_2111 = tpu.memref_slice %arg11[%and3A_50, %get3A_2109, %get3A_2110] : memref<2x80x128xf32, #tpu.memory_space<vmem>> -> memref<1x80x128xf32, #tpu.memory_space<vmem>>
      %get3A_2112 = tpu.memref_squeeze %get3A_2111 : memref<1x80x128xf32, #tpu.memory_space<vmem>> -> memref<80x128xf32, #tpu.memory_space<vmem>>
      %get3A_2113 = arith.index_cast %add3A_2041 : i32 to index
      %get3A_2114 = arith.constant 64 : index
      %get3A_2115 = tpu.vector_load %get3A_2112[%get3A_2113, %get3A_2114] {strides = array<i32>} : memref<80x128xf32, #tpu.memory_space<vmem>>, vector<16xf32>,
      %mul3A_2116 = arith.mulf %get3A_2108, %get3A_2115 : vector<16xf32>
      %get3A_2117 = arith.constant 0 : i32
      %get3A_2118 = arith.constant 0 : i32
      %get3A_2119 = tpu.memref_slice %arg10[%and3A_50, %get3A_2117, %get3A_2118] : memref<2x80x128xf32, #tpu.memory_space<vmem>> -> memref<1x80x128xf32, #tpu.memory_space<vmem>>
      %get3A_2120 = tpu.memref_squeeze %get3A_2119 : memref<1x80x128xf32, #tpu.memory_space<vmem>> -> memref<80x128xf32, #tpu.memory_space<vmem>>
      %get3A_2121 = arith.index_cast %add3A_2041 : i32 to index
      %get3A_2122 = arith.constant 80 : index
      %get3A_2123 = tpu.vector_load %get3A_2120[%get3A_2121, %get3A_2122] {strides = array<i32>} : memref<80x128xf32, #tpu.memory_space<vmem>>, vector<16xf32>,
      %get3A_2124 = arith.constant 0 : i32
      %get3A_2125 = arith.constant 0 : i32
      %get3A_2126 = tpu.memref_slice %arg11[%and3A_50, %get3A_2124, %get3A_2125] : memref<2x80x128xf32, #tpu.memory_space<vmem>> -> memref<1x80x128xf32, #tpu.memory_space<vmem>>
      %get3A_2127 = tpu.memref_squeeze %get3A_2126 : memref<1x80x128xf32, #tpu.memory_space<vmem>> -> memref<80x128xf32, #tpu.memory_space<vmem>>
      %get3A_2128 = arith.index_cast %add3A_2041 : i32 to index
      %get3A_2129 = arith.constant 80 : index
      %get3A_2130 = tpu.vector_load %get3A_2127[%get3A_2128, %get3A_2129] {strides = array<i32>} : memref<80x128xf32, #tpu.memory_space<vmem>>, vector<16xf32>,
      %mul3A_2131 = arith.mulf %get3A_2123, %get3A_2130 : vector<16xf32>
      %get3A_2132 = arith.constant 0 : i32
      %get3A_2133 = arith.constant 0 : i32
      %get3A_2134 = tpu.memref_slice %arg10[%and3A_50, %get3A_2132, %get3A_2133] : memref<2x80x128xf32, #tpu.memory_space<vmem>> -> memref<1x80x128xf32, #tpu.memory_space<vmem>>
      %get3A_2135 = tpu.memref_squeeze %get3A_2134 : memref<1x80x128xf32, #tpu.memory_space<vmem>> -> memref<80x128xf32, #tpu.memory_space<vmem>>
      %get3A_2136 = arith.index_cast %add3A_2041 : i32 to index
      %get3A_2137 = arith.constant 96 : index
      %get3A_2138 = tpu.vector_load %get3A_2135[%get3A_2136, %get3A_2137] {strides = array<i32>} : memref<80x128xf32, #tpu.memory_space<vmem>>, vector<16xf32>,
      %get3A_2139 = arith.constant 0 : i32
      %get3A_2140 = arith.constant 0 : i32
      %get3A_2141 = tpu.memref_slice %arg11[%and3A_50, %get3A_2139, %get3A_2140] : memref<2x80x128xf32, #tpu.memory_space<vmem>> -> memref<1x80x128xf32, #tpu.memory_space<vmem>>
      %get3A_2142 = tpu.memref_squeeze %get3A_2141 : memref<1x80x128xf32, #tpu.memory_space<vmem>> -> memref<80x128xf32, #tpu.memory_space<vmem>>
      %get3A_2143 = arith.index_cast %add3A_2041 : i32 to index
      %get3A_2144 = arith.constant 96 : index
      %get3A_2145 = tpu.vector_load %get3A_2142[%get3A_2143, %get3A_2144] {strides = array<i32>} : memref<80x128xf32, #tpu.memory_space<vmem>>, vector<16xf32>,
      %mul3A_2146 = arith.mulf %get3A_2138, %get3A_2145 : vector<16xf32>
      %get3A_2147 = arith.constant 0 : i32
      %get3A_2148 = arith.constant 0 : i32
      %get3A_2149 = tpu.memref_slice %arg10[%and3A_50, %get3A_2147, %get3A_2148] : memref<2x80x128xf32, #tpu.memory_space<vmem>> -> memref<1x80x128xf32, #tpu.memory_space<vmem>>
      %get3A_2150 = tpu.memref_squeeze %get3A_2149 : memref<1x80x128xf32, #tpu.memory_space<vmem>> -> memref<80x128xf32, #tpu.memory_space<vmem>>
      %get3A_2151 = arith.index_cast %add3A_2041 : i32 to index
      %get3A_2152 = arith.constant 112 : index
      %get3A_2153 = tpu.vector_load %get3A_2150[%get3A_2151, %get3A_2152] {strides = array<i32>} : memref<80x128xf32, #tpu.memory_space<vmem>>, vector<16xf32>,
      %get3A_2154 = arith.constant 0 : i32
      %get3A_2155 = arith.constant 0 : i32
      %get3A_2156 = tpu.memref_slice %arg11[%and3A_50, %get3A_2154, %get3A_2155] : memref<2x80x128xf32, #tpu.memory_space<vmem>> -> memref<1x80x128xf32, #tpu.memory_space<vmem>>
      %get3A_2157 = tpu.memref_squeeze %get3A_2156 : memref<1x80x128xf32, #tpu.memory_space<vmem>> -> memref<80x128xf32, #tpu.memory_space<vmem>>
      %get3A_2158 = arith.index_cast %add3A_2041 : i32 to index
      %get3A_2159 = arith.constant 112 : index
      %get3A_2160 = tpu.vector_load %get3A_2157[%get3A_2158, %get3A_2159] {strides = array<i32>} : memref<80x128xf32, #tpu.memory_space<vmem>>, vector<16xf32>,
      %mul3A_2161 = arith.mulf %get3A_2153, %get3A_2160 : vector<16xf32>
      %add3A_2162 = arith.addf %mul3A_2056, %mul3A_2071 : vector<16xf32>
      %add3A_2163 = arith.addf %mul3A_2086, %mul3A_2101 : vector<16xf32>
      %add3A_2164 = arith.addf %mul3A_2116, %mul3A_2131 : vector<16xf32>
      %add3A_2165 = arith.addf %mul3A_2146, %mul3A_2161 : vector<16xf32>
      %add3A_2166 = arith.addf %add3A_2162, %add3A_2163 : vector<16xf32>
      %add3A_2167 = arith.addf %add3A_2164, %add3A_2165 : vector<16xf32>
      %add3A_2168 = arith.addf %add3A_2166, %add3A_2167 : vector<16xf32>
      %swap3A_2169 = arith.index_cast %add3A_2041 : i32 to index
      %swap3A_2170 = arith.constant 0 : index
      %swap3A_2171 = tpu.vector_load %arg12[%swap3A_2169, %swap3A_2170] {strides = array<i32>} : memref<80x17xf32, #tpu.memory_space<vmem>>, vector<16xf32>,
      tpu.vector_store %arg12[%swap3A_2169, %swap3A_2170], %add3A_2168 {strides = array<i32>} : memref<80x17xf32, #tpu.memory_space<vmem>>, vector<16xf32>,
      %broadcast_in_dim3A = arith.constant 1 : i32
      %broadcast_in_dim3A_2172 = vector.broadcast %broadcast_in_dim3A : i32 to vector<16xi32>
      %broadcast_in_dim3A_2173 = arith.constant 0 : i32
      %broadcast_in_dim3A_2174 = vector.broadcast %broadcast_in_dim3A_2173 : i32 to vector<16xi32>
      %broadcast_in_dim3A_2175 = arith.constant 0.000000e+00 : f32
      %broadcast_in_dim3A_2176 = vector.broadcast %broadcast_in_dim3A_2175 : f32 to vector<16xf32>
      %add3A_2177 = vector.broadcast %mul3A_61 : i32 to vector<16xi32>
      %add3A_2178 = arith.addi %iota3A, %add3A_2177 : vector<16xi32>
      %gather3A = tpu.vector_load_idx %arg12[%add3A_2178, %broadcast_in_dim3A_2174] : memref<80x17xf32, #tpu.memory_space<vmem>>[vector<16xi32>, vector<16xi32>], vector<16xf32>,
      %add3A_2179 = arith.addf %broadcast_in_dim3A_2176, %gather3A : vector<16xf32>
      %add3A_2180 = arith.addi %broadcast_in_dim3A_2174, %broadcast_in_dim3A_2172 : vector<16xi32>
      %gather3A_2181 = tpu.vector_load_idx %arg12[%add3A_2178, %add3A_2180] : memref<80x17xf32, #tpu.memory_space<vmem>>[vector<16xi32>, vector<16xi32>], vector<16xf32>,
      %add3A_2182 = arith.addf %add3A_2179, %gather3A_2181 : vector<16xf32>
      %add3A_2183 = arith.addi %add3A_2180, %broadcast_in_dim3A_2172 : vector<16xi32>
      %gather3A_2184 = tpu.vector_load_idx %arg12[%add3A_2178, %add3A_2183] : memref<80x17xf32, #tpu.memory_space<vmem>>[vector<16xi32>, vector<16xi32>], vector<16xf32>,
      %add3A_2185 = arith.addf %add3A_2182, %gather3A_2184 : vector<16xf32>
      %add3A_2186 = arith.addi %add3A_2183, %broadcast_in_dim3A_2172 : vector<16xi32>
      %gather3A_2187 = tpu.vector_load_idx %arg12[%add3A_2178, %add3A_2186] : memref<80x17xf32, #tpu.memory_space<vmem>>[vector<16xi32>, vector<16xi32>], vector<16xf32>,
      %add3A_2188 = arith.addf %add3A_2185, %gather3A_2187 : vector<16xf32>
      %add3A_2189 = arith.addi %add3A_2186, %broadcast_in_dim3A_2172 : vector<16xi32>
      %gather3A_2190 = tpu.vector_load_idx %arg12[%add3A_2178, %add3A_2189] : memref<80x17xf32, #tpu.memory_space<vmem>>[vector<16xi32>, vector<16xi32>], vector<16xf32>,
      %add3A_2191 = arith.addf %add3A_2188, %gather3A_2190 : vector<16xf32>
      %add3A_2192 = arith.addi %add3A_2189, %broadcast_in_dim3A_2172 : vector<16xi32>
      %gather3A_2193 = tpu.vector_load_idx %arg12[%add3A_2178, %add3A_2192] : memref<80x17xf32, #tpu.memory_space<vmem>>[vector<16xi32>, vector<16xi32>], vector<16xf32>,
      %add3A_2194 = arith.addf %add3A_2191, %gather3A_2193 : vector<16xf32>
      %add3A_2195 = arith.addi %add3A_2192, %broadcast_in_dim3A_2172 : vector<16xi32>
      %gather3A_2196 = tpu.vector_load_idx %arg12[%add3A_2178, %add3A_2195] : memref<80x17xf32, #tpu.memory_space<vmem>>[vector<16xi32>, vector<16xi32>], vector<16xf32>,
      %add3A_2197 = arith.addf %add3A_2194, %gather3A_2196 : vector<16xf32>
      %add3A_2198 = arith.addi %add3A_2195, %broadcast_in_dim3A_2172 : vector<16xi32>
      %gather3A_2199 = tpu.vector_load_idx %arg12[%add3A_2178, %add3A_2198] : memref<80x17xf32, #tpu.memory_space<vmem>>[vector<16xi32>, vector<16xi32>], vector<16xf32>,
      %add3A_2200 = arith.addf %add3A_2197, %gather3A_2199 : vector<16xf32>
      %add3A_2201 = arith.addi %add3A_2198, %broadcast_in_dim3A_2172 : vector<16xi32>
      %gather3A_2202 = tpu.vector_load_idx %arg12[%add3A_2178, %add3A_2201] : memref<80x17xf32, #tpu.memory_space<vmem>>[vector<16xi32>, vector<16xi32>], vector<16xf32>,
      %add3A_2203 = arith.addf %add3A_2200, %gather3A_2202 : vector<16xf32>
      %add3A_2204 = arith.addi %add3A_2201, %broadcast_in_dim3A_2172 : vector<16xi32>
      %gather3A_2205 = tpu.vector_load_idx %arg12[%add3A_2178, %add3A_2204] : memref<80x17xf32, #tpu.memory_space<vmem>>[vector<16xi32>, vector<16xi32>], vector<16xf32>,
      %add3A_2206 = arith.addf %add3A_2203, %gather3A_2205 : vector<16xf32>
      %add3A_2207 = arith.addi %add3A_2204, %broadcast_in_dim3A_2172 : vector<16xi32>
      %gather3A_2208 = tpu.vector_load_idx %arg12[%add3A_2178, %add3A_2207] : memref<80x17xf32, #tpu.memory_space<vmem>>[vector<16xi32>, vector<16xi32>], vector<16xf32>,
      %add3A_2209 = arith.addf %add3A_2206, %gather3A_2208 : vector<16xf32>
      %add3A_2210 = arith.addi %add3A_2207, %broadcast_in_dim3A_2172 : vector<16xi32>
      %gather3A_2211 = tpu.vector_load_idx %arg12[%add3A_2178, %add3A_2210] : memref<80x17xf32, #tpu.memory_space<vmem>>[vector<16xi32>, vector<16xi32>], vector<16xf32>,
      %add3A_2212 = arith.addf %add3A_2209, %gather3A_2211 : vector<16xf32>
      %add3A_2213 = arith.addi %add3A_2210, %broadcast_in_dim3A_2172 : vector<16xi32>
      %gather3A_2214 = tpu.vector_load_idx %arg12[%add3A_2178, %add3A_2213] : memref<80x17xf32, #tpu.memory_space<vmem>>[vector<16xi32>, vector<16xi32>], vector<16xf32>,
      %add3A_2215 = arith.addf %add3A_2212, %gather3A_2214 : vector<16xf32>
      %add3A_2216 = arith.addi %add3A_2213, %broadcast_in_dim3A_2172 : vector<16xi32>
      %gather3A_2217 = tpu.vector_load_idx %arg12[%add3A_2178, %add3A_2216] : memref<80x17xf32, #tpu.memory_space<vmem>>[vector<16xi32>, vector<16xi32>], vector<16xf32>,
      %add3A_2218 = arith.addf %add3A_2215, %gather3A_2217 : vector<16xf32>
      %add3A_2219 = arith.addi %add3A_2216, %broadcast_in_dim3A_2172 : vector<16xi32>
      %gather3A_2220 = tpu.vector_load_idx %arg12[%add3A_2178, %add3A_2219] : memref<80x17xf32, #tpu.memory_space<vmem>>[vector<16xi32>, vector<16xi32>], vector<16xf32>,
      %add3A_2221 = arith.addf %add3A_2218, %gather3A_2220 : vector<16xf32>
      %add3A_2222 = arith.addi %add3A_2219, %broadcast_in_dim3A_2172 : vector<16xi32>
      %gather3A_2223 = tpu.vector_load_idx %arg12[%add3A_2178, %add3A_2222] : memref<80x17xf32, #tpu.memory_space<vmem>>[vector<16xi32>, vector<16xi32>], vector<16xf32>,
      %add3A_2224 = arith.addf %add3A_2221, %gather3A_2223 : vector<16xf32>
      %add3A_2225 = arith.addi %add3A_2222, %broadcast_in_dim3A_2172 : vector<16xi32>
      %add3A_2226 = arith.constant 9920 : i32
      %add3A_2227 = arith.addi %add3A_2226, %mul3A_61 : i32
      %swap3A_2228 = arith.index_cast %add3A_2227 : i32 to index
      %swap3A_2229 = tpu.vector_load %arg9[%swap3A_2228] {strides = array<i32>} : memref<10000xf32, #tpu.memory_space<vmem>>, vector<16xf32>,
      tpu.vector_store %arg9[%swap3A_2228], %add3A_2224 {strides = array<i32>} : memref<10000xf32, #tpu.memory_space<vmem>>, vector<16xf32>,
      %scan3A_2230 = arith.constant 0 : i32
      scf.yield %scan3A_2230 : i32
    }
    %scan3A_57 = arith.constant 5 : i32
    "tpu.region"() ({
      %run_scoped3A = tpu.sem_alloc : memref<!tpu.dma_semaphore, #tpu.memory_space<semaphore_mem>>
      %dma_start3A_58 = tpu.memref_slice %arg6[%mul3A_2] : memref<320000xf32, #tpu.memory_space<hbm>> -> memref<10000xf32, #tpu.memory_space<hbm>>
      %dma_start3A_59 = tpu.memref_slice %arg6[%mul3A_2] : memref<320000xf32, #tpu.memory_space<hbm>> -> memref<10000xf32, #tpu.memory_space<hbm>>
      tpu.enqueue_dma source(%arg9 : memref<10000xf32, #tpu.memory_space<vmem>>) target(%dma_start3A_59 : memref<10000xf32, #tpu.memory_space<hbm>>) target_semaphore(%run_scoped3A : memref<!tpu.dma_semaphore, #tpu.memory_space<semaphore_mem>>)
      %dma_wait3A_60 = tpu.memref_slice %arg6[%mul3A_2] : memref<320000xf32, #tpu.memory_space<hbm>> -> memref<10000xf32, #tpu.memory_space<hbm>>
      %dma_wait3A_61 = tpu.memref_slice %arg6[%mul3A_2] : memref<320000xf32, #tpu.memory_space<hbm>> -> memref<10000xf32, #tpu.memory_space<hbm>>
      tpu.wait_dma2 semaphore(%run_scoped3A : memref<!tpu.dma_semaphore, #tpu.memory_space<semaphore_mem>>) src(%arg9 : memref<10000xf32, #tpu.memory_space<vmem>>) dst(%dma_wait3A_61 : memref<10000xf32, #tpu.memory_space<hbm>>)
      tpu.yield
    }) : () -> ()
    return
  }
}

</mosaic_0001>

<sc_bundles>
// kernel: kernel.3.cloned.1.call-start
scs
__scs_entry_jumppad:
0x0: {  	(pc) =	sbr.rel $0x88, $3  }
0x1: {  	(tag) =	ssettag $0x0;
	lr =	simm.s32 $0x1  }
0x2: {  	[smem:$0x3F9E] =	sst lr;
	_ =	strace $0xD0000000  }
0x3: {  	_ = 	snop  }
0x4: {  	_ = 	snop  }
0x5: {  	_ = 	snop  }
0x6: {  	_ = 	snop  }
0x7: {  	_ = 	snop  }
__scs_overlays_trampoline_lowered:
0x8: {  	[smem:$0x3FAD] =	sst s0  }
0x9: {  	[smem:$0x3FAE] =	sst s1  }
0xa: {  	[smem:$0x3FAF] =	sst s2  }
0xb: {  	[smem:$0x3FB0] =	sst s3  }
0xc: {  	[smem:$0x3FB1] =	sst s4  }
0xd: {  	[smem:$0x3FB2] =	sst s5  }
0xe: {  	[smem:$0x3FB3] =	sst s6  }
0xf: {  	[smem:$0x3FB4] =	sst s7  }
0x10: {  	[smem:$0x3FB5] =	sst s8  }
0x11: {  	[smem:$0x3FB6] =	sst s9;
	s0 =	simm.s32 @!p0 $0x0  }
0x12: {  	s1 =	sld [smem:$0x3F9C];
	s0 =	simm.s32 @p0 $0x1  }
0x13: {  	[smem:$0x3FB7] =	sst s0;
	s0 =	simm.s32 @!p1 $0x0  }
0x14: {  	s2 =	sld [smem:$0x3F9B];
	s0 =	simm.s32 @p1 $0x1  }
0x15: {  	[smem:$0x3FB8] =	sst s0;
	s0 =	simm.s32 @!p2 $0x0  }
0x16: {  	s3 =	sld [smem:$0x3FDB];
	s0 =	simm.s32 @p2 $0x1  }
0x17: {  	s4 =	simm.s32 $0x1BF5;
	[smem:$0x3FBA] =	sst s0  }
0x18: {  	s0 =	sld [smem:$0x3F9D];
	_ =	swait.ge [sflag:s4], $0x0  }
0x19: {  	s7 =	sld [smem:$0x3F9E]  }
0x1a: {  	s8 =	sadd.s32 $0xFFFFE003, lr  }
0x1b: {  	s9 =	sadd.s32 $0xFFFFFEF7, lr;
	s5 =	simm.s32 $0xFFFFFFFF;
	p2 =	slt.u32 s8, $0xFFFFF086  }
0x1c: {  	p1 =	slt.u32 s9, $0xF7A;
	s5 =	simm.s32 @!p2 $0x0  }
0x1d: {  	s5 =	simm.s32 @p1 $0x1;
	p0 =	seq.s32 s7, s2  }
0x1e: {  	s7 =	smul.u32 @!p0 $0xF7A, s2;
	p2 =	seq.s32 @!p0 s5, $0x0  }
0x1f: {  	s9 =	smul.u32 $0xF7A, s1;
	s8 =	simm.s32 @!p0 $0x1BF5;
	p2 =	por !p2, p0  }
0x20: {  	[sflag:s8] =	ssyncset.s32 @!p0 $0xFFFFF086;
	s6 =	sadd.s32 @!p0 s3, s7;
	s7 =	simm.s32 @!p0 $0x108  }
0x21: {  	s3 =	sadd.s32 s3, s9;
	s6 =	sadd.s32 @!p0 $0x88, s6;
	s7 =	simm.s32 @p2 $0x1082  }
0x22: {  	[simem:s7], [sflag:s8] =	dma.local @!p0 [hbm:s6], $0xF7A  }
0x23: {  	s9 =	sor.u32 $0xD0000000, s2;
	s6 =	simm.s32 $0x108;
	_ =	swait.ge @!p0 [sflag:s8], $0x0  }
0x24: {  	s3 =	sadd.s32 $0x88, s3;
	s6 =	simm.s32 @!p1 $0x1082;
	[sflag:s4] =	ssyncset.s32 $0xFFFFF086  }
0x25: {  	[simem:s6], [sflag:s4] =	dma.local [hbm:s3], $0xF7A  }
0x26: {  	[smem:$0x3F9E] =	sst s1;
	(tag) =	ssettag s2;
	_ =	strace s9  }
0x27: {  	s1 =	sld [smem:$0x3FAE]  }
0x28: {  	s2 =	sld [smem:$0x3FAF]  }
0x29: {  	s4 =	sld [smem:$0x3FB1]  }
0x2a: {  	p0 =	seq.s32 s5, $0x0;
	s5 =	sld [smem:$0x3FB2]  }
0x2b: {  	s6 =	sld [smem:$0x3FB3]  }
0x2c: {  	s7 =	sld [smem:$0x3FB4]  }
0x2d: {  	s3 =	simm.s32 $0x108;
	s8 =	sld [smem:$0x3FB5]  }
0x2e: {  	s3 =	simm.s32 @!p0 $0x1082;
	s9 =	sld [smem:$0x3FB6]  }
0x2f: {  	lr =	sadd.s32 s0, s3;
	s0 =	sld [smem:$0x3FAD]  }
0x30: {  	s3 =	sld [smem:$0x3FB0]  }
0x31: {  	[smem:$0x3FB9] =	sst s10  }
0x32: {  	s10 =	sld [smem:$0x3FB7];
	_ =	sdelay $0x3  }
0x33: {  	p0 =	seq.s32 s10, $0x1;
	s10 =	sld [smem:$0x3FB9];
	_ =	sdelay $0x3  }
0x34: {  	[smem:$0x3FB9] =	sst s10  }
0x35: {  	s10 =	sld [smem:$0x3FB8];
	_ =	sdelay $0x3  }
0x36: {  	p1 =	seq.s32 s10, $0x1;
	s10 =	sld [smem:$0x3FB9];
	_ =	sdelay $0x3  }
0x37: {  	[smem:$0x3FB9] =	sst s10  }
0x38: {  	s10 =	sld [smem:$0x3FBA]  }
0x39: {  	_ = 	snop;
	(pc) =	sbr.ind lr, $3  }
0x3a: {  	_ = 	snop  }
0x3b: {  	_ = 	snop  }
0x3c: {  	p2 =	seq.s32 s10, $0x1;
	s10 =	sld [smem:$0x3FB9]  }
0x3d: {  	_ =	shalt  }
0x3e: {  	_ =	shalt  }
0x3f: {  	_ =	shalt  }
0x40: {  	_ =	shalt  }
0x41: {  	_ =	shalt  }
0x42: {  	_ =	shalt  }
0x43: {  	_ =	shalt  }
0x44: {  	_ =	shalt  }
0x45: {  	_ =	shalt  }
0x46: {  	_ =	shalt  }
0x47: {  	_ =	shalt  }
0x48: {  	_ =	shalt  }
0x49: {  	_ =	shalt  }
0x4a: {  	_ =	shalt  }
0x4b: {  	_ =	shalt  }
0x4c: {  	_ =	shalt  }
0x4d: {  	_ =	shalt  }
0x4e: {  	_ =	shalt  }
0x4f: {  	_ =	shalt  }
0x50: {  	_ =	shalt  }
0x51: {  	_ =	shalt  }
0x52: {  	_ =	shalt  }
0x53: {  	_ =	shalt  }
0x54: {  	_ =	shalt  }
0x55: {  	_ =	shalt  }
0x56: {  	_ =	shalt  }
0x57: {  	_ =	shalt  }
0x58: {  	_ =	shalt  }
0x59: {  	_ =	shalt  }
0x5a: {  	_ =	shalt  }
0x5b: {  	_ =	shalt  }
0x5c: {  	_ =	shalt  }
0x5d: {  	_ =	shalt  }
0x5e: {  	_ =	shalt  }
0x5f: {  	_ =	shalt  }
0x60: {  	_ =	shalt  }
0x61: {  	_ =	shalt  }
0x62: {  	_ =	shalt  }
0x63: {  	_ =	shalt  }
0x64: {  	_ =	shalt  }
0x65: {  	_ =	shalt  }
0x66: {  	_ =	shalt  }
0x67: {  	_ =	shalt  }
0x68: {  	_ =	shalt  }
0x69: {  	_ =	shalt  }
0x6a: {  	_ =	shalt  }
0x6b: {  	_ =	shalt  }
0x6c: {  	_ =	shalt  }
0x6d: {  	_ =	shalt  }
0x6e: {  	_ =	shalt  }
0x6f: {  	_ =	shalt  }
0x70: {  	_ =	shalt  }
0x71: {  	_ =	shalt  }
0x72: {  	_ =	shalt  }
0x73: {  	_ =	shalt  }
0x74: {  	_ =	shalt  }
0x75: {  	_ =	shalt  }
0x76: {  	_ =	shalt  }
0x77: {  	_ =	shalt  }
0x78: {  	_ =	shalt  }
0x79: {  	_ =	shalt  }
0x7a: {  	_ =	shalt  }
0x7b: {  	_ =	shalt  }
0x7c: {  	_ =	shalt  }
0x7d: {  	_ =	shalt  }
0x7e: {  	_ =	shalt  }
0x7f: {  	_ =	shalt  }
0x80: {  	_ =	shalt  }
0x81: {  	_ =	shalt  }
0x82: {  	_ =	shalt  }
0x83: {  	_ =	shalt  }
0x84: {  	_ =	shalt  }
0x85: {  	_ =	shalt  }
0x86: {  	_ =	shalt  }
0x87: {  	_ =	shalt  }
.Lfunc_end0:
.L_simem_size_0:
called_computation_lowered:
.L_overlay_start_0:
0x88: {  	s2 =	sld [smem:$0x3FD9]  }
0x89: {  	s3 =	sld [smem:$0x3FFE];
	_ =	sdelay $0x1  }
0x8a: {  	s1 =	srdreg.scid  }
0x8b: {  	s0 =	sand.u32 $0x1, s1  }
0x8c: {  	s17 =	sshll.u32 s0, $0xA;
	s2 =	sadd.s32 s3, s2  }
0x8d: {  	s2 =	sadd.s32 s2, s17  }
0x8e: {  	[smem:$0x3FC5] =	sst s2  }
0x8f: {  	_ = 	snop  }
0x90: {  	s2 =	sld [smem:$0x3FC9]  }
0x91: {  	s18 =	sld [smem:$0x3FC8]  }
0x92: {  	s4 =	sld [smem:$0x3FD0];
	(tm) =	ssettm $0x1  }
0x93: {  	s5 =	sld [smem:$0x3FFB];
	_ =	sdelay $0x3  }
0x94: {  	_ =	strace s5  }
0x95: {  	s5 =	sld [smem:$0x3FFC];
	_ =	sdelay $0x3  }
0x96: {  	_ =	strace s5  }
0x97: {  	s5 =	sld [smem:$0x3FFD];
	_ =	sdelay $0x3  }
0x98: {  	_ =	strace s5  }
0x99: {  	_ =	strace $0x8FFFFFFF  }
0x9a: {  	s19 =	sld [smem:$0x3FDB];
	_ =	sdelay $0x1  }
0x9b: {  	s6 =	simm.s32 $_scs_section_size  }
0x9c: {  	s7 =	simm.s32 $_size__tile_overlayer_lowered;
	s8 =	simm.s32 $_tile_overlayer_lowered  }
0x9d: {  	s22 =	simm.s32 $0x1BFF;
	s21 =	sshll.u32 s8, $0x1;
	s5 =	sadd.s32 s6, s19  }
0x9e: {  	s9 =	simm.s32 $0x0;
	s20 =	sshll.u32 s7, $0x1;
	s7 =	sadd.s32 s21, s5  }
0x9f: {  	[timem:s9], [sflag:s22] =	dma.local [hbm:s7], s20  }
0xa0: {  	_ =	swait.ge [sflag:s22], s20  }
0xa1: {  	s6 =	ssub.s32 $0x0, s20;
	[sflag:s22] =	ssyncset.done $0x0  }
0xa2: {  	[sflag:s22] =	ssyncadd.s32 s6;
	_ =	sdelay $0x1  }
0xa3: {  	s23 =	simm.s32 $0x1B8B  }
0xa4: {  	_ =	swait.ge [sflag:s23], $0x1  }
0xa5: {  	[sflag:s23] =	ssyncset.done $0x0  }
0xa6: {  	s25 =	simm.s32 $0x1B8E;
	s24 =	sld [smem:$0x3FFE];
	[sflag:s23] =	ssyncadd.s32 $0xFFFFFFFF  }
0xa7: {  	s26 =	simm.s32 $execute0_lowered;
	[smem:$0x3FD2] =	sst s25  }
0xa8: {  	s7 =	sshll.u32 s26, $0x1;
	_ =	strace $0x80000046;
	[dreg:$0x1] =	wrdreg $0xFFFFFFFF  }
0xa9: {  	s28 =	simm.s32 $_size_execute0_lowered;
	s5 =	sadd.s32 s5, s7;
	[dreg:$0x0] =	wrdreg $0x0  }
0xaa: {  	s7 =	sshll.u32 s28, $0x1;
	[dreg:$0x2] =	wrdreg s5  }
0xab: {  	[dreg:$0x3] =	wrdreg s7  }
0xac: {  	[dreg:$0x4] =	wrdreg $0xC0  }
0xad: {  	_ =	task [dreg:s9], $0x5FFFF  }
0xae: {  	[dreg:$0x1] =	wrdreg $0xFFFFFFFF  }
0xaf: {  	[dreg:$0x0] =	wrdreg $0x60  }
0xb0: {  	[dreg:$0x2] =	wrdreg s2  }
0xb1: {  	[dreg:$0x3] =	wrdreg s18  }
0xb2: {  	[dreg:$0x4] =	wrdreg s24  }
0xb3: {  	[dreg:$0x5] =	wrdreg s4  }
0xb4: {  	[dreg:$0x6] =	wrdreg $0x9  }
0xb5: {  	_ =	task.clear_ibuf [dreg:s9], $0x7FFFF;
	_ =	strace $0x90000046  }
0xb6: {  	s29 =	simm.s32 $0x9;
	_ =	strace $0x80000048  }
0xb7: {  	_ =	swait.ge [sflag:s29], $0x1  }
0xb8: {  	[sflag:s29] =	ssyncadd.s32 $0xFFFFFFFF  }
0xb9: {  	_ =	strace $0x90000048  }
0xba: {  	_ =	sfence  }
0xbb: {  	s30 =	sld [smem:$0x0];
	_ =	sdelay $0x2  }
0xbc: {  	s31 =	sshll.u32 s1, $0xD;
	s1 =	sshrl.u32 s1, $0x2  }
0xbd: {  	s3 =	sand.u32 $0x4000, s31;
	s1 =	sadd.s32 s1, s30  }
0xbe: {  	s0 =	sor.u32 s3, s0;
	s1 =	sshll.u32 s1, $0x11  }
0xbf: {  	s0 =	sor.u32 s1, s0  }
0xc0: {  	s0 =	sadd.s32 $0x8F2B, s0  }
0xc1: {  	[sflag:s0] =	ssyncadd.remote.s32 $0x1  }
0xc2: {  	_ =	sfence.sel $0xFFFF  }
0xc3: {  	[dreg:$0x0] =	wrdreg $0xFFFFFFFF;
	(pc) =	sbr.abs _section_cstart, $3  }
0xc4: {  	[dreg:$0x1] =	wrdreg $0xFFFFFFFF  }
0xc5: {  	_ =	task.clear_ibuf [dreg:s9], $0x2FFFF;
	_ =	strace $0x9FFFFFFF  }
0xc6: {  	(tm) =	ssettm $0x7FFFFFFF  }
0xc7: {  	_ =	shalt  }
tec
execute0_lowered:
.L_overlay_start_1:
0x0: {  	(tag) =	ssettag $0x1  }
0x1: {  	s1 =	rddreg [dreg:$0x0]  }
0x2: {  	s2 =	rddreg [dreg:$0x1]  }
0x3: {  	s3 =	srdreg.scid;
	s6 =	rddreg [dreg:$0x2]  }
0x4: {  	s0 =	stileid.u32;
	s7 =	rddreg [dreg:$0x3];
	s4 =	simm.s32 $0x0  }
0x5: {  	s11 =	simm.s32 $0x50;
	s12 =	simm.s32 $0x7680;
	s13 =	simm.s32 $0xC680  }
0x6: {  	s14 =	simm.s32 $0x1;
	s15 =	simm.s32 $0x2;
	s16 =	simm.s32 $0x11680  }
0x7: {  	s17 =	simm.s32 $0x4F00;
	s5 =	sand.u32 $0x1, s3;
	s31 =	sshll.u32 s0, $0x1  }
0x8: {  	s18 =	simm.s32 $0x0;
	s3 =	sor.u32 s5, s31;
	s9 =	ssub.s32 $0x2, s5  }
0x9: {  	[smem:$0x7FF] =	sst s4;
	s8 =	smul.u32 $0x4E2, s3;
	s10 =	sshrl.u32 s9, $0x1  }
0xa: {  	s3 =	rddreg [dreg:$0x4];
	_ =	strace $0x80000047;
	s9 =	ssub.s32 s9, s10  }
0xb: {  	v0 =	vlaneseq.u32;
	s10 =	simm.s32 $0x2780;
	s5 =	sadd.s32 s6, s8;
	s7 =	sadd.s32 s7, s8  }
0xc: {  	v41 =	vmul.u32 $0x80, v0;
	s8 =	smax.u32 s9, $0x1;
	s9 =	simm.s32 $0x3;
	s6 =	sadd.s32 $0x9E00, s5  }
.LBB2_1:
0xd: {  	[tilespmem:s4], [sflag:$0x3] =	stream.linear.gather [hbm4b:s6+s4], $0x2710, $0x38;
	[tilespmem:$0x13E80] =	vst v63  }
0xe: {  	_ =	swait.ge [sflag:s9], $0x2710  }
0xf: {  	[sflag:s9] =	ssyncset.done $0x0  }
0x10: {  	[sflag:s9] =	ssyncadd.s32 $0xFFFFD8F0  }
0x11: {  	[tilespmem:s10], [sflag:$0x3] =	stream.linear.gather [hbm4b:s5+s4], $0x2710, $0x38;
	[tilespmem:$0x13E80] =	vst v63  }
0x12: {  	_ =	swait.ge [sflag:s9], $0x2710  }
0x13: {  	[sflag:s9] =	ssyncset.done $0x0  }
0x14: {  	[sflag:s9] =	ssyncadd.s32 $0xFFFFD8F0  }
0x15: {  	[tilespmem:s12], [sflag:$0x1] =	stream.indirect.gather [hbm4b:s1+s11], $0x80, s4, s11, $0xb8;
	[tilespmem:$0x13E80] =	vst v63  }
0x16: {  	s19 =	simm.s32 $0x0  }
0x17: {  	[tilespmem:s13], [sflag:$0x2] =	stream.indirect.gather [hbm4b:s2+s11], $0x80, s10, s11, $0xb8;
	[tilespmem:$0x13E80] =	vst v63  }
.LBB2_3:
0x18: {  	_ =	swait.ge [sflag:s14], $0x2800  }
0x19: {  	s20 =	smov.u32 s19;
	s19 =	sadd.s32 $0x1, s19;
	[sflag:s14] =	ssyncset.done $0x0  }
0x1a: {  	s21 =	sand.u32 $0x1, s19;
	[sflag:s14] =	ssyncadd.s32 $0xFFFFD800  }
0x1b: {  	p0 =	seq.s32 s21, $0x1;
	s21 =	simm.s32 $0x2800;
	_ =	swait.ge [sflag:s15], $0x2800  }
0x1c: {  	s22 =	smul.u32 $0x50, s19;
	s21 =	simm.s32 @!p0 $0x0;
	[sflag:s15] =	ssyncset.done $0x0  }
0x1d: {  	s23 =	sadd.s32 $0x7680, s21;
	[sflag:s15] =	ssyncadd.s32 $0xFFFFD800  }
0x1e: {  	[tilespmem:s23], [sflag:$0x1] =	stream.indirect.gather [hbm4b:s1+s11], $0x80, s22, s11, $0xb8;
	[tilespmem:$0x13E80] =	vst v63  }
0x1f: {  	s29 =	sand.u32 $0x1, s20;
	s21 =	sor.u32 $0xC680, s21;
	s22 =	sadd.s32 $0x2780, s22  }
0x20: {  	[tilespmem:s21], [sflag:$0x2] =	stream.indirect.gather [hbm4b:s2+s11], $0x80, s22, s11, $0xb8;
	[tilespmem:$0x13E80] =	vst v63  }
0x21: {  	p0 =	seq.s32 s29, $0x1;
	s21 =	simm.s32 $0x2800  }
0x22: {  	s21 =	simm.s32 @!p0 $0x0  }
0x23: {  	s20 =	smul.u32 $0x140, s20;
	s30 =	sadd.s32 $0x7680, s21  }
0x24: {  	s21 =	sor.u32 $0xC680, s21;
	v1 =	vmov s30  }
0x25: {  	s20 =	sshra.s32 s20, $0x2;
	v2 =	vmov s21  }
0x26: {  	s31 =	sadd.s32 $0x4F00, s20  }
0x27: {  	s20 =	simm.s32 $0x0;
	v3 =	vmov s31  }
.LBB2_4:
0x28: {  	s21 =	sshll.u32 s20, $0xB  }
0x29: {  	v4 =	vld.idx.msk [tilespmem:v1+s21+$0x0 ss:$0x1], $0xffff  }
0x2a: {  	v5 =	vld.idx.msk [tilespmem:v2+s21+$0x0 ss:$0x1], $0xffff;
	s22 =	sor.u32 $0x10, s21  }
0x2b: {  	v6 =	vld.idx.msk [tilespmem:v1+s22+$0x0 ss:$0x1], $0xffff  }
0x2c: {  	s24 =	sor.u32 $0x20, s21;
	v7 =	vld.idx.msk [tilespmem:v2+s22+$0x0 ss:$0x1], $0xffff  }
0x2d: {  	v8 =	vld.idx.msk [tilespmem:v1+s24+$0x0 ss:$0x1], $0xffff  }
0x2e: {  	s25 =	sor.u32 $0x30, s21;
	v9 =	vld.idx.msk [tilespmem:v2+s24+$0x0 ss:$0x1], $0xffff  }
0x2f: {  	v10 =	vld.idx.msk [tilespmem:v1+s25+$0x0 ss:$0x1], $0xffff  }
0x30: {  	s26 =	sor.u32 $0x40, s21;
	v11 =	vld.idx.msk [tilespmem:v2+s25+$0x0 ss:$0x1], $0xffff  }
0x31: {  	v12 =	vld.idx.msk [tilespmem:v1+s26+$0x0 ss:$0x1], $0xffff  }
0x32: {  	s28 =	sor.u32 $0x50, s21;
	v13 =	vld.idx.msk [tilespmem:v2+s26+$0x0 ss:$0x1], $0xffff  }
0x33: {  	v14 =	vld.idx.msk [tilespmem:v1+s28+$0x0 ss:$0x1], $0xffff  }
0x34: {  	s29 =	sor.u32 $0x60, s21;
	v15 =	vld.idx.msk [tilespmem:v2+s28+$0x0 ss:$0x1], $0xffff  }
0x35: {  	v16 =	vld.idx.msk [tilespmem:v1+s29+$0x0 ss:$0x1], $0xffff  }
0x36: {  	s30 =	sor.u32 $0x70, s21;
	v17 =	vld.idx.msk [tilespmem:v2+s29+$0x0 ss:$0x1], $0xffff  }
0x37: {  	v18 =	vld.idx.msk [tilespmem:v1+s30+$0x0 ss:$0x1], $0xffff  }
0x38: {  	v19 =	vld.idx.msk [tilespmem:v2+s30+$0x0 ss:$0x1], $0xffff;
	_ =	sdelay $0x1  }
0x39: {  	v4 =	vmul.f32 v5, v4;
	v5 =	vmul.f32 v7, v6  }
0x3a: {  	v62 =	vmul.f32 v9, v8;
	v63 =	vmul.f32 v11, v10  }
0x3b: {  	v13 =	vmul.f32 v13, v12;
	v20 =	vmul.f32 v15, v14  }
0x3c: {  	v21 =	vmul.f32 v17, v16;
	v22 =	vmul.f32 v19, v18  }
0x3d: {  	v4 =	vadd.f32 v5, v4;
	v5 =	vadd.f32 v63, v62  }
0x3e: {  	v23 =	vadd.f32 v20, v13;
	v24 =	vadd.f32 v22, v21;
	_ =	sdelay $0x1  }
0x3f: {  	v4 =	vadd.f32 v5, v4;
	v5 =	vadd.f32 v24, v23;
	_ =	sdelay $0x1  }
0x40: {  	v4 =	vadd.f32 v5, v4;
	_ =	sdelay $0x1  }
0x41: {  	s31 =	sor.u32 $0x80, s21;
	[tilespmem:s21+$0x11680] =	vst v4  }
0x42: {  	v4 =	vld.idx.msk [tilespmem:v1+s31+$0x0 ss:$0x1], $0xffff  }
0x43: {  	s23 =	sor.u32 $0x90, s21;
	v5 =	vld.idx.msk [tilespmem:v2+s31+$0x0 ss:$0x1], $0xffff  }
0x44: {  	v25 =	vld.idx.msk [tilespmem:v1+s23+$0x0 ss:$0x1], $0xffff  }
0x45: {  	s24 =	sor.u32 $0xA0, s21;
	v26 =	vld.idx.msk [tilespmem:v2+s23+$0x0 ss:$0x1], $0xffff  }
0x46: {  	v27 =	vld.idx.msk [tilespmem:v1+s24+$0x0 ss:$0x1], $0xffff  }
0x47: {  	s25 =	sor.u32 $0xB0, s21;
	v28 =	vld.idx.msk [tilespmem:v2+s24+$0x0 ss:$0x1], $0xffff  }
0x48: {  	v29 =	vld.idx.msk [tilespmem:v1+s25+$0x0 ss:$0x1], $0xffff  }
0x49: {  	s26 =	sor.u32 $0xC0, s21;
	v30 =	vld.idx.msk [tilespmem:v2+s25+$0x0 ss:$0x1], $0xffff  }
0x4a: {  	v31 =	vld.idx.msk [tilespmem:v1+s26+$0x0 ss:$0x1], $0xffff  }
0x4b: {  	s28 =	sor.u32 $0xD0, s21;
	v32 =	vld.idx.msk [tilespmem:v2+s26+$0x0 ss:$0x1], $0xffff  }
0x4c: {  	v33 =	vld.idx.msk [tilespmem:v1+s28+$0x0 ss:$0x1], $0xffff  }
0x4d: {  	s29 =	sor.u32 $0xE0, s21;
	v34 =	vld.idx.msk [tilespmem:v2+s28+$0x0 ss:$0x1], $0xffff  }
0x4e: {  	v35 =	vld.idx.msk [tilespmem:v1+s29+$0x0 ss:$0x1], $0xffff  }
0x4f: {  	s30 =	sor.u32 $0xF0, s21;
	v36 =	vld.idx.msk [tilespmem:v2+s29+$0x0 ss:$0x1], $0xffff  }
0x50: {  	v37 =	vld.idx.msk [tilespmem:v1+s30+$0x0 ss:$0x1], $0xffff  }
0x51: {  	v38 =	vld.idx.msk [tilespmem:v2+s30+$0x0 ss:$0x1], $0xffff;
	_ =	sdelay $0x1  }
0x52: {  	v4 =	vmul.f32 v5, v4;
	v5 =	vmul.f32 v26, v25  }
0x53: {  	v39 =	vmul.f32 v28, v27;
	v40 =	vmul.f32 v30, v29  }
0x54: {  	v42 =	vmul.f32 v32, v31;
	v43 =	vmul.f32 v34, v33  }
0x55: {  	v44 =	vmul.f32 v36, v35;
	v45 =	vmul.f32 v38, v37  }
0x56: {  	v4 =	vadd.f32 v5, v4;
	v5 =	vadd.f32 v40, v39  }
0x57: {  	v46 =	vadd.f32 v43, v42;
	v47 =	vadd.f32 v45, v44;
	_ =	sdelay $0x1  }
0x58: {  	v4 =	vadd.f32 v5, v4;
	v5 =	vadd.f32 v47, v46;
	_ =	sdelay $0x1  }
0x59: {  	v4 =	vadd.f32 v5, v4;
	_ =	sdelay $0x1  }
0x5a: {  	s31 =	sor.u32 $0x100, s21;
	[tilespmem:s21+$0x11700] =	vst v4  }
0x5b: {  	v4 =	vld.idx.msk [tilespmem:v1+s31+$0x0 ss:$0x1], $0xffff  }
0x5c: {  	s23 =	sor.u32 $0x110, s21;
	v5 =	vld.idx.msk [tilespmem:v2+s31+$0x0 ss:$0x1], $0xffff  }
0x5d: {  	v48 =	vld.idx.msk [tilespmem:v1+s23+$0x0 ss:$0x1], $0xffff  }
0x5e: {  	s24 =	sor.u32 $0x120, s21;
	v49 =	vld.idx.msk [tilespmem:v2+s23+$0x0 ss:$0x1], $0xffff  }
0x5f: {  	v50 =	vld.idx.msk [tilespmem:v1+s24+$0x0 ss:$0x1], $0xffff  }
0x60: {  	s25 =	sor.u32 $0x130, s21;
	v51 =	vld.idx.msk [tilespmem:v2+s24+$0x0 ss:$0x1], $0xffff  }
0x61: {  	v52 =	vld.idx.msk [tilespmem:v1+s25+$0x0 ss:$0x1], $0xffff  }
0x62: {  	s26 =	sor.u32 $0x140, s21;
	v53 =	vld.idx.msk [tilespmem:v2+s25+$0x0 ss:$0x1], $0xffff  }
0x63: {  	v54 =	vld.idx.msk [tilespmem:v1+s26+$0x0 ss:$0x1], $0xffff  }
0x64: {  	s28 =	sor.u32 $0x150, s21;
	v55 =	vld.idx.msk [tilespmem:v2+s26+$0x0 ss:$0x1], $0xffff  }
0x65: {  	v56 =	vld.idx.msk [tilespmem:v1+s28+$0x0 ss:$0x1], $0xffff  }
0x66: {  	s29 =	sor.u32 $0x160, s21;
	v57 =	vld.idx.msk [tilespmem:v2+s28+$0x0 ss:$0x1], $0xffff  }
0x67: {  	v58 =	vld.idx.msk [tilespmem:v1+s29+$0x0 ss:$0x1], $0xffff  }
0x68: {  	s30 =	sor.u32 $0x170, s21;
	v59 =	vld.idx.msk [tilespmem:v2+s29+$0x0 ss:$0x1], $0xffff  }
0x69: {  	v60 =	vld.idx.msk [tilespmem:v1+s30+$0x0 ss:$0x1], $0xffff  }
0x6a: {  	v61 =	vld.idx.msk [tilespmem:v2+s30+$0x0 ss:$0x1], $0xffff;
	_ =	sdelay $0x1  }
0x6b: {  	v4 =	vmul.f32 v5, v4;
	v5 =	vmul.f32 v49, v48  }
0x6c: {  	v62 =	vmul.f32 v51, v50;
	v63 =	vmul.f32 v53, v52  }
0x6d: {  	v13 =	vmul.f32 v55, v54;
	v20 =	vmul.f32 v57, v56  }
0x6e: {  	v21 =	vmul.f32 v59, v58;
	v22 =	vmul.f32 v61, v60  }
0x6f: {  	v4 =	vadd.f32 v5, v4;
	v5 =	vadd.f32 v63, v62  }
0x70: {  	v23 =	vadd.f32 v20, v13;
	v24 =	vadd.f32 v22, v21;
	_ =	sdelay $0x1  }
0x71: {  	v4 =	vadd.f32 v5, v4;
	v5 =	vadd.f32 v24, v23;
	_ =	sdelay $0x1  }
0x72: {  	v4 =	vadd.f32 v5, v4;
	_ =	sdelay $0x1  }
0x73: {  	s31 =	sor.u32 $0x180, s21;
	[tilespmem:s21+$0x11780] =	vst v4  }
0x74: {  	v4 =	vld.idx.msk [tilespmem:v1+s31+$0x0 ss:$0x1], $0xffff  }
0x75: {  	s23 =	sor.u32 $0x190, s21;
	v5 =	vld.idx.msk [tilespmem:v2+s31+$0x0 ss:$0x1], $0xffff  }
0x76: {  	v25 =	vld.idx.msk [tilespmem:v1+s23+$0x0 ss:$0x1], $0xffff  }
0x77: {  	s24 =	sor.u32 $0x1A0, s21;
	v26 =	vld.idx.msk [tilespmem:v2+s23+$0x0 ss:$0x1], $0xffff  }
0x78: {  	v27 =	vld.idx.msk [tilespmem:v1+s24+$0x0 ss:$0x1], $0xffff  }
0x79: {  	s25 =	sor.u32 $0x1B0, s21;
	v28 =	vld.idx.msk [tilespmem:v2+s24+$0x0 ss:$0x1], $0xffff  }
0x7a: {  	v29 =	vld.idx.msk [tilespmem:v1+s25+$0x0 ss:$0x1], $0xffff  }
0x7b: {  	s26 =	sor.u32 $0x1C0, s21;
	v30 =	vld.idx.msk [tilespmem:v2+s25+$0x0 ss:$0x1], $0xffff  }
0x7c: {  	v31 =	vld.idx.msk [tilespmem:v1+s26+$0x0 ss:$0x1], $0xffff  }
0x7d: {  	s28 =	sor.u32 $0x1D0, s21;
	v32 =	vld.idx.msk [tilespmem:v2+s26+$0x0 ss:$0x1], $0xffff  }
0x7e: {  	v33 =	vld.idx.msk [tilespmem:v1+s28+$0x0 ss:$0x1], $0xffff  }
0x7f: {  	s29 =	sor.u32 $0x1E0, s21;
	v34 =	vld.idx.msk [tilespmem:v2+s28+$0x0 ss:$0x1], $0xffff  }
0x80: {  	v35 =	vld.idx.msk [tilespmem:v1+s29+$0x0 ss:$0x1], $0xffff  }
0x81: {  	s30 =	sor.u32 $0x1F0, s21;
	v36 =	vld.idx.msk [tilespmem:v2+s29+$0x0 ss:$0x1], $0xffff  }
0x82: {  	v37 =	vld.idx.msk [tilespmem:v1+s30+$0x0 ss:$0x1], $0xffff  }
0x83: {  	v38 =	vld.idx.msk [tilespmem:v2+s30+$0x0 ss:$0x1], $0xffff;
	_ =	sdelay $0x1  }
0x84: {  	v4 =	vmul.f32 v5, v4;
	v5 =	vmul.f32 v26, v25  }
0x85: {  	v39 =	vmul.f32 v28, v27;
	v40 =	vmul.f32 v30, v29  }
0x86: {  	v42 =	vmul.f32 v32, v31;
	v43 =	vmul.f32 v34, v33  }
0x87: {  	v44 =	vmul.f32 v36, v35;
	v45 =	vmul.f32 v38, v37  }
0x88: {  	v4 =	vadd.f32 v5, v4;
	v5 =	vadd.f32 v40, v39  }
0x89: {  	v46 =	vadd.f32 v43, v42;
	v47 =	vadd.f32 v45, v44;
	_ =	sdelay $0x1  }
0x8a: {  	v4 =	vadd.f32 v5, v4;
	v5 =	vadd.f32 v47, v46;
	_ =	sdelay $0x1  }
0x8b: {  	v4 =	vadd.f32 v5, v4;
	_ =	sdelay $0x1  }
0x8c: {  	s31 =	sor.u32 $0x200, s21;
	[tilespmem:s21+$0x11800] =	vst v4  }
0x8d: {  	v4 =	vld.idx.msk [tilespmem:v1+s31+$0x0 ss:$0x1], $0xffff  }
0x8e: {  	s23 =	sor.u32 $0x210, s21;
	v5 =	vld.idx.msk [tilespmem:v2+s31+$0x0 ss:$0x1], $0xffff  }
0x8f: {  	v48 =	vld.idx.msk [tilespmem:v1+s23+$0x0 ss:$0x1], $0xffff  }
0x90: {  	s24 =	sor.u32 $0x220, s21;
	v49 =	vld.idx.msk [tilespmem:v2+s23+$0x0 ss:$0x1], $0xffff  }
0x91: {  	v50 =	vld.idx.msk [tilespmem:v1+s24+$0x0 ss:$0x1], $0xffff  }
0x92: {  	s25 =	sor.u32 $0x230, s21;
	v51 =	vld.idx.msk [tilespmem:v2+s24+$0x0 ss:$0x1], $0xffff  }
0x93: {  	v52 =	vld.idx.msk [tilespmem:v1+s25+$0x0 ss:$0x1], $0xffff  }
0x94: {  	s26 =	sor.u32 $0x240, s21;
	v53 =	vld.idx.msk [tilespmem:v2+s25+$0x0 ss:$0x1], $0xffff  }
0x95: {  	v54 =	vld.idx.msk [tilespmem:v1+s26+$0x0 ss:$0x1], $0xffff  }
0x96: {  	s28 =	sor.u32 $0x250, s21;
	v55 =	vld.idx.msk [tilespmem:v2+s26+$0x0 ss:$0x1], $0xffff  }
0x97: {  	v56 =	vld.idx.msk [tilespmem:v1+s28+$0x0 ss:$0x1], $0xffff  }
0x98: {  	s29 =	sor.u32 $0x260, s21;
	v57 =	vld.idx.msk [tilespmem:v2+s28+$0x0 ss:$0x1], $0xffff  }
0x99: {  	v58 =	vld.idx.msk [tilespmem:v1+s29+$0x0 ss:$0x1], $0xffff  }
0x9a: {  	s30 =	sor.u32 $0x270, s21;
	v59 =	vld.idx.msk [tilespmem:v2+s29+$0x0 ss:$0x1], $0xffff  }
0x9b: {  	v60 =	vld.idx.msk [tilespmem:v1+s30+$0x0 ss:$0x1], $0xffff  }
0x9c: {  	v61 =	vld.idx.msk [tilespmem:v2+s30+$0x0 ss:$0x1], $0xffff;
	_ =	sdelay $0x1  }
0x9d: {  	v4 =	vmul.f32 v5, v4;
	v5 =	vmul.f32 v49, v48  }
0x9e: {  	v62 =	vmul.f32 v51, v50;
	v63 =	vmul.f32 v53, v52  }
0x9f: {  	v13 =	vmul.f32 v55, v54;
	v20 =	vmul.f32 v57, v56  }
0xa0: {  	v21 =	vmul.f32 v59, v58;
	v22 =	vmul.f32 v61, v60  }
0xa1: {  	v4 =	vadd.f32 v5, v4;
	v5 =	vadd.f32 v63, v62  }
0xa2: {  	v23 =	vadd.f32 v20, v13;
	v24 =	vadd.f32 v22, v21;
	_ =	sdelay $0x1  }
0xa3: {  	v4 =	vadd.f32 v5, v4;
	v5 =	vadd.f32 v24, v23;
	_ =	sdelay $0x1  }
0xa4: {  	v4 =	vadd.f32 v5, v4;
	_ =	sdelay $0x1  }
0xa5: {  	s31 =	sor.u32 $0x280, s21;
	[tilespmem:s21+$0x11880] =	vst v4  }
0xa6: {  	v4 =	vld.idx.msk [tilespmem:v1+s31+$0x0 ss:$0x1], $0xffff  }
0xa7: {  	s23 =	sor.u32 $0x290, s21;
	v5 =	vld.idx.msk [tilespmem:v2+s31+$0x0 ss:$0x1], $0xffff  }
0xa8: {  	v25 =	vld.idx.msk [tilespmem:v1+s23+$0x0 ss:$0x1], $0xffff  }
0xa9: {  	s24 =	sor.u32 $0x2A0, s21;
	v26 =	vld.idx.msk [tilespmem:v2+s23+$0x0 ss:$0x1], $0xffff  }
0xaa: {  	v27 =	vld.idx.msk [tilespmem:v1+s24+$0x0 ss:$0x1], $0xffff  }
0xab: {  	s25 =	sor.u32 $0x2B0, s21;
	v28 =	vld.idx.msk [tilespmem:v2+s24+$0x0 ss:$0x1], $0xffff  }
0xac: {  	v29 =	vld.idx.msk [tilespmem:v1+s25+$0x0 ss:$0x1], $0xffff  }
0xad: {  	s26 =	sor.u32 $0x2C0, s21;
	v30 =	vld.idx.msk [tilespmem:v2+s25+$0x0 ss:$0x1], $0xffff  }
0xae: {  	v31 =	vld.idx.msk [tilespmem:v1+s26+$0x0 ss:$0x1], $0xffff  }
0xaf: {  	s28 =	sor.u32 $0x2D0, s21;
	v32 =	vld.idx.msk [tilespmem:v2+s26+$0x0 ss:$0x1], $0xffff  }
0xb0: {  	v33 =	vld.idx.msk [tilespmem:v1+s28+$0x0 ss:$0x1], $0xffff  }
0xb1: {  	s29 =	sor.u32 $0x2E0, s21;
	v34 =	vld.idx.msk [tilespmem:v2+s28+$0x0 ss:$0x1], $0xffff  }
0xb2: {  	v35 =	vld.idx.msk [tilespmem:v1+s29+$0x0 ss:$0x1], $0xffff  }
0xb3: {  	s30 =	sor.u32 $0x2F0, s21;
	v36 =	vld.idx.msk [tilespmem:v2+s29+$0x0 ss:$0x1], $0xffff  }
0xb4: {  	v37 =	vld.idx.msk [tilespmem:v1+s30+$0x0 ss:$0x1], $0xffff  }
0xb5: {  	v38 =	vld.idx.msk [tilespmem:v2+s30+$0x0 ss:$0x1], $0xffff;
	_ =	sdelay $0x1  }
0xb6: {  	v4 =	vmul.f32 v5, v4;
	v5 =	vmul.f32 v26, v25  }
0xb7: {  	v39 =	vmul.f32 v28, v27;
	v40 =	vmul.f32 v30, v29  }
0xb8: {  	v42 =	vmul.f32 v32, v31;
	v43 =	vmul.f32 v34, v33  }
0xb9: {  	v44 =	vmul.f32 v36, v35;
	v45 =	vmul.f32 v38, v37  }
0xba: {  	v4 =	vadd.f32 v5, v4;
	v5 =	vadd.f32 v40, v39  }
0xbb: {  	v46 =	vadd.f32 v43, v42;
	v47 =	vadd.f32 v45, v44;
	_ =	sdelay $0x1  }
0xbc: {  	v4 =	vadd.f32 v5, v4;
	v5 =	vadd.f32 v47, v46;
	_ =	sdelay $0x1  }
0xbd: {  	v4 =	vadd.f32 v5, v4;
	_ =	sdelay $0x1  }
0xbe: {  	s31 =	sor.u32 $0x300, s21;
	[tilespmem:s21+$0x11900] =	vst v4  }
0xbf: {  	v4 =	vld.idx.msk [tilespmem:v1+s31+$0x0 ss:$0x1], $0xffff  }
0xc0: {  	s23 =	sor.u32 $0x310, s21;
	v5 =	vld.idx.msk [tilespmem:v2+s31+$0x0 ss:$0x1], $0xffff  }
0xc1: {  	v48 =	vld.idx.msk [tilespmem:v1+s23+$0x0 ss:$0x1], $0xffff  }
0xc2: {  	s24 =	sor.u32 $0x320, s21;
	v49 =	vld.idx.msk [tilespmem:v2+s23+$0x0 ss:$0x1], $0xffff  }
0xc3: {  	v50 =	vld.idx.msk [tilespmem:v1+s24+$0x0 ss:$0x1], $0xffff  }
0xc4: {  	s25 =	sor.u32 $0x330, s21;
	v51 =	vld.idx.msk [tilespmem:v2+s24+$0x0 ss:$0x1], $0xffff  }
0xc5: {  	v52 =	vld.idx.msk [tilespmem:v1+s25+$0x0 ss:$0x1], $0xffff  }
0xc6: {  	s26 =	sor.u32 $0x340, s21;
	v53 =	vld.idx.msk [tilespmem:v2+s25+$0x0 ss:$0x1], $0xffff  }
0xc7: {  	v54 =	vld.idx.msk [tilespmem:v1+s26+$0x0 ss:$0x1], $0xffff  }
0xc8: {  	s28 =	sor.u32 $0x350, s21;
	v55 =	vld.idx.msk [tilespmem:v2+s26+$0x0 ss:$0x1], $0xffff  }
0xc9: {  	v56 =	vld.idx.msk [tilespmem:v1+s28+$0x0 ss:$0x1], $0xffff  }
0xca: {  	s29 =	sor.u32 $0x360, s21;
	v57 =	vld.idx.msk [tilespmem:v2+s28+$0x0 ss:$0x1], $0xffff  }
0xcb: {  	v58 =	vld.idx.msk [tilespmem:v1+s29+$0x0 ss:$0x1], $0xffff  }
0xcc: {  	s30 =	sor.u32 $0x370, s21;
	v59 =	vld.idx.msk [tilespmem:v2+s29+$0x0 ss:$0x1], $0xffff  }
0xcd: {  	v60 =	vld.idx.msk [tilespmem:v1+s30+$0x0 ss:$0x1], $0xffff  }
0xce: {  	v61 =	vld.idx.msk [tilespmem:v2+s30+$0x0 ss:$0x1], $0xffff;
	_ =	sdelay $0x1  }
0xcf: {  	v4 =	vmul.f32 v5, v4;
	v5 =	vmul.f32 v49, v48  }
0xd0: {  	v62 =	vmul.f32 v51, v50;
	v63 =	vmul.f32 v53, v52  }
0xd1: {  	v13 =	vmul.f32 v55, v54;
	v20 =	vmul.f32 v57, v56  }
0xd2: {  	v21 =	vmul.f32 v59, v58;
	v22 =	vmul.f32 v61, v60  }
0xd3: {  	v4 =	vadd.f32 v5, v4;
	v5 =	vadd.f32 v63, v62  }
0xd4: {  	v23 =	vadd.f32 v20, v13;
	v24 =	vadd.f32 v22, v21;
	_ =	sdelay $0x1  }
0xd5: {  	v4 =	vadd.f32 v5, v4;
	v5 =	vadd.f32 v24, v23;
	_ =	sdelay $0x1  }
0xd6: {  	v4 =	vadd.f32 v5, v4;
	_ =	sdelay $0x1  }
0xd7: {  	s31 =	sor.u32 $0x380, s21;
	[tilespmem:s21+$0x11980] =	vst v4  }
0xd8: {  	v4 =	vld.idx.msk [tilespmem:v1+s31+$0x0 ss:$0x1], $0xffff  }
0xd9: {  	s23 =	sor.u32 $0x390, s21;
	v5 =	vld.idx.msk [tilespmem:v2+s31+$0x0 ss:$0x1], $0xffff  }
0xda: {  	v25 =	vld.idx.msk [tilespmem:v1+s23+$0x0 ss:$0x1], $0xffff  }
0xdb: {  	s24 =	sor.u32 $0x3A0, s21;
	v26 =	vld.idx.msk [tilespmem:v2+s23+$0x0 ss:$0x1], $0xffff  }
0xdc: {  	v27 =	vld.idx.msk [tilespmem:v1+s24+$0x0 ss:$0x1], $0xffff  }
0xdd: {  	s25 =	sor.u32 $0x3B0, s21;
	v28 =	vld.idx.msk [tilespmem:v2+s24+$0x0 ss:$0x1], $0xffff  }
0xde: {  	v29 =	vld.idx.msk [tilespmem:v1+s25+$0x0 ss:$0x1], $0xffff  }
0xdf: {  	s26 =	sor.u32 $0x3C0, s21;
	v30 =	vld.idx.msk [tilespmem:v2+s25+$0x0 ss:$0x1], $0xffff  }
0xe0: {  	v31 =	vld.idx.msk [tilespmem:v1+s26+$0x0 ss:$0x1], $0xffff  }
0xe1: {  	s28 =	sor.u32 $0x3D0, s21;
	v32 =	vld.idx.msk [tilespmem:v2+s26+$0x0 ss:$0x1], $0xffff  }
0xe2: {  	v33 =	vld.idx.msk [tilespmem:v1+s28+$0x0 ss:$0x1], $0xffff  }
0xe3: {  	s29 =	sor.u32 $0x3E0, s21;
	v34 =	vld.idx.msk [tilespmem:v2+s28+$0x0 ss:$0x1], $0xffff  }
0xe4: {  	v35 =	vld.idx.msk [tilespmem:v1+s29+$0x0 ss:$0x1], $0xffff  }
0xe5: {  	s30 =	sor.u32 $0x3F0, s21;
	v36 =	vld.idx.msk [tilespmem:v2+s29+$0x0 ss:$0x1], $0xffff  }
0xe6: {  	v37 =	vld.idx.msk [tilespmem:v1+s30+$0x0 ss:$0x1], $0xffff  }
0xe7: {  	v38 =	vld.idx.msk [tilespmem:v2+s30+$0x0 ss:$0x1], $0xffff;
	_ =	sdelay $0x1  }
0xe8: {  	v4 =	vmul.f32 v5, v4;
	v5 =	vmul.f32 v26, v25  }
0xe9: {  	v39 =	vmul.f32 v28, v27;
	v40 =	vmul.f32 v30, v29  }
0xea: {  	v42 =	vmul.f32 v32, v31;
	v43 =	vmul.f32 v34, v33  }
0xeb: {  	v44 =	vmul.f32 v36, v35;
	v45 =	vmul.f32 v38, v37  }
0xec: {  	v4 =	vadd.f32 v5, v4;
	v5 =	vadd.f32 v40, v39  }
0xed: {  	v46 =	vadd.f32 v43, v42;
	v47 =	vadd.f32 v45, v44;
	_ =	sdelay $0x1  }
0xee: {  	v4 =	vadd.f32 v5, v4;
	v5 =	vadd.f32 v47, v46;
	_ =	sdelay $0x1  }
0xef: {  	v4 =	vadd.f32 v5, v4;
	_ =	sdelay $0x1  }
0xf0: {  	s31 =	sor.u32 $0x400, s21;
	[tilespmem:s21+$0x11A00] =	vst v4  }
0xf1: {  	v4 =	vld.idx.msk [tilespmem:v1+s31+$0x0 ss:$0x1], $0xffff  }
0xf2: {  	s23 =	sor.u32 $0x410, s21;
	v5 =	vld.idx.msk [tilespmem:v2+s31+$0x0 ss:$0x1], $0xffff  }
0xf3: {  	v48 =	vld.idx.msk [tilespmem:v1+s23+$0x0 ss:$0x1], $0xffff  }
0xf4: {  	s24 =	sor.u32 $0x420, s21;
	v49 =	vld.idx.msk [tilespmem:v2+s23+$0x0 ss:$0x1], $0xffff  }
0xf5: {  	v50 =	vld.idx.msk [tilespmem:v1+s24+$0x0 ss:$0x1], $0xffff  }
0xf6: {  	s25 =	sor.u32 $0x430, s21;
	v51 =	vld.idx.msk [tilespmem:v2+s24+$0x0 ss:$0x1], $0xffff  }
0xf7: {  	v52 =	vld.idx.msk [tilespmem:v1+s25+$0x0 ss:$0x1], $0xffff  }
0xf8: {  	s26 =	sor.u32 $0x440, s21;
	v53 =	vld.idx.msk [tilespmem:v2+s25+$0x0 ss:$0x1], $0xffff  }
0xf9: {  	v54 =	vld.idx.msk [tilespmem:v1+s26+$0x0 ss:$0x1], $0xffff  }
0xfa: {  	s28 =	sor.u32 $0x450, s21;
	v55 =	vld.idx.msk [tilespmem:v2+s26+$0x0 ss:$0x1], $0xffff  }
0xfb: {  	v56 =	vld.idx.msk [tilespmem:v1+s28+$0x0 ss:$0x1], $0xffff  }
0xfc: {  	s29 =	sor.u32 $0x460, s21;
	v57 =	vld.idx.msk [tilespmem:v2+s28+$0x0 ss:$0x1], $0xffff  }
0xfd: {  	v58 =	vld.idx.msk [tilespmem:v1+s29+$0x0 ss:$0x1], $0xffff  }
0xfe: {  	s30 =	sor.u32 $0x470, s21;
	v59 =	vld.idx.msk [tilespmem:v2+s29+$0x0 ss:$0x1], $0xffff  }
0xff: {  	v60 =	vld.idx.msk [tilespmem:v1+s30+$0x0 ss:$0x1], $0xffff  }
0x100: {  	v61 =	vld.idx.msk [tilespmem:v2+s30+$0x0 ss:$0x1], $0xffff;
	_ =	sdelay $0x1  }
0x101: {  	v4 =	vmul.f32 v5, v4;
	v5 =	vmul.f32 v49, v48  }
0x102: {  	v62 =	vmul.f32 v51, v50;
	v63 =	vmul.f32 v53, v52  }
0x103: {  	v13 =	vmul.f32 v55, v54;
	v20 =	vmul.f32 v57, v56  }
0x104: {  	v21 =	vmul.f32 v59, v58;
	v22 =	vmul.f32 v61, v60  }
0x105: {  	v4 =	vadd.f32 v5, v4;
	v5 =	vadd.f32 v63, v62  }
0x106: {  	v23 =	vadd.f32 v20, v13;
	v24 =	vadd.f32 v22, v21;
	_ =	sdelay $0x1  }
0x107: {  	v4 =	vadd.f32 v5, v4;
	v5 =	vadd.f32 v24, v23;
	_ =	sdelay $0x1  }
0x108: {  	v4 =	vadd.f32 v5, v4;
	_ =	sdelay $0x1  }
0x109: {  	s31 =	sor.u32 $0x480, s21;
	[tilespmem:s21+$0x11A80] =	vst v4  }
0x10a: {  	v4 =	vld.idx.msk [tilespmem:v1+s31+$0x0 ss:$0x1], $0xffff  }
0x10b: {  	s23 =	sor.u32 $0x490, s21;
	v5 =	vld.idx.msk [tilespmem:v2+s31+$0x0 ss:$0x1], $0xffff  }
0x10c: {  	v25 =	vld.idx.msk [tilespmem:v1+s23+$0x0 ss:$0x1], $0xffff  }
0x10d: {  	s24 =	sor.u32 $0x4A0, s21;
	v26 =	vld.idx.msk [tilespmem:v2+s23+$0x0 ss:$0x1], $0xffff  }
0x10e: {  	v27 =	vld.idx.msk [tilespmem:v1+s24+$0x0 ss:$0x1], $0xffff  }
0x10f: {  	s25 =	sor.u32 $0x4B0, s21;
	v28 =	vld.idx.msk [tilespmem:v2+s24+$0x0 ss:$0x1], $0xffff  }
0x110: {  	v29 =	vld.idx.msk [tilespmem:v1+s25+$0x0 ss:$0x1], $0xffff  }
0x111: {  	s26 =	sor.u32 $0x4C0, s21;
	v30 =	vld.idx.msk [tilespmem:v2+s25+$0x0 ss:$0x1], $0xffff  }
0x112: {  	v31 =	vld.idx.msk [tilespmem:v1+s26+$0x0 ss:$0x1], $0xffff  }
0x113: {  	s28 =	sor.u32 $0x4D0, s21;
	v32 =	vld.idx.msk [tilespmem:v2+s26+$0x0 ss:$0x1], $0xffff  }
0x114: {  	v33 =	vld.idx.msk [tilespmem:v1+s28+$0x0 ss:$0x1], $0xffff  }
0x115: {  	s29 =	sor.u32 $0x4E0, s21;
	v34 =	vld.idx.msk [tilespmem:v2+s28+$0x0 ss:$0x1], $0xffff  }
0x116: {  	v35 =	vld.idx.msk [tilespmem:v1+s29+$0x0 ss:$0x1], $0xffff  }
0x117: {  	s30 =	sor.u32 $0x4F0, s21;
	v36 =	vld.idx.msk [tilespmem:v2+s29+$0x0 ss:$0x1], $0xffff  }
0x118: {  	v37 =	vld.idx.msk [tilespmem:v1+s30+$0x0 ss:$0x1], $0xffff  }
0x119: {  	v38 =	vld.idx.msk [tilespmem:v2+s30+$0x0 ss:$0x1], $0xffff;
	_ =	sdelay $0x1  }
0x11a: {  	v4 =	vmul.f32 v5, v4;
	v5 =	vmul.f32 v26, v25  }
0x11b: {  	v39 =	vmul.f32 v28, v27;
	v40 =	vmul.f32 v30, v29  }
0x11c: {  	v42 =	vmul.f32 v32, v31;
	v43 =	vmul.f32 v34, v33  }
0x11d: {  	v44 =	vmul.f32 v36, v35;
	v45 =	vmul.f32 v38, v37  }
0x11e: {  	v4 =	vadd.f32 v5, v4;
	v5 =	vadd.f32 v40, v39  }
0x11f: {  	v46 =	vadd.f32 v43, v42;
	v47 =	vadd.f32 v45, v44;
	_ =	sdelay $0x1  }
0x120: {  	v4 =	vadd.f32 v5, v4;
	v5 =	vadd.f32 v47, v46;
	_ =	sdelay $0x1  }
0x121: {  	v4 =	vadd.f32 v5, v4;
	_ =	sdelay $0x1  }
0x122: {  	s31 =	sor.u32 $0x500, s21;
	[tilespmem:s21+$0x11B00] =	vst v4  }
0x123: {  	v4 =	vld.idx.msk [tilespmem:v1+s31+$0x0 ss:$0x1], $0xffff  }
0x124: {  	s23 =	sor.u32 $0x510, s21;
	v5 =	vld.idx.msk [tilespmem:v2+s31+$0x0 ss:$0x1], $0xffff  }
0x125: {  	v48 =	vld.idx.msk [tilespmem:v1+s23+$0x0 ss:$0x1], $0xffff  }
0x126: {  	s24 =	sor.u32 $0x520, s21;
	v49 =	vld.idx.msk [tilespmem:v2+s23+$0x0 ss:$0x1], $0xffff  }
0x127: {  	v50 =	vld.idx.msk [tilespmem:v1+s24+$0x0 ss:$0x1], $0xffff  }
0x128: {  	s25 =	sor.u32 $0x530, s21;
	v51 =	vld.idx.msk [tilespmem:v2+s24+$0x0 ss:$0x1], $0xffff  }
0x129: {  	v52 =	vld.idx.msk [tilespmem:v1+s25+$0x0 ss:$0x1], $0xffff  }
0x12a: {  	s26 =	sor.u32 $0x540, s21;
	v53 =	vld.idx.msk [tilespmem:v2+s25+$0x0 ss:$0x1], $0xffff  }
0x12b: {  	v54 =	vld.idx.msk [tilespmem:v1+s26+$0x0 ss:$0x1], $0xffff  }
0x12c: {  	s28 =	sor.u32 $0x550, s21;
	v55 =	vld.idx.msk [tilespmem:v2+s26+$0x0 ss:$0x1], $0xffff  }
0x12d: {  	v56 =	vld.idx.msk [tilespmem:v1+s28+$0x0 ss:$0x1], $0xffff  }
0x12e: {  	s29 =	sor.u32 $0x560, s21;
	v57 =	vld.idx.msk [tilespmem:v2+s28+$0x0 ss:$0x1], $0xffff  }
0x12f: {  	v58 =	vld.idx.msk [tilespmem:v1+s29+$0x0 ss:$0x1], $0xffff  }
0x130: {  	s30 =	sor.u32 $0x570, s21;
	v59 =	vld.idx.msk [tilespmem:v2+s29+$0x0 ss:$0x1], $0xffff  }
0x131: {  	v60 =	vld.idx.msk [tilespmem:v1+s30+$0x0 ss:$0x1], $0xffff  }
0x132: {  	v61 =	vld.idx.msk [tilespmem:v2+s30+$0x0 ss:$0x1], $0xffff;
	_ =	sdelay $0x1  }
0x133: {  	v4 =	vmul.f32 v5, v4;
	v5 =	vmul.f32 v49, v48  }
0x134: {  	v62 =	vmul.f32 v51, v50;
	v63 =	vmul.f32 v53, v52  }
0x135: {  	v20 =	vmul.f32 v55, v54;
	v21 =	vmul.f32 v57, v56  }
0x136: {  	v22 =	vmul.f32 v59, v58;
	v23 =	vmul.f32 v61, v60  }
0x137: {  	v4 =	vadd.f32 v5, v4;
	v5 =	vadd.f32 v63, v62  }
0x138: {  	v24 =	vadd.f32 v21, v20;
	v25 =	vadd.f32 v23, v22;
	_ =	sdelay $0x1  }
0x139: {  	v4 =	vadd.f32 v5, v4;
	v5 =	vadd.f32 v25, v24;
	_ =	sdelay $0x1  }
0x13a: {  	v4 =	vadd.f32 v5, v4;
	_ =	sdelay $0x1  }
0x13b: {  	s31 =	sor.u32 $0x580, s21;
	[tilespmem:s21+$0x11B80] =	vst v4  }
0x13c: {  	v4 =	vld.idx.msk [tilespmem:v1+s31+$0x0 ss:$0x1], $0xffff  }
0x13d: {  	s23 =	sor.u32 $0x590, s21;
	v5 =	vld.idx.msk [tilespmem:v2+s31+$0x0 ss:$0x1], $0xffff  }
0x13e: {  	v26 =	vld.idx.msk [tilespmem:v1+s23+$0x0 ss:$0x1], $0xffff  }
0x13f: {  	s24 =	sor.u32 $0x5A0, s21;
	v27 =	vld.idx.msk [tilespmem:v2+s23+$0x0 ss:$0x1], $0xffff  }
0x140: {  	v28 =	vld.idx.msk [tilespmem:v1+s24+$0x0 ss:$0x1], $0xffff  }
0x141: {  	s25 =	sor.u32 $0x5B0, s21;
	v29 =	vld.idx.msk [tilespmem:v2+s24+$0x0 ss:$0x1], $0xffff  }
0x142: {  	v30 =	vld.idx.msk [tilespmem:v1+s25+$0x0 ss:$0x1], $0xffff  }
0x143: {  	s26 =	sor.u32 $0x5C0, s21;
	v31 =	vld.idx.msk [tilespmem:v2+s25+$0x0 ss:$0x1], $0xffff  }
0x144: {  	v32 =	vld.idx.msk [tilespmem:v1+s26+$0x0 ss:$0x1], $0xffff  }
0x145: {  	s28 =	sor.u32 $0x5D0, s21;
	v33 =	vld.idx.msk [tilespmem:v2+s26+$0x0 ss:$0x1], $0xffff  }
0x146: {  	v34 =	vld.idx.msk [tilespmem:v1+s28+$0x0 ss:$0x1], $0xffff  }
0x147: {  	s29 =	sor.u32 $0x5E0, s21;
	v35 =	vld.idx.msk [tilespmem:v2+s28+$0x0 ss:$0x1], $0xffff  }
0x148: {  	v36 =	vld.idx.msk [tilespmem:v1+s29+$0x0 ss:$0x1], $0xffff  }
0x149: {  	s30 =	sor.u32 $0x5F0, s21;
	v37 =	vld.idx.msk [tilespmem:v2+s29+$0x0 ss:$0x1], $0xffff  }
0x14a: {  	v38 =	vld.idx.msk [tilespmem:v1+s30+$0x0 ss:$0x1], $0xffff  }
0x14b: {  	v39 =	vld.idx.msk [tilespmem:v2+s30+$0x0 ss:$0x1], $0xffff;
	_ =	sdelay $0x1  }
0x14c: {  	v4 =	vmul.f32 v5, v4;
	v5 =	vmul.f32 v27, v26  }
0x14d: {  	v40 =	vmul.f32 v29, v28;
	v42 =	vmul.f32 v31, v30  }
0x14e: {  	v43 =	vmul.f32 v33, v32;
	v44 =	vmul.f32 v35, v34  }
0x14f: {  	v45 =	vmul.f32 v37, v36;
	v46 =	vmul.f32 v39, v38  }
0x150: {  	v4 =	vadd.f32 v5, v4;
	v5 =	vadd.f32 v42, v40  }
0x151: {  	v47 =	vadd.f32 v44, v43;
	v48 =	vadd.f32 v46, v45;
	_ =	sdelay $0x1  }
0x152: {  	v4 =	vadd.f32 v5, v4;
	v5 =	vadd.f32 v48, v47;
	_ =	sdelay $0x1  }
0x153: {  	v4 =	vadd.f32 v5, v4;
	_ =	sdelay $0x1  }
0x154: {  	s31 =	sor.u32 $0x600, s21;
	[tilespmem:s21+$0x11C00] =	vst v4  }
0x155: {  	v4 =	vld.idx.msk [tilespmem:v1+s31+$0x0 ss:$0x1], $0xffff  }
0x156: {  	s23 =	sor.u32 $0x610, s21;
	v5 =	vld.idx.msk [tilespmem:v2+s31+$0x0 ss:$0x1], $0xffff  }
0x157: {  	v49 =	vld.idx.msk [tilespmem:v1+s23+$0x0 ss:$0x1], $0xffff  }
0x158: {  	s24 =	sor.u32 $0x620, s21;
	v50 =	vld.idx.msk [tilespmem:v2+s23+$0x0 ss:$0x1], $0xffff  }
0x159: {  	v51 =	vld.idx.msk [tilespmem:v1+s24+$0x0 ss:$0x1], $0xffff  }
0x15a: {  	s25 =	sor.u32 $0x630, s21;
	v52 =	vld.idx.msk [tilespmem:v2+s24+$0x0 ss:$0x1], $0xffff  }
0x15b: {  	v53 =	vld.idx.msk [tilespmem:v1+s25+$0x0 ss:$0x1], $0xffff  }
0x15c: {  	s26 =	sor.u32 $0x640, s21;
	v54 =	vld.idx.msk [tilespmem:v2+s25+$0x0 ss:$0x1], $0xffff  }
0x15d: {  	v55 =	vld.idx.msk [tilespmem:v1+s26+$0x0 ss:$0x1], $0xffff  }
0x15e: {  	s28 =	sor.u32 $0x650, s21;
	v56 =	vld.idx.msk [tilespmem:v2+s26+$0x0 ss:$0x1], $0xffff  }
0x15f: {  	v57 =	vld.idx.msk [tilespmem:v1+s28+$0x0 ss:$0x1], $0xffff  }
0x160: {  	s29 =	sor.u32 $0x660, s21;
	v58 =	vld.idx.msk [tilespmem:v2+s28+$0x0 ss:$0x1], $0xffff  }
0x161: {  	v59 =	vld.idx.msk [tilespmem:v1+s29+$0x0 ss:$0x1], $0xffff  }
0x162: {  	s30 =	sor.u32 $0x670, s21;
	v60 =	vld.idx.msk [tilespmem:v2+s29+$0x0 ss:$0x1], $0xffff  }
0x163: {  	v61 =	vld.idx.msk [tilespmem:v1+s30+$0x0 ss:$0x1], $0xffff  }
0x164: {  	v62 =	vld.idx.msk [tilespmem:v2+s30+$0x0 ss:$0x1], $0xffff;
	_ =	sdelay $0x1  }
0x165: {  	v4 =	vmul.f32 v5, v4;
	v5 =	vmul.f32 v50, v49  }
0x166: {  	v63 =	vmul.f32 v52, v51;
	v20 =	vmul.f32 v54, v53  }
0x167: {  	v21 =	vmul.f32 v56, v55;
	v22 =	vmul.f32 v58, v57  }
0x168: {  	v23 =	vmul.f32 v60, v59;
	v24 =	vmul.f32 v62, v61  }
0x169: {  	v4 =	vadd.f32 v5, v4;
	v5 =	vadd.f32 v20, v63  }
0x16a: {  	v25 =	vadd.f32 v22, v21;
	v26 =	vadd.f32 v24, v23;
	_ =	sdelay $0x1  }
0x16b: {  	v4 =	vadd.f32 v5, v4;
	v5 =	vadd.f32 v26, v25;
	_ =	sdelay $0x1  }
0x16c: {  	v4 =	vadd.f32 v5, v4;
	_ =	sdelay $0x1  }
0x16d: {  	s31 =	sor.u32 $0x680, s21;
	[tilespmem:s21+$0x11C80] =	vst v4  }
0x16e: {  	v4 =	vld.idx.msk [tilespmem:v1+s31+$0x0 ss:$0x1], $0xffff  }
0x16f: {  	s23 =	sor.u32 $0x690, s21;
	v5 =	vld.idx.msk [tilespmem:v2+s31+$0x0 ss:$0x1], $0xffff  }
0x170: {  	v27 =	vld.idx.msk [tilespmem:v1+s23+$0x0 ss:$0x1], $0xffff  }
0x171: {  	s24 =	sor.u32 $0x6A0, s21;
	v28 =	vld.idx.msk [tilespmem:v2+s23+$0x0 ss:$0x1], $0xffff  }
0x172: {  	v29 =	vld.idx.msk [tilespmem:v1+s24+$0x0 ss:$0x1], $0xffff  }
0x173: {  	s25 =	sor.u32 $0x6B0, s21;
	v30 =	vld.idx.msk [tilespmem:v2+s24+$0x0 ss:$0x1], $0xffff  }
0x174: {  	v31 =	vld.idx.msk [tilespmem:v1+s25+$0x0 ss:$0x1], $0xffff  }
0x175: {  	s26 =	sor.u32 $0x6C0, s21;
	v32 =	vld.idx.msk [tilespmem:v2+s25+$0x0 ss:$0x1], $0xffff  }
0x176: {  	v33 =	vld.idx.msk [tilespmem:v1+s26+$0x0 ss:$0x1], $0xffff  }
0x177: {  	s28 =	sor.u32 $0x6D0, s21;
	v34 =	vld.idx.msk [tilespmem:v2+s26+$0x0 ss:$0x1], $0xffff  }
0x178: {  	v35 =	vld.idx.msk [tilespmem:v1+s28+$0x0 ss:$0x1], $0xffff  }
0x179: {  	s29 =	sor.u32 $0x6E0, s21;
	v36 =	vld.idx.msk [tilespmem:v2+s28+$0x0 ss:$0x1], $0xffff  }
0x17a: {  	v37 =	vld.idx.msk [tilespmem:v1+s29+$0x0 ss:$0x1], $0xffff  }
0x17b: {  	s30 =	sor.u32 $0x6F0, s21;
	v38 =	vld.idx.msk [tilespmem:v2+s29+$0x0 ss:$0x1], $0xffff  }
0x17c: {  	v39 =	vld.idx.msk [tilespmem:v1+s30+$0x0 ss:$0x1], $0xffff  }
0x17d: {  	v40 =	vld.idx.msk [tilespmem:v2+s30+$0x0 ss:$0x1], $0xffff;
	_ =	sdelay $0x1  }
0x17e: {  	v4 =	vmul.f32 v5, v4;
	v5 =	vmul.f32 v28, v27  }
0x17f: {  	v42 =	vmul.f32 v30, v29;
	v43 =	vmul.f32 v32, v31  }
0x180: {  	v44 =	vmul.f32 v34, v33;
	v45 =	vmul.f32 v36, v35  }
0x181: {  	v46 =	vmul.f32 v38, v37;
	v47 =	vmul.f32 v40, v39  }
0x182: {  	v4 =	vadd.f32 v5, v4;
	v5 =	vadd.f32 v43, v42  }
0x183: {  	v48 =	vadd.f32 v45, v44;
	v49 =	vadd.f32 v47, v46;
	_ =	sdelay $0x1  }
0x184: {  	v4 =	vadd.f32 v5, v4;
	v5 =	vadd.f32 v49, v48;
	_ =	sdelay $0x1  }
0x185: {  	v4 =	vadd.f32 v5, v4;
	_ =	sdelay $0x1  }
0x186: {  	s31 =	sor.u32 $0x700, s21;
	[tilespmem:s21+$0x11D00] =	vst v4  }
0x187: {  	v4 =	vld.idx.msk [tilespmem:v1+s31+$0x0 ss:$0x1], $0xffff  }
0x188: {  	s23 =	sor.u32 $0x710, s21;
	v5 =	vld.idx.msk [tilespmem:v2+s31+$0x0 ss:$0x1], $0xffff  }
0x189: {  	v50 =	vld.idx.msk [tilespmem:v1+s23+$0x0 ss:$0x1], $0xffff  }
0x18a: {  	s24 =	sor.u32 $0x720, s21;
	v51 =	vld.idx.msk [tilespmem:v2+s23+$0x0 ss:$0x1], $0xffff  }
0x18b: {  	v52 =	vld.idx.msk [tilespmem:v1+s24+$0x0 ss:$0x1], $0xffff  }
0x18c: {  	s25 =	sor.u32 $0x730, s21;
	v53 =	vld.idx.msk [tilespmem:v2+s24+$0x0 ss:$0x1], $0xffff  }
0x18d: {  	v54 =	vld.idx.msk [tilespmem:v1+s25+$0x0 ss:$0x1], $0xffff  }
0x18e: {  	s26 =	sor.u32 $0x740, s21;
	v55 =	vld.idx.msk [tilespmem:v2+s25+$0x0 ss:$0x1], $0xffff  }
0x18f: {  	v56 =	vld.idx.msk [tilespmem:v1+s26+$0x0 ss:$0x1], $0xffff  }
0x190: {  	s28 =	sor.u32 $0x750, s21;
	v57 =	vld.idx.msk [tilespmem:v2+s26+$0x0 ss:$0x1], $0xffff  }
0x191: {  	v58 =	vld.idx.msk [tilespmem:v1+s28+$0x0 ss:$0x1], $0xffff  }
0x192: {  	s29 =	sor.u32 $0x760, s21;
	v59 =	vld.idx.msk [tilespmem:v2+s28+$0x0 ss:$0x1], $0xffff  }
0x193: {  	v60 =	vld.idx.msk [tilespmem:v1+s29+$0x0 ss:$0x1], $0xffff  }
0x194: {  	s30 =	sor.u32 $0x770, s21;
	v61 =	vld.idx.msk [tilespmem:v2+s29+$0x0 ss:$0x1], $0xffff  }
0x195: {  	v62 =	vld.idx.msk [tilespmem:v1+s30+$0x0 ss:$0x1], $0xffff  }
0x196: {  	v63 =	vld.idx.msk [tilespmem:v2+s30+$0x0 ss:$0x1], $0xffff;
	_ =	sdelay $0x1  }
0x197: {  	v4 =	vmul.f32 v5, v4;
	v5 =	vmul.f32 v51, v50  }
0x198: {  	v20 =	vmul.f32 v53, v52;
	v21 =	vmul.f32 v55, v54  }
0x199: {  	v22 =	vmul.f32 v57, v56;
	v23 =	vmul.f32 v59, v58  }
0x19a: {  	v24 =	vmul.f32 v61, v60;
	v25 =	vmul.f32 v63, v62  }
0x19b: {  	v4 =	vadd.f32 v5, v4;
	v5 =	vadd.f32 v21, v20  }
0x19c: {  	v26 =	vadd.f32 v23, v22;
	v27 =	vadd.f32 v25, v24;
	_ =	sdelay $0x1  }
0x19d: {  	v4 =	vadd.f32 v5, v4;
	v5 =	vadd.f32 v27, v26;
	_ =	sdelay $0x1  }
0x19e: {  	v4 =	vadd.f32 v5, v4;
	_ =	sdelay $0x1  }
0x19f: {  	s31 =	sor.u32 $0x780, s21;
	[tilespmem:s21+$0x11D80] =	vst v4  }
0x1a0: {  	v4 =	vld.idx.msk [tilespmem:v1+s31+$0x0 ss:$0x1], $0xffff  }
0x1a1: {  	s23 =	sor.u32 $0x790, s21;
	v5 =	vld.idx.msk [tilespmem:v2+s31+$0x0 ss:$0x1], $0xffff  }
0x1a2: {  	v28 =	vld.idx.msk [tilespmem:v1+s23+$0x0 ss:$0x1], $0xffff  }
0x1a3: {  	s24 =	sor.u32 $0x7A0, s21;
	v29 =	vld.idx.msk [tilespmem:v2+s23+$0x0 ss:$0x1], $0xffff  }
0x1a4: {  	v30 =	vld.idx.msk [tilespmem:v1+s24+$0x0 ss:$0x1], $0xffff  }
0x1a5: {  	s25 =	sor.u32 $0x7B0, s21;
	v31 =	vld.idx.msk [tilespmem:v2+s24+$0x0 ss:$0x1], $0xffff  }
0x1a6: {  	v32 =	vld.idx.msk [tilespmem:v1+s25+$0x0 ss:$0x1], $0xffff  }
0x1a7: {  	s26 =	sor.u32 $0x7C0, s21;
	v33 =	vld.idx.msk [tilespmem:v2+s25+$0x0 ss:$0x1], $0xffff  }
0x1a8: {  	v34 =	vld.idx.msk [tilespmem:v1+s26+$0x0 ss:$0x1], $0xffff  }
0x1a9: {  	s28 =	sor.u32 $0x7D0, s21;
	v35 =	vld.idx.msk [tilespmem:v2+s26+$0x0 ss:$0x1], $0xffff  }
0x1aa: {  	v36 =	vld.idx.msk [tilespmem:v1+s28+$0x0 ss:$0x1], $0xffff  }
0x1ab: {  	s29 =	sor.u32 $0x7E0, s21;
	v37 =	vld.idx.msk [tilespmem:v2+s28+$0x0 ss:$0x1], $0xffff  }
0x1ac: {  	v38 =	vld.idx.msk [tilespmem:v1+s29+$0x0 ss:$0x1], $0xffff  }
0x1ad: {  	s30 =	sor.u32 $0x7F0, s21;
	v39 =	vld.idx.msk [tilespmem:v2+s29+$0x0 ss:$0x1], $0xffff  }
0x1ae: {  	v40 =	vld.idx.msk [tilespmem:v1+s30+$0x0 ss:$0x1], $0xffff  }
0x1af: {  	v42 =	vld.idx.msk [tilespmem:v2+s30+$0x0 ss:$0x1], $0xffff;
	_ =	sdelay $0x1  }
0x1b0: {  	v4 =	vmul.f32 v5, v4;
	v5 =	vmul.f32 v29, v28  }
0x1b1: {  	v43 =	vmul.f32 v31, v30;
	v44 =	vmul.f32 v33, v32  }
0x1b2: {  	v45 =	vmul.f32 v35, v34;
	v46 =	vmul.f32 v37, v36  }
0x1b3: {  	v47 =	vmul.f32 v39, v38;
	v48 =	vmul.f32 v42, v40  }
0x1b4: {  	s31 =	sshll.u32 s20, $0x4;
	v4 =	vadd.f32 v5, v4;
	v5 =	vadd.f32 v44, v43  }
0x1b5: {  	v51 =	vmov s31;
	v49 =	vadd.f32 v46, v45;
	v50 =	vadd.f32 v48, v47  }
0x1b6: {  	v8 =	vshll.u32 v51, $0x7  }
0x1b7: {  	v52 =	vor.u32 v41, v8;
	v4 =	vadd.f32 v5, v4;
	v5 =	vadd.f32 v50, v49;
	_ =	sdelay $0x1  }
0x1b8: {  	v4 =	vadd.f32 v5, v4;
	v5 =	vor.u32 $0x1, v52;
	_ =	sdelay $0x1  }
0x1b9: {  	[tilespmem:s21+$0x11E00] =	vst v4;
	v4 =	vor.u32 $0x2, v52  }
0x1ba: {  	v53 =	vld.idx.msk [tilespmem:v52+s16+$0x0], $0xffff  }
0x1bb: {  	v8 =	vor.u32 $0x3, v52  }
0x1bc: {  	v5 =	vld.idx.msk [tilespmem:v5+s16+$0x0], $0xffff  }
0x1bd: {  	v54 =	vor.u32 $0x4, v52  }
0x1be: {  	v4 =	vld.idx.msk [tilespmem:v4+s16+$0x0], $0xffff  }
0x1bf: {  	v55 =	vor.u32 $0x5, v52;
	v7 =	vadd.f32 $0.0e+00, v53  }
0x1c0: {  	v8 =	vld.idx.msk [tilespmem:v8+s16+$0x0], $0xffff  }
0x1c1: {  	v56 =	vor.u32 $0x6, v52;
	v5 =	vadd.f32 v5, v7  }
0x1c2: {  	v9 =	vld.idx.msk [tilespmem:v54+s16+$0x0], $0xffff  }
0x1c3: {  	v4 =	vadd.f32 v4, v5;
	v5 =	vor.u32 $0x7, v52  }
0x1c4: {  	v10 =	vld.idx.msk [tilespmem:v55+s16+$0x0], $0xffff  }
0x1c5: {  	v57 =	vor.u32 $0x8, v52;
	v4 =	vadd.f32 v8, v4  }
0x1c6: {  	v7 =	vld.idx.msk [tilespmem:v56+s16+$0x0], $0xffff  }
0x1c7: {  	v58 =	vor.u32 $0x9, v52;
	v4 =	vadd.f32 v9, v4  }
0x1c8: {  	v5 =	vld.idx.msk [tilespmem:v5+s16+$0x0], $0xffff  }
0x1c9: {  	v59 =	vor.u32 $0xA, v52;
	v4 =	vadd.f32 v10, v4  }
0x1ca: {  	v8 =	vld.idx.msk [tilespmem:v57+s16+$0x0], $0xffff  }
0x1cb: {  	v60 =	vor.u32 $0xB, v52;
	v4 =	vadd.f32 v7, v4  }
0x1cc: {  	v9 =	vld.idx.msk [tilespmem:v58+s16+$0x0], $0xffff  }
0x1cd: {  	v4 =	vadd.f32 v5, v4;
	v5 =	vor.u32 $0xC, v52  }
0x1ce: {  	v10 =	vld.idx.msk [tilespmem:v59+s16+$0x0], $0xffff  }
0x1cf: {  	v61 =	vor.u32 $0xD, v52;
	v4 =	vadd.f32 v8, v4  }
0x1d0: {  	v7 =	vld.idx.msk [tilespmem:v60+s16+$0x0], $0xffff  }
0x1d1: {  	v62 =	vor.u32 $0xE, v52;
	v4 =	vadd.f32 v9, v4  }
0x1d2: {  	v5 =	vld.idx.msk [tilespmem:v5+s16+$0x0], $0xffff  }
0x1d3: {  	v6 =	vor.u32 $0xF, v52;
	v4 =	vadd.f32 v10, v4  }
0x1d4: {  	v8 =	vld.idx.msk [tilespmem:v61+s16+$0x0], $0xffff  }
0x1d5: {  	v4 =	vadd.f32 v7, v4  }
0x1d6: {  	v63 =	vld.idx.msk [tilespmem:v62+s16+$0x0], $0xffff  }
0x1d7: {  	v4 =	vadd.f32 v5, v4  }
0x1d8: {  	v5 =	vld.idx.msk [tilespmem:v6+s16+$0x0], $0xffff  }
0x1d9: {  	v4 =	vadd.f32 v8, v4  }
0x1da: {  	p0 =	seq.s32 s20, $0x4  }
.Ltmp0:
0x1db: {  	v4 =	vadd.f32 v63, v4;
	(pc) =	sbr.rel @!p0 .LBB2_4-.Ltmp0, $3  }
0x1dc: {  	_ = 	snop  }
0x1dd: {  	v4 =	vadd.f32 v5, v4;
	_ =	sdelay $0x1  }
0x1de: {  	s20 =	sadd.s32 $0x1, s20;
	[tilespmem:v3+s31+$0x0 ss:$0x1] =	vst.idx.msk $0xffff, v4  }
0x1df: {  	p0 =	seq.s32 s19, $0x7C  }
.Ltmp1:
0x1e0: {  	_ = 	snop;
	(pc) =	sbr.rel @!p0 .LBB2_3-.Ltmp1, $1  }
0x1e1: {  	_ =	sdelay $0x3  }
0x1e2: {  	_ =	swait.ge [sflag:s14], $0x2800  }
0x1e3: {  	[sflag:s14] =	ssyncset.done $0x0  }
0x1e4: {  	[sflag:s14] =	ssyncadd.s32 $0xFFFFD800  }
0x1e5: {  	_ =	swait.ge [sflag:s15], $0x2800  }
0x1e6: {  	[sflag:s15] =	ssyncset.done $0x0  }
0x1e7: {  	s19 =	simm.s32 $0x0;
	[sflag:s15] =	ssyncadd.s32 $0xFFFFD800  }
.LBB2_6:
0x1e8: {  	s20 =	sshll.u32 s19, $0xB  }
0x1e9: {  	v0 =	vld [tilespmem:s20+$0x7680]  }
0x1ea: {  	v31 =	vld [tilespmem:s20+$0xC680]  }
0x1eb: {  	v29 =	vld [tilespmem:s20+$0x7690]  }
0x1ec: {  	v25 =	vld [tilespmem:s20+$0xC690]  }
0x1ed: {  	v30 =	vld [tilespmem:s20+$0x76A0]  }
0x1ee: {  	v26 =	vld [tilespmem:s20+$0xC6A0]  }
0x1ef: {  	v27 =	vld [tilespmem:s20+$0x76B0]  }
0x1f0: {  	v13 =	vld [tilespmem:s20+$0xC6B0]  }
0x1f1: {  	v28 =	vld [tilespmem:s20+$0x76C0]  }
0x1f2: {  	v14 =	vld [tilespmem:s20+$0xC6C0]  }
0x1f3: {  	v15 =	vld [tilespmem:s20+$0x76D0]  }
0x1f4: {  	v8 =	vld [tilespmem:s20+$0xC6D0]  }
0x1f5: {  	v16 =	vld [tilespmem:s20+$0x76E0]  }
0x1f6: {  	v2 =	vld [tilespmem:s20+$0xC6E0]  }
0x1f7: {  	v3 =	vld [tilespmem:s20+$0x76F0]  }
0x1f8: {  	v1 =	vld [tilespmem:s20+$0xC6F0]  }
0x1f9: {  	v21 =	vld [tilespmem:s20+$0x7700]  }
0x1fa: {  	v17 =	vld [tilespmem:s20+$0xC700]  }
0x1fb: {  	v18 =	vld [tilespmem:s20+$0x7710]  }
0x1fc: {  	v4 =	vld [tilespmem:s20+$0xC710]  }
0x1fd: {  	v22 =	vld [tilespmem:s20+$0x7720]  }
0x1fe: {  	v19 =	vld [tilespmem:s20+$0xC720]  }
0x1ff: {  	v20 =	vld [tilespmem:s20+$0x7730]  }
0x200: {  	v5 =	vld [tilespmem:s20+$0xC730]  }
0x201: {  	v23 =	vld [tilespmem:s20+$0x7740]  }
0x202: {  	v9 =	vld [tilespmem:s20+$0xC740]  }
0x203: {  	v10 =	vld [tilespmem:s20+$0x7750]  }
0x204: {  	v6 =	vld [tilespmem:s20+$0xC750]  }
0x205: {  	v24 =	vld [tilespmem:s20+$0x7760]  }
0x206: {  	v11 =	vld [tilespmem:s20+$0xC760]  }
0x207: {  	v12 =	vld [tilespmem:s20+$0x7770]  }
0x208: {  	v7 =	vld [tilespmem:s20+$0xC770]  }
0x209: {  	v59 =	vld [tilespmem:s20+$0x7780]  }
0x20a: {  	v54 =	vld [tilespmem:s20+$0xC780]  }
0x20b: {  	v47 =	vld [tilespmem:s20+$0x7790]  }
0x20c: {  	v37 =	vld [tilespmem:s20+$0xC790]  }
0x20d: {  	v60 =	vld [tilespmem:s20+$0x77A0]  }
0x20e: {  	v48 =	vld [tilespmem:s20+$0xC7A0]  }
0x20f: {  	v49 =	vld [tilespmem:s20+$0x77B0]  }
0x210: {  	v40 =	vld [tilespmem:s20+$0xC7B0]  }
0x211: {  	v61 =	vld [tilespmem:s20+$0x77C0]  }
0x212: {  	v50 =	vld [tilespmem:s20+$0xC7C0]  }
0x213: {  	v51 =	vld [tilespmem:s20+$0x77D0]  }
0x214: {  	v39 =	vld [tilespmem:s20+$0xC7D0]  }
0x215: {  	v52 =	vld [tilespmem:s20+$0x77E0]  }
0x216: {  	v38 =	vld [tilespmem:s20+$0xC7E0]  }
0x217: {  	v42 =	vld [tilespmem:s20+$0x77F0]  }
0x218: {  	v32 =	vld [tilespmem:s20+$0xC7F0]  }
0x219: {  	v62 =	vld [tilespmem:s20+$0x7800]  }
0x21a: {  	v53 =	vld [tilespmem:s20+$0xC800]  }
0x21b: {  	v55 =	vld [tilespmem:s20+$0x7810]  }
0x21c: {  	v33 =	vld [tilespmem:s20+$0xC810]  }
0x21d: {  	v35 =	vld [tilespmem:s20+$0x7840]  }
0x21e: {  	v63 =	vld [tilespmem:s20+$0x7820]  }
0x21f: {  	v56 =	vld [tilespmem:s20+$0xC820]  }
0x220: {  	v57 =	vld [tilespmem:s20+$0x7830]  }
0x221: {  	v34 =	vld [tilespmem:s20+$0xC830]  }
0x222: {  	v43 =	vld [tilespmem:s20+$0xC840];
	[tilespmem:$0x1F790] =	vst v35  }
0x223: {  	v44 =	vld [tilespmem:s20+$0x7850]  }
0x224: {  	v58 =	vld [tilespmem:s20+$0x7880];
	_ =	sdelay $0x4  }
0x225: {  	[tilespmem:$0x1F7B0] =	vst v58;
	v58 =	vld [tilespmem:s20+$0xC880];
	_ =	sdelay $0x4  }
0x226: {  	[tilespmem:$0x1F7C0] =	vst v58;
	v58 =	vld [tilespmem:s20+$0x7890];
	_ =	sdelay $0x4  }
0x227: {  	[tilespmem:$0x1F7D0] =	vst v58;
	v58 =	vld [tilespmem:s20+$0xC890];
	_ =	sdelay $0x4  }
0x228: {  	[tilespmem:$0x1F7E0] =	vst v58;
	v58 =	vld [tilespmem:s20+$0x78A0];
	_ =	sdelay $0x4  }
0x229: {  	[tilespmem:$0x1F7F0] =	vst v58;
	v58 =	vld [tilespmem:s20+$0xC8A0];
	_ =	sdelay $0x4  }
0x22a: {  	[tilespmem:$0x1F800] =	vst v58;
	v58 =	vld [tilespmem:s20+$0x78B0];
	_ =	sdelay $0x4  }
0x22b: {  	[tilespmem:$0x1F810] =	vst v58;
	v58 =	vld [tilespmem:s20+$0xC8B0];
	_ =	sdelay $0x4  }
0x22c: {  	[tilespmem:$0x1F820] =	vst v58;
	v58 =	vld [tilespmem:s20+$0x78C0];
	_ =	sdelay $0x4  }
0x22d: {  	[tilespmem:$0x1F830] =	vst v58;
	v58 =	vld [tilespmem:s20+$0xC8C0];
	_ =	sdelay $0x4  }
0x22e: {  	[tilespmem:$0x1F840] =	vst v58;
	v58 =	vld [tilespmem:s20+$0x78D0];
	_ =	sdelay $0x4  }
0x22f: {  	[tilespmem:$0x1F850] =	vst v58;
	v58 =	vld [tilespmem:s20+$0xC8D0];
	_ =	sdelay $0x4  }
0x230: {  	[tilespmem:$0x1F860] =	vst v58;
	v58 =	vld [tilespmem:s20+$0x78E0];
	_ =	sdelay $0x4  }
0x231: {  	[tilespmem:$0x1F870] =	vst v58;
	v58 =	vld [tilespmem:s20+$0xC8E0];
	_ =	sdelay $0x4  }
0x232: {  	[tilespmem:$0x1F880] =	vst v58;
	v58 =	vld [tilespmem:s20+$0x78F0];
	_ =	sdelay $0x4  }
0x233: {  	[tilespmem:$0x1F890] =	vst v58;
	v58 =	vld [tilespmem:s20+$0xC8F0];
	_ =	sdelay $0x4  }
0x234: {  	[tilespmem:$0x1F8A0] =	vst v58;
	v58 =	vld [tilespmem:s20+$0x7900];
	_ =	sdelay $0x4  }
0x235: {  	[tilespmem:$0x1F8B0] =	vst v58;
	v58 =	vld [tilespmem:s20+$0xC900];
	_ =	sdelay $0x4  }
0x236: {  	[tilespmem:$0x1F8C0] =	vst v58;
	v58 =	vld [tilespmem:s20+$0x7910];
	_ =	sdelay $0x4  }
0x237: {  	[tilespmem:$0x1F8D0] =	vst v58;
	v58 =	vld [tilespmem:s20+$0xC910];
	_ =	sdelay $0x4  }
0x238: {  	[tilespmem:$0x1F8E0] =	vst v58;
	v58 =	vld [tilespmem:s20+$0x7920];
	_ =	sdelay $0x4  }
0x239: {  	[tilespmem:$0x1F8F0] =	vst v58;
	v58 =	vld [tilespmem:s20+$0xC920];
	_ =	sdelay $0x4  }
0x23a: {  	[tilespmem:$0x1F900] =	vst v58;
	v58 =	vld [tilespmem:s20+$0x7930];
	_ =	sdelay $0x4  }
0x23b: {  	[tilespmem:$0x1F910] =	vst v58;
	v58 =	vld [tilespmem:s20+$0xC930];
	_ =	sdelay $0x4  }
0x23c: {  	[tilespmem:$0x1F920] =	vst v58;
	v58 =	vld [tilespmem:s20+$0x7940];
	_ =	sdelay $0x4  }
0x23d: {  	[tilespmem:$0x1F930] =	vst v58;
	v58 =	vld [tilespmem:s20+$0xC940];
	_ =	sdelay $0x4  }
0x23e: {  	[tilespmem:$0x1F940] =	vst v58;
	v58 =	vld [tilespmem:s20+$0x7950];
	_ =	sdelay $0x4  }
0x23f: {  	[tilespmem:$0x1F950] =	vst v58;
	v58 =	vld [tilespmem:s20+$0xC950];
	_ =	sdelay $0x4  }
0x240: {  	[tilespmem:$0x1F960] =	vst v58;
	v58 =	vld [tilespmem:s20+$0x7960];
	_ =	sdelay $0x4  }
0x241: {  	[tilespmem:$0x1F970] =	vst v58;
	v58 =	vld [tilespmem:s20+$0xC960];
	_ =	sdelay $0x4  }
0x242: {  	[tilespmem:$0x1F980] =	vst v58;
	v58 =	vld [tilespmem:s20+$0x7970];
	_ =	sdelay $0x4  }
0x243: {  	[tilespmem:$0x1F990] =	vst v58;
	v58 =	vld [tilespmem:s20+$0xC970];
	_ =	sdelay $0x4  }
0x244: {  	[tilespmem:$0x1F9A0] =	vst v58;
	v58 =	vld [tilespmem:s20+$0x7980];
	_ =	sdelay $0x4  }
0x245: {  	[tilespmem:$0x1F9B0] =	vst v58;
	v58 =	vld [tilespmem:s20+$0xC980];
	_ =	sdelay $0x4  }
0x246: {  	[tilespmem:$0x1F9C0] =	vst v58;
	v58 =	vld [tilespmem:s20+$0x7990];
	_ =	sdelay $0x4  }
0x247: {  	[tilespmem:$0x1F9D0] =	vst v58;
	v58 =	vld [tilespmem:s20+$0xC990];
	_ =	sdelay $0x4  }
0x248: {  	[tilespmem:$0x1F9E0] =	vst v58;
	v58 =	vld [tilespmem:s20+$0x79A0];
	_ =	sdelay $0x4  }
0x249: {  	[tilespmem:$0x1F9F0] =	vst v58;
	v58 =	vld [tilespmem:s20+$0xC9A0];
	_ =	sdelay $0x4  }
0x24a: {  	[tilespmem:$0x1FA00] =	vst v58;
	v58 =	vld [tilespmem:s20+$0x79B0];
	_ =	sdelay $0x4  }
0x24b: {  	[tilespmem:$0x1FA10] =	vst v58;
	v58 =	vld [tilespmem:s20+$0xC9B0];
	_ =	sdelay $0x4  }
0x24c: {  	[tilespmem:$0x1FA20] =	vst v58;
	v58 =	vld [tilespmem:s20+$0x79C0];
	_ =	sdelay $0x4  }
0x24d: {  	[tilespmem:$0x1FA30] =	vst v58;
	v58 =	vld [tilespmem:s20+$0xC9C0];
	_ =	sdelay $0x4  }
0x24e: {  	[tilespmem:$0x1FA40] =	vst v58;
	v58 =	vld [tilespmem:s20+$0x79D0];
	_ =	sdelay $0x4  }
0x24f: {  	[tilespmem:$0x1FA50] =	vst v58;
	v58 =	vld [tilespmem:s20+$0xC9D0];
	_ =	sdelay $0x4  }
0x250: {  	[tilespmem:$0x1FA60] =	vst v58;
	v58 =	vld [tilespmem:s20+$0x79E0];
	_ =	sdelay $0x4  }
0x251: {  	[tilespmem:$0x1FA70] =	vst v58;
	v58 =	vld [tilespmem:s20+$0xC9E0];
	_ =	sdelay $0x4  }
0x252: {  	[tilespmem:$0x1FA80] =	vst v58;
	v58 =	vld [tilespmem:s20+$0x79F0];
	_ =	sdelay $0x4  }
0x253: {  	[tilespmem:$0x1FA90] =	vst v58;
	v58 =	vld [tilespmem:s20+$0xC9F0];
	_ =	sdelay $0x4  }
0x254: {  	[tilespmem:$0x1FAA0] =	vst v58;
	v58 =	vld [tilespmem:s20+$0x7A00];
	_ =	sdelay $0x4  }
0x255: {  	[tilespmem:$0x1FAB0] =	vst v58;
	v58 =	vld [tilespmem:s20+$0xCA00];
	_ =	sdelay $0x4  }
0x256: {  	[tilespmem:$0x1FAC0] =	vst v58;
	v58 =	vld [tilespmem:s20+$0x7A10];
	_ =	sdelay $0x4  }
0x257: {  	[tilespmem:$0x1FAD0] =	vst v58;
	v58 =	vld [tilespmem:s20+$0xCA10];
	_ =	sdelay $0x4  }
0x258: {  	[tilespmem:$0x1FAE0] =	vst v58;
	v58 =	vld [tilespmem:s20+$0x7A20];
	_ =	sdelay $0x4  }
0x259: {  	[tilespmem:$0x1FAF0] =	vst v58;
	v58 =	vld [tilespmem:s20+$0xCA20];
	_ =	sdelay $0x4  }
0x25a: {  	[tilespmem:$0x1FB00] =	vst v58;
	v58 =	vld [tilespmem:s20+$0x7A30];
	_ =	sdelay $0x4  }
0x25b: {  	[tilespmem:$0x1FB10] =	vst v58;
	v58 =	vld [tilespmem:s20+$0xCA30];
	_ =	sdelay $0x4  }
0x25c: {  	[tilespmem:$0x1FB20] =	vst v58;
	v58 =	vld [tilespmem:s20+$0x7A40];
	_ =	sdelay $0x4  }
0x25d: {  	[tilespmem:$0x1FB30] =	vst v58;
	v58 =	vld [tilespmem:s20+$0xCA40];
	_ =	sdelay $0x4  }
0x25e: {  	[tilespmem:$0x1FB40] =	vst v58;
	v58 =	vld [tilespmem:s20+$0x7A50];
	_ =	sdelay $0x4  }
0x25f: {  	[tilespmem:$0x1FB50] =	vst v58;
	v58 =	vld [tilespmem:s20+$0xCA50];
	_ =	sdelay $0x4  }
0x260: {  	[tilespmem:$0x1FB60] =	vst v58;
	v58 =	vld [tilespmem:s20+$0x7A60];
	_ =	sdelay $0x4  }
0x261: {  	[tilespmem:$0x1FB70] =	vst v58;
	v58 =	vld [tilespmem:s20+$0xCA60];
	_ =	sdelay $0x4  }
0x262: {  	[tilespmem:$0x1FB80] =	vst v58;
	v58 =	vld [tilespmem:s20+$0x7A70];
	_ =	sdelay $0x4  }
0x263: {  	[tilespmem:$0x1FB90] =	vst v58;
	v58 =	vld [tilespmem:s20+$0xCA70];
	_ =	sdelay $0x4  }
0x264: {  	[tilespmem:$0x1FBA0] =	vst v58;
	v58 =	vld [tilespmem:s20+$0x7A80];
	_ =	sdelay $0x4  }
0x265: {  	[tilespmem:$0x1FBB0] =	vst v58;
	v58 =	vld [tilespmem:s20+$0xCA80];
	_ =	sdelay $0x4  }
0x266: {  	[tilespmem:$0x1FBC0] =	vst v58;
	v58 =	vld [tilespmem:s20+$0x7A90];
	_ =	sdelay $0x4  }
0x267: {  	[tilespmem:$0x1FBD0] =	vst v58;
	v58 =	vld [tilespmem:s20+$0xCA90];
	_ =	sdelay $0x4  }
0x268: {  	[tilespmem:$0x1FBE0] =	vst v58;
	v58 =	vld [tilespmem:s20+$0x7AA0];
	_ =	sdelay $0x4  }
0x269: {  	[tilespmem:$0x1FBF0] =	vst v58;
	v58 =	vld [tilespmem:s20+$0xCAA0];
	_ =	sdelay $0x4  }
0x26a: {  	[tilespmem:$0x1FC00] =	vst v58;
	v58 =	vld [tilespmem:s20+$0x7AB0];
	_ =	sdelay $0x4  }
0x26b: {  	[tilespmem:$0x1FC10] =	vst v58;
	v58 =	vld [tilespmem:s20+$0xCAB0];
	_ =	sdelay $0x4  }
0x26c: {  	[tilespmem:$0x1FC20] =	vst v58;
	v58 =	vld [tilespmem:s20+$0x7AC0];
	_ =	sdelay $0x4  }
0x26d: {  	[tilespmem:$0x1FC30] =	vst v58;
	v58 =	vld [tilespmem:s20+$0xCAC0];
	_ =	sdelay $0x4  }
0x26e: {  	[tilespmem:$0x1FC40] =	vst v58;
	v58 =	vld [tilespmem:s20+$0x7AD0];
	_ =	sdelay $0x4  }
0x26f: {  	[tilespmem:$0x1FC50] =	vst v58;
	v58 =	vld [tilespmem:s20+$0xCAD0];
	_ =	sdelay $0x4  }
0x270: {  	[tilespmem:$0x1FC60] =	vst v58;
	v58 =	vld [tilespmem:s20+$0x7AE0];
	_ =	sdelay $0x4  }
0x271: {  	[tilespmem:$0x1FC70] =	vst v58;
	v58 =	vld [tilespmem:s20+$0xCAE0];
	_ =	sdelay $0x4  }
0x272: {  	[tilespmem:$0x1FC80] =	vst v58;
	v58 =	vld [tilespmem:s20+$0x7AF0];
	_ =	sdelay $0x4  }
0x273: {  	[tilespmem:$0x1FC90] =	vst v58;
	v58 =	vld [tilespmem:s20+$0xCAF0];
	_ =	sdelay $0x4  }
0x274: {  	[tilespmem:$0x1FCA0] =	vst v58;
	v58 =	vld [tilespmem:s20+$0x7B00];
	_ =	sdelay $0x4  }
0x275: {  	[tilespmem:$0x1FCB0] =	vst v58;
	v58 =	vld [tilespmem:s20+$0xCB00];
	_ =	sdelay $0x4  }
0x276: {  	[tilespmem:$0x1FCC0] =	vst v58;
	v58 =	vld [tilespmem:s20+$0x7B10];
	_ =	sdelay $0x4  }
0x277: {  	[tilespmem:$0x1FCD0] =	vst v58;
	v58 =	vld [tilespmem:s20+$0xCB10];
	_ =	sdelay $0x4  }
0x278: {  	[tilespmem:$0x1FCE0] =	vst v58;
	v58 =	vld [tilespmem:s20+$0x7B20];
	_ =	sdelay $0x4  }
0x279: {  	[tilespmem:$0x1FCF0] =	vst v58;
	v58 =	vld [tilespmem:s20+$0xCB20];
	_ =	sdelay $0x4  }
0x27a: {  	[tilespmem:$0x1FD00] =	vst v58;
	v58 =	vld [tilespmem:s20+$0x7B30];
	_ =	sdelay $0x4  }
0x27b: {  	[tilespmem:$0x1FD10] =	vst v58;
	v58 =	vld [tilespmem:s20+$0xCB30];
	_ =	sdelay $0x4  }
0x27c: {  	[tilespmem:$0x1FD20] =	vst v58;
	v58 =	vld [tilespmem:s20+$0x7B40];
	_ =	sdelay $0x4  }
0x27d: {  	[tilespmem:$0x1FD30] =	vst v58;
	v58 =	vld [tilespmem:s20+$0xCB40];
	_ =	sdelay $0x4  }
0x27e: {  	[tilespmem:$0x1FD40] =	vst v58;
	v58 =	vld [tilespmem:s20+$0x7B50];
	_ =	sdelay $0x4  }
0x27f: {  	[tilespmem:$0x1FD50] =	vst v58;
	v58 =	vld [tilespmem:s20+$0xCB50];
	_ =	sdelay $0x4  }
0x280: {  	[tilespmem:$0x1FD60] =	vst v58;
	v58 =	vld [tilespmem:s20+$0x7B60];
	_ =	sdelay $0x4  }
0x281: {  	[tilespmem:$0x1FD70] =	vst v58;
	v58 =	vld [tilespmem:s20+$0xCB60];
	_ =	sdelay $0x4  }
0x282: {  	[tilespmem:$0x1FD80] =	vst v58;
	v58 =	vld [tilespmem:s20+$0x7B70];
	_ =	sdelay $0x4  }
0x283: {  	[tilespmem:$0x1FD90] =	vst v58;
	v58 =	vld [tilespmem:s20+$0xCB70];
	_ =	sdelay $0x4  }
0x284: {  	[tilespmem:$0x1FDA0] =	vst v58;
	v58 =	vld [tilespmem:s20+$0x7B80];
	_ =	sdelay $0x4  }
0x285: {  	[tilespmem:$0x1FDB0] =	vst v58;
	v58 =	vld [tilespmem:s20+$0xCB80];
	_ =	sdelay $0x4  }
0x286: {  	[tilespmem:$0x1FDC0] =	vst v58;
	v58 =	vld [tilespmem:s20+$0x7B90];
	_ =	sdelay $0x4  }
0x287: {  	[tilespmem:$0x1FDD0] =	vst v58;
	v58 =	vld [tilespmem:s20+$0xCB90];
	_ =	sdelay $0x4  }
0x288: {  	[tilespmem:$0x1FDE0] =	vst v58;
	v58 =	vld [tilespmem:s20+$0x7BA0];
	_ =	sdelay $0x4  }
0x289: {  	[tilespmem:$0x1FDF0] =	vst v58;
	v58 =	vld [tilespmem:s20+$0xCBA0];
	_ =	sdelay $0x4  }
0x28a: {  	[tilespmem:$0x1FE00] =	vst v58;
	v58 =	vld [tilespmem:s20+$0x7BB0];
	_ =	sdelay $0x4  }
0x28b: {  	[tilespmem:$0x1FE10] =	vst v58;
	v58 =	vld [tilespmem:s20+$0xCBB0];
	_ =	sdelay $0x4  }
0x28c: {  	[tilespmem:$0x1FE20] =	vst v58;
	v58 =	vld [tilespmem:s20+$0x7BC0];
	_ =	sdelay $0x4  }
0x28d: {  	[tilespmem:$0x1FE30] =	vst v58;
	v58 =	vld [tilespmem:s20+$0xCBC0];
	_ =	sdelay $0x3  }
0x28e: {  	v35 =	vld [tilespmem:s20+$0xC850]  }
0x28f: {  	[tilespmem:$0x1FE40] =	vst v58;
	v58 =	vld [tilespmem:s20+$0x7BD0]  }
0x290: {  	v36 =	vld [tilespmem:s20+$0x7860]  }
0x291: {  	v45 =	vld [tilespmem:s20+$0xC860]  }
0x292: {  	v46 =	vld [tilespmem:s20+$0x7870]  }
0x293: {  	v25 =	vmul.f32 v25, v29;
	v29 =	vld [tilespmem:s20+$0x7C10]  }
0x294: {  	[tilespmem:$0x1FE50] =	vst v58;
	v58 =	vld [tilespmem:s20+$0xCBD0]  }
0x295: {  	v26 =	vmul.f32 v26, v30;
	v30 =	vld [tilespmem:s20+$0xCC10]  }
0x296: {  	v13 =	vmul.f32 v13, v27;
	v27 =	vld [tilespmem:s20+$0xCC20]  }
0x297: {  	v2 =	vmul.f32 v2, v16;
	v16 =	vld [tilespmem:s20+$0xCC40]  }
0x298: {  	v4 =	vmul.f32 v4, v18;
	v18 =	vld [tilespmem:s20+$0x7C50]  }
0x299: {  	[tilespmem:$0x1FE60] =	vst v58;
	v58 =	vld [tilespmem:s20+$0x7BE0]  }
0x29a: {  	v14 =	vmul.f32 v14, v28;
	v28 =	vmul.f32 v19, v22;
	v19 =	vld [tilespmem:s20+$0xCC50]  }
0x29b: {  	v22 =	vld [tilespmem:s20+$0x7C60]  }
0x29c: {  	v6 =	vmul.f32 v6, v10;
	v10 =	vld [tilespmem:s20+$0xCC70]  }
0x29d: {  	v7 =	vmul.f32 v7, v12;
	v12 =	vld [tilespmem:s20+$0x7CA0];
	v13 =	vadd.f32 v13, v26;
	v26 =	vmul.f32 v17, v21  }
0x29e: {  	[tilespmem:$0x1FE70] =	vst v58;
	v58 =	vld [tilespmem:s20+$0xCBE0]  }
0x29f: {  	v4 =	vadd.f32 v4, v26;
	v26 =	vld [tilespmem:s20+$0xCC60]  }
0x2a0: {  	[tilespmem:$0x1F7A0] =	vst v36;
	v36 =	vld [tilespmem:s20+$0xC870]  }
0x2a1: {  	[tilespmem:$0x1FED0] =	vst v29;
	v29 =	vld [tilespmem:s20+$0x7C30]  }
0x2a2: {  	[tilespmem:$0x1FEE0] =	vst v30;
	v30 =	vmul.f32 v9, v23;
	v9 =	vld [tilespmem:s20+$0xCC90]  }
0x2a3: {  	[tilespmem:$0x1FE80] =	vst v58;
	v58 =	vld [tilespmem:s20+$0x7BF0]  }
0x2a4: {  	[tilespmem:$0x1FF40] =	vst v16;
	v16 =	vld [tilespmem:s20+$0x7CC0]  }
0x2a5: {  	v5 =	vmul.f32 v5, v20;
	[tilespmem:$0x1FF50] =	vst v18;
	v18 =	vld [tilespmem:s20+$0x7CD0]  }
0x2a6: {  	[tilespmem:$0x1FF60] =	vst v19;
	v19 =	vld [tilespmem:s20+$0xCCD0]  }
0x2a7: {  	v5 =	vadd.f32 v5, v28;
	[tilespmem:$0x1FF70] =	vst v22;
	v22 =	vld [tilespmem:s20+$0x7CF0]  }
0x2a8: {  	v1 =	vmul.f32 v1, v3;
	[tilespmem:$0x1FE90] =	vst v58;
	v58 =	vld [tilespmem:s20+$0xCBF0]  }
0x2a9: {  	v20 =	vmul.f32 v54, v59;
	v21 =	vmul.f32 v37, v47;
	v4 =	vadd.f32 v5, v4;
	v5 =	vld [tilespmem:s20+$0xCD30]  }
0x2aa: {  	v1 =	vadd.f32 v1, v2;
	v2 =	vadd.f32 v6, v30;
	v30 =	vld [tilespmem:s20+$0x7C70]  }
0x2ab: {  	v6 =	vadd.f32 v21, v20;
	v20 =	vld [tilespmem:s20+$0x7CE0]  }
0x2ac: {  	v21 =	vld [tilespmem:s20+$0xCCE0]  }
0x2ad: {  	[tilespmem:$0x1FEA0] =	vst v58;
	v58 =	vld [tilespmem:s20+$0x7C00]  }
0x2ae: {  	v59 =	vld [tilespmem:$0x1F7C0]  }
0x2af: {  	v28 =	vmul.f32 v50, v61;
	v61 =	vld [tilespmem:$0x1F7D0]  }
0x2b0: {  	v47 =	vmul.f32 v34, v57;
	v34 =	vld [tilespmem:$0x1F830]  }
0x2b1: {  	[tilespmem:$0x1FF10] =	vst v29;
	v29 =	vmul.f32 v39, v51;
	v51 =	vmul.f32 v35, v44;
	v35 =	vld [tilespmem:$0x1F840]  }
0x2b2: {  	v37 =	vmul.f32 v32, v42;
	v42 =	vmul.f32 v56, v63;
	[tilespmem:$0x1FEB0] =	vst v58;
	v58 =	vld [tilespmem:s20+$0xCC00]  }
0x2b3: {  	[tilespmem:$0x1FF90] =	vst v30;
	v30 =	vld [tilespmem:$0x1F810]  }
0x2b4: {  	v8 =	vmul.f32 v8, v15;
	v15 =	vadd.f32 v47, v42;
	v42 =	vld [tilespmem:$0x1F880]  }
0x2b5: {  	v31 =	vmul.f32 v31, v0;
	v44 =	vld [tilespmem:$0x1F890]  }
0x2b6: {  	v54 =	vmul.f32 v36, v46;
	v36 =	vmul.f32 v35, v34;
	v35 =	vld [tilespmem:$0x1F970]  }
0x2b7: {  	[tilespmem:$0x1FEC0] =	vst v58;
	v58 =	vadd.f32 v25, v31;
	v25 =	vld [tilespmem:s20+$0x7C20]  }
0x2b8: {  	v31 =	vld [tilespmem:s20+$0xCC30]  }
0x2b9: {  	v3 =	vadd.f32 v13, v58;
	v13 =	vld [tilespmem:s20+$0x7C40]  }
0x2ba: {  	v8 =	vadd.f32 v8, v14;
	v58 =	vmul.f32 v11, v24;
	v24 =	vmul.f32 v48, v60;
	v48 =	vld [tilespmem:s20+$0xCC80]  }
0x2bb: {  	v11 =	vld [tilespmem:s20+$0x7C90]  }
0x2bc: {  	v1 =	vadd.f32 v1, v8;
	v17 =	vadd.f32 v7, v58;
	v58 =	vld [tilespmem:$0x1F7B0]  }
0x2bd: {  	v7 =	vadd.f32 v29, v28;
	v28 =	vld [tilespmem:$0x1F800]  }
0x2be: {  	v23 =	vadd.f32 v1, v3;
	v1 =	vld [tilespmem:$0x1FF50]  }
0x2bf: {  	[tilespmem:$0x1FEF0] =	vst v25;
	v25 =	vmul.f32 v40, v49;
	v40 =	vld [tilespmem:s20+$0x7C80]  }
0x2c0: {  	v49 =	vld [tilespmem:$0x1F790]  }
0x2c1: {  	[tilespmem:$0x1FF20] =	vst v31;
	v31 =	vmul.f32 v38, v52;
	v52 =	vld [tilespmem:$0x1F7A0]  }
0x2c2: {  	v38 =	vmul.f32 v53, v62;
	v62 =	vld [tilespmem:$0x1F7E0]  }
0x2c3: {  	[tilespmem:$0x1FFC0] =	vst v23;
	v23 =	vld [tilespmem:s20+$0x7D00]  }
0x2c4: {  	[tilespmem:$0x1FF30] =	vst v13;
	v13 =	vld [tilespmem:s20+$0xCCA0]  }
0x2c5: {  	v39 =	vmul.f32 v33, v55;
	v8 =	vadd.f32 v37, v31;
	v31 =	vld [tilespmem:$0x1F820]  }
0x2c6: {  	v37 =	vld [tilespmem:$0x1F850]  }
0x2c7: {  	v2 =	vadd.f32 v17, v2;
	v14 =	vadd.f32 v39, v38;
	v38 =	vld [tilespmem:$0x1F860]  }
0x2c8: {  	[tilespmem:$0x1FFB0] =	vst v48;
	v48 =	vld [tilespmem:$0x1F8B0]  }
0x2c9: {  	[tilespmem:$0x1FF00] =	vst v27;
	v27 =	vadd.f32 v2, v4;
	v4 =	vld [tilespmem:$0x1FB90]  }
0x2ca: {  	v2 =	vld [tilespmem:s20+$0x7DF0]  }
0x2cb: {  	v57 =	vadd.f32 v15, v14;
	v14 =	vld [tilespmem:s20+$0x7CB0]  }
0x2cc: {  	v15 =	vld [tilespmem:s20+$0xCCB0]  }
0x2cd: {  	v3 =	vadd.f32 v25, v24;
	v60 =	vmul.f32 v59, v58;
	v58 =	vld [tilespmem:$0x1F910]  }
0x2ce: {  	v59 =	vld [tilespmem:$0x1F920]  }
0x2cf: {  	v6 =	vadd.f32 v3, v6;
	v3 =	vld [tilespmem:s20+$0xCDE0]  }
0x2d0: {  	[tilespmem:$0x1FFD0] =	vst v27;
	v27 =	vld [tilespmem:$0x1F7F0]  }
0x2d1: {  	[tilespmem:$0x1FFA0] =	vst v40;
	v40 =	vld [tilespmem:$0x1F870]  }
0x2d2: {  	v53 =	vmul.f32 v45, v52;
	v45 =	vld [tilespmem:$0x1F8A0]  }
0x2d3: {  	v50 =	vmul.f32 v43, v49;
	v49 =	vld [tilespmem:$0x1F8C0]  }
0x2d4: {  	v52 =	vld [tilespmem:$0x1F8E0]  }
0x2d5: {  	v63 =	vmul.f32 v62, v61;
	v61 =	vld [tilespmem:$0x1F930]  }
0x2d6: {  	v62 =	vld [tilespmem:$0x1F940]  }
0x2d7: {  	v7 =	vadd.f32 v8, v7;
	v55 =	vadd.f32 v51, v50;
	v51 =	vld [tilespmem:$0x1F8D0]  }
0x2d8: {  	v39 =	vmul.f32 v38, v37;
	v38 =	vld [tilespmem:$0x1F990]  }
0x2d9: {  	[tilespmem:$0x1FF80] =	vst v26;
	v26 =	vadd.f32 v7, v6;
	v32 =	vmul.f32 v31, v30;
	v30 =	vld [tilespmem:s20+$0x7D20]  }
0x2da: {  	v56 =	vadd.f32 v54, v53;
	v31 =	vld [tilespmem:s20+$0xCD20]  }
0x2db: {  	[tilespmem:$0x1FFE0] =	vst v26;
	v26 =	vld [tilespmem:s20+$0xCCF0]  }
0x2dc: {  	v17 =	vadd.f32 v56, v55;
	v55 =	vld [tilespmem:$0x1F8F0]  }
0x2dd: {  	v56 =	vld [tilespmem:$0x1F900]  }
0x2de: {  	v54 =	vadd.f32 v39, v36;
	v36 =	vld [tilespmem:$0x1F980]  }
0x2df: {  	v39 =	vld [tilespmem:$0x1F9A0]  }
0x2e0: {  	v47 =	vadd.f32 v63, v60;
	v60 =	vmul.f32 v59, v58;
	v58 =	vld [tilespmem:$0x1FA50]  }
0x2e1: {  	v59 =	vld [tilespmem:$0x1FA60]  }
0x2e2: {  	v29 =	vmul.f32 v28, v27;
	v27 =	vld [tilespmem:s20+$0xCD00]  }
0x2e3: {  	v46 =	vmul.f32 v45, v44;
	v44 =	vld [tilespmem:$0x1F9C0]  }
0x2e4: {  	v50 =	vmul.f32 v49, v48;
	v49 =	vld [tilespmem:$0x1F9F0]  }
0x2e5: {  	v63 =	vmul.f32 v62, v61;
	v61 =	vld [tilespmem:$0x1FA70]  }
0x2e6: {  	v62 =	vld [tilespmem:$0x1FA80]  }
0x2e7: {  	v43 =	vmul.f32 v42, v40;
	v33 =	vadd.f32 v17, v57;
	v17 =	vld [tilespmem:s20+$0xCCC0]  }
0x2e8: {  	v6 =	vadd.f32 v32, v29;
	v32 =	vld [tilespmem:$0x1F950]  }
0x2e9: {  	v24 =	vadd.f32 v46, v43;
	v43 =	vld [tilespmem:$0x1F9B0]  }
0x2ea: {  	v46 =	vld [tilespmem:$0x1F9D0]  }
0x2eb: {  	v53 =	vmul.f32 v52, v51;
	v52 =	vld [tilespmem:$0x1FA10]  }
0x2ec: {  	v29 =	vld [tilespmem:s20+$0xCD10]  }
0x2ed: {  	[tilespmem:$0x1FFF0] =	vst v33;
	v33 =	vld [tilespmem:$0x1F960]  }
0x2ee: {  	v6 =	vadd.f32 v6, v47;
	v47 =	vld [tilespmem:$0x1F9E0]  }
0x2ef: {  	v7 =	vadd.f32 v53, v50;
	v50 =	vld [tilespmem:$0x1FA00]  }
0x2f0: {  	v53 =	vld [tilespmem:$0x1FA20]  }
0x2f1: {  	v57 =	vmul.f32 v56, v55;
	v55 =	vld [tilespmem:$0x1FA30]  }
0x2f2: {  	v56 =	vld [tilespmem:$0x1FA40]  }
0x2f3: {  	v37 =	vmul.f32 v36, v35;
	v40 =	vmul.f32 v39, v38;
	v38 =	vld [tilespmem:$0x1FBA0]  }
0x2f4: {  	v24 =	vadd.f32 v24, v54;
	v39 =	vld [tilespmem:s20+$0xCD50]  }
0x2f5: {  	v25 =	vadd.f32 v40, v37;
	v40 =	vld [tilespmem:$0x1FA90]  }
0x2f6: {  	v8 =	vadd.f32 v24, v6;
	v6 =	vld [tilespmem:s20+$0x7D30]  }
0x2f7: {  	v28 =	vadd.f32 v60, v57;
	v60 =	vmul.f32 v59, v58;
	v58 =	vld [tilespmem:$0x1FB50]  }
0x2f8: {  	v59 =	vld [tilespmem:$0x1FB60]  }
0x2f9: {  	v37 =	vld [tilespmem:s20+$0x7D50]  }
0x2fa: {  	v45 =	vmul.f32 v44, v43;
	v44 =	vld [tilespmem:$0x1FAB0]  }
0x2fb: {  	v7 =	vadd.f32 v28, v7;
	v28 =	vld [tilespmem:s20+$0x7D10]  }
0x2fc: {  	v48 =	vmul.f32 v47, v46;
	v46 =	vld [tilespmem:$0x1FAD0]  }
0x2fd: {  	v47 =	vld [tilespmem:$0x1FAE0]  }
0x2fe: {  	v51 =	vmul.f32 v50, v49;
	v49 =	vld [tilespmem:$0x1FAF0]  }
0x2ff: {  	v50 =	vld [tilespmem:$0x1FB00]  }
0x300: {  	v54 =	vmul.f32 v53, v52;
	v52 =	vld [tilespmem:$0x1FB10]  }
0x301: {  	v53 =	vld [tilespmem:$0x1FB20]  }
0x302: {  	v34 =	vmul.f32 v33, v32;
	v57 =	vmul.f32 v56, v55;
	v55 =	vld [tilespmem:$0x1FB30]  }
0x303: {  	v56 =	vld [tilespmem:$0x1FB40]  }
0x304: {  	v42 =	vadd.f32 v34, v63;
	v63 =	vmul.f32 v62, v61;
	v61 =	vld [tilespmem:$0x1FB70]  }
0x305: {  	v62 =	vld [tilespmem:$0x1FB80]  }
0x306: {  	v32 =	vadd.f32 v48, v45;
	v45 =	vld [tilespmem:$0x1FAC0]  }
0x307: {  	v5 =	vmul.f32 v5, v6;
	v6 =	vld [tilespmem:s20+$0x7E40]  }
0x308: {  	v25 =	vadd.f32 v25, v42;
	v42 =	vld [tilespmem:$0x1FAA0]  }
0x309: {  	v24 =	vadd.f32 v54, v51;
	v51 =	vmul.f32 v50, v49;
	v49 =	vld [tilespmem:$0x1FBC0]  }
0x30a: {  	v50 =	vld [tilespmem:$0x1FBD0]  }
0x30b: {  	v54 =	vmul.f32 v53, v52;
	v53 =	vld [tilespmem:$0x1FBF0]  }
0x30c: {  	v48 =	vmul.f32 v47, v46;
	v47 =	vld [tilespmem:s20+$0x7D70]  }
0x30d: {  	v7 =	vadd.f32 v25, v7;
	v25 =	vadd.f32 v60, v57;
	v57 =	vmul.f32 v56, v55;
	v56 =	vld [tilespmem:$0x1FC70]  }
0x30e: {  	v60 =	vmul.f32 v59, v58;
	v59 =	vld [tilespmem:$0x1FC90]  }
0x30f: {  	v33 =	vmul.f32 v45, v44;
	v45 =	vld [tilespmem:s20+$0xCD40]  }
0x310: {  	v34 =	vadd.f32 v54, v51;
	v51 =	vld [tilespmem:$0x1FBE0]  }
0x311: {  	v54 =	vld [tilespmem:$0x1FC00]  }
0x312: {  	v36 =	vadd.f32 v60, v57;
	v57 =	vld [tilespmem:$0x1FC80]  }
0x313: {  	v60 =	vld [tilespmem:$0x1FCA0]  }
0x314: {  	v43 =	vmul.f32 v42, v40;
	v42 =	vld [tilespmem:s20+$0xCD60]  }
0x315: {  	v40 =	vmul.f32 v38, v4;
	v4 =	vld [tilespmem:$0x1FC30]  }
0x316: {  	v38 =	vld [tilespmem:$0x1FC60]  }
0x317: {  	v33 =	vadd.f32 v48, v33;
	v48 =	vld [tilespmem:$0x1FBB0]  }
0x318: {  	v35 =	vadd.f32 v43, v63;
	v43 =	vld [tilespmem:s20+$0x7D40]  }
0x319: {  	v63 =	vmul.f32 v62, v61;
	v61 =	vld [tilespmem:$0x1FC10]  }
0x31a: {  	v62 =	vld [tilespmem:$0x1FC20]  }
0x31b: {  	v55 =	vmul.f32 v54, v53;
	v53 =	vld [tilespmem:$0x1FD00]  }
0x31c: {  	v54 =	vld [tilespmem:$0x1FD10]  }
0x31d: {  	v24 =	vadd.f32 v24, v32;
	v32 =	vadd.f32 v40, v63;
	v58 =	vmul.f32 v57, v56;
	v56 =	vld [tilespmem:$0x1FD30]  }
0x31e: {  	v33 =	vadd.f32 v34, v33;
	v57 =	vld [tilespmem:$0x1FD40]  }
0x31f: {  	v25 =	vadd.f32 v35, v25;
	v32 =	vadd.f32 v32, v36;
	v63 =	vmul.f32 v62, v61;
	v62 =	vld [tilespmem:$0x1FCB0]  }
0x320: {  	v61 =	vmul.f32 v60, v59;
	v59 =	vld [tilespmem:$0x1FD60]  }
0x321: {  	v24 =	vadd.f32 v25, v24;
	v25 =	vadd.f32 v32, v33;
	v32 =	vld [tilespmem:$0x1FC40]  }
0x322: {  	v33 =	vld [tilespmem:$0x1FC50]  }
0x323: {  	v44 =	vadd.f32 v63, v55;
	v63 =	vld [tilespmem:$0x1FCC0]  }
0x324: {  	v55 =	vld [tilespmem:$0x1FD20]  }
0x325: {  	v35 =	vmul.f32 v49, v48;
	v49 =	vadd.f32 v61, v58;
	v58 =	vld [tilespmem:$0x1FD50]  }
0x326: {  	v32 =	vmul.f32 v32, v4;
	v4 =	vld [tilespmem:$0x1FCD0]  }
0x327: {  	v40 =	vmul.f32 v38, v33;
	v38 =	vld [tilespmem:$0x1FCE0]  }
0x328: {  	v61 =	vld [tilespmem:$0x1FD70]  }
0x329: {  	v52 =	vmul.f32 v51, v50;
	v50 =	vmul.f32 v57, v56;
	v57 =	vld [tilespmem:$0x1FDB0]  }
0x32a: {  	v46 =	vmul.f32 v63, v62;
	v62 =	vld [tilespmem:$0x1FD80]  }
0x32b: {  	v32 =	vadd.f32 v40, v32;
	v40 =	vld [tilespmem:$0x1FCF0]  }
0x32c: {  	v51 =	vmul.f32 v38, v4;
	v4 =	vld [tilespmem:$0x1FD90]  }
0x32d: {  	v60 =	vmul.f32 v59, v58;
	v38 =	vld [tilespmem:$0x1FDA0]  }
0x32e: {  	v59 =	vld [tilespmem:$0x1FDC0]  }
0x32f: {  	v50 =	vadd.f32 v60, v50;
	v60 =	vld [tilespmem:$0x1FDD0]  }
0x330: {  	v63 =	vmul.f32 v62, v61;
	v61 =	vld [tilespmem:$0x1FDE0]  }
0x331: {  	v62 =	vld [tilespmem:$0x1FDF0]  }
0x332: {  	v35 =	vadd.f32 v52, v35;
	v33 =	vmul.f32 v53, v40;
	v40 =	vmul.f32 v38, v4;
	v4 =	vld [tilespmem:$0x1FE10]  }
0x333: {  	v38 =	vld [tilespmem:$0x1FE20]  }
0x334: {  	v35 =	vadd.f32 v44, v35;
	v53 =	vmul.f32 v55, v54;
	v44 =	vadd.f32 v40, v63;
	v63 =	vld [tilespmem:$0x1FE00]  }
0x335: {  	v46 =	vadd.f32 v51, v46;
	v40 =	vld [tilespmem:$0x1FE30]  }
0x336: {  	v33 =	vadd.f32 v53, v33;
	v44 =	vadd.f32 v44, v50;
	v50 =	vmul.f32 v61, v60;
	v60 =	vld [tilespmem:$0x1FE50]  }
0x337: {  	v32 =	vadd.f32 v49, v32;
	v61 =	vld [tilespmem:$0x1FE60]  }
0x338: {  	v49 =	vmul.f32 v59, v57;
	v33 =	vadd.f32 v33, v46;
	v57 =	vmul.f32 v38, v4;
	v4 =	vld [tilespmem:$0x1FE90]  }
0x339: {  	v38 =	vld [tilespmem:$0x1FEA0]  }
0x33a: {  	v33 =	vadd.f32 v44, v33;
	v44 =	vld [tilespmem:$0x1FE40]  }
0x33b: {  	v32 =	vadd.f32 v32, v35;
	v35 =	vmul.f32 v63, v62;
	v62 =	vld [tilespmem:$0x1FE70]  }
0x33c: {  	v63 =	vld [tilespmem:$0x1FE80]  }
0x33d: {  	v34 =	vld [tilespmem:s20+$0x7D60]  }
0x33e: {  	v35 =	vadd.f32 v57, v35;
	v57 =	vld [tilespmem:$0x1FEC0]  }
0x33f: {  	v44 =	vmul.f32 v44, v40;
	v40 =	vld [tilespmem:$0x1FEB0]  }
0x340: {  	v48 =	vld [tilespmem:s20+$0xCD70];
	v60 =	vmul.f32 v61, v60  }
0x341: {  	v62 =	vmul.f32 v63, v62;
	v63 =	vmul.f32 v38, v4;
	v4 =	vld [tilespmem:$0x1FED0]  }
0x342: {  	v38 =	vld [tilespmem:$0x1FEE0]  }
0x343: {  	v44 =	vadd.f32 v60, v44;
	v60 =	vld [tilespmem:$0x1FF00]  }
0x344: {  	v57 =	vmul.f32 v57, v40;
	v40 =	vld [tilespmem:$0x1FEF0]  }
0x345: {  	v36 =	vld [tilespmem:s20+$0x7D80]  }
0x346: {  	v30 =	vmul.f32 v31, v30;
	v31 =	vmul.f32 v45, v43;
	v43 =	vld [tilespmem:$0x1FFC0]  }
0x347: {  	v52 =	vld [tilespmem:s20+$0xCD80]  }
0x348: {  	v0 =	vmul.f32 v38, v4;
	v38 =	vld [tilespmem:$0x1FF10]  }
0x349: {  	v60 =	vmul.f32 v60, v40;
	v40 =	vld [tilespmem:$0x1FF20]  }
0x34a: {  	v56 =	vld [tilespmem:s20+$0xCD90]  }
0x34b: {  	v58 =	vld [tilespmem:s20+$0x7DA0]  }
0x34c: {  	v59 =	vld [tilespmem:s20+$0xCDC0]  }
0x34d: {  	v62 =	vadd.f32 v63, v62;
	v63 =	vld [tilespmem:$0x1FF40]  }
0x34e: {  	v40 =	vmul.f32 v40, v38;
	v38 =	vld [tilespmem:$0x1FF30]  }
0x34f: {  	v54 =	vld [tilespmem:s20+$0x7D90]  }
0x350: {  	v51 =	vld [tilespmem:s20+$0xCDA0]  }
0x351: {  	v55 =	vld [tilespmem:s20+$0x7DC0]  }
0x352: {  	v53 =	vld [tilespmem:s20+$0x7DB0]  }
0x353: {  	v63 =	vmul.f32 v63, v38;
	v38 =	vld [tilespmem:$0x1FF60]  }
0x354: {  	v46 =	vld [tilespmem:s20+$0xCDB0]  }
0x355: {  	v45 =	vmul.f32 v56, v54;
	v56 =	vld [tilespmem:s20+$0x7E70];
	v49 =	vadd.f32 v50, v49  }
0x356: {  	v50 =	vld [tilespmem:s20+$0xCDD0]  }
0x357: {  	v35 =	vadd.f32 v35, v49;
	v49 =	vld [tilespmem:$0x1FF80]  }
0x358: {  	v38 =	vmul.f32 v38, v1;
	v1 =	vld [tilespmem:$0x1FF70]  }
0x359: {  	v61 =	vld [tilespmem:s20+$0x7DD0]  }
0x35a: {  	v44 =	vadd.f32 v62, v44;
	v62 =	vmul.f32 v13, v12;
	v12 =	vld [tilespmem:s20+$0xCE10]  }
0x35b: {  	v4 =	vld [tilespmem:s20+$0x7DE0]  }
0x35c: {  	v0 =	vadd.f32 v0, v57;
	v40 =	vadd.f32 v40, v60;
	v60 =	vld [tilespmem:$0x1FFB0]  }
0x35d: {  	v49 =	vmul.f32 v49, v1;
	v1 =	vld [tilespmem:$0x1FF90]  }
0x35e: {  	v14 =	vmul.f32 v15, v14;
	v0 =	vadd.f32 v40, v0;
	v40 =	vld [tilespmem:$0x1FFA0]  }
0x35f: {  	v13 =	vadd.f32 v44, v35;
	v35 =	vmul.f32 v19, v18;
	v18 =	vld [tilespmem:s20+$0xCE20]  }
0x360: {  	v9 =	vmul.f32 v9, v11;
	v11 =	vadd.f32 v14, v62;
	v14 =	vld [tilespmem:s20+$0x7E30]  }
0x361: {  	v62 =	vmul.f32 v27, v23;
	v23 =	vld [tilespmem:s20+$0xCE40]  }
0x362: {  	v57 =	vld [tilespmem:s20+$0x7E00];
	v10 =	vmul.f32 v10, v1  }
0x363: {  	v59 =	vmul.f32 v59, v55;
	v40 =	vmul.f32 v60, v40;
	v1 =	vld [tilespmem:s20+$0xCDF0]  }
0x364: {  	v54 =	vmul.f32 v46, v53;
	v60 =	vld [tilespmem:s20+$0x7E10];
	v38 =	vadd.f32 v38, v63;
	v10 =	vadd.f32 v10, v49  }
0x365: {  	v61 =	vmul.f32 v50, v61;
	v44 =	vmul.f32 v26, v22;
	v9 =	vadd.f32 v9, v40;
	v40 =	vld [tilespmem:s20+$0xCE50]  }
0x366: {  	v3 =	vmul.f32 v3, v4;
	v63 =	vmul.f32 v17, v16;
	v16 =	vld [tilespmem:s20+$0x7E20];
	v10 =	vadd.f32 v10, v38  }
0x367: {  	v5 =	vadd.f32 v5, v30;
	v6 =	vmul.f32 v23, v6;
	v49 =	vld [tilespmem:s20+$0xCE00];
	v38 =	vmul.f32 v21, v20  }
0x368: {  	v21 =	vld [tilespmem:s20+$0xCE30];
	v1 =	vmul.f32 v1, v2;
	v0 =	vadd.f32 v10, v0;
	v10 =	vadd.f32 v35, v63  }
0x369: {  	v63 =	vmul.f32 v29, v28;
	v17 =	vadd.f32 v44, v38;
	v35 =	vmul.f32 v39, v37;
	v39 =	vld [tilespmem:s20+$0x7E50]  }
0x36a: {  	[tilespmem:s20+$0x11880] =	vst v8;
	v9 =	vadd.f32 v11, v9;
	v37 =	vmul.f32 v42, v34;
	v38 =	vmul.f32 v48, v47;
	v42 =	vld [tilespmem:s20+$0x7E60]  }
0x36b: {  	[tilespmem:s20+$0x11900] =	vst v7;
	v44 =	vmul.f32 v52, v36;
	v47 =	vld [tilespmem:s20+$0xCE60];
	v1 =	vadd.f32 v1, v3;
	v10 =	vadd.f32 v17, v10  }
0x36c: {  	[tilespmem:s20+$0x11980] =	vst v24;
	v52 =	vmul.f32 v51, v58;
	v15 =	vadd.f32 v63, v62;
	v11 =	vadd.f32 v35, v31;
	v62 =	vld [tilespmem:s20+$0xCE70]  }
0x36d: {  	[tilespmem:s20+$0x11A00] =	vst v25;
	v34 =	vmul.f32 v49, v57;
	v17 =	vadd.f32 v38, v37;
	v22 =	vadd.f32 v45, v44  }
0x36e: {  	[tilespmem:s20+$0x11680] =	vst v43;
	v48 =	vld [tilespmem:$0x1FFD0];
	v35 =	vmul.f32 v12, v60;
	v36 =	vadd.f32 v54, v52;
	v37 =	vmul.f32 v18, v16  }
0x36f: {  	[tilespmem:s20+$0x11A80] =	vst v32;
	v58 =	vld [tilespmem:$0x1FFE0];
	v38 =	vmul.f32 v21, v14;
	v5 =	vadd.f32 v5, v15;
	v11 =	vadd.f32 v17, v11  }
0x370: {  	[tilespmem:s20+$0x11B00] =	vst v33;
	v9 =	vadd.f32 v10, v9;
	v10 =	vadd.f32 v61, v59;
	v39 =	vmul.f32 v40, v39  }
0x371: {  	[tilespmem:s20+$0x11B80] =	vst v13;
	v63 =	vld [tilespmem:$0x1FFF0];
	v4 =	vadd.f32 v35, v34;
	v40 =	vmul.f32 v47, v42;
	v42 =	vmul.f32 v62, v56  }
0x372: {  	s21 =	sshll.u32 s19, $0x4;
	[tilespmem:s20+$0x11C00] =	vst v0;
	v2 =	vadd.f32 v36, v22;
	v43 =	vadd.f32 v38, v37  }
0x373: {  	v44 =	vmov s21;
	[tilespmem:s20+$0x11700] =	vst v48;
	v6 =	vadd.f32 v39, v6;
	v3 =	vadd.f32 v42, v40  }
0x374: {  	v45 =	vshll.u32 v44, $0x7;
	[tilespmem:s20+$0x11780] =	vst v58;
	v5 =	vadd.f32 v11, v5;
	v1 =	vadd.f32 v1, v10  }
0x375: {  	v47 =	vor.u32 v41, v45;
	[tilespmem:s20+$0x11C80] =	vst v9;
	v46 =	vadd.f32 v43, v4;
	v3 =	vadd.f32 v3, v6  }
0x376: {  	[tilespmem:s20+$0x11800] =	vst v63;
	v1 =	vadd.f32 v1, v2  }
0x377: {  	v48 =	vor.u32 $0x1, v47;
	[tilespmem:s20+$0x11D00] =	vst v5;
	v0 =	vadd.f32 v3, v46  }
0x378: {  	[tilespmem:s20+$0x11D80] =	vst v1  }
0x379: {  	v49 =	vor.u32 $0x2, v47;
	[tilespmem:s20+$0x11E00] =	vst v0  }
0x37a: {  	v1 =	vld.idx.msk [tilespmem:v47+s16+$0x0], $0xffff  }
0x37b: {  	v50 =	vor.u32 $0x3, v47  }
0x37c: {  	v2 =	vld.idx.msk [tilespmem:v48+s16+$0x0], $0xffff  }
0x37d: {  	v51 =	vor.u32 $0x4, v47  }
0x37e: {  	v0 =	vld.idx.msk [tilespmem:v49+s16+$0x0], $0xffff  }
0x37f: {  	v52 =	vor.u32 $0x5, v47;
	v1 =	vadd.f32 $0.0e+00, v1  }
0x380: {  	v3 =	vld.idx.msk [tilespmem:v50+s16+$0x0], $0xffff  }
0x381: {  	v53 =	vor.u32 $0x6, v47;
	v1 =	vadd.f32 v2, v1  }
0x382: {  	v5 =	vld.idx.msk [tilespmem:v51+s16+$0x0], $0xffff  }
0x383: {  	v54 =	vor.u32 $0x7, v47;
	v0 =	vadd.f32 v0, v1  }
0x384: {  	v6 =	vld.idx.msk [tilespmem:v52+s16+$0x0], $0xffff  }
0x385: {  	v55 =	vor.u32 $0x8, v47;
	v0 =	vadd.f32 v3, v0  }
0x386: {  	v2 =	vld.idx.msk [tilespmem:v53+s16+$0x0], $0xffff  }
0x387: {  	v56 =	vor.u32 $0x9, v47;
	v0 =	vadd.f32 v5, v0  }
0x388: {  	v1 =	vld.idx.msk [tilespmem:v54+s16+$0x0], $0xffff  }
0x389: {  	v57 =	vor.u32 $0xA, v47;
	v0 =	vadd.f32 v6, v0  }
0x38a: {  	v3 =	vld.idx.msk [tilespmem:v55+s16+$0x0], $0xffff  }
0x38b: {  	v58 =	vor.u32 $0xB, v47;
	v0 =	vadd.f32 v2, v0  }
0x38c: {  	v5 =	vld.idx.msk [tilespmem:v56+s16+$0x0], $0xffff  }
0x38d: {  	v59 =	vor.u32 $0xC, v47;
	v0 =	vadd.f32 v1, v0  }
0x38e: {  	v6 =	vld.idx.msk [tilespmem:v57+s16+$0x0], $0xffff  }
0x38f: {  	v60 =	vor.u32 $0xD, v47;
	v0 =	vadd.f32 v3, v0  }
0x390: {  	v2 =	vld.idx.msk [tilespmem:v58+s16+$0x0], $0xffff  }
0x391: {  	v61 =	vor.u32 $0xE, v47;
	v0 =	vadd.f32 v5, v0  }
0x392: {  	v1 =	vld.idx.msk [tilespmem:v59+s16+$0x0], $0xffff  }
0x393: {  	v4 =	vor.u32 $0xF, v47;
	v0 =	vadd.f32 v6, v0  }
0x394: {  	v3 =	vld.idx.msk [tilespmem:v60+s16+$0x0], $0xffff  }
0x395: {  	v0 =	vadd.f32 v2, v0  }
0x396: {  	v62 =	vld.idx.msk [tilespmem:v61+s16+$0x0], $0xffff  }
0x397: {  	v0 =	vadd.f32 v1, v0  }
0x398: {  	v63 =	vld.idx.msk [tilespmem:v4+s16+$0x0], $0xffff  }
0x399: {  	v0 =	vadd.f32 v3, v0  }
0x39a: {  	p0 =	sne.s32 s19, $0x4  }
.Ltmp2:
0x39b: {  	v0 =	vadd.f32 v62, v0;
	(pc) =	sbr.rel @p0 .LBB2_6-.Ltmp2, $3  }
0x39c: {  	_ = 	snop  }
0x39d: {  	v0 =	vadd.f32 v63, v0;
	_ =	sdelay $0x1  }
0x39e: {  	s19 =	sadd.s32 $0x1, s19;
	[tilespmem:s21+$0x75C0] =	vst v0  }
0x39f: {  	s18 =	sadd.s32 $0x1, s18  }
0x3a0: {  	p0 =	sne.s32 s18, s8  }
.Ltmp3:
0x3a1: {  	_ = 	snop;
	(pc) =	sbr.rel @p0 .LBB2_1-.Ltmp3, $4  }
0x3a2: {  	[hbm4b:s7+s4] =	stream.linear.scatter [tilespmem:s17], [sflag:$0x3], $0x2710, $0x38;
	[tilespmem:$0x13E80] =	vst v63  }
0x3a3: {  	_ =	swait.ge [sflag:s9], $0x2710  }
0x3a4: {  	[sflag:s9] =	ssyncset.done $0x0  }
0x3a5: {  	[sflag:s9] =	ssyncadd.s32 $0xFFFFD8F0  }
0x3a6: {  	_ =	sfence.sel $0x180000  }
0x3a7: {  	[bflag:$0x0] =	sbarrier.arrive $0xFFFF  }
0x3a8: {  	p0 =	sne.s32 s0, $0x0;
	_ =	strace $0x90000047  }
0x3a9: {  	s0 =	sadd.s32 @!p0 $0x100000, s3;
	[bflag:$0x2] =	sbarrier.arrive $0xFFFF  }
0x3aa: {  	[sflag:s0] =	ssyncadd.tile.s32 @!p0 $0x1;
	_ =	shalt  }
.Lfunc_end2:
_tile_overlayer_lowered:
.L_overlay_start_2:
0x3ab: {  	(tag) =	ssettag $0x2  }
0x3ac: {  	s0 =	rddreg [dreg:$0x0];
	s2 =	stileid.u32  }
0x3ad: {  	s1 =	rddreg [dreg:$0x1];
	p0 =	sne.s32 s2, $0x0  }
0x3ae: {  	s3 =	rddreg [dreg:$0x2];
	[bflag:$0x3] =	sbarrier.arrive $0xFFFF;
	s2 =	simm.s32 @!p0 $0x1C03  }
0x3af: {  	[timem:s3], [sflag:s2] =	dma.local @!p0 [hbm:s0], s1  }
0x3b0: {  	s0 =	simm.s32 @!p0 $0x3  }
0x3b1: {  	_ =	swait.ge @!p0 [sflag:s0], s1  }
0x3b2: {  	s1 =	ssub.s32 @!p0 $0x0, s1;
	[sflag:s0] =	ssyncset.done @!p0 $0x0  }
0x3b3: {  	[sflag:s0] =	ssyncadd.s32 @!p0 s1  }
0x3b4: {  	[bflag:$0x3] =	sbarrier.arrive $0xFFFF  }
0x3b5: {  	_ =	shalt  }

</sc_bundles>
